<compile_context>
chip_gen: v7x
topology: tpu7x:2x2x1
jax: 0.10.2.dev20260603
libtpu: 0.0.44.dev20260713+nightly
codegen_flags: <defaults>
</compile_context>

<pallas_src>
import functools

import jax
import jax.numpy as jnp
from jax import lax
from jax.experimental import pallas as pl
from jax.experimental.pallas import tpu as pltpu
from jax.experimental.pallas import tpu_sc as plsc

_INFO = plsc.get_sparse_core_info()
_NC = _INFO.num_cores
_NS = _INFO.num_subcores
_NW = _NC * _NS

_CHUNK = 512
_NBUF = 6
_AHEAD = _NBUF - 1


@functools.lru_cache(maxsize=None)
def _make_gather(total: int, dim: int):
    assert total % (_NW * _CHUNK) == 0
    per_w = total // _NW
    n_chunk = per_w // _CHUNK
    mesh = plsc.VectorSubcoreMesh(core_axis_name="c", subcore_axis_name="s")

    @functools.partial(
        pl.kernel,
        mesh=mesh,
        out_type=jax.ShapeDtypeStruct((total, dim), jnp.float32),
        scratch_types=[
            pltpu.VMEM((n_chunk, _CHUNK), jnp.int32),
            pltpu.VMEM((_NBUF, _CHUNK, dim), jnp.float32),
        ]
        + [pltpu.SemaphoreType.DMA] * (2 * _NBUF),
        compiler_params=pltpu.CompilerParams(use_tc_tiling_on_sc=False),
    )
    def gather_kernel(idx_hbm, table_hbm, out_hbm, idx_v, rows_v, *sems):
        gsem, ssem = sems[:_NBUF], sems[_NBUF:]
        wid = lax.axis_index("s") * _NC + lax.axis_index("c")
        base = wid * per_w
        pltpu.sync_copy(idx_hbm.at[wid], idx_v)

        def start_gather(g):
            b = g % _NBUF
            return pltpu.async_copy(table_hbm.at[idx_v.at[g]], rows_v.at[b],
                                    gsem[b])

        def start_store(g):
            b = g % _NBUF
            return pltpu.async_copy(rows_v.at[b],
                                    out_hbm.at[pl.ds(base + g * _CHUNK,
                                                     _CHUNK)],
                                    ssem[b])

        gh, sh, store_waited = {}, {}, set()
        for g in range(min(_AHEAD, n_chunk)):
            gh[g] = start_gather(g)
        for g in range(n_chunk):
            gh[g].wait()
            sh[g] = start_store(g)
            nxt = g + _AHEAD
            if nxt < n_chunk:
                prev_store = nxt - _NBUF
                if prev_store >= 0:
                    sh[prev_store].wait()
                    store_waited.add(prev_store)
                gh[nxt] = start_gather(nxt)
        for g in range(n_chunk):
            if g not in store_waited:
                sh[g].wait()

    return gather_kernel


def kernel(batch_ids, table):
    batch, hist = batch_ids.shape
    _, dim = table.shape
    total = batch * hist
    per_w = total // _NW
    n_chunk = per_w // _CHUNK
    idx3 = batch_ids.reshape(_NW, n_chunk, _CHUNK).astype(jnp.int32)
    out = _make_gather(total, dim)(idx3, table)
    return out.reshape(batch, hist, dim)

# --- scband reference (transcript-rebuilt; emitter-appended) ---
"""Pipeline reference for scband-embedding-21595095564694 (READ-ONLY COPY).

The authoritative reference and input builder live on the scoring server;
editing this copy changes nothing except your own understanding.
"""

import jax, jax.numpy as jnp
import numpy as np

NUM_PTS = 1000000
EMBD_DIM = 32
BATCH = 16384
HIST = 50

def setup_inputs(seed: int = 0) -> dict:
    key = jax.random.key(seed)
    k_idx, k_tab = jax.random.split(key)
    batch_ids = jax.random.randint(k_idx, (BATCH, HIST), 0, NUM_PTS, dtype=jnp.int64 if jax.config.jax_enable_x64 else jnp.int32)
    # nn.Embedding default init: N(0, 1)
    table = jax.random.normal(k_tab, (NUM_PTS, EMBD_DIM), dtype=jnp.float32)
    return {"batch_ids": batch_ids, "table": table}

def reference(batch_ids, table):
    # Faithful to nn.Embedding: gather rows of the table by index.
    pts_embedded = jnp.take(table, batch_ids, axis=0)
    return pts_embedded

if __name__ == "__main__":
    import jax
    _d = setup_inputs()
    print(jax.jit(kernel)(*tuple(_d.values())))

</pallas_src>

<mosaic_0001>
#map = affine_map<(d0, d1) -> (0, 0, 0)>
#map1 = affine_map<(d0, d1) -> (0, 0)>
module attributes {stable_mosaic.version = 14 : i64} {
  func.func @gather_kernel(%arg0: i32, %arg1: i32, %arg2: memref<32x50x512xi32, #tpu.memory_space<hbm>>, %arg3: memref<1000000x32xf32, #tpu.memory_space<hbm>>, %arg4: memref<819200x32xf32, #tpu.memory_space<hbm>>, %arg5: memref<50x512xi32, #tpu.memory_space<vmem>>, %arg6: memref<6x512x32xf32, #tpu.memory_space<vmem>>, %arg7: memref<!tpu.dma_semaphore, #tpu.memory_space<semaphore_mem>>, %arg8: memref<!tpu.dma_semaphore, #tpu.memory_space<semaphore_mem>>, %arg9: memref<!tpu.dma_semaphore, #tpu.memory_space<semaphore_mem>>, %arg10: memref<!tpu.dma_semaphore, #tpu.memory_space<semaphore_mem>>, %arg11: memref<!tpu.dma_semaphore, #tpu.memory_space<semaphore_mem>>, %arg12: memref<!tpu.dma_semaphore, #tpu.memory_space<semaphore_mem>>, %arg13: memref<!tpu.dma_semaphore, #tpu.memory_space<semaphore_mem>>, %arg14: memref<!tpu.dma_semaphore, #tpu.memory_space<semaphore_mem>>, %arg15: memref<!tpu.dma_semaphore, #tpu.memory_space<semaphore_mem>>, %arg16: memref<!tpu.dma_semaphore, #tpu.memory_space<semaphore_mem>>, %arg17: memref<!tpu.dma_semaphore, #tpu.memory_space<semaphore_mem>>, %arg18: memref<!tpu.dma_semaphore, #tpu.memory_space<semaphore_mem>>) attributes {dimension_semantics = [#tpu.dimension_semantics<core_parallel>, #tpu.dimension_semantics<subcore_parallel>], iteration_bounds = array<i64: 2, 16>, scalar_prefetch = 0 : i64, scratch_operands = 14 : i64, tpu.core_type = #tpu.core_type<sc_vector_subcore>, window_params = [{transform_indices = #map}, {transform_indices = #map1}, {transform_indices = #map1}]} {
    %mul3A = arith.constant 2 : i32
    %mul3A_0 = arith.muli %arg1, %mul3A : i32
    %add3A = arith.addi %mul3A_0, %arg0 : i32
    %mul3A_1 = arith.constant 25600 : i32
    %mul3A_2 = arith.muli %add3A, %mul3A_1 : i32
    "tpu.region"() ({
      %run_scoped3A = tpu.sem_alloc : memref<!tpu.dma_semaphore, #tpu.memory_space<semaphore_mem>>
      %dma_start3A_2601 = arith.constant 0 : i32
      %dma_start3A_2602 = arith.constant 0 : i32
      %dma_start3A_2603 = tpu.memref_slice %arg2[%add3A, %dma_start3A_2601, %dma_start3A_2602] : memref<32x50x512xi32, #tpu.memory_space<hbm>> -> memref<1x50x512xi32, #tpu.memory_space<hbm>>
      %dma_start3A_2604 = tpu.memref_squeeze %dma_start3A_2603 : memref<1x50x512xi32, #tpu.memory_space<hbm>> -> memref<50x512xi32, #tpu.memory_space<hbm>>
      %dma_start3A_2605 = arith.constant 0 : i32
      %dma_start3A_2606 = arith.constant 0 : i32
      %dma_start3A_2607 = tpu.memref_slice %arg2[%add3A, %dma_start3A_2605, %dma_start3A_2606] : memref<32x50x512xi32, #tpu.memory_space<hbm>> -> memref<1x50x512xi32, #tpu.memory_space<hbm>>
      %dma_start3A_2608 = tpu.memref_squeeze %dma_start3A_2607 : memref<1x50x512xi32, #tpu.memory_space<hbm>> -> memref<50x512xi32, #tpu.memory_space<hbm>>
      tpu.enqueue_dma source(%dma_start3A_2608 : memref<50x512xi32, #tpu.memory_space<hbm>>) target(%arg5 : memref<50x512xi32, #tpu.memory_space<vmem>>) target_semaphore(%run_scoped3A : memref<!tpu.dma_semaphore, #tpu.memory_space<semaphore_mem>>)
      %dma_wait3A_2609 = arith.constant 0 : i32
      %dma_wait3A_2610 = arith.constant 0 : i32
      %dma_wait3A_2611 = tpu.memref_slice %arg2[%add3A, %dma_wait3A_2609, %dma_wait3A_2610] : memref<32x50x512xi32, #tpu.memory_space<hbm>> -> memref<1x50x512xi32, #tpu.memory_space<hbm>>
      %dma_wait3A_2612 = tpu.memref_squeeze %dma_wait3A_2611 : memref<1x50x512xi32, #tpu.memory_space<hbm>> -> memref<50x512xi32, #tpu.memory_space<hbm>>
      %dma_wait3A_2613 = arith.constant 0 : i32
      %dma_wait3A_2614 = arith.constant 0 : i32
      %dma_wait3A_2615 = tpu.memref_slice %arg2[%add3A, %dma_wait3A_2613, %dma_wait3A_2614] : memref<32x50x512xi32, #tpu.memory_space<hbm>> -> memref<1x50x512xi32, #tpu.memory_space<hbm>>
      %dma_wait3A_2616 = tpu.memref_squeeze %dma_wait3A_2615 : memref<1x50x512xi32, #tpu.memory_space<hbm>> -> memref<50x512xi32, #tpu.memory_space<hbm>>
      tpu.wait_dma2 semaphore(%run_scoped3A : memref<!tpu.dma_semaphore, #tpu.memory_space<semaphore_mem>>) src(%dma_wait3A_2616 : memref<50x512xi32, #tpu.memory_space<hbm>>) dst(%arg5 : memref<50x512xi32, #tpu.memory_space<vmem>>)
      tpu.yield
    }) : () -> ()
    %dma_start3A = arith.constant 0 : i32
    %dma_start3A_3 = arith.constant 0 : i32
    %dma_start3A_4 = arith.constant 0 : i32
    %dma_start3A_5 = arith.constant 0 : i32
    %dma_start3A_6 = tpu.memref_slice %arg6[%dma_start3A_3, %dma_start3A_4, %dma_start3A_5] : memref<6x512x32xf32, #tpu.memory_space<vmem>> -> memref<1x512x32xf32, #tpu.memory_space<vmem>>
    %dma_start3A_7 = tpu.memref_squeeze %dma_start3A_6 : memref<1x512x32xf32, #tpu.memory_space<vmem>> -> memref<512x32xf32, #tpu.memory_space<vmem>>
    %dma_start3A_8 = arith.constant 0 : i32
    %dma_start3A_9 = tpu.memref_slice %arg5[%dma_start3A, %dma_start3A_8] : memref<50x512xi32, #tpu.memory_space<vmem>> -> memref<1x512xi32, #tpu.memory_space<vmem>>
    %dma_start3A_10 = tpu.memref_squeeze %dma_start3A_9 : memref<1x512xi32, #tpu.memory_space<vmem>> -> memref<512xi32, #tpu.memory_space<vmem>>
    %dma_start3A_11 = arith.constant 0 : i32
    %dma_start3A_12 = arith.constant 0 : i32
    %dma_start3A_13 = tpu.memref_slice %arg3[%dma_start3A_11, %dma_start3A_12] : memref<1000000x32xf32, #tpu.memory_space<hbm>> -> memref<1000000x32xf32, #tpu.memory_space<hbm>>
    tpu.enqueue_indirect_dma source(%dma_start3A_13 : memref<1000000x32xf32, #tpu.memory_space<hbm>>) target(%dma_start3A_7 : memref<512x32xf32, #tpu.memory_space<vmem>>) offsets(%dma_start3A_10 : memref<512xi32, #tpu.memory_space<vmem>>) semaphore(%arg7 : memref<!tpu.dma_semaphore, #tpu.memory_space<semaphore_mem>>)
    %dma_start3A_14 = arith.constant 1 : i32
    %dma_start3A_15 = arith.constant 1 : i32
    %dma_start3A_16 = arith.constant 0 : i32
    %dma_start3A_17 = arith.constant 0 : i32
    %dma_start3A_18 = tpu.memref_slice %arg6[%dma_start3A_15, %dma_start3A_16, %dma_start3A_17] : memref<6x512x32xf32, #tpu.memory_space<vmem>> -> memref<1x512x32xf32, #tpu.memory_space<vmem>>
    %dma_start3A_19 = tpu.memref_squeeze %dma_start3A_18 : memref<1x512x32xf32, #tpu.memory_space<vmem>> -> memref<512x32xf32, #tpu.memory_space<vmem>>
    %dma_start3A_20 = arith.constant 0 : i32
    %dma_start3A_21 = tpu.memref_slice %arg5[%dma_start3A_14, %dma_start3A_20] : memref<50x512xi32, #tpu.memory_space<vmem>> -> memref<1x512xi32, #tpu.memory_space<vmem>>
    %dma_start3A_22 = tpu.memref_squeeze %dma_start3A_21 : memref<1x512xi32, #tpu.memory_space<vmem>> -> memref<512xi32, #tpu.memory_space<vmem>>
    %dma_start3A_23 = arith.constant 0 : i32
    %dma_start3A_24 = arith.constant 0 : i32
    %dma_start3A_25 = tpu.memref_slice %arg3[%dma_start3A_23, %dma_start3A_24] : memref<1000000x32xf32, #tpu.memory_space<hbm>> -> memref<1000000x32xf32, #tpu.memory_space<hbm>>
    tpu.enqueue_indirect_dma source(%dma_start3A_25 : memref<1000000x32xf32, #tpu.memory_space<hbm>>) target(%dma_start3A_19 : memref<512x32xf32, #tpu.memory_space<vmem>>) offsets(%dma_start3A_22 : memref<512xi32, #tpu.memory_space<vmem>>) semaphore(%arg8 : memref<!tpu.dma_semaphore, #tpu.memory_space<semaphore_mem>>)
    %dma_start3A_26 = arith.constant 2 : i32
    %dma_start3A_27 = arith.constant 2 : i32
    %dma_start3A_28 = arith.constant 0 : i32
    %dma_start3A_29 = arith.constant 0 : i32
    %dma_start3A_30 = tpu.memref_slice %arg6[%dma_start3A_27, %dma_start3A_28, %dma_start3A_29] : memref<6x512x32xf32, #tpu.memory_space<vmem>> -> memref<1x512x32xf32, #tpu.memory_space<vmem>>
    %dma_start3A_31 = tpu.memref_squeeze %dma_start3A_30 : memref<1x512x32xf32, #tpu.memory_space<vmem>> -> memref<512x32xf32, #tpu.memory_space<vmem>>
    %dma_start3A_32 = arith.constant 0 : i32
    %dma_start3A_33 = tpu.memref_slice %arg5[%dma_start3A_26, %dma_start3A_32] : memref<50x512xi32, #tpu.memory_space<vmem>> -> memref<1x512xi32, #tpu.memory_space<vmem>>
    %dma_start3A_34 = tpu.memref_squeeze %dma_start3A_33 : memref<1x512xi32, #tpu.memory_space<vmem>> -> memref<512xi32, #tpu.memory_space<vmem>>
    %dma_start3A_35 = arith.constant 0 : i32
    %dma_start3A_36 = arith.constant 0 : i32
    %dma_start3A_37 = tpu.memref_slice %arg3[%dma_start3A_35, %dma_start3A_36] : memref<1000000x32xf32, #tpu.memory_space<hbm>> -> memref<1000000x32xf32, #tpu.memory_space<hbm>>
    tpu.enqueue_indirect_dma source(%dma_start3A_37 : memref<1000000x32xf32, #tpu.memory_space<hbm>>) target(%dma_start3A_31 : memref<512x32xf32, #tpu.memory_space<vmem>>) offsets(%dma_start3A_34 : memref<512xi32, #tpu.memory_space<vmem>>) semaphore(%arg9 : memref<!tpu.dma_semaphore, #tpu.memory_space<semaphore_mem>>)
    %dma_start3A_38 = arith.constant 3 : i32
    %dma_start3A_39 = arith.constant 3 : i32
    %dma_start3A_40 = arith.constant 0 : i32
    %dma_start3A_41 = arith.constant 0 : i32
    %dma_start3A_42 = tpu.memref_slice %arg6[%dma_start3A_39, %dma_start3A_40, %dma_start3A_41] : memref<6x512x32xf32, #tpu.memory_space<vmem>> -> memref<1x512x32xf32, #tpu.memory_space<vmem>>
    %dma_start3A_43 = tpu.memref_squeeze %dma_start3A_42 : memref<1x512x32xf32, #tpu.memory_space<vmem>> -> memref<512x32xf32, #tpu.memory_space<vmem>>
    %dma_start3A_44 = arith.constant 0 : i32
    %dma_start3A_45 = tpu.memref_slice %arg5[%dma_start3A_38, %dma_start3A_44] : memref<50x512xi32, #tpu.memory_space<vmem>> -> memref<1x512xi32, #tpu.memory_space<vmem>>
    %dma_start3A_46 = tpu.memref_squeeze %dma_start3A_45 : memref<1x512xi32, #tpu.memory_space<vmem>> -> memref<512xi32, #tpu.memory_space<vmem>>
    %dma_start3A_47 = arith.constant 0 : i32
    %dma_start3A_48 = arith.constant 0 : i32
    %dma_start3A_49 = tpu.memref_slice %arg3[%dma_start3A_47, %dma_start3A_48] : memref<1000000x32xf32, #tpu.memory_space<hbm>> -> memref<1000000x32xf32, #tpu.memory_space<hbm>>
    tpu.enqueue_indirect_dma source(%dma_start3A_49 : memref<1000000x32xf32, #tpu.memory_space<hbm>>) target(%dma_start3A_43 : memref<512x32xf32, #tpu.memory_space<vmem>>) offsets(%dma_start3A_46 : memref<512xi32, #tpu.memory_space<vmem>>) semaphore(%arg10 : memref<!tpu.dma_semaphore, #tpu.memory_space<semaphore_mem>>)
    %dma_start3A_50 = arith.constant 4 : i32
    %dma_start3A_51 = arith.constant 4 : i32
    %dma_start3A_52 = arith.constant 0 : i32
    %dma_start3A_53 = arith.constant 0 : i32
    %dma_start3A_54 = tpu.memref_slice %arg6[%dma_start3A_51, %dma_start3A_52, %dma_start3A_53] : memref<6x512x32xf32, #tpu.memory_space<vmem>> -> memref<1x512x32xf32, #tpu.memory_space<vmem>>
    %dma_start3A_55 = tpu.memref_squeeze %dma_start3A_54 : memref<1x512x32xf32, #tpu.memory_space<vmem>> -> memref<512x32xf32, #tpu.memory_space<vmem>>
    %dma_start3A_56 = arith.constant 0 : i32
    %dma_start3A_57 = tpu.memref_slice %arg5[%dma_start3A_50, %dma_start3A_56] : memref<50x512xi32, #tpu.memory_space<vmem>> -> memref<1x512xi32, #tpu.memory_space<vmem>>
    %dma_start3A_58 = tpu.memref_squeeze %dma_start3A_57 : memref<1x512xi32, #tpu.memory_space<vmem>> -> memref<512xi32, #tpu.memory_space<vmem>>
    %dma_start3A_59 = arith.constant 0 : i32
    %dma_start3A_60 = arith.constant 0 : i32
    %dma_start3A_61 = tpu.memref_slice %arg3[%dma_start3A_59, %dma_start3A_60] : memref<1000000x32xf32, #tpu.memory_space<hbm>> -> memref<1000000x32xf32, #tpu.memory_space<hbm>>
    tpu.enqueue_indirect_dma source(%dma_start3A_61 : memref<1000000x32xf32, #tpu.memory_space<hbm>>) target(%dma_start3A_55 : memref<512x32xf32, #tpu.memory_space<vmem>>) offsets(%dma_start3A_58 : memref<512xi32, #tpu.memory_space<vmem>>) semaphore(%arg11 : memref<!tpu.dma_semaphore, #tpu.memory_space<semaphore_mem>>)
    %dma_wait3A = arith.constant 0 : i32
    %dma_wait3A_62 = arith.constant 0 : i32
    %dma_wait3A_63 = arith.constant 0 : i32
    %dma_wait3A_64 = arith.constant 0 : i32
    %dma_wait3A_65 = tpu.memref_slice %arg6[%dma_wait3A_62, %dma_wait3A_63, %dma_wait3A_64] : memref<6x512x32xf32, #tpu.memory_space<vmem>> -> memref<1x512x32xf32, #tpu.memory_space<vmem>>
    %dma_wait3A_66 = tpu.memref_squeeze %dma_wait3A_65 : memref<1x512x32xf32, #tpu.memory_space<vmem>> -> memref<512x32xf32, #tpu.memory_space<vmem>>
    %dma_wait3A_67 = arith.constant 0 : i32
    %dma_wait3A_68 = tpu.memref_slice %arg5[%dma_wait3A, %dma_wait3A_67] : memref<50x512xi32, #tpu.memory_space<vmem>> -> memref<1x512xi32, #tpu.memory_space<vmem>>
    %dma_wait3A_69 = tpu.memref_squeeze %dma_wait3A_68 : memref<1x512xi32, #tpu.memory_space<vmem>> -> memref<512xi32, #tpu.memory_space<vmem>>
    %dma_wait3A_70 = arith.constant 0 : i32
    %dma_wait3A_71 = arith.constant 0 : i32
    %dma_wait3A_72 = tpu.memref_slice %arg3[%dma_wait3A_70, %dma_wait3A_71] : memref<1000000x32xf32, #tpu.memory_space<hbm>> -> memref<1000000x32xf32, #tpu.memory_space<hbm>>
    tpu.wait_indirect_dma semaphore(%arg7 : memref<!tpu.dma_semaphore, #tpu.memory_space<semaphore_mem>>) src(%dma_wait3A_72 : memref<1000000x32xf32, #tpu.memory_space<hbm>>) dst(%dma_wait3A_66 : memref<512x32xf32, #tpu.memory_space<vmem>>)
    %add3A_73 = arith.constant 0 : i32
    %add3A_74 = arith.addi %mul3A_2, %add3A_73 : i32
    %dma_start3A_75 = arith.constant 0 : i32
    %dma_start3A_76 = arith.constant 0 : i32
    %dma_start3A_77 = arith.constant 0 : i32
    %dma_start3A_78 = tpu.memref_slice %arg6[%dma_start3A_75, %dma_start3A_76, %dma_start3A_77] : memref<6x512x32xf32, #tpu.memory_space<vmem>> -> memref<1x512x32xf32, #tpu.memory_space<vmem>>
    %dma_start3A_79 = tpu.memref_squeeze %dma_start3A_78 : memref<1x512x32xf32, #tpu.memory_space<vmem>> -> memref<512x32xf32, #tpu.memory_space<vmem>>
    %dma_start3A_80 = arith.constant 0 : i32
    %dma_start3A_81 = tpu.memref_slice %arg4[%add3A_74, %dma_start3A_80] : memref<819200x32xf32, #tpu.memory_space<hbm>> -> memref<512x32xf32, #tpu.memory_space<hbm>>
    %dma_start3A_82 = arith.constant 0 : i32
    %dma_start3A_83 = tpu.memref_slice %arg4[%add3A_74, %dma_start3A_82] : memref<819200x32xf32, #tpu.memory_space<hbm>> -> memref<512x32xf32, #tpu.memory_space<hbm>>
    %dma_start3A_84 = arith.constant 0 : i32
    %dma_start3A_85 = arith.constant 0 : i32
    %dma_start3A_86 = tpu.memref_slice %arg6[%dma_start3A_75, %dma_start3A_84, %dma_start3A_85] : memref<6x512x32xf32, #tpu.memory_space<vmem>> -> memref<1x512x32xf32, #tpu.memory_space<vmem>>
    %dma_start3A_87 = tpu.memref_squeeze %dma_start3A_86 : memref<1x512x32xf32, #tpu.memory_space<vmem>> -> memref<512x32xf32, #tpu.memory_space<vmem>>
    tpu.enqueue_dma source(%dma_start3A_87 : memref<512x32xf32, #tpu.memory_space<vmem>>) target(%dma_start3A_83 : memref<512x32xf32, #tpu.memory_space<hbm>>) target_semaphore(%arg13 : memref<!tpu.dma_semaphore, #tpu.memory_space<semaphore_mem>>)
    %dma_start3A_88 = arith.constant 5 : i32
    %dma_start3A_89 = arith.constant 5 : i32
    %dma_start3A_90 = arith.constant 0 : i32
    %dma_start3A_91 = arith.constant 0 : i32
    %dma_start3A_92 = tpu.memref_slice %arg6[%dma_start3A_89, %dma_start3A_90, %dma_start3A_91] : memref<6x512x32xf32, #tpu.memory_space<vmem>> -> memref<1x512x32xf32, #tpu.memory_space<vmem>>
    %dma_start3A_93 = tpu.memref_squeeze %dma_start3A_92 : memref<1x512x32xf32, #tpu.memory_space<vmem>> -> memref<512x32xf32, #tpu.memory_space<vmem>>
    %dma_start3A_94 = arith.constant 0 : i32
    %dma_start3A_95 = tpu.memref_slice %arg5[%dma_start3A_88, %dma_start3A_94] : memref<50x512xi32, #tpu.memory_space<vmem>> -> memref<1x512xi32, #tpu.memory_space<vmem>>
    %dma_start3A_96 = tpu.memref_squeeze %dma_start3A_95 : memref<1x512xi32, #tpu.memory_space<vmem>> -> memref<512xi32, #tpu.memory_space<vmem>>
    %dma_start3A_97 = arith.constant 0 : i32
    %dma_start3A_98 = arith.constant 0 : i32
    %dma_start3A_99 = tpu.memref_slice %arg3[%dma_start3A_97, %dma_start3A_98] : memref<1000000x32xf32, #tpu.memory_space<hbm>> -> memref<1000000x32xf32, #tpu.memory_space<hbm>>
    tpu.enqueue_indirect_dma source(%dma_start3A_99 : memref<1000000x32xf32, #tpu.memory_space<hbm>>) target(%dma_start3A_93 : memref<512x32xf32, #tpu.memory_space<vmem>>) offsets(%dma_start3A_96 : memref<512xi32, #tpu.memory_space<vmem>>) semaphore(%arg12 : memref<!tpu.dma_semaphore, #tpu.memory_space<semaphore_mem>>)
    %dma_wait3A_100 = arith.constant 1 : i32
    %dma_wait3A_101 = arith.constant 1 : i32
    %dma_wait3A_102 = arith.constant 0 : i32
    %dma_wait3A_103 = arith.constant 0 : i32
    %dma_wait3A_104 = tpu.memref_slice %arg6[%dma_wait3A_101, %dma_wait3A_102, %dma_wait3A_103] : memref<6x512x32xf32, #tpu.memory_space<vmem>> -> memref<1x512x32xf32, #tpu.memory_space<vmem>>
    %dma_wait3A_105 = tpu.memref_squeeze %dma_wait3A_104 : memref<1x512x32xf32, #tpu.memory_space<vmem>> -> memref<512x32xf32, #tpu.memory_space<vmem>>
    %dma_wait3A_106 = arith.constant 0 : i32
    %dma_wait3A_107 = tpu.memref_slice %arg5[%dma_wait3A_100, %dma_wait3A_106] : memref<50x512xi32, #tpu.memory_space<vmem>> -> memref<1x512xi32, #tpu.memory_space<vmem>>
    %dma_wait3A_108 = tpu.memref_squeeze %dma_wait3A_107 : memref<1x512xi32, #tpu.memory_space<vmem>> -> memref<512xi32, #tpu.memory_space<vmem>>
    %dma_wait3A_109 = arith.constant 0 : i32
    %dma_wait3A_110 = arith.constant 0 : i32
    %dma_wait3A_111 = tpu.memref_slice %arg3[%dma_wait3A_109, %dma_wait3A_110] : memref<1000000x32xf32, #tpu.memory_space<hbm>> -> memref<1000000x32xf32, #tpu.memory_space<hbm>>
    tpu.wait_indirect_dma semaphore(%arg8 : memref<!tpu.dma_semaphore, #tpu.memory_space<semaphore_mem>>) src(%dma_wait3A_111 : memref<1000000x32xf32, #tpu.memory_space<hbm>>) dst(%dma_wait3A_105 : memref<512x32xf32, #tpu.memory_space<vmem>>)
    %add3A_112 = arith.constant 512 : i32
    %add3A_113 = arith.addi %mul3A_2, %add3A_112 : i32
    %dma_start3A_114 = arith.constant 1 : i32
    %dma_start3A_115 = arith.constant 0 : i32
    %dma_start3A_116 = arith.constant 0 : i32
    %dma_start3A_117 = tpu.memref_slice %arg6[%dma_start3A_114, %dma_start3A_115, %dma_start3A_116] : memref<6x512x32xf32, #tpu.memory_space<vmem>> -> memref<1x512x32xf32, #tpu.memory_space<vmem>>
    %dma_start3A_118 = tpu.memref_squeeze %dma_start3A_117 : memref<1x512x32xf32, #tpu.memory_space<vmem>> -> memref<512x32xf32, #tpu.memory_space<vmem>>
    %dma_start3A_119 = arith.constant 0 : i32
    %dma_start3A_120 = tpu.memref_slice %arg4[%add3A_113, %dma_start3A_119] : memref<819200x32xf32, #tpu.memory_space<hbm>> -> memref<512x32xf32, #tpu.memory_space<hbm>>
    %dma_start3A_121 = arith.constant 0 : i32
    %dma_start3A_122 = tpu.memref_slice %arg4[%add3A_113, %dma_start3A_121] : memref<819200x32xf32, #tpu.memory_space<hbm>> -> memref<512x32xf32, #tpu.memory_space<hbm>>
    %dma_start3A_123 = arith.constant 0 : i32
    %dma_start3A_124 = arith.constant 0 : i32
    %dma_start3A_125 = tpu.memref_slice %arg6[%dma_start3A_114, %dma_start3A_123, %dma_start3A_124] : memref<6x512x32xf32, #tpu.memory_space<vmem>> -> memref<1x512x32xf32, #tpu.memory_space<vmem>>
    %dma_start3A_126 = tpu.memref_squeeze %dma_start3A_125 : memref<1x512x32xf32, #tpu.memory_space<vmem>> -> memref<512x32xf32, #tpu.memory_space<vmem>>
    tpu.enqueue_dma source(%dma_start3A_126 : memref<512x32xf32, #tpu.memory_space<vmem>>) target(%dma_start3A_122 : memref<512x32xf32, #tpu.memory_space<hbm>>) target_semaphore(%arg14 : memref<!tpu.dma_semaphore, #tpu.memory_space<semaphore_mem>>)
    %dma_wait3A_127 = arith.constant 0 : i32
    %dma_wait3A_128 = arith.constant 0 : i32
    %dma_wait3A_129 = arith.constant 0 : i32
    %dma_wait3A_130 = tpu.memref_slice %arg6[%dma_wait3A_127, %dma_wait3A_128, %dma_wait3A_129] : memref<6x512x32xf32, #tpu.memory_space<vmem>> -> memref<1x512x32xf32, #tpu.memory_space<vmem>>
    %dma_wait3A_131 = tpu.memref_squeeze %dma_wait3A_130 : memref<1x512x32xf32, #tpu.memory_space<vmem>> -> memref<512x32xf32, #tpu.memory_space<vmem>>
    %dma_wait3A_132 = arith.constant 0 : i32
    %dma_wait3A_133 = tpu.memref_slice %arg4[%add3A_74, %dma_wait3A_132] : memref<819200x32xf32, #tpu.memory_space<hbm>> -> memref<512x32xf32, #tpu.memory_space<hbm>>
    %dma_wait3A_134 = arith.constant 0 : i32
    %dma_wait3A_135 = tpu.memref_slice %arg4[%add3A_74, %dma_wait3A_134] : memref<819200x32xf32, #tpu.memory_space<hbm>> -> memref<512x32xf32, #tpu.memory_space<hbm>>
    %dma_wait3A_136 = arith.constant 0 : i32
    %dma_wait3A_137 = arith.constant 0 : i32
    %dma_wait3A_138 = tpu.memref_slice %arg6[%dma_wait3A_127, %dma_wait3A_136, %dma_wait3A_137] : memref<6x512x32xf32, #tpu.memory_space<vmem>> -> memref<1x512x32xf32, #tpu.memory_space<vmem>>
    %dma_wait3A_139 = tpu.memref_squeeze %dma_wait3A_138 : memref<1x512x32xf32, #tpu.memory_space<vmem>> -> memref<512x32xf32, #tpu.memory_space<vmem>>
    tpu.wait_dma2 semaphore(%arg13 : memref<!tpu.dma_semaphore, #tpu.memory_space<semaphore_mem>>) src(%dma_wait3A_139 : memref<512x32xf32, #tpu.memory_space<vmem>>) dst(%dma_wait3A_135 : memref<512x32xf32, #tpu.memory_space<hbm>>)
    %dma_start3A_140 = arith.constant 6 : i32
    %dma_start3A_141 = arith.constant 0 : i32
    %dma_start3A_142 = arith.constant 0 : i32
    %dma_start3A_143 = arith.constant 0 : i32
    %dma_start3A_144 = tpu.memref_slice %arg6[%dma_start3A_141, %dma_start3A_142, %dma_start3A_143] : memref<6x512x32xf32, #tpu.memory_space<vmem>> -> memref<1x512x32xf32, #tpu.memory_space<vmem>>
    %dma_start3A_145 = tpu.memref_squeeze %dma_start3A_144 : memref<1x512x32xf32, #tpu.memory_space<vmem>> -> memref<512x32xf32, #tpu.memory_space<vmem>>
    %dma_start3A_146 = arith.constant 0 : i32
    %dma_start3A_147 = tpu.memref_slice %arg5[%dma_start3A_140, %dma_start3A_146] : memref<50x512xi32, #tpu.memory_space<vmem>> -> memref<1x512xi32, #tpu.memory_space<vmem>>
    %dma_start3A_148 = tpu.memref_squeeze %dma_start3A_147 : memref<1x512xi32, #tpu.memory_space<vmem>> -> memref<512xi32, #tpu.memory_space<vmem>>
    %dma_start3A_149 = arith.constant 0 : i32
    %dma_start3A_150 = arith.constant 0 : i32
    %dma_start3A_151 = tpu.memref_slice %arg3[%dma_start3A_149, %dma_start3A_150] : memref<1000000x32xf32, #tpu.memory_space<hbm>> -> memref<1000000x32xf32, #tpu.memory_space<hbm>>
    tpu.enqueue_indirect_dma source(%dma_start3A_151 : memref<1000000x32xf32, #tpu.memory_space<hbm>>) target(%dma_start3A_145 : memref<512x32xf32, #tpu.memory_space<vmem>>) offsets(%dma_start3A_148 : memref<512xi32, #tpu.memory_space<vmem>>) semaphore(%arg7 : memref<!tpu.dma_semaphore, #tpu.memory_space<semaphore_mem>>)
    %dma_wait3A_152 = arith.constant 2 : i32
    %dma_wait3A_153 = arith.constant 2 : i32
    %dma_wait3A_154 = arith.constant 0 : i32
    %dma_wait3A_155 = arith.constant 0 : i32
    %dma_wait3A_156 = tpu.memref_slice %arg6[%dma_wait3A_153, %dma_wait3A_154, %dma_wait3A_155] : memref<6x512x32xf32, #tpu.memory_space<vmem>> -> memref<1x512x32xf32, #tpu.memory_space<vmem>>
    %dma_wait3A_157 = tpu.memref_squeeze %dma_wait3A_156 : memref<1x512x32xf32, #tpu.memory_space<vmem>> -> memref<512x32xf32, #tpu.memory_space<vmem>>
    %dma_wait3A_158 = arith.constant 0 : i32
    %dma_wait3A_159 = tpu.memref_slice %arg5[%dma_wait3A_152, %dma_wait3A_158] : memref<50x512xi32, #tpu.memory_space<vmem>> -> memref<1x512xi32, #tpu.memory_space<vmem>>
    %dma_wait3A_160 = tpu.memref_squeeze %dma_wait3A_159 : memref<1x512xi32, #tpu.memory_space<vmem>> -> memref<512xi32, #tpu.memory_space<vmem>>
    %dma_wait3A_161 = arith.constant 0 : i32
    %dma_wait3A_162 = arith.constant 0 : i32
    %dma_wait3A_163 = tpu.memref_slice %arg3[%dma_wait3A_161, %dma_wait3A_162] : memref<1000000x32xf32, #tpu.memory_space<hbm>> -> memref<1000000x32xf32, #tpu.memory_space<hbm>>
    tpu.wait_indirect_dma semaphore(%arg9 : memref<!tpu.dma_semaphore, #tpu.memory_space<semaphore_mem>>) src(%dma_wait3A_163 : memref<1000000x32xf32, #tpu.memory_space<hbm>>) dst(%dma_wait3A_157 : memref<512x32xf32, #tpu.memory_space<vmem>>)
    %add3A_164 = arith.constant 1024 : i32
    %add3A_165 = arith.addi %mul3A_2, %add3A_164 : i32
    %dma_start3A_166 = arith.constant 2 : i32
    %dma_start3A_167 = arith.constant 0 : i32
    %dma_start3A_168 = arith.constant 0 : i32
    %dma_start3A_169 = tpu.memref_slice %arg6[%dma_start3A_166, %dma_start3A_167, %dma_start3A_168] : memref<6x512x32xf32, #tpu.memory_space<vmem>> -> memref<1x512x32xf32, #tpu.memory_space<vmem>>
    %dma_start3A_170 = tpu.memref_squeeze %dma_start3A_169 : memref<1x512x32xf32, #tpu.memory_space<vmem>> -> memref<512x32xf32, #tpu.memory_space<vmem>>
    %dma_start3A_171 = arith.constant 0 : i32
    %dma_start3A_172 = tpu.memref_slice %arg4[%add3A_165, %dma_start3A_171] : memref<819200x32xf32, #tpu.memory_space<hbm>> -> memref<512x32xf32, #tpu.memory_space<hbm>>
    %dma_start3A_173 = arith.constant 0 : i32
    %dma_start3A_174 = tpu.memref_slice %arg4[%add3A_165, %dma_start3A_173] : memref<819200x32xf32, #tpu.memory_space<hbm>> -> memref<512x32xf32, #tpu.memory_space<hbm>>
    %dma_start3A_175 = arith.constant 0 : i32
    %dma_start3A_176 = arith.constant 0 : i32
    %dma_start3A_177 = tpu.memref_slice %arg6[%dma_start3A_166, %dma_start3A_175, %dma_start3A_176] : memref<6x512x32xf32, #tpu.memory_space<vmem>> -> memref<1x512x32xf32, #tpu.memory_space<vmem>>
    %dma_start3A_178 = tpu.memref_squeeze %dma_start3A_177 : memref<1x512x32xf32, #tpu.memory_space<vmem>> -> memref<512x32xf32, #tpu.memory_space<vmem>>
    tpu.enqueue_dma source(%dma_start3A_178 : memref<512x32xf32, #tpu.memory_space<vmem>>) target(%dma_start3A_174 : memref<512x32xf32, #tpu.memory_space<hbm>>) target_semaphore(%arg15 : memref<!tpu.dma_semaphore, #tpu.memory_space<semaphore_mem>>)
    %dma_wait3A_179 = arith.constant 1 : i32
    %dma_wait3A_180 = arith.constant 0 : i32
    %dma_wait3A_181 = arith.constant 0 : i32
    %dma_wait3A_182 = tpu.memref_slice %arg6[%dma_wait3A_179, %dma_wait3A_180, %dma_wait3A_181] : memref<6x512x32xf32, #tpu.memory_space<vmem>> -> memref<1x512x32xf32, #tpu.memory_space<vmem>>
    %dma_wait3A_183 = tpu.memref_squeeze %dma_wait3A_182 : memref<1x512x32xf32, #tpu.memory_space<vmem>> -> memref<512x32xf32, #tpu.memory_space<vmem>>
    %dma_wait3A_184 = arith.constant 0 : i32
    %dma_wait3A_185 = tpu.memref_slice %arg4[%add3A_113, %dma_wait3A_184] : memref<819200x32xf32, #tpu.memory_space<hbm>> -> memref<512x32xf32, #tpu.memory_space<hbm>>
    %dma_wait3A_186 = arith.constant 0 : i32
    %dma_wait3A_187 = tpu.memref_slice %arg4[%add3A_113, %dma_wait3A_186] : memref<819200x32xf32, #tpu.memory_space<hbm>> -> memref<512x32xf32, #tpu.memory_space<hbm>>
    %dma_wait3A_188 = arith.constant 0 : i32
    %dma_wait3A_189 = arith.constant 0 : i32
    %dma_wait3A_190 = tpu.memref_slice %arg6[%dma_wait3A_179, %dma_wait3A_188, %dma_wait3A_189] : memref<6x512x32xf32, #tpu.memory_space<vmem>> -> memref<1x512x32xf32, #tpu.memory_space<vmem>>
    %dma_wait3A_191 = tpu.memref_squeeze %dma_wait3A_190 : memref<1x512x32xf32, #tpu.memory_space<vmem>> -> memref<512x32xf32, #tpu.memory_space<vmem>>
    tpu.wait_dma2 semaphore(%arg14 : memref<!tpu.dma_semaphore, #tpu.memory_space<semaphore_mem>>) src(%dma_wait3A_191 : memref<512x32xf32, #tpu.memory_space<vmem>>) dst(%dma_wait3A_187 : memref<512x32xf32, #tpu.memory_space<hbm>>)
    %dma_start3A_192 = arith.constant 7 : i32
    %dma_start3A_193 = arith.constant 1 : i32
    %dma_start3A_194 = arith.constant 0 : i32
    %dma_start3A_195 = arith.constant 0 : i32
    %dma_start3A_196 = tpu.memref_slice %arg6[%dma_start3A_193, %dma_start3A_194, %dma_start3A_195] : memref<6x512x32xf32, #tpu.memory_space<vmem>> -> memref<1x512x32xf32, #tpu.memory_space<vmem>>
    %dma_start3A_197 = tpu.memref_squeeze %dma_start3A_196 : memref<1x512x32xf32, #tpu.memory_space<vmem>> -> memref<512x32xf32, #tpu.memory_space<vmem>>
    %dma_start3A_198 = arith.constant 0 : i32
    %dma_start3A_199 = tpu.memref_slice %arg5[%dma_start3A_192, %dma_start3A_198] : memref<50x512xi32, #tpu.memory_space<vmem>> -> memref<1x512xi32, #tpu.memory_space<vmem>>
    %dma_start3A_200 = tpu.memref_squeeze %dma_start3A_199 : memref<1x512xi32, #tpu.memory_space<vmem>> -> memref<512xi32, #tpu.memory_space<vmem>>
    %dma_start3A_201 = arith.constant 0 : i32
    %dma_start3A_202 = arith.constant 0 : i32
    %dma_start3A_203 = tpu.memref_slice %arg3[%dma_start3A_201, %dma_start3A_202] : memref<1000000x32xf32, #tpu.memory_space<hbm>> -> memref<1000000x32xf32, #tpu.memory_space<hbm>>
    tpu.enqueue_indirect_dma source(%dma_start3A_203 : memref<1000000x32xf32, #tpu.memory_space<hbm>>) target(%dma_start3A_197 : memref<512x32xf32, #tpu.memory_space<vmem>>) offsets(%dma_start3A_200 : memref<512xi32, #tpu.memory_space<vmem>>) semaphore(%arg8 : memref<!tpu.dma_semaphore, #tpu.memory_space<semaphore_mem>>)
    %dma_wait3A_204 = arith.constant 3 : i32
    %dma_wait3A_205 = arith.constant 3 : i32
    %dma_wait3A_206 = arith.constant 0 : i32
    %dma_wait3A_207 = arith.constant 0 : i32
    %dma_wait3A_208 = tpu.memref_slice %arg6[%dma_wait3A_205, %dma_wait3A_206, %dma_wait3A_207] : memref<6x512x32xf32, #tpu.memory_space<vmem>> -> memref<1x512x32xf32, #tpu.memory_space<vmem>>
    %dma_wait3A_209 = tpu.memref_squeeze %dma_wait3A_208 : memref<1x512x32xf32, #tpu.memory_space<vmem>> -> memref<512x32xf32, #tpu.memory_space<vmem>>
    %dma_wait3A_210 = arith.constant 0 : i32
    %dma_wait3A_211 = tpu.memref_slice %arg5[%dma_wait3A_204, %dma_wait3A_210] : memref<50x512xi32, #tpu.memory_space<vmem>> -> memref<1x512xi32, #tpu.memory_space<vmem>>
    %dma_wait3A_212 = tpu.memref_squeeze %dma_wait3A_211 : memref<1x512xi32, #tpu.memory_space<vmem>> -> memref<512xi32, #tpu.memory_space<vmem>>
    %dma_wait3A_213 = arith.constant 0 : i32
    %dma_wait3A_214 = arith.constant 0 : i32
    %dma_wait3A_215 = tpu.memref_slice %arg3[%dma_wait3A_213, %dma_wait3A_214] : memref<1000000x32xf32, #tpu.memory_space<hbm>> -> memref<1000000x32xf32, #tpu.memory_space<hbm>>
    tpu.wait_indirect_dma semaphore(%arg10 : memref<!tpu.dma_semaphore, #tpu.memory_space<semaphore_mem>>) src(%dma_wait3A_215 : memref<1000000x32xf32, #tpu.memory_space<hbm>>) dst(%dma_wait3A_209 : memref<512x32xf32, #tpu.memory_space<vmem>>)
    %add3A_216 = arith.constant 1536 : i32
    %add3A_217 = arith.addi %mul3A_2, %add3A_216 : i32
    %dma_start3A_218 = arith.constant 3 : i32
    %dma_start3A_219 = arith.constant 0 : i32
    %dma_start3A_220 = arith.constant 0 : i32
    %dma_start3A_221 = tpu.memref_slice %arg6[%dma_start3A_218, %dma_start3A_219, %dma_start3A_220] : memref<6x512x32xf32, #tpu.memory_space<vmem>> -> memref<1x512x32xf32, #tpu.memory_space<vmem>>
    %dma_start3A_222 = tpu.memref_squeeze %dma_start3A_221 : memref<1x512x32xf32, #tpu.memory_space<vmem>> -> memref<512x32xf32, #tpu.memory_space<vmem>>
    %dma_start3A_223 = arith.constant 0 : i32
    %dma_start3A_224 = tpu.memref_slice %arg4[%add3A_217, %dma_start3A_223] : memref<819200x32xf32, #tpu.memory_space<hbm>> -> memref<512x32xf32, #tpu.memory_space<hbm>>
    %dma_start3A_225 = arith.constant 0 : i32
    %dma_start3A_226 = tpu.memref_slice %arg4[%add3A_217, %dma_start3A_225] : memref<819200x32xf32, #tpu.memory_space<hbm>> -> memref<512x32xf32, #tpu.memory_space<hbm>>
    %dma_start3A_227 = arith.constant 0 : i32
    %dma_start3A_228 = arith.constant 0 : i32
    %dma_start3A_229 = tpu.memref_slice %arg6[%dma_start3A_218, %dma_start3A_227, %dma_start3A_228] : memref<6x512x32xf32, #tpu.memory_space<vmem>> -> memref<1x512x32xf32, #tpu.memory_space<vmem>>
    %dma_start3A_230 = tpu.memref_squeeze %dma_start3A_229 : memref<1x512x32xf32, #tpu.memory_space<vmem>> -> memref<512x32xf32, #tpu.memory_space<vmem>>
    tpu.enqueue_dma source(%dma_start3A_230 : memref<512x32xf32, #tpu.memory_space<vmem>>) target(%dma_start3A_226 : memref<512x32xf32, #tpu.memory_space<hbm>>) target_semaphore(%arg16 : memref<!tpu.dma_semaphore, #tpu.memory_space<semaphore_mem>>)
    %dma_wait3A_231 = arith.constant 2 : i32
    %dma_wait3A_232 = arith.constant 0 : i32
    %dma_wait3A_233 = arith.constant 0 : i32
    %dma_wait3A_234 = tpu.memref_slice %arg6[%dma_wait3A_231, %dma_wait3A_232, %dma_wait3A_233] : memref<6x512x32xf32, #tpu.memory_space<vmem>> -> memref<1x512x32xf32, #tpu.memory_space<vmem>>
    %dma_wait3A_235 = tpu.memref_squeeze %dma_wait3A_234 : memref<1x512x32xf32, #tpu.memory_space<vmem>> -> memref<512x32xf32, #tpu.memory_space<vmem>>
    %dma_wait3A_236 = arith.constant 0 : i32
    %dma_wait3A_237 = tpu.memref_slice %arg4[%add3A_165, %dma_wait3A_236] : memref<819200x32xf32, #tpu.memory_space<hbm>> -> memref<512x32xf32, #tpu.memory_space<hbm>>
    %dma_wait3A_238 = arith.constant 0 : i32
    %dma_wait3A_239 = tpu.memref_slice %arg4[%add3A_165, %dma_wait3A_238] : memref<819200x32xf32, #tpu.memory_space<hbm>> -> memref<512x32xf32, #tpu.memory_space<hbm>>
    %dma_wait3A_240 = arith.constant 0 : i32
    %dma_wait3A_241 = arith.constant 0 : i32
    %dma_wait3A_242 = tpu.memref_slice %arg6[%dma_wait3A_231, %dma_wait3A_240, %dma_wait3A_241] : memref<6x512x32xf32, #tpu.memory_space<vmem>> -> memref<1x512x32xf32, #tpu.memory_space<vmem>>
    %dma_wait3A_243 = tpu.memref_squeeze %dma_wait3A_242 : memref<1x512x32xf32, #tpu.memory_space<vmem>> -> memref<512x32xf32, #tpu.memory_space<vmem>>
    tpu.wait_dma2 semaphore(%arg15 : memref<!tpu.dma_semaphore, #tpu.memory_space<semaphore_mem>>) src(%dma_wait3A_243 : memref<512x32xf32, #tpu.memory_space<vmem>>) dst(%dma_wait3A_239 : memref<512x32xf32, #tpu.memory_space<hbm>>)
    %dma_start3A_244 = arith.constant 8 : i32
    %dma_start3A_245 = arith.constant 2 : i32
    %dma_start3A_246 = arith.constant 0 : i32
    %dma_start3A_247 = arith.constant 0 : i32
    %dma_start3A_248 = tpu.memref_slice %arg6[%dma_start3A_245, %dma_start3A_246, %dma_start3A_247] : memref<6x512x32xf32, #tpu.memory_space<vmem>> -> memref<1x512x32xf32, #tpu.memory_space<vmem>>
    %dma_start3A_249 = tpu.memref_squeeze %dma_start3A_248 : memref<1x512x32xf32, #tpu.memory_space<vmem>> -> memref<512x32xf32, #tpu.memory_space<vmem>>
    %dma_start3A_250 = arith.constant 0 : i32
    %dma_start3A_251 = tpu.memref_slice %arg5[%dma_start3A_244, %dma_start3A_250] : memref<50x512xi32, #tpu.memory_space<vmem>> -> memref<1x512xi32, #tpu.memory_space<vmem>>
    %dma_start3A_252 = tpu.memref_squeeze %dma_start3A_251 : memref<1x512xi32, #tpu.memory_space<vmem>> -> memref<512xi32, #tpu.memory_space<vmem>>
    %dma_start3A_253 = arith.constant 0 : i32
    %dma_start3A_254 = arith.constant 0 : i32
    %dma_start3A_255 = tpu.memref_slice %arg3[%dma_start3A_253, %dma_start3A_254] : memref<1000000x32xf32, #tpu.memory_space<hbm>> -> memref<1000000x32xf32, #tpu.memory_space<hbm>>
    tpu.enqueue_indirect_dma source(%dma_start3A_255 : memref<1000000x32xf32, #tpu.memory_space<hbm>>) target(%dma_start3A_249 : memref<512x32xf32, #tpu.memory_space<vmem>>) offsets(%dma_start3A_252 : memref<512xi32, #tpu.memory_space<vmem>>) semaphore(%arg9 : memref<!tpu.dma_semaphore, #tpu.memory_space<semaphore_mem>>)
    %dma_wait3A_256 = arith.constant 4 : i32
    %dma_wait3A_257 = arith.constant 4 : i32
    %dma_wait3A_258 = arith.constant 0 : i32
    %dma_wait3A_259 = arith.constant 0 : i32
    %dma_wait3A_260 = tpu.memref_slice %arg6[%dma_wait3A_257, %dma_wait3A_258, %dma_wait3A_259] : memref<6x512x32xf32, #tpu.memory_space<vmem>> -> memref<1x512x32xf32, #tpu.memory_space<vmem>>
    %dma_wait3A_261 = tpu.memref_squeeze %dma_wait3A_260 : memref<1x512x32xf32, #tpu.memory_space<vmem>> -> memref<512x32xf32, #tpu.memory_space<vmem>>
    %dma_wait3A_262 = arith.constant 0 : i32
    %dma_wait3A_263 = tpu.memref_slice %arg5[%dma_wait3A_256, %dma_wait3A_262] : memref<50x512xi32, #tpu.memory_space<vmem>> -> memref<1x512xi32, #tpu.memory_space<vmem>>
    %dma_wait3A_264 = tpu.memref_squeeze %dma_wait3A_263 : memref<1x512xi32, #tpu.memory_space<vmem>> -> memref<512xi32, #tpu.memory_space<vmem>>
    %dma_wait3A_265 = arith.constant 0 : i32
    %dma_wait3A_266 = arith.constant 0 : i32
    %dma_wait3A_267 = tpu.memref_slice %arg3[%dma_wait3A_265, %dma_wait3A_266] : memref<1000000x32xf32, #tpu.memory_space<hbm>> -> memref<1000000x32xf32, #tpu.memory_space<hbm>>
    tpu.wait_indirect_dma semaphore(%arg11 : memref<!tpu.dma_semaphore, #tpu.memory_space<semaphore_mem>>) src(%dma_wait3A_267 : memref<1000000x32xf32, #tpu.memory_space<hbm>>) dst(%dma_wait3A_261 : memref<512x32xf32, #tpu.memory_space<vmem>>)
    %add3A_268 = arith.constant 2048 : i32
    %add3A_269 = arith.addi %mul3A_2, %add3A_268 : i32
    %dma_start3A_270 = arith.constant 4 : i32
    %dma_start3A_271 = arith.constant 0 : i32
    %dma_start3A_272 = arith.constant 0 : i32
    %dma_start3A_273 = tpu.memref_slice %arg6[%dma_start3A_270, %dma_start3A_271, %dma_start3A_272] : memref<6x512x32xf32, #tpu.memory_space<vmem>> -> memref<1x512x32xf32, #tpu.memory_space<vmem>>
    %dma_start3A_274 = tpu.memref_squeeze %dma_start3A_273 : memref<1x512x32xf32, #tpu.memory_space<vmem>> -> memref<512x32xf32, #tpu.memory_space<vmem>>
    %dma_start3A_275 = arith.constant 0 : i32
    %dma_start3A_276 = tpu.memref_slice %arg4[%add3A_269, %dma_start3A_275] : memref<819200x32xf32, #tpu.memory_space<hbm>> -> memref<512x32xf32, #tpu.memory_space<hbm>>
    %dma_start3A_277 = arith.constant 0 : i32
    %dma_start3A_278 = tpu.memref_slice %arg4[%add3A_269, %dma_start3A_277] : memref<819200x32xf32, #tpu.memory_space<hbm>> -> memref<512x32xf32, #tpu.memory_space<hbm>>
    %dma_start3A_279 = arith.constant 0 : i32
    %dma_start3A_280 = arith.constant 0 : i32
    %dma_start3A_281 = tpu.memref_slice %arg6[%dma_start3A_270, %dma_start3A_279, %dma_start3A_280] : memref<6x512x32xf32, #tpu.memory_space<vmem>> -> memref<1x512x32xf32, #tpu.memory_space<vmem>>
    %dma_start3A_282 = tpu.memref_squeeze %dma_start3A_281 : memref<1x512x32xf32, #tpu.memory_space<vmem>> -> memref<512x32xf32, #tpu.memory_space<vmem>>
    tpu.enqueue_dma source(%dma_start3A_282 : memref<512x32xf32, #tpu.memory_space<vmem>>) target(%dma_start3A_278 : memref<512x32xf32, #tpu.memory_space<hbm>>) target_semaphore(%arg17 : memref<!tpu.dma_semaphore, #tpu.memory_space<semaphore_mem>>)
    %dma_wait3A_283 = arith.constant 3 : i32
    %dma_wait3A_284 = arith.constant 0 : i32
    %dma_wait3A_285 = arith.constant 0 : i32
    %dma_wait3A_286 = tpu.memref_slice %arg6[%dma_wait3A_283, %dma_wait3A_284, %dma_wait3A_285] : memref<6x512x32xf32, #tpu.memory_space<vmem>> -> memref<1x512x32xf32, #tpu.memory_space<vmem>>
    %dma_wait3A_287 = tpu.memref_squeeze %dma_wait3A_286 : memref<1x512x32xf32, #tpu.memory_space<vmem>> -> memref<512x32xf32, #tpu.memory_space<vmem>>
    %dma_wait3A_288 = arith.constant 0 : i32
    %dma_wait3A_289 = tpu.memref_slice %arg4[%add3A_217, %dma_wait3A_288] : memref<819200x32xf32, #tpu.memory_space<hbm>> -> memref<512x32xf32, #tpu.memory_space<hbm>>
    %dma_wait3A_290 = arith.constant 0 : i32
    %dma_wait3A_291 = tpu.memref_slice %arg4[%add3A_217, %dma_wait3A_290] : memref<819200x32xf32, #tpu.memory_space<hbm>> -> memref<512x32xf32, #tpu.memory_space<hbm>>
    %dma_wait3A_292 = arith.constant 0 : i32
    %dma_wait3A_293 = arith.constant 0 : i32
    %dma_wait3A_294 = tpu.memref_slice %arg6[%dma_wait3A_283, %dma_wait3A_292, %dma_wait3A_293] : memref<6x512x32xf32, #tpu.memory_space<vmem>> -> memref<1x512x32xf32, #tpu.memory_space<vmem>>
    %dma_wait3A_295 = tpu.memref_squeeze %dma_wait3A_294 : memref<1x512x32xf32, #tpu.memory_space<vmem>> -> memref<512x32xf32, #tpu.memory_space<vmem>>
    tpu.wait_dma2 semaphore(%arg16 : memref<!tpu.dma_semaphore, #tpu.memory_space<semaphore_mem>>) src(%dma_wait3A_295 : memref<512x32xf32, #tpu.memory_space<vmem>>) dst(%dma_wait3A_291 : memref<512x32xf32, #tpu.memory_space<hbm>>)
    %dma_start3A_296 = arith.constant 9 : i32
    %dma_start3A_297 = arith.constant 3 : i32
    %dma_start3A_298 = arith.constant 0 : i32
    %dma_start3A_299 = arith.constant 0 : i32
    %dma_start3A_300 = tpu.memref_slice %arg6[%dma_start3A_297, %dma_start3A_298, %dma_start3A_299] : memref<6x512x32xf32, #tpu.memory_space<vmem>> -> memref<1x512x32xf32, #tpu.memory_space<vmem>>
    %dma_start3A_301 = tpu.memref_squeeze %dma_start3A_300 : memref<1x512x32xf32, #tpu.memory_space<vmem>> -> memref<512x32xf32, #tpu.memory_space<vmem>>
    %dma_start3A_302 = arith.constant 0 : i32
    %dma_start3A_303 = tpu.memref_slice %arg5[%dma_start3A_296, %dma_start3A_302] : memref<50x512xi32, #tpu.memory_space<vmem>> -> memref<1x512xi32, #tpu.memory_space<vmem>>
    %dma_start3A_304 = tpu.memref_squeeze %dma_start3A_303 : memref<1x512xi32, #tpu.memory_space<vmem>> -> memref<512xi32, #tpu.memory_space<vmem>>
    %dma_start3A_305 = arith.constant 0 : i32
    %dma_start3A_306 = arith.constant 0 : i32
    %dma_start3A_307 = tpu.memref_slice %arg3[%dma_start3A_305, %dma_start3A_306] : memref<1000000x32xf32, #tpu.memory_space<hbm>> -> memref<1000000x32xf32, #tpu.memory_space<hbm>>
    tpu.enqueue_indirect_dma source(%dma_start3A_307 : memref<1000000x32xf32, #tpu.memory_space<hbm>>) target(%dma_start3A_301 : memref<512x32xf32, #tpu.memory_space<vmem>>) offsets(%dma_start3A_304 : memref<512xi32, #tpu.memory_space<vmem>>) semaphore(%arg10 : memref<!tpu.dma_semaphore, #tpu.memory_space<semaphore_mem>>)
    %dma_wait3A_308 = arith.constant 5 : i32
    %dma_wait3A_309 = arith.constant 5 : i32
    %dma_wait3A_310 = arith.constant 0 : i32
    %dma_wait3A_311 = arith.constant 0 : i32
    %dma_wait3A_312 = tpu.memref_slice %arg6[%dma_wait3A_309, %dma_wait3A_310, %dma_wait3A_311] : memref<6x512x32xf32, #tpu.memory_space<vmem>> -> memref<1x512x32xf32, #tpu.memory_space<vmem>>
    %dma_wait3A_313 = tpu.memref_squeeze %dma_wait3A_312 : memref<1x512x32xf32, #tpu.memory_space<vmem>> -> memref<512x32xf32, #tpu.memory_space<vmem>>
    %dma_wait3A_314 = arith.constant 0 : i32
    %dma_wait3A_315 = tpu.memref_slice %arg5[%dma_wait3A_308, %dma_wait3A_314] : memref<50x512xi32, #tpu.memory_space<vmem>> -> memref<1x512xi32, #tpu.memory_space<vmem>>
    %dma_wait3A_316 = tpu.memref_squeeze %dma_wait3A_315 : memref<1x512xi32, #tpu.memory_space<vmem>> -> memref<512xi32, #tpu.memory_space<vmem>>
    %dma_wait3A_317 = arith.constant 0 : i32
    %dma_wait3A_318 = arith.constant 0 : i32
    %dma_wait3A_319 = tpu.memref_slice %arg3[%dma_wait3A_317, %dma_wait3A_318] : memref<1000000x32xf32, #tpu.memory_space<hbm>> -> memref<1000000x32xf32, #tpu.memory_space<hbm>>
    tpu.wait_indirect_dma semaphore(%arg12 : memref<!tpu.dma_semaphore, #tpu.memory_space<semaphore_mem>>) src(%dma_wait3A_319 : memref<1000000x32xf32, #tpu.memory_space<hbm>>) dst(%dma_wait3A_313 : memref<512x32xf32, #tpu.memory_space<vmem>>)
    %add3A_320 = arith.constant 2560 : i32
    %add3A_321 = arith.addi %mul3A_2, %add3A_320 : i32
    %dma_start3A_322 = arith.constant 5 : i32
    %dma_start3A_323 = arith.constant 0 : i32
    %dma_start3A_324 = arith.constant 0 : i32
    %dma_start3A_325 = tpu.memref_slice %arg6[%dma_start3A_322, %dma_start3A_323, %dma_start3A_324] : memref<6x512x32xf32, #tpu.memory_space<vmem>> -> memref<1x512x32xf32, #tpu.memory_space<vmem>>
    %dma_start3A_326 = tpu.memref_squeeze %dma_start3A_325 : memref<1x512x32xf32, #tpu.memory_space<vmem>> -> memref<512x32xf32, #tpu.memory_space<vmem>>
    %dma_start3A_327 = arith.constant 0 : i32
    %dma_start3A_328 = tpu.memref_slice %arg4[%add3A_321, %dma_start3A_327] : memref<819200x32xf32, #tpu.memory_space<hbm>> -> memref<512x32xf32, #tpu.memory_space<hbm>>
    %dma_start3A_329 = arith.constant 0 : i32
    %dma_start3A_330 = tpu.memref_slice %arg4[%add3A_321, %dma_start3A_329] : memref<819200x32xf32, #tpu.memory_space<hbm>> -> memref<512x32xf32, #tpu.memory_space<hbm>>
    %dma_start3A_331 = arith.constant 0 : i32
    %dma_start3A_332 = arith.constant 0 : i32
    %dma_start3A_333 = tpu.memref_slice %arg6[%dma_start3A_322, %dma_start3A_331, %dma_start3A_332] : memref<6x512x32xf32, #tpu.memory_space<vmem>> -> memref<1x512x32xf32, #tpu.memory_space<vmem>>
    %dma_start3A_334 = tpu.memref_squeeze %dma_start3A_333 : memref<1x512x32xf32, #tpu.memory_space<vmem>> -> memref<512x32xf32, #tpu.memory_space<vmem>>
    tpu.enqueue_dma source(%dma_start3A_334 : memref<512x32xf32, #tpu.memory_space<vmem>>) target(%dma_start3A_330 : memref<512x32xf32, #tpu.memory_space<hbm>>) target_semaphore(%arg18 : memref<!tpu.dma_semaphore, #tpu.memory_space<semaphore_mem>>)
    %dma_wait3A_335 = arith.constant 4 : i32
    %dma_wait3A_336 = arith.constant 0 : i32
    %dma_wait3A_337 = arith.constant 0 : i32
    %dma_wait3A_338 = tpu.memref_slice %arg6[%dma_wait3A_335, %dma_wait3A_336, %dma_wait3A_337] : memref<6x512x32xf32, #tpu.memory_space<vmem>> -> memref<1x512x32xf32, #tpu.memory_space<vmem>>
    %dma_wait3A_339 = tpu.memref_squeeze %dma_wait3A_338 : memref<1x512x32xf32, #tpu.memory_space<vmem>> -> memref<512x32xf32, #tpu.memory_space<vmem>>
    %dma_wait3A_340 = arith.constant 0 : i32
    %dma_wait3A_341 = tpu.memref_slice %arg4[%add3A_269, %dma_wait3A_340] : memref<819200x32xf32, #tpu.memory_space<hbm>> -> memref<512x32xf32, #tpu.memory_space<hbm>>
    %dma_wait3A_342 = arith.constant 0 : i32
    %dma_wait3A_343 = tpu.memref_slice %arg4[%add3A_269, %dma_wait3A_342] : memref<819200x32xf32, #tpu.memory_space<hbm>> -> memref<512x32xf32, #tpu.memory_space<hbm>>
    %dma_wait3A_344 = arith.constant 0 : i32
    %dma_wait3A_345 = arith.constant 0 : i32
    %dma_wait3A_346 = tpu.memref_slice %arg6[%dma_wait3A_335, %dma_wait3A_344, %dma_wait3A_345] : memref<6x512x32xf32, #tpu.memory_space<vmem>> -> memref<1x512x32xf32, #tpu.memory_space<vmem>>
    %dma_wait3A_347 = tpu.memref_squeeze %dma_wait3A_346 : memref<1x512x32xf32, #tpu.memory_space<vmem>> -> memref<512x32xf32, #tpu.memory_space<vmem>>
    tpu.wait_dma2 semaphore(%arg17 : memref<!tpu.dma_semaphore, #tpu.memory_space<semaphore_mem>>) src(%dma_wait3A_347 : memref<512x32xf32, #tpu.memory_space<vmem>>) dst(%dma_wait3A_343 : memref<512x32xf32, #tpu.memory_space<hbm>>)
    %dma_start3A_348 = arith.constant 10 : i32
    %dma_start3A_349 = arith.constant 4 : i32
    %dma_start3A_350 = arith.constant 0 : i32
    %dma_start3A_351 = arith.constant 0 : i32
    %dma_start3A_352 = tpu.memref_slice %arg6[%dma_start3A_349, %dma_start3A_350, %dma_start3A_351] : memref<6x512x32xf32, #tpu.memory_space<vmem>> -> memref<1x512x32xf32, #tpu.memory_space<vmem>>
    %dma_start3A_353 = tpu.memref_squeeze %dma_start3A_352 : memref<1x512x32xf32, #tpu.memory_space<vmem>> -> memref<512x32xf32, #tpu.memory_space<vmem>>
    %dma_start3A_354 = arith.constant 0 : i32
    %dma_start3A_355 = tpu.memref_slice %arg5[%dma_start3A_348, %dma_start3A_354] : memref<50x512xi32, #tpu.memory_space<vmem>> -> memref<1x512xi32, #tpu.memory_space<vmem>>
    %dma_start3A_356 = tpu.memref_squeeze %dma_start3A_355 : memref<1x512xi32, #tpu.memory_space<vmem>> -> memref<512xi32, #tpu.memory_space<vmem>>
    %dma_start3A_357 = arith.constant 0 : i32
    %dma_start3A_358 = arith.constant 0 : i32
    %dma_start3A_359 = tpu.memref_slice %arg3[%dma_start3A_357, %dma_start3A_358] : memref<1000000x32xf32, #tpu.memory_space<hbm>> -> memref<1000000x32xf32, #tpu.memory_space<hbm>>
    tpu.enqueue_indirect_dma source(%dma_start3A_359 : memref<1000000x32xf32, #tpu.memory_space<hbm>>) target(%dma_start3A_353 : memref<512x32xf32, #tpu.memory_space<vmem>>) offsets(%dma_start3A_356 : memref<512xi32, #tpu.memory_space<vmem>>) semaphore(%arg11 : memref<!tpu.dma_semaphore, #tpu.memory_space<semaphore_mem>>)
    %dma_wait3A_360 = arith.constant 6 : i32
    %dma_wait3A_361 = arith.constant 0 : i32
    %dma_wait3A_362 = arith.constant 0 : i32
    %dma_wait3A_363 = arith.constant 0 : i32
    %dma_wait3A_364 = tpu.memref_slice %arg6[%dma_wait3A_361, %dma_wait3A_362, %dma_wait3A_363] : memref<6x512x32xf32, #tpu.memory_space<vmem>> -> memref<1x512x32xf32, #tpu.memory_space<vmem>>
    %dma_wait3A_365 = tpu.memref_squeeze %dma_wait3A_364 : memref<1x512x32xf32, #tpu.memory_space<vmem>> -> memref<512x32xf32, #tpu.memory_space<vmem>>
    %dma_wait3A_366 = arith.constant 0 : i32
    %dma_wait3A_367 = tpu.memref_slice %arg5[%dma_wait3A_360, %dma_wait3A_366] : memref<50x512xi32, #tpu.memory_space<vmem>> -> memref<1x512xi32, #tpu.memory_space<vmem>>
    %dma_wait3A_368 = tpu.memref_squeeze %dma_wait3A_367 : memref<1x512xi32, #tpu.memory_space<vmem>> -> memref<512xi32, #tpu.memory_space<vmem>>
    %dma_wait3A_369 = arith.constant 0 : i32
    %dma_wait3A_370 = arith.constant 0 : i32
    %dma_wait3A_371 = tpu.memref_slice %arg3[%dma_wait3A_369, %dma_wait3A_370] : memref<1000000x32xf32, #tpu.memory_space<hbm>> -> memref<1000000x32xf32, #tpu.memory_space<hbm>>
    tpu.wait_indirect_dma semaphore(%arg7 : memref<!tpu.dma_semaphore, #tpu.memory_space<semaphore_mem>>) src(%dma_wait3A_371 : memref<1000000x32xf32, #tpu.memory_space<hbm>>) dst(%dma_wait3A_365 : memref<512x32xf32, #tpu.memory_space<vmem>>)
    %add3A_372 = arith.constant 3072 : i32
    %add3A_373 = arith.addi %mul3A_2, %add3A_372 : i32
    %dma_start3A_374 = arith.constant 0 : i32
    %dma_start3A_375 = arith.constant 0 : i32
    %dma_start3A_376 = arith.constant 0 : i32
    %dma_start3A_377 = tpu.memref_slice %arg6[%dma_start3A_374, %dma_start3A_375, %dma_start3A_376] : memref<6x512x32xf32, #tpu.memory_space<vmem>> -> memref<1x512x32xf32, #tpu.memory_space<vmem>>
    %dma_start3A_378 = tpu.memref_squeeze %dma_start3A_377 : memref<1x512x32xf32, #tpu.memory_space<vmem>> -> memref<512x32xf32, #tpu.memory_space<vmem>>
    %dma_start3A_379 = arith.constant 0 : i32
    %dma_start3A_380 = tpu.memref_slice %arg4[%add3A_373, %dma_start3A_379] : memref<819200x32xf32, #tpu.memory_space<hbm>> -> memref<512x32xf32, #tpu.memory_space<hbm>>
    %dma_start3A_381 = arith.constant 0 : i32
    %dma_start3A_382 = tpu.memref_slice %arg4[%add3A_373, %dma_start3A_381] : memref<819200x32xf32, #tpu.memory_space<hbm>> -> memref<512x32xf32, #tpu.memory_space<hbm>>
    %dma_start3A_383 = arith.constant 0 : i32
    %dma_start3A_384 = arith.constant 0 : i32
    %dma_start3A_385 = tpu.memref_slice %arg6[%dma_start3A_374, %dma_start3A_383, %dma_start3A_384] : memref<6x512x32xf32, #tpu.memory_space<vmem>> -> memref<1x512x32xf32, #tpu.memory_space<vmem>>
    %dma_start3A_386 = tpu.memref_squeeze %dma_start3A_385 : memref<1x512x32xf32, #tpu.memory_space<vmem>> -> memref<512x32xf32, #tpu.memory_space<vmem>>
    tpu.enqueue_dma source(%dma_start3A_386 : memref<512x32xf32, #tpu.memory_space<vmem>>) target(%dma_start3A_382 : memref<512x32xf32, #tpu.memory_space<hbm>>) target_semaphore(%arg13 : memref<!tpu.dma_semaphore, #tpu.memory_space<semaphore_mem>>)
    %dma_wait3A_387 = arith.constant 5 : i32
    %dma_wait3A_388 = arith.constant 0 : i32
    %dma_wait3A_389 = arith.constant 0 : i32
    %dma_wait3A_390 = tpu.memref_slice %arg6[%dma_wait3A_387, %dma_wait3A_388, %dma_wait3A_389] : memref<6x512x32xf32, #tpu.memory_space<vmem>> -> memref<1x512x32xf32, #tpu.memory_space<vmem>>
    %dma_wait3A_391 = tpu.memref_squeeze %dma_wait3A_390 : memref<1x512x32xf32, #tpu.memory_space<vmem>> -> memref<512x32xf32, #tpu.memory_space<vmem>>
    %dma_wait3A_392 = arith.constant 0 : i32
    %dma_wait3A_393 = tpu.memref_slice %arg4[%add3A_321, %dma_wait3A_392] : memref<819200x32xf32, #tpu.memory_space<hbm>> -> memref<512x32xf32, #tpu.memory_space<hbm>>
    %dma_wait3A_394 = arith.constant 0 : i32
    %dma_wait3A_395 = tpu.memref_slice %arg4[%add3A_321, %dma_wait3A_394] : memref<819200x32xf32, #tpu.memory_space<hbm>> -> memref<512x32xf32, #tpu.memory_space<hbm>>
    %dma_wait3A_396 = arith.constant 0 : i32
    %dma_wait3A_397 = arith.constant 0 : i32
    %dma_wait3A_398 = tpu.memref_slice %arg6[%dma_wait3A_387, %dma_wait3A_396, %dma_wait3A_397] : memref<6x512x32xf32, #tpu.memory_space<vmem>> -> memref<1x512x32xf32, #tpu.memory_space<vmem>>
    %dma_wait3A_399 = tpu.memref_squeeze %dma_wait3A_398 : memref<1x512x32xf32, #tpu.memory_space<vmem>> -> memref<512x32xf32, #tpu.memory_space<vmem>>
    tpu.wait_dma2 semaphore(%arg18 : memref<!tpu.dma_semaphore, #tpu.memory_space<semaphore_mem>>) src(%dma_wait3A_399 : memref<512x32xf32, #tpu.memory_space<vmem>>) dst(%dma_wait3A_395 : memref<512x32xf32, #tpu.memory_space<hbm>>)
    %dma_start3A_400 = arith.constant 11 : i32
    %dma_start3A_401 = arith.constant 5 : i32
    %dma_start3A_402 = arith.constant 0 : i32
    %dma_start3A_403 = arith.constant 0 : i32
    %dma_start3A_404 = tpu.memref_slice %arg6[%dma_start3A_401, %dma_start3A_402, %dma_start3A_403] : memref<6x512x32xf32, #tpu.memory_space<vmem>> -> memref<1x512x32xf32, #tpu.memory_space<vmem>>
    %dma_start3A_405 = tpu.memref_squeeze %dma_start3A_404 : memref<1x512x32xf32, #tpu.memory_space<vmem>> -> memref<512x32xf32, #tpu.memory_space<vmem>>
    %dma_start3A_406 = arith.constant 0 : i32
    %dma_start3A_407 = tpu.memref_slice %arg5[%dma_start3A_400, %dma_start3A_406] : memref<50x512xi32, #tpu.memory_space<vmem>> -> memref<1x512xi32, #tpu.memory_space<vmem>>
    %dma_start3A_408 = tpu.memref_squeeze %dma_start3A_407 : memref<1x512xi32, #tpu.memory_space<vmem>> -> memref<512xi32, #tpu.memory_space<vmem>>
    %dma_start3A_409 = arith.constant 0 : i32
    %dma_start3A_410 = arith.constant 0 : i32
    %dma_start3A_411 = tpu.memref_slice %arg3[%dma_start3A_409, %dma_start3A_410] : memref<1000000x32xf32, #tpu.memory_space<hbm>> -> memref<1000000x32xf32, #tpu.memory_space<hbm>>
    tpu.enqueue_indirect_dma source(%dma_start3A_411 : memref<1000000x32xf32, #tpu.memory_space<hbm>>) target(%dma_start3A_405 : memref<512x32xf32, #tpu.memory_space<vmem>>) offsets(%dma_start3A_408 : memref<512xi32, #tpu.memory_space<vmem>>) semaphore(%arg12 : memref<!tpu.dma_semaphore, #tpu.memory_space<semaphore_mem>>)
    %dma_wait3A_412 = arith.constant 7 : i32
    %dma_wait3A_413 = arith.constant 1 : i32
    %dma_wait3A_414 = arith.constant 0 : i32
    %dma_wait3A_415 = arith.constant 0 : i32
    %dma_wait3A_416 = tpu.memref_slice %arg6[%dma_wait3A_413, %dma_wait3A_414, %dma_wait3A_415] : memref<6x512x32xf32, #tpu.memory_space<vmem>> -> memref<1x512x32xf32, #tpu.memory_space<vmem>>
    %dma_wait3A_417 = tpu.memref_squeeze %dma_wait3A_416 : memref<1x512x32xf32, #tpu.memory_space<vmem>> -> memref<512x32xf32, #tpu.memory_space<vmem>>
    %dma_wait3A_418 = arith.constant 0 : i32
    %dma_wait3A_419 = tpu.memref_slice %arg5[%dma_wait3A_412, %dma_wait3A_418] : memref<50x512xi32, #tpu.memory_space<vmem>> -> memref<1x512xi32, #tpu.memory_space<vmem>>
    %dma_wait3A_420 = tpu.memref_squeeze %dma_wait3A_419 : memref<1x512xi32, #tpu.memory_space<vmem>> -> memref<512xi32, #tpu.memory_space<vmem>>
    %dma_wait3A_421 = arith.constant 0 : i32
    %dma_wait3A_422 = arith.constant 0 : i32
    %dma_wait3A_423 = tpu.memref_slice %arg3[%dma_wait3A_421, %dma_wait3A_422] : memref<1000000x32xf32, #tpu.memory_space<hbm>> -> memref<1000000x32xf32, #tpu.memory_space<hbm>>
    tpu.wait_indirect_dma semaphore(%arg8 : memref<!tpu.dma_semaphore, #tpu.memory_space<semaphore_mem>>) src(%dma_wait3A_423 : memref<1000000x32xf32, #tpu.memory_space<hbm>>) dst(%dma_wait3A_417 : memref<512x32xf32, #tpu.memory_space<vmem>>)
    %add3A_424 = arith.constant 3584 : i32
    %add3A_425 = arith.addi %mul3A_2, %add3A_424 : i32
    %dma_start3A_426 = arith.constant 1 : i32
    %dma_start3A_427 = arith.constant 0 : i32
    %dma_start3A_428 = arith.constant 0 : i32
    %dma_start3A_429 = tpu.memref_slice %arg6[%dma_start3A_426, %dma_start3A_427, %dma_start3A_428] : memref<6x512x32xf32, #tpu.memory_space<vmem>> -> memref<1x512x32xf32, #tpu.memory_space<vmem>>
    %dma_start3A_430 = tpu.memref_squeeze %dma_start3A_429 : memref<1x512x32xf32, #tpu.memory_space<vmem>> -> memref<512x32xf32, #tpu.memory_space<vmem>>
    %dma_start3A_431 = arith.constant 0 : i32
    %dma_start3A_432 = tpu.memref_slice %arg4[%add3A_425, %dma_start3A_431] : memref<819200x32xf32, #tpu.memory_space<hbm>> -> memref<512x32xf32, #tpu.memory_space<hbm>>
    %dma_start3A_433 = arith.constant 0 : i32
    %dma_start3A_434 = tpu.memref_slice %arg4[%add3A_425, %dma_start3A_433] : memref<819200x32xf32, #tpu.memory_space<hbm>> -> memref<512x32xf32, #tpu.memory_space<hbm>>
    %dma_start3A_435 = arith.constant 0 : i32
    %dma_start3A_436 = arith.constant 0 : i32
    %dma_start3A_437 = tpu.memref_slice %arg6[%dma_start3A_426, %dma_start3A_435, %dma_start3A_436] : memref<6x512x32xf32, #tpu.memory_space<vmem>> -> memref<1x512x32xf32, #tpu.memory_space<vmem>>
    %dma_start3A_438 = tpu.memref_squeeze %dma_start3A_437 : memref<1x512x32xf32, #tpu.memory_space<vmem>> -> memref<512x32xf32, #tpu.memory_space<vmem>>
    tpu.enqueue_dma source(%dma_start3A_438 : memref<512x32xf32, #tpu.memory_space<vmem>>) target(%dma_start3A_434 : memref<512x32xf32, #tpu.memory_space<hbm>>) target_semaphore(%arg14 : memref<!tpu.dma_semaphore, #tpu.memory_space<semaphore_mem>>)
    %dma_wait3A_439 = arith.constant 0 : i32
    %dma_wait3A_440 = arith.constant 0 : i32
    %dma_wait3A_441 = arith.constant 0 : i32
    %dma_wait3A_442 = tpu.memref_slice %arg6[%dma_wait3A_439, %dma_wait3A_440, %dma_wait3A_441] : memref<6x512x32xf32, #tpu.memory_space<vmem>> -> memref<1x512x32xf32, #tpu.memory_space<vmem>>
    %dma_wait3A_443 = tpu.memref_squeeze %dma_wait3A_442 : memref<1x512x32xf32, #tpu.memory_space<vmem>> -> memref<512x32xf32, #tpu.memory_space<vmem>>
    %dma_wait3A_444 = arith.constant 0 : i32
    %dma_wait3A_445 = tpu.memref_slice %arg4[%add3A_373, %dma_wait3A_444] : memref<819200x32xf32, #tpu.memory_space<hbm>> -> memref<512x32xf32, #tpu.memory_space<hbm>>
    %dma_wait3A_446 = arith.constant 0 : i32
    %dma_wait3A_447 = tpu.memref_slice %arg4[%add3A_373, %dma_wait3A_446] : memref<819200x32xf32, #tpu.memory_space<hbm>> -> memref<512x32xf32, #tpu.memory_space<hbm>>
    %dma_wait3A_448 = arith.constant 0 : i32
    %dma_wait3A_449 = arith.constant 0 : i32
    %dma_wait3A_450 = tpu.memref_slice %arg6[%dma_wait3A_439, %dma_wait3A_448, %dma_wait3A_449] : memref<6x512x32xf32, #tpu.memory_space<vmem>> -> memref<1x512x32xf32, #tpu.memory_space<vmem>>
    %dma_wait3A_451 = tpu.memref_squeeze %dma_wait3A_450 : memref<1x512x32xf32, #tpu.memory_space<vmem>> -> memref<512x32xf32, #tpu.memory_space<vmem>>
    tpu.wait_dma2 semaphore(%arg13 : memref<!tpu.dma_semaphore, #tpu.memory_space<semaphore_mem>>) src(%dma_wait3A_451 : memref<512x32xf32, #tpu.memory_space<vmem>>) dst(%dma_wait3A_447 : memref<512x32xf32, #tpu.memory_space<hbm>>)
    %dma_start3A_452 = arith.constant 12 : i32
    %dma_start3A_453 = arith.constant 0 : i32
    %dma_start3A_454 = arith.constant 0 : i32
    %dma_start3A_455 = arith.constant 0 : i32
    %dma_start3A_456 = tpu.memref_slice %arg6[%dma_start3A_453, %dma_start3A_454, %dma_start3A_455] : memref<6x512x32xf32, #tpu.memory_space<vmem>> -> memref<1x512x32xf32, #tpu.memory_space<vmem>>
    %dma_start3A_457 = tpu.memref_squeeze %dma_start3A_456 : memref<1x512x32xf32, #tpu.memory_space<vmem>> -> memref<512x32xf32, #tpu.memory_space<vmem>>
    %dma_start3A_458 = arith.constant 0 : i32
    %dma_start3A_459 = tpu.memref_slice %arg5[%dma_start3A_452, %dma_start3A_458] : memref<50x512xi32, #tpu.memory_space<vmem>> -> memref<1x512xi32, #tpu.memory_space<vmem>>
    %dma_start3A_460 = tpu.memref_squeeze %dma_start3A_459 : memref<1x512xi32, #tpu.memory_space<vmem>> -> memref<512xi32, #tpu.memory_space<vmem>>
    %dma_start3A_461 = arith.constant 0 : i32
    %dma_start3A_462 = arith.constant 0 : i32
    %dma_start3A_463 = tpu.memref_slice %arg3[%dma_start3A_461, %dma_start3A_462] : memref<1000000x32xf32, #tpu.memory_space<hbm>> -> memref<1000000x32xf32, #tpu.memory_space<hbm>>
    tpu.enqueue_indirect_dma source(%dma_start3A_463 : memref<1000000x32xf32, #tpu.memory_space<hbm>>) target(%dma_start3A_457 : memref<512x32xf32, #tpu.memory_space<vmem>>) offsets(%dma_start3A_460 : memref<512xi32, #tpu.memory_space<vmem>>) semaphore(%arg7 : memref<!tpu.dma_semaphore, #tpu.memory_space<semaphore_mem>>)
    %dma_wait3A_464 = arith.constant 8 : i32
    %dma_wait3A_465 = arith.constant 2 : i32
    %dma_wait3A_466 = arith.constant 0 : i32
    %dma_wait3A_467 = arith.constant 0 : i32
    %dma_wait3A_468 = tpu.memref_slice %arg6[%dma_wait3A_465, %dma_wait3A_466, %dma_wait3A_467] : memref<6x512x32xf32, #tpu.memory_space<vmem>> -> memref<1x512x32xf32, #tpu.memory_space<vmem>>
    %dma_wait3A_469 = tpu.memref_squeeze %dma_wait3A_468 : memref<1x512x32xf32, #tpu.memory_space<vmem>> -> memref<512x32xf32, #tpu.memory_space<vmem>>
    %dma_wait3A_470 = arith.constant 0 : i32
    %dma_wait3A_471 = tpu.memref_slice %arg5[%dma_wait3A_464, %dma_wait3A_470] : memref<50x512xi32, #tpu.memory_space<vmem>> -> memref<1x512xi32, #tpu.memory_space<vmem>>
    %dma_wait3A_472 = tpu.memref_squeeze %dma_wait3A_471 : memref<1x512xi32, #tpu.memory_space<vmem>> -> memref<512xi32, #tpu.memory_space<vmem>>
    %dma_wait3A_473 = arith.constant 0 : i32
    %dma_wait3A_474 = arith.constant 0 : i32
    %dma_wait3A_475 = tpu.memref_slice %arg3[%dma_wait3A_473, %dma_wait3A_474] : memref<1000000x32xf32, #tpu.memory_space<hbm>> -> memref<1000000x32xf32, #tpu.memory_space<hbm>>
    tpu.wait_indirect_dma semaphore(%arg9 : memref<!tpu.dma_semaphore, #tpu.memory_space<semaphore_mem>>) src(%dma_wait3A_475 : memref<1000000x32xf32, #tpu.memory_space<hbm>>) dst(%dma_wait3A_469 : memref<512x32xf32, #tpu.memory_space<vmem>>)
    %add3A_476 = arith.constant 4096 : i32
    %add3A_477 = arith.addi %mul3A_2, %add3A_476 : i32
    %dma_start3A_478 = arith.constant 2 : i32
    %dma_start3A_479 = arith.constant 0 : i32
    %dma_start3A_480 = arith.constant 0 : i32
    %dma_start3A_481 = tpu.memref_slice %arg6[%dma_start3A_478, %dma_start3A_479, %dma_start3A_480] : memref<6x512x32xf32, #tpu.memory_space<vmem>> -> memref<1x512x32xf32, #tpu.memory_space<vmem>>
    %dma_start3A_482 = tpu.memref_squeeze %dma_start3A_481 : memref<1x512x32xf32, #tpu.memory_space<vmem>> -> memref<512x32xf32, #tpu.memory_space<vmem>>
    %dma_start3A_483 = arith.constant 0 : i32
    %dma_start3A_484 = tpu.memref_slice %arg4[%add3A_477, %dma_start3A_483] : memref<819200x32xf32, #tpu.memory_space<hbm>> -> memref<512x32xf32, #tpu.memory_space<hbm>>
    %dma_start3A_485 = arith.constant 0 : i32
    %dma_start3A_486 = tpu.memref_slice %arg4[%add3A_477, %dma_start3A_485] : memref<819200x32xf32, #tpu.memory_space<hbm>> -> memref<512x32xf32, #tpu.memory_space<hbm>>
    %dma_start3A_487 = arith.constant 0 : i32
    %dma_start3A_488 = arith.constant 0 : i32
    %dma_start3A_489 = tpu.memref_slice %arg6[%dma_start3A_478, %dma_start3A_487, %dma_start3A_488] : memref<6x512x32xf32, #tpu.memory_space<vmem>> -> memref<1x512x32xf32, #tpu.memory_space<vmem>>
    %dma_start3A_490 = tpu.memref_squeeze %dma_start3A_489 : memref<1x512x32xf32, #tpu.memory_space<vmem>> -> memref<512x32xf32, #tpu.memory_space<vmem>>
    tpu.enqueue_dma source(%dma_start3A_490 : memref<512x32xf32, #tpu.memory_space<vmem>>) target(%dma_start3A_486 : memref<512x32xf32, #tpu.memory_space<hbm>>) target_semaphore(%arg15 : memref<!tpu.dma_semaphore, #tpu.memory_space<semaphore_mem>>)
    %dma_wait3A_491 = arith.constant 1 : i32
    %dma_wait3A_492 = arith.constant 0 : i32
    %dma_wait3A_493 = arith.constant 0 : i32
    %dma_wait3A_494 = tpu.memref_slice %arg6[%dma_wait3A_491, %dma_wait3A_492, %dma_wait3A_493] : memref<6x512x32xf32, #tpu.memory_space<vmem>> -> memref<1x512x32xf32, #tpu.memory_space<vmem>>
    %dma_wait3A_495 = tpu.memref_squeeze %dma_wait3A_494 : memref<1x512x32xf32, #tpu.memory_space<vmem>> -> memref<512x32xf32, #tpu.memory_space<vmem>>
    %dma_wait3A_496 = arith.constant 0 : i32
    %dma_wait3A_497 = tpu.memref_slice %arg4[%add3A_425, %dma_wait3A_496] : memref<819200x32xf32, #tpu.memory_space<hbm>> -> memref<512x32xf32, #tpu.memory_space<hbm>>
    %dma_wait3A_498 = arith.constant 0 : i32
    %dma_wait3A_499 = tpu.memref_slice %arg4[%add3A_425, %dma_wait3A_498] : memref<819200x32xf32, #tpu.memory_space<hbm>> -> memref<512x32xf32, #tpu.memory_space<hbm>>
    %dma_wait3A_500 = arith.constant 0 : i32
    %dma_wait3A_501 = arith.constant 0 : i32
    %dma_wait3A_502 = tpu.memref_slice %arg6[%dma_wait3A_491, %dma_wait3A_500, %dma_wait3A_501] : memref<6x512x32xf32, #tpu.memory_space<vmem>> -> memref<1x512x32xf32, #tpu.memory_space<vmem>>
    %dma_wait3A_503 = tpu.memref_squeeze %dma_wait3A_502 : memref<1x512x32xf32, #tpu.memory_space<vmem>> -> memref<512x32xf32, #tpu.memory_space<vmem>>
    tpu.wait_dma2 semaphore(%arg14 : memref<!tpu.dma_semaphore, #tpu.memory_space<semaphore_mem>>) src(%dma_wait3A_503 : memref<512x32xf32, #tpu.memory_space<vmem>>) dst(%dma_wait3A_499 : memref<512x32xf32, #tpu.memory_space<hbm>>)
    %dma_start3A_504 = arith.constant 13 : i32
    %dma_start3A_505 = arith.constant 1 : i32
    %dma_start3A_506 = arith.constant 0 : i32
    %dma_start3A_507 = arith.constant 0 : i32
    %dma_start3A_508 = tpu.memref_slice %arg6[%dma_start3A_505, %dma_start3A_506, %dma_start3A_507] : memref<6x512x32xf32, #tpu.memory_space<vmem>> -> memref<1x512x32xf32, #tpu.memory_space<vmem>>
    %dma_start3A_509 = tpu.memref_squeeze %dma_start3A_508 : memref<1x512x32xf32, #tpu.memory_space<vmem>> -> memref<512x32xf32, #tpu.memory_space<vmem>>
    %dma_start3A_510 = arith.constant 0 : i32
    %dma_start3A_511 = tpu.memref_slice %arg5[%dma_start3A_504, %dma_start3A_510] : memref<50x512xi32, #tpu.memory_space<vmem>> -> memref<1x512xi32, #tpu.memory_space<vmem>>
    %dma_start3A_512 = tpu.memref_squeeze %dma_start3A_511 : memref<1x512xi32, #tpu.memory_space<vmem>> -> memref<512xi32, #tpu.memory_space<vmem>>
    %dma_start3A_513 = arith.constant 0 : i32
    %dma_start3A_514 = arith.constant 0 : i32
    %dma_start3A_515 = tpu.memref_slice %arg3[%dma_start3A_513, %dma_start3A_514] : memref<1000000x32xf32, #tpu.memory_space<hbm>> -> memref<1000000x32xf32, #tpu.memory_space<hbm>>
    tpu.enqueue_indirect_dma source(%dma_start3A_515 : memref<1000000x32xf32, #tpu.memory_space<hbm>>) target(%dma_start3A_509 : memref<512x32xf32, #tpu.memory_space<vmem>>) offsets(%dma_start3A_512 : memref<512xi32, #tpu.memory_space<vmem>>) semaphore(%arg8 : memref<!tpu.dma_semaphore, #tpu.memory_space<semaphore_mem>>)
    %dma_wait3A_516 = arith.constant 9 : i32
    %dma_wait3A_517 = arith.constant 3 : i32
    %dma_wait3A_518 = arith.constant 0 : i32
    %dma_wait3A_519 = arith.constant 0 : i32
    %dma_wait3A_520 = tpu.memref_slice %arg6[%dma_wait3A_517, %dma_wait3A_518, %dma_wait3A_519] : memref<6x512x32xf32, #tpu.memory_space<vmem>> -> memref<1x512x32xf32, #tpu.memory_space<vmem>>
    %dma_wait3A_521 = tpu.memref_squeeze %dma_wait3A_520 : memref<1x512x32xf32, #tpu.memory_space<vmem>> -> memref<512x32xf32, #tpu.memory_space<vmem>>
    %dma_wait3A_522 = arith.constant 0 : i32
    %dma_wait3A_523 = tpu.memref_slice %arg5[%dma_wait3A_516, %dma_wait3A_522] : memref<50x512xi32, #tpu.memory_space<vmem>> -> memref<1x512xi32, #tpu.memory_space<vmem>>
    %dma_wait3A_524 = tpu.memref_squeeze %dma_wait3A_523 : memref<1x512xi32, #tpu.memory_space<vmem>> -> memref<512xi32, #tpu.memory_space<vmem>>
    %dma_wait3A_525 = arith.constant 0 : i32
    %dma_wait3A_526 = arith.constant 0 : i32
    %dma_wait3A_527 = tpu.memref_slice %arg3[%dma_wait3A_525, %dma_wait3A_526] : memref<1000000x32xf32, #tpu.memory_space<hbm>> -> memref<1000000x32xf32, #tpu.memory_space<hbm>>
    tpu.wait_indirect_dma semaphore(%arg10 : memref<!tpu.dma_semaphore, #tpu.memory_space<semaphore_mem>>) src(%dma_wait3A_527 : memref<1000000x32xf32, #tpu.memory_space<hbm>>) dst(%dma_wait3A_521 : memref<512x32xf32, #tpu.memory_space<vmem>>)
    %add3A_528 = arith.constant 4608 : i32
    %add3A_529 = arith.addi %mul3A_2, %add3A_528 : i32
    %dma_start3A_530 = arith.constant 3 : i32
    %dma_start3A_531 = arith.constant 0 : i32
    %dma_start3A_532 = arith.constant 0 : i32
    %dma_start3A_533 = tpu.memref_slice %arg6[%dma_start3A_530, %dma_start3A_531, %dma_start3A_532] : memref<6x512x32xf32, #tpu.memory_space<vmem>> -> memref<1x512x32xf32, #tpu.memory_space<vmem>>
    %dma_start3A_534 = tpu.memref_squeeze %dma_start3A_533 : memref<1x512x32xf32, #tpu.memory_space<vmem>> -> memref<512x32xf32, #tpu.memory_space<vmem>>
    %dma_start3A_535 = arith.constant 0 : i32
    %dma_start3A_536 = tpu.memref_slice %arg4[%add3A_529, %dma_start3A_535] : memref<819200x32xf32, #tpu.memory_space<hbm>> -> memref<512x32xf32, #tpu.memory_space<hbm>>
    %dma_start3A_537 = arith.constant 0 : i32
    %dma_start3A_538 = tpu.memref_slice %arg4[%add3A_529, %dma_start3A_537] : memref<819200x32xf32, #tpu.memory_space<hbm>> -> memref<512x32xf32, #tpu.memory_space<hbm>>
    %dma_start3A_539 = arith.constant 0 : i32
    %dma_start3A_540 = arith.constant 0 : i32
    %dma_start3A_541 = tpu.memref_slice %arg6[%dma_start3A_530, %dma_start3A_539, %dma_start3A_540] : memref<6x512x32xf32, #tpu.memory_space<vmem>> -> memref<1x512x32xf32, #tpu.memory_space<vmem>>
    %dma_start3A_542 = tpu.memref_squeeze %dma_start3A_541 : memref<1x512x32xf32, #tpu.memory_space<vmem>> -> memref<512x32xf32, #tpu.memory_space<vmem>>
    tpu.enqueue_dma source(%dma_start3A_542 : memref<512x32xf32, #tpu.memory_space<vmem>>) target(%dma_start3A_538 : memref<512x32xf32, #tpu.memory_space<hbm>>) target_semaphore(%arg16 : memref<!tpu.dma_semaphore, #tpu.memory_space<semaphore_mem>>)
    %dma_wait3A_543 = arith.constant 2 : i32
    %dma_wait3A_544 = arith.constant 0 : i32
    %dma_wait3A_545 = arith.constant 0 : i32
    %dma_wait3A_546 = tpu.memref_slice %arg6[%dma_wait3A_543, %dma_wait3A_544, %dma_wait3A_545] : memref<6x512x32xf32, #tpu.memory_space<vmem>> -> memref<1x512x32xf32, #tpu.memory_space<vmem>>
    %dma_wait3A_547 = tpu.memref_squeeze %dma_wait3A_546 : memref<1x512x32xf32, #tpu.memory_space<vmem>> -> memref<512x32xf32, #tpu.memory_space<vmem>>
    %dma_wait3A_548 = arith.constant 0 : i32
    %dma_wait3A_549 = tpu.memref_slice %arg4[%add3A_477, %dma_wait3A_548] : memref<819200x32xf32, #tpu.memory_space<hbm>> -> memref<512x32xf32, #tpu.memory_space<hbm>>
    %dma_wait3A_550 = arith.constant 0 : i32
    %dma_wait3A_551 = tpu.memref_slice %arg4[%add3A_477, %dma_wait3A_550] : memref<819200x32xf32, #tpu.memory_space<hbm>> -> memref<512x32xf32, #tpu.memory_space<hbm>>
    %dma_wait3A_552 = arith.constant 0 : i32
    %dma_wait3A_553 = arith.constant 0 : i32
    %dma_wait3A_554 = tpu.memref_slice %arg6[%dma_wait3A_543, %dma_wait3A_552, %dma_wait3A_553] : memref<6x512x32xf32, #tpu.memory_space<vmem>> -> memref<1x512x32xf32, #tpu.memory_space<vmem>>
    %dma_wait3A_555 = tpu.memref_squeeze %dma_wait3A_554 : memref<1x512x32xf32, #tpu.memory_space<vmem>> -> memref<512x32xf32, #tpu.memory_space<vmem>>
    tpu.wait_dma2 semaphore(%arg15 : memref<!tpu.dma_semaphore, #tpu.memory_space<semaphore_mem>>) src(%dma_wait3A_555 : memref<512x32xf32, #tpu.memory_space<vmem>>) dst(%dma_wait3A_551 : memref<512x32xf32, #tpu.memory_space<hbm>>)
    %dma_start3A_556 = arith.constant 14 : i32
    %dma_start3A_557 = arith.constant 2 : i32
    %dma_start3A_558 = arith.constant 0 : i32
    %dma_start3A_559 = arith.constant 0 : i32
    %dma_start3A_560 = tpu.memref_slice %arg6[%dma_start3A_557, %dma_start3A_558, %dma_start3A_559] : memref<6x512x32xf32, #tpu.memory_space<vmem>> -> memref<1x512x32xf32, #tpu.memory_space<vmem>>
    %dma_start3A_561 = tpu.memref_squeeze %dma_start3A_560 : memref<1x512x32xf32, #tpu.memory_space<vmem>> -> memref<512x32xf32, #tpu.memory_space<vmem>>
    %dma_start3A_562 = arith.constant 0 : i32
    %dma_start3A_563 = tpu.memref_slice %arg5[%dma_start3A_556, %dma_start3A_562] : memref<50x512xi32, #tpu.memory_space<vmem>> -> memref<1x512xi32, #tpu.memory_space<vmem>>
    %dma_start3A_564 = tpu.memref_squeeze %dma_start3A_563 : memref<1x512xi32, #tpu.memory_space<vmem>> -> memref<512xi32, #tpu.memory_space<vmem>>
    %dma_start3A_565 = arith.constant 0 : i32
    %dma_start3A_566 = arith.constant 0 : i32
    %dma_start3A_567 = tpu.memref_slice %arg3[%dma_start3A_565, %dma_start3A_566] : memref<1000000x32xf32, #tpu.memory_space<hbm>> -> memref<1000000x32xf32, #tpu.memory_space<hbm>>
    tpu.enqueue_indirect_dma source(%dma_start3A_567 : memref<1000000x32xf32, #tpu.memory_space<hbm>>) target(%dma_start3A_561 : memref<512x32xf32, #tpu.memory_space<vmem>>) offsets(%dma_start3A_564 : memref<512xi32, #tpu.memory_space<vmem>>) semaphore(%arg9 : memref<!tpu.dma_semaphore, #tpu.memory_space<semaphore_mem>>)
    %dma_wait3A_568 = arith.constant 10 : i32
    %dma_wait3A_569 = arith.constant 4 : i32
    %dma_wait3A_570 = arith.constant 0 : i32
    %dma_wait3A_571 = arith.constant 0 : i32
    %dma_wait3A_572 = tpu.memref_slice %arg6[%dma_wait3A_569, %dma_wait3A_570, %dma_wait3A_571] : memref<6x512x32xf32, #tpu.memory_space<vmem>> -> memref<1x512x32xf32, #tpu.memory_space<vmem>>
    %dma_wait3A_573 = tpu.memref_squeeze %dma_wait3A_572 : memref<1x512x32xf32, #tpu.memory_space<vmem>> -> memref<512x32xf32, #tpu.memory_space<vmem>>
    %dma_wait3A_574 = arith.constant 0 : i32
    %dma_wait3A_575 = tpu.memref_slice %arg5[%dma_wait3A_568, %dma_wait3A_574] : memref<50x512xi32, #tpu.memory_space<vmem>> -> memref<1x512xi32, #tpu.memory_space<vmem>>
    %dma_wait3A_576 = tpu.memref_squeeze %dma_wait3A_575 : memref<1x512xi32, #tpu.memory_space<vmem>> -> memref<512xi32, #tpu.memory_space<vmem>>
    %dma_wait3A_577 = arith.constant 0 : i32
    %dma_wait3A_578 = arith.constant 0 : i32
    %dma_wait3A_579 = tpu.memref_slice %arg3[%dma_wait3A_577, %dma_wait3A_578] : memref<1000000x32xf32, #tpu.memory_space<hbm>> -> memref<1000000x32xf32, #tpu.memory_space<hbm>>
    tpu.wait_indirect_dma semaphore(%arg11 : memref<!tpu.dma_semaphore, #tpu.memory_space<semaphore_mem>>) src(%dma_wait3A_579 : memref<1000000x32xf32, #tpu.memory_space<hbm>>) dst(%dma_wait3A_573 : memref<512x32xf32, #tpu.memory_space<vmem>>)
    %add3A_580 = arith.constant 5120 : i32
    %add3A_581 = arith.addi %mul3A_2, %add3A_580 : i32
    %dma_start3A_582 = arith.constant 4 : i32
    %dma_start3A_583 = arith.constant 0 : i32
    %dma_start3A_584 = arith.constant 0 : i32
    %dma_start3A_585 = tpu.memref_slice %arg6[%dma_start3A_582, %dma_start3A_583, %dma_start3A_584] : memref<6x512x32xf32, #tpu.memory_space<vmem>> -> memref<1x512x32xf32, #tpu.memory_space<vmem>>
    %dma_start3A_586 = tpu.memref_squeeze %dma_start3A_585 : memref<1x512x32xf32, #tpu.memory_space<vmem>> -> memref<512x32xf32, #tpu.memory_space<vmem>>
    %dma_start3A_587 = arith.constant 0 : i32
    %dma_start3A_588 = tpu.memref_slice %arg4[%add3A_581, %dma_start3A_587] : memref<819200x32xf32, #tpu.memory_space<hbm>> -> memref<512x32xf32, #tpu.memory_space<hbm>>
    %dma_start3A_589 = arith.constant 0 : i32
    %dma_start3A_590 = tpu.memref_slice %arg4[%add3A_581, %dma_start3A_589] : memref<819200x32xf32, #tpu.memory_space<hbm>> -> memref<512x32xf32, #tpu.memory_space<hbm>>
    %dma_start3A_591 = arith.constant 0 : i32
    %dma_start3A_592 = arith.constant 0 : i32
    %dma_start3A_593 = tpu.memref_slice %arg6[%dma_start3A_582, %dma_start3A_591, %dma_start3A_592] : memref<6x512x32xf32, #tpu.memory_space<vmem>> -> memref<1x512x32xf32, #tpu.memory_space<vmem>>
    %dma_start3A_594 = tpu.memref_squeeze %dma_start3A_593 : memref<1x512x32xf32, #tpu.memory_space<vmem>> -> memref<512x32xf32, #tpu.memory_space<vmem>>
    tpu.enqueue_dma source(%dma_start3A_594 : memref<512x32xf32, #tpu.memory_space<vmem>>) target(%dma_start3A_590 : memref<512x32xf32, #tpu.memory_space<hbm>>) target_semaphore(%arg17 : memref<!tpu.dma_semaphore, #tpu.memory_space<semaphore_mem>>)
    %dma_wait3A_595 = arith.constant 3 : i32
    %dma_wait3A_596 = arith.constant 0 : i32
    %dma_wait3A_597 = arith.constant 0 : i32
    %dma_wait3A_598 = tpu.memref_slice %arg6[%dma_wait3A_595, %dma_wait3A_596, %dma_wait3A_597] : memref<6x512x32xf32, #tpu.memory_space<vmem>> -> memref<1x512x32xf32, #tpu.memory_space<vmem>>
    %dma_wait3A_599 = tpu.memref_squeeze %dma_wait3A_598 : memref<1x512x32xf32, #tpu.memory_space<vmem>> -> memref<512x32xf32, #tpu.memory_space<vmem>>
    %dma_wait3A_600 = arith.constant 0 : i32
    %dma_wait3A_601 = tpu.memref_slice %arg4[%add3A_529, %dma_wait3A_600] : memref<819200x32xf32, #tpu.memory_space<hbm>> -> memref<512x32xf32, #tpu.memory_space<hbm>>
    %dma_wait3A_602 = arith.constant 0 : i32
    %dma_wait3A_603 = tpu.memref_slice %arg4[%add3A_529, %dma_wait3A_602] : memref<819200x32xf32, #tpu.memory_space<hbm>> -> memref<512x32xf32, #tpu.memory_space<hbm>>
    %dma_wait3A_604 = arith.constant 0 : i32
    %dma_wait3A_605 = arith.constant 0 : i32
    %dma_wait3A_606 = tpu.memref_slice %arg6[%dma_wait3A_595, %dma_wait3A_604, %dma_wait3A_605] : memref<6x512x32xf32, #tpu.memory_space<vmem>> -> memref<1x512x32xf32, #tpu.memory_space<vmem>>
    %dma_wait3A_607 = tpu.memref_squeeze %dma_wait3A_606 : memref<1x512x32xf32, #tpu.memory_space<vmem>> -> memref<512x32xf32, #tpu.memory_space<vmem>>
    tpu.wait_dma2 semaphore(%arg16 : memref<!tpu.dma_semaphore, #tpu.memory_space<semaphore_mem>>) src(%dma_wait3A_607 : memref<512x32xf32, #tpu.memory_space<vmem>>) dst(%dma_wait3A_603 : memref<512x32xf32, #tpu.memory_space<hbm>>)
    %dma_start3A_608 = arith.constant 15 : i32
    %dma_start3A_609 = arith.constant 3 : i32
    %dma_start3A_610 = arith.constant 0 : i32
    %dma_start3A_611 = arith.constant 0 : i32
    %dma_start3A_612 = tpu.memref_slice %arg6[%dma_start3A_609, %dma_start3A_610, %dma_start3A_611] : memref<6x512x32xf32, #tpu.memory_space<vmem>> -> memref<1x512x32xf32, #tpu.memory_space<vmem>>
    %dma_start3A_613 = tpu.memref_squeeze %dma_start3A_612 : memref<1x512x32xf32, #tpu.memory_space<vmem>> -> memref<512x32xf32, #tpu.memory_space<vmem>>
    %dma_start3A_614 = arith.constant 0 : i32
    %dma_start3A_615 = tpu.memref_slice %arg5[%dma_start3A_608, %dma_start3A_614] : memref<50x512xi32, #tpu.memory_space<vmem>> -> memref<1x512xi32, #tpu.memory_space<vmem>>
    %dma_start3A_616 = tpu.memref_squeeze %dma_start3A_615 : memref<1x512xi32, #tpu.memory_space<vmem>> -> memref<512xi32, #tpu.memory_space<vmem>>
    %dma_start3A_617 = arith.constant 0 : i32
    %dma_start3A_618 = arith.constant 0 : i32
    %dma_start3A_619 = tpu.memref_slice %arg3[%dma_start3A_617, %dma_start3A_618] : memref<1000000x32xf32, #tpu.memory_space<hbm>> -> memref<1000000x32xf32, #tpu.memory_space<hbm>>
    tpu.enqueue_indirect_dma source(%dma_start3A_619 : memref<1000000x32xf32, #tpu.memory_space<hbm>>) target(%dma_start3A_613 : memref<512x32xf32, #tpu.memory_space<vmem>>) offsets(%dma_start3A_616 : memref<512xi32, #tpu.memory_space<vmem>>) semaphore(%arg10 : memref<!tpu.dma_semaphore, #tpu.memory_space<semaphore_mem>>)
    %dma_wait3A_620 = arith.constant 11 : i32
    %dma_wait3A_621 = arith.constant 5 : i32
    %dma_wait3A_622 = arith.constant 0 : i32
    %dma_wait3A_623 = arith.constant 0 : i32
    %dma_wait3A_624 = tpu.memref_slice %arg6[%dma_wait3A_621, %dma_wait3A_622, %dma_wait3A_623] : memref<6x512x32xf32, #tpu.memory_space<vmem>> -> memref<1x512x32xf32, #tpu.memory_space<vmem>>
    %dma_wait3A_625 = tpu.memref_squeeze %dma_wait3A_624 : memref<1x512x32xf32, #tpu.memory_space<vmem>> -> memref<512x32xf32, #tpu.memory_space<vmem>>
    %dma_wait3A_626 = arith.constant 0 : i32
    %dma_wait3A_627 = tpu.memref_slice %arg5[%dma_wait3A_620, %dma_wait3A_626] : memref<50x512xi32, #tpu.memory_space<vmem>> -> memref<1x512xi32, #tpu.memory_space<vmem>>
    %dma_wait3A_628 = tpu.memref_squeeze %dma_wait3A_627 : memref<1x512xi32, #tpu.memory_space<vmem>> -> memref<512xi32, #tpu.memory_space<vmem>>
    %dma_wait3A_629 = arith.constant 0 : i32
    %dma_wait3A_630 = arith.constant 0 : i32
    %dma_wait3A_631 = tpu.memref_slice %arg3[%dma_wait3A_629, %dma_wait3A_630] : memref<1000000x32xf32, #tpu.memory_space<hbm>> -> memref<1000000x32xf32, #tpu.memory_space<hbm>>
    tpu.wait_indirect_dma semaphore(%arg12 : memref<!tpu.dma_semaphore, #tpu.memory_space<semaphore_mem>>) src(%dma_wait3A_631 : memref<1000000x32xf32, #tpu.memory_space<hbm>>) dst(%dma_wait3A_625 : memref<512x32xf32, #tpu.memory_space<vmem>>)
    %add3A_632 = arith.constant 5632 : i32
    %add3A_633 = arith.addi %mul3A_2, %add3A_632 : i32
    %dma_start3A_634 = arith.constant 5 : i32
    %dma_start3A_635 = arith.constant 0 : i32
    %dma_start3A_636 = arith.constant 0 : i32
    %dma_start3A_637 = tpu.memref_slice %arg6[%dma_start3A_634, %dma_start3A_635, %dma_start3A_636] : memref<6x512x32xf32, #tpu.memory_space<vmem>> -> memref<1x512x32xf32, #tpu.memory_space<vmem>>
    %dma_start3A_638 = tpu.memref_squeeze %dma_start3A_637 : memref<1x512x32xf32, #tpu.memory_space<vmem>> -> memref<512x32xf32, #tpu.memory_space<vmem>>
    %dma_start3A_639 = arith.constant 0 : i32
    %dma_start3A_640 = tpu.memref_slice %arg4[%add3A_633, %dma_start3A_639] : memref<819200x32xf32, #tpu.memory_space<hbm>> -> memref<512x32xf32, #tpu.memory_space<hbm>>
    %dma_start3A_641 = arith.constant 0 : i32
    %dma_start3A_642 = tpu.memref_slice %arg4[%add3A_633, %dma_start3A_641] : memref<819200x32xf32, #tpu.memory_space<hbm>> -> memref<512x32xf32, #tpu.memory_space<hbm>>
    %dma_start3A_643 = arith.constant 0 : i32
    %dma_start3A_644 = arith.constant 0 : i32
    %dma_start3A_645 = tpu.memref_slice %arg6[%dma_start3A_634, %dma_start3A_643, %dma_start3A_644] : memref<6x512x32xf32, #tpu.memory_space<vmem>> -> memref<1x512x32xf32, #tpu.memory_space<vmem>>
    %dma_start3A_646 = tpu.memref_squeeze %dma_start3A_645 : memref<1x512x32xf32, #tpu.memory_space<vmem>> -> memref<512x32xf32, #tpu.memory_space<vmem>>
    tpu.enqueue_dma source(%dma_start3A_646 : memref<512x32xf32, #tpu.memory_space<vmem>>) target(%dma_start3A_642 : memref<512x32xf32, #tpu.memory_space<hbm>>) target_semaphore(%arg18 : memref<!tpu.dma_semaphore, #tpu.memory_space<semaphore_mem>>)
    %dma_wait3A_647 = arith.constant 4 : i32
    %dma_wait3A_648 = arith.constant 0 : i32
    %dma_wait3A_649 = arith.constant 0 : i32
    %dma_wait3A_650 = tpu.memref_slice %arg6[%dma_wait3A_647, %dma_wait3A_648, %dma_wait3A_649] : memref<6x512x32xf32, #tpu.memory_space<vmem>> -> memref<1x512x32xf32, #tpu.memory_space<vmem>>
    %dma_wait3A_651 = tpu.memref_squeeze %dma_wait3A_650 : memref<1x512x32xf32, #tpu.memory_space<vmem>> -> memref<512x32xf32, #tpu.memory_space<vmem>>
    %dma_wait3A_652 = arith.constant 0 : i32
    %dma_wait3A_653 = tpu.memref_slice %arg4[%add3A_581, %dma_wait3A_652] : memref<819200x32xf32, #tpu.memory_space<hbm>> -> memref<512x32xf32, #tpu.memory_space<hbm>>
    %dma_wait3A_654 = arith.constant 0 : i32
    %dma_wait3A_655 = tpu.memref_slice %arg4[%add3A_581, %dma_wait3A_654] : memref<819200x32xf32, #tpu.memory_space<hbm>> -> memref<512x32xf32, #tpu.memory_space<hbm>>
    %dma_wait3A_656 = arith.constant 0 : i32
    %dma_wait3A_657 = arith.constant 0 : i32
    %dma_wait3A_658 = tpu.memref_slice %arg6[%dma_wait3A_647, %dma_wait3A_656, %dma_wait3A_657] : memref<6x512x32xf32, #tpu.memory_space<vmem>> -> memref<1x512x32xf32, #tpu.memory_space<vmem>>
    %dma_wait3A_659 = tpu.memref_squeeze %dma_wait3A_658 : memref<1x512x32xf32, #tpu.memory_space<vmem>> -> memref<512x32xf32, #tpu.memory_space<vmem>>
    tpu.wait_dma2 semaphore(%arg17 : memref<!tpu.dma_semaphore, #tpu.memory_space<semaphore_mem>>) src(%dma_wait3A_659 : memref<512x32xf32, #tpu.memory_space<vmem>>) dst(%dma_wait3A_655 : memref<512x32xf32, #tpu.memory_space<hbm>>)
    %dma_start3A_660 = arith.constant 16 : i32
    %dma_start3A_661 = arith.constant 4 : i32
    %dma_start3A_662 = arith.constant 0 : i32
    %dma_start3A_663 = arith.constant 0 : i32
    %dma_start3A_664 = tpu.memref_slice %arg6[%dma_start3A_661, %dma_start3A_662, %dma_start3A_663] : memref<6x512x32xf32, #tpu.memory_space<vmem>> -> memref<1x512x32xf32, #tpu.memory_space<vmem>>
    %dma_start3A_665 = tpu.memref_squeeze %dma_start3A_664 : memref<1x512x32xf32, #tpu.memory_space<vmem>> -> memref<512x32xf32, #tpu.memory_space<vmem>>
    %dma_start3A_666 = arith.constant 0 : i32
    %dma_start3A_667 = tpu.memref_slice %arg5[%dma_start3A_660, %dma_start3A_666] : memref<50x512xi32, #tpu.memory_space<vmem>> -> memref<1x512xi32, #tpu.memory_space<vmem>>
    %dma_start3A_668 = tpu.memref_squeeze %dma_start3A_667 : memref<1x512xi32, #tpu.memory_space<vmem>> -> memref<512xi32, #tpu.memory_space<vmem>>
    %dma_start3A_669 = arith.constant 0 : i32
    %dma_start3A_670 = arith.constant 0 : i32
    %dma_start3A_671 = tpu.memref_slice %arg3[%dma_start3A_669, %dma_start3A_670] : memref<1000000x32xf32, #tpu.memory_space<hbm>> -> memref<1000000x32xf32, #tpu.memory_space<hbm>>
    tpu.enqueue_indirect_dma source(%dma_start3A_671 : memref<1000000x32xf32, #tpu.memory_space<hbm>>) target(%dma_start3A_665 : memref<512x32xf32, #tpu.memory_space<vmem>>) offsets(%dma_start3A_668 : memref<512xi32, #tpu.memory_space<vmem>>) semaphore(%arg11 : memref<!tpu.dma_semaphore, #tpu.memory_space<semaphore_mem>>)
    %dma_wait3A_672 = arith.constant 12 : i32
    %dma_wait3A_673 = arith.constant 0 : i32
    %dma_wait3A_674 = arith.constant 0 : i32
    %dma_wait3A_675 = arith.constant 0 : i32
    %dma_wait3A_676 = tpu.memref_slice %arg6[%dma_wait3A_673, %dma_wait3A_674, %dma_wait3A_675] : memref<6x512x32xf32, #tpu.memory_space<vmem>> -> memref<1x512x32xf32, #tpu.memory_space<vmem>>
    %dma_wait3A_677 = tpu.memref_squeeze %dma_wait3A_676 : memref<1x512x32xf32, #tpu.memory_space<vmem>> -> memref<512x32xf32, #tpu.memory_space<vmem>>
    %dma_wait3A_678 = arith.constant 0 : i32
    %dma_wait3A_679 = tpu.memref_slice %arg5[%dma_wait3A_672, %dma_wait3A_678] : memref<50x512xi32, #tpu.memory_space<vmem>> -> memref<1x512xi32, #tpu.memory_space<vmem>>
    %dma_wait3A_680 = tpu.memref_squeeze %dma_wait3A_679 : memref<1x512xi32, #tpu.memory_space<vmem>> -> memref<512xi32, #tpu.memory_space<vmem>>
    %dma_wait3A_681 = arith.constant 0 : i32
    %dma_wait3A_682 = arith.constant 0 : i32
    %dma_wait3A_683 = tpu.memref_slice %arg3[%dma_wait3A_681, %dma_wait3A_682] : memref<1000000x32xf32, #tpu.memory_space<hbm>> -> memref<1000000x32xf32, #tpu.memory_space<hbm>>
    tpu.wait_indirect_dma semaphore(%arg7 : memref<!tpu.dma_semaphore, #tpu.memory_space<semaphore_mem>>) src(%dma_wait3A_683 : memref<1000000x32xf32, #tpu.memory_space<hbm>>) dst(%dma_wait3A_677 : memref<512x32xf32, #tpu.memory_space<vmem>>)
    %add3A_684 = arith.constant 6144 : i32
    %add3A_685 = arith.addi %mul3A_2, %add3A_684 : i32
    %dma_start3A_686 = arith.constant 0 : i32
    %dma_start3A_687 = arith.constant 0 : i32
    %dma_start3A_688 = arith.constant 0 : i32
    %dma_start3A_689 = tpu.memref_slice %arg6[%dma_start3A_686, %dma_start3A_687, %dma_start3A_688] : memref<6x512x32xf32, #tpu.memory_space<vmem>> -> memref<1x512x32xf32, #tpu.memory_space<vmem>>
    %dma_start3A_690 = tpu.memref_squeeze %dma_start3A_689 : memref<1x512x32xf32, #tpu.memory_space<vmem>> -> memref<512x32xf32, #tpu.memory_space<vmem>>
    %dma_start3A_691 = arith.constant 0 : i32
    %dma_start3A_692 = tpu.memref_slice %arg4[%add3A_685, %dma_start3A_691] : memref<819200x32xf32, #tpu.memory_space<hbm>> -> memref<512x32xf32, #tpu.memory_space<hbm>>
    %dma_start3A_693 = arith.constant 0 : i32
    %dma_start3A_694 = tpu.memref_slice %arg4[%add3A_685, %dma_start3A_693] : memref<819200x32xf32, #tpu.memory_space<hbm>> -> memref<512x32xf32, #tpu.memory_space<hbm>>
    %dma_start3A_695 = arith.constant 0 : i32
    %dma_start3A_696 = arith.constant 0 : i32
    %dma_start3A_697 = tpu.memref_slice %arg6[%dma_start3A_686, %dma_start3A_695, %dma_start3A_696] : memref<6x512x32xf32, #tpu.memory_space<vmem>> -> memref<1x512x32xf32, #tpu.memory_space<vmem>>
    %dma_start3A_698 = tpu.memref_squeeze %dma_start3A_697 : memref<1x512x32xf32, #tpu.memory_space<vmem>> -> memref<512x32xf32, #tpu.memory_space<vmem>>
    tpu.enqueue_dma source(%dma_start3A_698 : memref<512x32xf32, #tpu.memory_space<vmem>>) target(%dma_start3A_694 : memref<512x32xf32, #tpu.memory_space<hbm>>) target_semaphore(%arg13 : memref<!tpu.dma_semaphore, #tpu.memory_space<semaphore_mem>>)
    %dma_wait3A_699 = arith.constant 5 : i32
    %dma_wait3A_700 = arith.constant 0 : i32
    %dma_wait3A_701 = arith.constant 0 : i32
    %dma_wait3A_702 = tpu.memref_slice %arg6[%dma_wait3A_699, %dma_wait3A_700, %dma_wait3A_701] : memref<6x512x32xf32, #tpu.memory_space<vmem>> -> memref<1x512x32xf32, #tpu.memory_space<vmem>>
    %dma_wait3A_703 = tpu.memref_squeeze %dma_wait3A_702 : memref<1x512x32xf32, #tpu.memory_space<vmem>> -> memref<512x32xf32, #tpu.memory_space<vmem>>
    %dma_wait3A_704 = arith.constant 0 : i32
    %dma_wait3A_705 = tpu.memref_slice %arg4[%add3A_633, %dma_wait3A_704] : memref<819200x32xf32, #tpu.memory_space<hbm>> -> memref<512x32xf32, #tpu.memory_space<hbm>>
    %dma_wait3A_706 = arith.constant 0 : i32
    %dma_wait3A_707 = tpu.memref_slice %arg4[%add3A_633, %dma_wait3A_706] : memref<819200x32xf32, #tpu.memory_space<hbm>> -> memref<512x32xf32, #tpu.memory_space<hbm>>
    %dma_wait3A_708 = arith.constant 0 : i32
    %dma_wait3A_709 = arith.constant 0 : i32
    %dma_wait3A_710 = tpu.memref_slice %arg6[%dma_wait3A_699, %dma_wait3A_708, %dma_wait3A_709] : memref<6x512x32xf32, #tpu.memory_space<vmem>> -> memref<1x512x32xf32, #tpu.memory_space<vmem>>
    %dma_wait3A_711 = tpu.memref_squeeze %dma_wait3A_710 : memref<1x512x32xf32, #tpu.memory_space<vmem>> -> memref<512x32xf32, #tpu.memory_space<vmem>>
    tpu.wait_dma2 semaphore(%arg18 : memref<!tpu.dma_semaphore, #tpu.memory_space<semaphore_mem>>) src(%dma_wait3A_711 : memref<512x32xf32, #tpu.memory_space<vmem>>) dst(%dma_wait3A_707 : memref<512x32xf32, #tpu.memory_space<hbm>>)
    %dma_start3A_712 = arith.constant 17 : i32
    %dma_start3A_713 = arith.constant 5 : i32
    %dma_start3A_714 = arith.constant 0 : i32
    %dma_start3A_715 = arith.constant 0 : i32
    %dma_start3A_716 = tpu.memref_slice %arg6[%dma_start3A_713, %dma_start3A_714, %dma_start3A_715] : memref<6x512x32xf32, #tpu.memory_space<vmem>> -> memref<1x512x32xf32, #tpu.memory_space<vmem>>
    %dma_start3A_717 = tpu.memref_squeeze %dma_start3A_716 : memref<1x512x32xf32, #tpu.memory_space<vmem>> -> memref<512x32xf32, #tpu.memory_space<vmem>>
    %dma_start3A_718 = arith.constant 0 : i32
    %dma_start3A_719 = tpu.memref_slice %arg5[%dma_start3A_712, %dma_start3A_718] : memref<50x512xi32, #tpu.memory_space<vmem>> -> memref<1x512xi32, #tpu.memory_space<vmem>>
    %dma_start3A_720 = tpu.memref_squeeze %dma_start3A_719 : memref<1x512xi32, #tpu.memory_space<vmem>> -> memref<512xi32, #tpu.memory_space<vmem>>
    %dma_start3A_721 = arith.constant 0 : i32
    %dma_start3A_722 = arith.constant 0 : i32
    %dma_start3A_723 = tpu.memref_slice %arg3[%dma_start3A_721, %dma_start3A_722] : memref<1000000x32xf32, #tpu.memory_space<hbm>> -> memref<1000000x32xf32, #tpu.memory_space<hbm>>
    tpu.enqueue_indirect_dma source(%dma_start3A_723 : memref<1000000x32xf32, #tpu.memory_space<hbm>>) target(%dma_start3A_717 : memref<512x32xf32, #tpu.memory_space<vmem>>) offsets(%dma_start3A_720 : memref<512xi32, #tpu.memory_space<vmem>>) semaphore(%arg12 : memref<!tpu.dma_semaphore, #tpu.memory_space<semaphore_mem>>)
    %dma_wait3A_724 = arith.constant 13 : i32
    %dma_wait3A_725 = arith.constant 1 : i32
    %dma_wait3A_726 = arith.constant 0 : i32
    %dma_wait3A_727 = arith.constant 0 : i32
    %dma_wait3A_728 = tpu.memref_slice %arg6[%dma_wait3A_725, %dma_wait3A_726, %dma_wait3A_727] : memref<6x512x32xf32, #tpu.memory_space<vmem>> -> memref<1x512x32xf32, #tpu.memory_space<vmem>>
    %dma_wait3A_729 = tpu.memref_squeeze %dma_wait3A_728 : memref<1x512x32xf32, #tpu.memory_space<vmem>> -> memref<512x32xf32, #tpu.memory_space<vmem>>
    %dma_wait3A_730 = arith.constant 0 : i32
    %dma_wait3A_731 = tpu.memref_slice %arg5[%dma_wait3A_724, %dma_wait3A_730] : memref<50x512xi32, #tpu.memory_space<vmem>> -> memref<1x512xi32, #tpu.memory_space<vmem>>
    %dma_wait3A_732 = tpu.memref_squeeze %dma_wait3A_731 : memref<1x512xi32, #tpu.memory_space<vmem>> -> memref<512xi32, #tpu.memory_space<vmem>>
    %dma_wait3A_733 = arith.constant 0 : i32
    %dma_wait3A_734 = arith.constant 0 : i32
    %dma_wait3A_735 = tpu.memref_slice %arg3[%dma_wait3A_733, %dma_wait3A_734] : memref<1000000x32xf32, #tpu.memory_space<hbm>> -> memref<1000000x32xf32, #tpu.memory_space<hbm>>
    tpu.wait_indirect_dma semaphore(%arg8 : memref<!tpu.dma_semaphore, #tpu.memory_space<semaphore_mem>>) src(%dma_wait3A_735 : memref<1000000x32xf32, #tpu.memory_space<hbm>>) dst(%dma_wait3A_729 : memref<512x32xf32, #tpu.memory_space<vmem>>)
    %add3A_736 = arith.constant 6656 : i32
    %add3A_737 = arith.addi %mul3A_2, %add3A_736 : i32
    %dma_start3A_738 = arith.constant 1 : i32
    %dma_start3A_739 = arith.constant 0 : i32
    %dma_start3A_740 = arith.constant 0 : i32
    %dma_start3A_741 = tpu.memref_slice %arg6[%dma_start3A_738, %dma_start3A_739, %dma_start3A_740] : memref<6x512x32xf32, #tpu.memory_space<vmem>> -> memref<1x512x32xf32, #tpu.memory_space<vmem>>
    %dma_start3A_742 = tpu.memref_squeeze %dma_start3A_741 : memref<1x512x32xf32, #tpu.memory_space<vmem>> -> memref<512x32xf32, #tpu.memory_space<vmem>>
    %dma_start3A_743 = arith.constant 0 : i32
    %dma_start3A_744 = tpu.memref_slice %arg4[%add3A_737, %dma_start3A_743] : memref<819200x32xf32, #tpu.memory_space<hbm>> -> memref<512x32xf32, #tpu.memory_space<hbm>>
    %dma_start3A_745 = arith.constant 0 : i32
    %dma_start3A_746 = tpu.memref_slice %arg4[%add3A_737, %dma_start3A_745] : memref<819200x32xf32, #tpu.memory_space<hbm>> -> memref<512x32xf32, #tpu.memory_space<hbm>>
    %dma_start3A_747 = arith.constant 0 : i32
    %dma_start3A_748 = arith.constant 0 : i32
    %dma_start3A_749 = tpu.memref_slice %arg6[%dma_start3A_738, %dma_start3A_747, %dma_start3A_748] : memref<6x512x32xf32, #tpu.memory_space<vmem>> -> memref<1x512x32xf32, #tpu.memory_space<vmem>>
    %dma_start3A_750 = tpu.memref_squeeze %dma_start3A_749 : memref<1x512x32xf32, #tpu.memory_space<vmem>> -> memref<512x32xf32, #tpu.memory_space<vmem>>
    tpu.enqueue_dma source(%dma_start3A_750 : memref<512x32xf32, #tpu.memory_space<vmem>>) target(%dma_start3A_746 : memref<512x32xf32, #tpu.memory_space<hbm>>) target_semaphore(%arg14 : memref<!tpu.dma_semaphore, #tpu.memory_space<semaphore_mem>>)
    %dma_wait3A_751 = arith.constant 0 : i32
    %dma_wait3A_752 = arith.constant 0 : i32
    %dma_wait3A_753 = arith.constant 0 : i32
    %dma_wait3A_754 = tpu.memref_slice %arg6[%dma_wait3A_751, %dma_wait3A_752, %dma_wait3A_753] : memref<6x512x32xf32, #tpu.memory_space<vmem>> -> memref<1x512x32xf32, #tpu.memory_space<vmem>>
    %dma_wait3A_755 = tpu.memref_squeeze %dma_wait3A_754 : memref<1x512x32xf32, #tpu.memory_space<vmem>> -> memref<512x32xf32, #tpu.memory_space<vmem>>
    %dma_wait3A_756 = arith.constant 0 : i32
    %dma_wait3A_757 = tpu.memref_slice %arg4[%add3A_685, %dma_wait3A_756] : memref<819200x32xf32, #tpu.memory_space<hbm>> -> memref<512x32xf32, #tpu.memory_space<hbm>>
    %dma_wait3A_758 = arith.constant 0 : i32
    %dma_wait3A_759 = tpu.memref_slice %arg4[%add3A_685, %dma_wait3A_758] : memref<819200x32xf32, #tpu.memory_space<hbm>> -> memref<512x32xf32, #tpu.memory_space<hbm>>
    %dma_wait3A_760 = arith.constant 0 : i32
    %dma_wait3A_761 = arith.constant 0 : i32
    %dma_wait3A_762 = tpu.memref_slice %arg6[%dma_wait3A_751, %dma_wait3A_760, %dma_wait3A_761] : memref<6x512x32xf32, #tpu.memory_space<vmem>> -> memref<1x512x32xf32, #tpu.memory_space<vmem>>
    %dma_wait3A_763 = tpu.memref_squeeze %dma_wait3A_762 : memref<1x512x32xf32, #tpu.memory_space<vmem>> -> memref<512x32xf32, #tpu.memory_space<vmem>>
    tpu.wait_dma2 semaphore(%arg13 : memref<!tpu.dma_semaphore, #tpu.memory_space<semaphore_mem>>) src(%dma_wait3A_763 : memref<512x32xf32, #tpu.memory_space<vmem>>) dst(%dma_wait3A_759 : memref<512x32xf32, #tpu.memory_space<hbm>>)
    %dma_start3A_764 = arith.constant 18 : i32
    %dma_start3A_765 = arith.constant 0 : i32
    %dma_start3A_766 = arith.constant 0 : i32
    %dma_start3A_767 = arith.constant 0 : i32
    %dma_start3A_768 = tpu.memref_slice %arg6[%dma_start3A_765, %dma_start3A_766, %dma_start3A_767] : memref<6x512x32xf32, #tpu.memory_space<vmem>> -> memref<1x512x32xf32, #tpu.memory_space<vmem>>
    %dma_start3A_769 = tpu.memref_squeeze %dma_start3A_768 : memref<1x512x32xf32, #tpu.memory_space<vmem>> -> memref<512x32xf32, #tpu.memory_space<vmem>>
    %dma_start3A_770 = arith.constant 0 : i32
    %dma_start3A_771 = tpu.memref_slice %arg5[%dma_start3A_764, %dma_start3A_770] : memref<50x512xi32, #tpu.memory_space<vmem>> -> memref<1x512xi32, #tpu.memory_space<vmem>>
    %dma_start3A_772 = tpu.memref_squeeze %dma_start3A_771 : memref<1x512xi32, #tpu.memory_space<vmem>> -> memref<512xi32, #tpu.memory_space<vmem>>
    %dma_start3A_773 = arith.constant 0 : i32
    %dma_start3A_774 = arith.constant 0 : i32
    %dma_start3A_775 = tpu.memref_slice %arg3[%dma_start3A_773, %dma_start3A_774] : memref<1000000x32xf32, #tpu.memory_space<hbm>> -> memref<1000000x32xf32, #tpu.memory_space<hbm>>
    tpu.enqueue_indirect_dma source(%dma_start3A_775 : memref<1000000x32xf32, #tpu.memory_space<hbm>>) target(%dma_start3A_769 : memref<512x32xf32, #tpu.memory_space<vmem>>) offsets(%dma_start3A_772 : memref<512xi32, #tpu.memory_space<vmem>>) semaphore(%arg7 : memref<!tpu.dma_semaphore, #tpu.memory_space<semaphore_mem>>)
    %dma_wait3A_776 = arith.constant 14 : i32
    %dma_wait3A_777 = arith.constant 2 : i32
    %dma_wait3A_778 = arith.constant 0 : i32
    %dma_wait3A_779 = arith.constant 0 : i32
    %dma_wait3A_780 = tpu.memref_slice %arg6[%dma_wait3A_777, %dma_wait3A_778, %dma_wait3A_779] : memref<6x512x32xf32, #tpu.memory_space<vmem>> -> memref<1x512x32xf32, #tpu.memory_space<vmem>>
    %dma_wait3A_781 = tpu.memref_squeeze %dma_wait3A_780 : memref<1x512x32xf32, #tpu.memory_space<vmem>> -> memref<512x32xf32, #tpu.memory_space<vmem>>
    %dma_wait3A_782 = arith.constant 0 : i32
    %dma_wait3A_783 = tpu.memref_slice %arg5[%dma_wait3A_776, %dma_wait3A_782] : memref<50x512xi32, #tpu.memory_space<vmem>> -> memref<1x512xi32, #tpu.memory_space<vmem>>
    %dma_wait3A_784 = tpu.memref_squeeze %dma_wait3A_783 : memref<1x512xi32, #tpu.memory_space<vmem>> -> memref<512xi32, #tpu.memory_space<vmem>>
    %dma_wait3A_785 = arith.constant 0 : i32
    %dma_wait3A_786 = arith.constant 0 : i32
    %dma_wait3A_787 = tpu.memref_slice %arg3[%dma_wait3A_785, %dma_wait3A_786] : memref<1000000x32xf32, #tpu.memory_space<hbm>> -> memref<1000000x32xf32, #tpu.memory_space<hbm>>
    tpu.wait_indirect_dma semaphore(%arg9 : memref<!tpu.dma_semaphore, #tpu.memory_space<semaphore_mem>>) src(%dma_wait3A_787 : memref<1000000x32xf32, #tpu.memory_space<hbm>>) dst(%dma_wait3A_781 : memref<512x32xf32, #tpu.memory_space<vmem>>)
    %add3A_788 = arith.constant 7168 : i32
    %add3A_789 = arith.addi %mul3A_2, %add3A_788 : i32
    %dma_start3A_790 = arith.constant 2 : i32
    %dma_start3A_791 = arith.constant 0 : i32
    %dma_start3A_792 = arith.constant 0 : i32
    %dma_start3A_793 = tpu.memref_slice %arg6[%dma_start3A_790, %dma_start3A_791, %dma_start3A_792] : memref<6x512x32xf32, #tpu.memory_space<vmem>> -> memref<1x512x32xf32, #tpu.memory_space<vmem>>
    %dma_start3A_794 = tpu.memref_squeeze %dma_start3A_793 : memref<1x512x32xf32, #tpu.memory_space<vmem>> -> memref<512x32xf32, #tpu.memory_space<vmem>>
    %dma_start3A_795 = arith.constant 0 : i32
    %dma_start3A_796 = tpu.memref_slice %arg4[%add3A_789, %dma_start3A_795] : memref<819200x32xf32, #tpu.memory_space<hbm>> -> memref<512x32xf32, #tpu.memory_space<hbm>>
    %dma_start3A_797 = arith.constant 0 : i32
    %dma_start3A_798 = tpu.memref_slice %arg4[%add3A_789, %dma_start3A_797] : memref<819200x32xf32, #tpu.memory_space<hbm>> -> memref<512x32xf32, #tpu.memory_space<hbm>>
    %dma_start3A_799 = arith.constant 0 : i32
    %dma_start3A_800 = arith.constant 0 : i32
    %dma_start3A_801 = tpu.memref_slice %arg6[%dma_start3A_790, %dma_start3A_799, %dma_start3A_800] : memref<6x512x32xf32, #tpu.memory_space<vmem>> -> memref<1x512x32xf32, #tpu.memory_space<vmem>>
    %dma_start3A_802 = tpu.memref_squeeze %dma_start3A_801 : memref<1x512x32xf32, #tpu.memory_space<vmem>> -> memref<512x32xf32, #tpu.memory_space<vmem>>
    tpu.enqueue_dma source(%dma_start3A_802 : memref<512x32xf32, #tpu.memory_space<vmem>>) target(%dma_start3A_798 : memref<512x32xf32, #tpu.memory_space<hbm>>) target_semaphore(%arg15 : memref<!tpu.dma_semaphore, #tpu.memory_space<semaphore_mem>>)
    %dma_wait3A_803 = arith.constant 1 : i32
    %dma_wait3A_804 = arith.constant 0 : i32
    %dma_wait3A_805 = arith.constant 0 : i32
    %dma_wait3A_806 = tpu.memref_slice %arg6[%dma_wait3A_803, %dma_wait3A_804, %dma_wait3A_805] : memref<6x512x32xf32, #tpu.memory_space<vmem>> -> memref<1x512x32xf32, #tpu.memory_space<vmem>>
    %dma_wait3A_807 = tpu.memref_squeeze %dma_wait3A_806 : memref<1x512x32xf32, #tpu.memory_space<vmem>> -> memref<512x32xf32, #tpu.memory_space<vmem>>
    %dma_wait3A_808 = arith.constant 0 : i32
    %dma_wait3A_809 = tpu.memref_slice %arg4[%add3A_737, %dma_wait3A_808] : memref<819200x32xf32, #tpu.memory_space<hbm>> -> memref<512x32xf32, #tpu.memory_space<hbm>>
    %dma_wait3A_810 = arith.constant 0 : i32
    %dma_wait3A_811 = tpu.memref_slice %arg4[%add3A_737, %dma_wait3A_810] : memref<819200x32xf32, #tpu.memory_space<hbm>> -> memref<512x32xf32, #tpu.memory_space<hbm>>
    %dma_wait3A_812 = arith.constant 0 : i32
    %dma_wait3A_813 = arith.constant 0 : i32
    %dma_wait3A_814 = tpu.memref_slice %arg6[%dma_wait3A_803, %dma_wait3A_812, %dma_wait3A_813] : memref<6x512x32xf32, #tpu.memory_space<vmem>> -> memref<1x512x32xf32, #tpu.memory_space<vmem>>
    %dma_wait3A_815 = tpu.memref_squeeze %dma_wait3A_814 : memref<1x512x32xf32, #tpu.memory_space<vmem>> -> memref<512x32xf32, #tpu.memory_space<vmem>>
    tpu.wait_dma2 semaphore(%arg14 : memref<!tpu.dma_semaphore, #tpu.memory_space<semaphore_mem>>) src(%dma_wait3A_815 : memref<512x32xf32, #tpu.memory_space<vmem>>) dst(%dma_wait3A_811 : memref<512x32xf32, #tpu.memory_space<hbm>>)
    %dma_start3A_816 = arith.constant 19 : i32
    %dma_start3A_817 = arith.constant 1 : i32
    %dma_start3A_818 = arith.constant 0 : i32
    %dma_start3A_819 = arith.constant 0 : i32
    %dma_start3A_820 = tpu.memref_slice %arg6[%dma_start3A_817, %dma_start3A_818, %dma_start3A_819] : memref<6x512x32xf32, #tpu.memory_space<vmem>> -> memref<1x512x32xf32, #tpu.memory_space<vmem>>
    %dma_start3A_821 = tpu.memref_squeeze %dma_start3A_820 : memref<1x512x32xf32, #tpu.memory_space<vmem>> -> memref<512x32xf32, #tpu.memory_space<vmem>>
    %dma_start3A_822 = arith.constant 0 : i32
    %dma_start3A_823 = tpu.memref_slice %arg5[%dma_start3A_816, %dma_start3A_822] : memref<50x512xi32, #tpu.memory_space<vmem>> -> memref<1x512xi32, #tpu.memory_space<vmem>>
    %dma_start3A_824 = tpu.memref_squeeze %dma_start3A_823 : memref<1x512xi32, #tpu.memory_space<vmem>> -> memref<512xi32, #tpu.memory_space<vmem>>
    %dma_start3A_825 = arith.constant 0 : i32
    %dma_start3A_826 = arith.constant 0 : i32
    %dma_start3A_827 = tpu.memref_slice %arg3[%dma_start3A_825, %dma_start3A_826] : memref<1000000x32xf32, #tpu.memory_space<hbm>> -> memref<1000000x32xf32, #tpu.memory_space<hbm>>
    tpu.enqueue_indirect_dma source(%dma_start3A_827 : memref<1000000x32xf32, #tpu.memory_space<hbm>>) target(%dma_start3A_821 : memref<512x32xf32, #tpu.memory_space<vmem>>) offsets(%dma_start3A_824 : memref<512xi32, #tpu.memory_space<vmem>>) semaphore(%arg8 : memref<!tpu.dma_semaphore, #tpu.memory_space<semaphore_mem>>)
    %dma_wait3A_828 = arith.constant 15 : i32
    %dma_wait3A_829 = arith.constant 3 : i32
    %dma_wait3A_830 = arith.constant 0 : i32
    %dma_wait3A_831 = arith.constant 0 : i32
    %dma_wait3A_832 = tpu.memref_slice %arg6[%dma_wait3A_829, %dma_wait3A_830, %dma_wait3A_831] : memref<6x512x32xf32, #tpu.memory_space<vmem>> -> memref<1x512x32xf32, #tpu.memory_space<vmem>>
    %dma_wait3A_833 = tpu.memref_squeeze %dma_wait3A_832 : memref<1x512x32xf32, #tpu.memory_space<vmem>> -> memref<512x32xf32, #tpu.memory_space<vmem>>
    %dma_wait3A_834 = arith.constant 0 : i32
    %dma_wait3A_835 = tpu.memref_slice %arg5[%dma_wait3A_828, %dma_wait3A_834] : memref<50x512xi32, #tpu.memory_space<vmem>> -> memref<1x512xi32, #tpu.memory_space<vmem>>
    %dma_wait3A_836 = tpu.memref_squeeze %dma_wait3A_835 : memref<1x512xi32, #tpu.memory_space<vmem>> -> memref<512xi32, #tpu.memory_space<vmem>>
    %dma_wait3A_837 = arith.constant 0 : i32
    %dma_wait3A_838 = arith.constant 0 : i32
    %dma_wait3A_839 = tpu.memref_slice %arg3[%dma_wait3A_837, %dma_wait3A_838] : memref<1000000x32xf32, #tpu.memory_space<hbm>> -> memref<1000000x32xf32, #tpu.memory_space<hbm>>
    tpu.wait_indirect_dma semaphore(%arg10 : memref<!tpu.dma_semaphore, #tpu.memory_space<semaphore_mem>>) src(%dma_wait3A_839 : memref<1000000x32xf32, #tpu.memory_space<hbm>>) dst(%dma_wait3A_833 : memref<512x32xf32, #tpu.memory_space<vmem>>)
    %add3A_840 = arith.constant 7680 : i32
    %add3A_841 = arith.addi %mul3A_2, %add3A_840 : i32
    %dma_start3A_842 = arith.constant 3 : i32
    %dma_start3A_843 = arith.constant 0 : i32
    %dma_start3A_844 = arith.constant 0 : i32
    %dma_start3A_845 = tpu.memref_slice %arg6[%dma_start3A_842, %dma_start3A_843, %dma_start3A_844] : memref<6x512x32xf32, #tpu.memory_space<vmem>> -> memref<1x512x32xf32, #tpu.memory_space<vmem>>
    %dma_start3A_846 = tpu.memref_squeeze %dma_start3A_845 : memref<1x512x32xf32, #tpu.memory_space<vmem>> -> memref<512x32xf32, #tpu.memory_space<vmem>>
    %dma_start3A_847 = arith.constant 0 : i32
    %dma_start3A_848 = tpu.memref_slice %arg4[%add3A_841, %dma_start3A_847] : memref<819200x32xf32, #tpu.memory_space<hbm>> -> memref<512x32xf32, #tpu.memory_space<hbm>>
    %dma_start3A_849 = arith.constant 0 : i32
    %dma_start3A_850 = tpu.memref_slice %arg4[%add3A_841, %dma_start3A_849] : memref<819200x32xf32, #tpu.memory_space<hbm>> -> memref<512x32xf32, #tpu.memory_space<hbm>>
    %dma_start3A_851 = arith.constant 0 : i32
    %dma_start3A_852 = arith.constant 0 : i32
    %dma_start3A_853 = tpu.memref_slice %arg6[%dma_start3A_842, %dma_start3A_851, %dma_start3A_852] : memref<6x512x32xf32, #tpu.memory_space<vmem>> -> memref<1x512x32xf32, #tpu.memory_space<vmem>>
    %dma_start3A_854 = tpu.memref_squeeze %dma_start3A_853 : memref<1x512x32xf32, #tpu.memory_space<vmem>> -> memref<512x32xf32, #tpu.memory_space<vmem>>
    tpu.enqueue_dma source(%dma_start3A_854 : memref<512x32xf32, #tpu.memory_space<vmem>>) target(%dma_start3A_850 : memref<512x32xf32, #tpu.memory_space<hbm>>) target_semaphore(%arg16 : memref<!tpu.dma_semaphore, #tpu.memory_space<semaphore_mem>>)
    %dma_wait3A_855 = arith.constant 2 : i32
    %dma_wait3A_856 = arith.constant 0 : i32
    %dma_wait3A_857 = arith.constant 0 : i32
    %dma_wait3A_858 = tpu.memref_slice %arg6[%dma_wait3A_855, %dma_wait3A_856, %dma_wait3A_857] : memref<6x512x32xf32, #tpu.memory_space<vmem>> -> memref<1x512x32xf32, #tpu.memory_space<vmem>>
    %dma_wait3A_859 = tpu.memref_squeeze %dma_wait3A_858 : memref<1x512x32xf32, #tpu.memory_space<vmem>> -> memref<512x32xf32, #tpu.memory_space<vmem>>
    %dma_wait3A_860 = arith.constant 0 : i32
    %dma_wait3A_861 = tpu.memref_slice %arg4[%add3A_789, %dma_wait3A_860] : memref<819200x32xf32, #tpu.memory_space<hbm>> -> memref<512x32xf32, #tpu.memory_space<hbm>>
    %dma_wait3A_862 = arith.constant 0 : i32
    %dma_wait3A_863 = tpu.memref_slice %arg4[%add3A_789, %dma_wait3A_862] : memref<819200x32xf32, #tpu.memory_space<hbm>> -> memref<512x32xf32, #tpu.memory_space<hbm>>
    %dma_wait3A_864 = arith.constant 0 : i32
    %dma_wait3A_865 = arith.constant 0 : i32
    %dma_wait3A_866 = tpu.memref_slice %arg6[%dma_wait3A_855, %dma_wait3A_864, %dma_wait3A_865] : memref<6x512x32xf32, #tpu.memory_space<vmem>> -> memref<1x512x32xf32, #tpu.memory_space<vmem>>
    %dma_wait3A_867 = tpu.memref_squeeze %dma_wait3A_866 : memref<1x512x32xf32, #tpu.memory_space<vmem>> -> memref<512x32xf32, #tpu.memory_space<vmem>>
    tpu.wait_dma2 semaphore(%arg15 : memref<!tpu.dma_semaphore, #tpu.memory_space<semaphore_mem>>) src(%dma_wait3A_867 : memref<512x32xf32, #tpu.memory_space<vmem>>) dst(%dma_wait3A_863 : memref<512x32xf32, #tpu.memory_space<hbm>>)
    %dma_start3A_868 = arith.constant 20 : i32
    %dma_start3A_869 = arith.constant 2 : i32
    %dma_start3A_870 = arith.constant 0 : i32
    %dma_start3A_871 = arith.constant 0 : i32
    %dma_start3A_872 = tpu.memref_slice %arg6[%dma_start3A_869, %dma_start3A_870, %dma_start3A_871] : memref<6x512x32xf32, #tpu.memory_space<vmem>> -> memref<1x512x32xf32, #tpu.memory_space<vmem>>
    %dma_start3A_873 = tpu.memref_squeeze %dma_start3A_872 : memref<1x512x32xf32, #tpu.memory_space<vmem>> -> memref<512x32xf32, #tpu.memory_space<vmem>>
    %dma_start3A_874 = arith.constant 0 : i32
    %dma_start3A_875 = tpu.memref_slice %arg5[%dma_start3A_868, %dma_start3A_874] : memref<50x512xi32, #tpu.memory_space<vmem>> -> memref<1x512xi32, #tpu.memory_space<vmem>>
    %dma_start3A_876 = tpu.memref_squeeze %dma_start3A_875 : memref<1x512xi32, #tpu.memory_space<vmem>> -> memref<512xi32, #tpu.memory_space<vmem>>
    %dma_start3A_877 = arith.constant 0 : i32
    %dma_start3A_878 = arith.constant 0 : i32
    %dma_start3A_879 = tpu.memref_slice %arg3[%dma_start3A_877, %dma_start3A_878] : memref<1000000x32xf32, #tpu.memory_space<hbm>> -> memref<1000000x32xf32, #tpu.memory_space<hbm>>
    tpu.enqueue_indirect_dma source(%dma_start3A_879 : memref<1000000x32xf32, #tpu.memory_space<hbm>>) target(%dma_start3A_873 : memref<512x32xf32, #tpu.memory_space<vmem>>) offsets(%dma_start3A_876 : memref<512xi32, #tpu.memory_space<vmem>>) semaphore(%arg9 : memref<!tpu.dma_semaphore, #tpu.memory_space<semaphore_mem>>)
    %dma_wait3A_880 = arith.constant 16 : i32
    %dma_wait3A_881 = arith.constant 4 : i32
    %dma_wait3A_882 = arith.constant 0 : i32
    %dma_wait3A_883 = arith.constant 0 : i32
    %dma_wait3A_884 = tpu.memref_slice %arg6[%dma_wait3A_881, %dma_wait3A_882, %dma_wait3A_883] : memref<6x512x32xf32, #tpu.memory_space<vmem>> -> memref<1x512x32xf32, #tpu.memory_space<vmem>>
    %dma_wait3A_885 = tpu.memref_squeeze %dma_wait3A_884 : memref<1x512x32xf32, #tpu.memory_space<vmem>> -> memref<512x32xf32, #tpu.memory_space<vmem>>
    %dma_wait3A_886 = arith.constant 0 : i32
    %dma_wait3A_887 = tpu.memref_slice %arg5[%dma_wait3A_880, %dma_wait3A_886] : memref<50x512xi32, #tpu.memory_space<vmem>> -> memref<1x512xi32, #tpu.memory_space<vmem>>
    %dma_wait3A_888 = tpu.memref_squeeze %dma_wait3A_887 : memref<1x512xi32, #tpu.memory_space<vmem>> -> memref<512xi32, #tpu.memory_space<vmem>>
    %dma_wait3A_889 = arith.constant 0 : i32
    %dma_wait3A_890 = arith.constant 0 : i32
    %dma_wait3A_891 = tpu.memref_slice %arg3[%dma_wait3A_889, %dma_wait3A_890] : memref<1000000x32xf32, #tpu.memory_space<hbm>> -> memref<1000000x32xf32, #tpu.memory_space<hbm>>
    tpu.wait_indirect_dma semaphore(%arg11 : memref<!tpu.dma_semaphore, #tpu.memory_space<semaphore_mem>>) src(%dma_wait3A_891 : memref<1000000x32xf32, #tpu.memory_space<hbm>>) dst(%dma_wait3A_885 : memref<512x32xf32, #tpu.memory_space<vmem>>)
    %add3A_892 = arith.constant 8192 : i32
    %add3A_893 = arith.addi %mul3A_2, %add3A_892 : i32
    %dma_start3A_894 = arith.constant 4 : i32
    %dma_start3A_895 = arith.constant 0 : i32
    %dma_start3A_896 = arith.constant 0 : i32
    %dma_start3A_897 = tpu.memref_slice %arg6[%dma_start3A_894, %dma_start3A_895, %dma_start3A_896] : memref<6x512x32xf32, #tpu.memory_space<vmem>> -> memref<1x512x32xf32, #tpu.memory_space<vmem>>
    %dma_start3A_898 = tpu.memref_squeeze %dma_start3A_897 : memref<1x512x32xf32, #tpu.memory_space<vmem>> -> memref<512x32xf32, #tpu.memory_space<vmem>>
    %dma_start3A_899 = arith.constant 0 : i32
    %dma_start3A_900 = tpu.memref_slice %arg4[%add3A_893, %dma_start3A_899] : memref<819200x32xf32, #tpu.memory_space<hbm>> -> memref<512x32xf32, #tpu.memory_space<hbm>>
    %dma_start3A_901 = arith.constant 0 : i32
    %dma_start3A_902 = tpu.memref_slice %arg4[%add3A_893, %dma_start3A_901] : memref<819200x32xf32, #tpu.memory_space<hbm>> -> memref<512x32xf32, #tpu.memory_space<hbm>>
    %dma_start3A_903 = arith.constant 0 : i32
    %dma_start3A_904 = arith.constant 0 : i32
    %dma_start3A_905 = tpu.memref_slice %arg6[%dma_start3A_894, %dma_start3A_903, %dma_start3A_904] : memref<6x512x32xf32, #tpu.memory_space<vmem>> -> memref<1x512x32xf32, #tpu.memory_space<vmem>>
    %dma_start3A_906 = tpu.memref_squeeze %dma_start3A_905 : memref<1x512x32xf32, #tpu.memory_space<vmem>> -> memref<512x32xf32, #tpu.memory_space<vmem>>
    tpu.enqueue_dma source(%dma_start3A_906 : memref<512x32xf32, #tpu.memory_space<vmem>>) target(%dma_start3A_902 : memref<512x32xf32, #tpu.memory_space<hbm>>) target_semaphore(%arg17 : memref<!tpu.dma_semaphore, #tpu.memory_space<semaphore_mem>>)
    %dma_wait3A_907 = arith.constant 3 : i32
    %dma_wait3A_908 = arith.constant 0 : i32
    %dma_wait3A_909 = arith.constant 0 : i32
    %dma_wait3A_910 = tpu.memref_slice %arg6[%dma_wait3A_907, %dma_wait3A_908, %dma_wait3A_909] : memref<6x512x32xf32, #tpu.memory_space<vmem>> -> memref<1x512x32xf32, #tpu.memory_space<vmem>>
    %dma_wait3A_911 = tpu.memref_squeeze %dma_wait3A_910 : memref<1x512x32xf32, #tpu.memory_space<vmem>> -> memref<512x32xf32, #tpu.memory_space<vmem>>
    %dma_wait3A_912 = arith.constant 0 : i32
    %dma_wait3A_913 = tpu.memref_slice %arg4[%add3A_841, %dma_wait3A_912] : memref<819200x32xf32, #tpu.memory_space<hbm>> -> memref<512x32xf32, #tpu.memory_space<hbm>>
    %dma_wait3A_914 = arith.constant 0 : i32
    %dma_wait3A_915 = tpu.memref_slice %arg4[%add3A_841, %dma_wait3A_914] : memref<819200x32xf32, #tpu.memory_space<hbm>> -> memref<512x32xf32, #tpu.memory_space<hbm>>
    %dma_wait3A_916 = arith.constant 0 : i32
    %dma_wait3A_917 = arith.constant 0 : i32
    %dma_wait3A_918 = tpu.memref_slice %arg6[%dma_wait3A_907, %dma_wait3A_916, %dma_wait3A_917] : memref<6x512x32xf32, #tpu.memory_space<vmem>> -> memref<1x512x32xf32, #tpu.memory_space<vmem>>
    %dma_wait3A_919 = tpu.memref_squeeze %dma_wait3A_918 : memref<1x512x32xf32, #tpu.memory_space<vmem>> -> memref<512x32xf32, #tpu.memory_space<vmem>>
    tpu.wait_dma2 semaphore(%arg16 : memref<!tpu.dma_semaphore, #tpu.memory_space<semaphore_mem>>) src(%dma_wait3A_919 : memref<512x32xf32, #tpu.memory_space<vmem>>) dst(%dma_wait3A_915 : memref<512x32xf32, #tpu.memory_space<hbm>>)
    %dma_start3A_920 = arith.constant 21 : i32
    %dma_start3A_921 = arith.constant 3 : i32
    %dma_start3A_922 = arith.constant 0 : i32
    %dma_start3A_923 = arith.constant 0 : i32
    %dma_start3A_924 = tpu.memref_slice %arg6[%dma_start3A_921, %dma_start3A_922, %dma_start3A_923] : memref<6x512x32xf32, #tpu.memory_space<vmem>> -> memref<1x512x32xf32, #tpu.memory_space<vmem>>
    %dma_start3A_925 = tpu.memref_squeeze %dma_start3A_924 : memref<1x512x32xf32, #tpu.memory_space<vmem>> -> memref<512x32xf32, #tpu.memory_space<vmem>>
    %dma_start3A_926 = arith.constant 0 : i32
    %dma_start3A_927 = tpu.memref_slice %arg5[%dma_start3A_920, %dma_start3A_926] : memref<50x512xi32, #tpu.memory_space<vmem>> -> memref<1x512xi32, #tpu.memory_space<vmem>>
    %dma_start3A_928 = tpu.memref_squeeze %dma_start3A_927 : memref<1x512xi32, #tpu.memory_space<vmem>> -> memref<512xi32, #tpu.memory_space<vmem>>
    %dma_start3A_929 = arith.constant 0 : i32
    %dma_start3A_930 = arith.constant 0 : i32
    %dma_start3A_931 = tpu.memref_slice %arg3[%dma_start3A_929, %dma_start3A_930] : memref<1000000x32xf32, #tpu.memory_space<hbm>> -> memref<1000000x32xf32, #tpu.memory_space<hbm>>
    tpu.enqueue_indirect_dma source(%dma_start3A_931 : memref<1000000x32xf32, #tpu.memory_space<hbm>>) target(%dma_start3A_925 : memref<512x32xf32, #tpu.memory_space<vmem>>) offsets(%dma_start3A_928 : memref<512xi32, #tpu.memory_space<vmem>>) semaphore(%arg10 : memref<!tpu.dma_semaphore, #tpu.memory_space<semaphore_mem>>)
    %dma_wait3A_932 = arith.constant 17 : i32
    %dma_wait3A_933 = arith.constant 5 : i32
    %dma_wait3A_934 = arith.constant 0 : i32
    %dma_wait3A_935 = arith.constant 0 : i32
    %dma_wait3A_936 = tpu.memref_slice %arg6[%dma_wait3A_933, %dma_wait3A_934, %dma_wait3A_935] : memref<6x512x32xf32, #tpu.memory_space<vmem>> -> memref<1x512x32xf32, #tpu.memory_space<vmem>>
    %dma_wait3A_937 = tpu.memref_squeeze %dma_wait3A_936 : memref<1x512x32xf32, #tpu.memory_space<vmem>> -> memref<512x32xf32, #tpu.memory_space<vmem>>
    %dma_wait3A_938 = arith.constant 0 : i32
    %dma_wait3A_939 = tpu.memref_slice %arg5[%dma_wait3A_932, %dma_wait3A_938] : memref<50x512xi32, #tpu.memory_space<vmem>> -> memref<1x512xi32, #tpu.memory_space<vmem>>
    %dma_wait3A_940 = tpu.memref_squeeze %dma_wait3A_939 : memref<1x512xi32, #tpu.memory_space<vmem>> -> memref<512xi32, #tpu.memory_space<vmem>>
    %dma_wait3A_941 = arith.constant 0 : i32
    %dma_wait3A_942 = arith.constant 0 : i32
    %dma_wait3A_943 = tpu.memref_slice %arg3[%dma_wait3A_941, %dma_wait3A_942] : memref<1000000x32xf32, #tpu.memory_space<hbm>> -> memref<1000000x32xf32, #tpu.memory_space<hbm>>
    tpu.wait_indirect_dma semaphore(%arg12 : memref<!tpu.dma_semaphore, #tpu.memory_space<semaphore_mem>>) src(%dma_wait3A_943 : memref<1000000x32xf32, #tpu.memory_space<hbm>>) dst(%dma_wait3A_937 : memref<512x32xf32, #tpu.memory_space<vmem>>)
    %add3A_944 = arith.constant 8704 : i32
    %add3A_945 = arith.addi %mul3A_2, %add3A_944 : i32
    %dma_start3A_946 = arith.constant 5 : i32
    %dma_start3A_947 = arith.constant 0 : i32
    %dma_start3A_948 = arith.constant 0 : i32
    %dma_start3A_949 = tpu.memref_slice %arg6[%dma_start3A_946, %dma_start3A_947, %dma_start3A_948] : memref<6x512x32xf32, #tpu.memory_space<vmem>> -> memref<1x512x32xf32, #tpu.memory_space<vmem>>
    %dma_start3A_950 = tpu.memref_squeeze %dma_start3A_949 : memref<1x512x32xf32, #tpu.memory_space<vmem>> -> memref<512x32xf32, #tpu.memory_space<vmem>>
    %dma_start3A_951 = arith.constant 0 : i32
    %dma_start3A_952 = tpu.memref_slice %arg4[%add3A_945, %dma_start3A_951] : memref<819200x32xf32, #tpu.memory_space<hbm>> -> memref<512x32xf32, #tpu.memory_space<hbm>>
    %dma_start3A_953 = arith.constant 0 : i32
    %dma_start3A_954 = tpu.memref_slice %arg4[%add3A_945, %dma_start3A_953] : memref<819200x32xf32, #tpu.memory_space<hbm>> -> memref<512x32xf32, #tpu.memory_space<hbm>>
    %dma_start3A_955 = arith.constant 0 : i32
    %dma_start3A_956 = arith.constant 0 : i32
    %dma_start3A_957 = tpu.memref_slice %arg6[%dma_start3A_946, %dma_start3A_955, %dma_start3A_956] : memref<6x512x32xf32, #tpu.memory_space<vmem>> -> memref<1x512x32xf32, #tpu.memory_space<vmem>>
    %dma_start3A_958 = tpu.memref_squeeze %dma_start3A_957 : memref<1x512x32xf32, #tpu.memory_space<vmem>> -> memref<512x32xf32, #tpu.memory_space<vmem>>
    tpu.enqueue_dma source(%dma_start3A_958 : memref<512x32xf32, #tpu.memory_space<vmem>>) target(%dma_start3A_954 : memref<512x32xf32, #tpu.memory_space<hbm>>) target_semaphore(%arg18 : memref<!tpu.dma_semaphore, #tpu.memory_space<semaphore_mem>>)
    %dma_wait3A_959 = arith.constant 4 : i32
    %dma_wait3A_960 = arith.constant 0 : i32
    %dma_wait3A_961 = arith.constant 0 : i32
    %dma_wait3A_962 = tpu.memref_slice %arg6[%dma_wait3A_959, %dma_wait3A_960, %dma_wait3A_961] : memref<6x512x32xf32, #tpu.memory_space<vmem>> -> memref<1x512x32xf32, #tpu.memory_space<vmem>>
    %dma_wait3A_963 = tpu.memref_squeeze %dma_wait3A_962 : memref<1x512x32xf32, #tpu.memory_space<vmem>> -> memref<512x32xf32, #tpu.memory_space<vmem>>
    %dma_wait3A_964 = arith.constant 0 : i32
    %dma_wait3A_965 = tpu.memref_slice %arg4[%add3A_893, %dma_wait3A_964] : memref<819200x32xf32, #tpu.memory_space<hbm>> -> memref<512x32xf32, #tpu.memory_space<hbm>>
    %dma_wait3A_966 = arith.constant 0 : i32
    %dma_wait3A_967 = tpu.memref_slice %arg4[%add3A_893, %dma_wait3A_966] : memref<819200x32xf32, #tpu.memory_space<hbm>> -> memref<512x32xf32, #tpu.memory_space<hbm>>
    %dma_wait3A_968 = arith.constant 0 : i32
    %dma_wait3A_969 = arith.constant 0 : i32
    %dma_wait3A_970 = tpu.memref_slice %arg6[%dma_wait3A_959, %dma_wait3A_968, %dma_wait3A_969] : memref<6x512x32xf32, #tpu.memory_space<vmem>> -> memref<1x512x32xf32, #tpu.memory_space<vmem>>
    %dma_wait3A_971 = tpu.memref_squeeze %dma_wait3A_970 : memref<1x512x32xf32, #tpu.memory_space<vmem>> -> memref<512x32xf32, #tpu.memory_space<vmem>>
    tpu.wait_dma2 semaphore(%arg17 : memref<!tpu.dma_semaphore, #tpu.memory_space<semaphore_mem>>) src(%dma_wait3A_971 : memref<512x32xf32, #tpu.memory_space<vmem>>) dst(%dma_wait3A_967 : memref<512x32xf32, #tpu.memory_space<hbm>>)
    %dma_start3A_972 = arith.constant 22 : i32
    %dma_start3A_973 = arith.constant 4 : i32
    %dma_start3A_974 = arith.constant 0 : i32
    %dma_start3A_975 = arith.constant 0 : i32
    %dma_start3A_976 = tpu.memref_slice %arg6[%dma_start3A_973, %dma_start3A_974, %dma_start3A_975] : memref<6x512x32xf32, #tpu.memory_space<vmem>> -> memref<1x512x32xf32, #tpu.memory_space<vmem>>
    %dma_start3A_977 = tpu.memref_squeeze %dma_start3A_976 : memref<1x512x32xf32, #tpu.memory_space<vmem>> -> memref<512x32xf32, #tpu.memory_space<vmem>>
    %dma_start3A_978 = arith.constant 0 : i32
    %dma_start3A_979 = tpu.memref_slice %arg5[%dma_start3A_972, %dma_start3A_978] : memref<50x512xi32, #tpu.memory_space<vmem>> -> memref<1x512xi32, #tpu.memory_space<vmem>>
    %dma_start3A_980 = tpu.memref_squeeze %dma_start3A_979 : memref<1x512xi32, #tpu.memory_space<vmem>> -> memref<512xi32, #tpu.memory_space<vmem>>
    %dma_start3A_981 = arith.constant 0 : i32
    %dma_start3A_982 = arith.constant 0 : i32
    %dma_start3A_983 = tpu.memref_slice %arg3[%dma_start3A_981, %dma_start3A_982] : memref<1000000x32xf32, #tpu.memory_space<hbm>> -> memref<1000000x32xf32, #tpu.memory_space<hbm>>
    tpu.enqueue_indirect_dma source(%dma_start3A_983 : memref<1000000x32xf32, #tpu.memory_space<hbm>>) target(%dma_start3A_977 : memref<512x32xf32, #tpu.memory_space<vmem>>) offsets(%dma_start3A_980 : memref<512xi32, #tpu.memory_space<vmem>>) semaphore(%arg11 : memref<!tpu.dma_semaphore, #tpu.memory_space<semaphore_mem>>)
    %dma_wait3A_984 = arith.constant 18 : i32
    %dma_wait3A_985 = arith.constant 0 : i32
    %dma_wait3A_986 = arith.constant 0 : i32
    %dma_wait3A_987 = arith.constant 0 : i32
    %dma_wait3A_988 = tpu.memref_slice %arg6[%dma_wait3A_985, %dma_wait3A_986, %dma_wait3A_987] : memref<6x512x32xf32, #tpu.memory_space<vmem>> -> memref<1x512x32xf32, #tpu.memory_space<vmem>>
    %dma_wait3A_989 = tpu.memref_squeeze %dma_wait3A_988 : memref<1x512x32xf32, #tpu.memory_space<vmem>> -> memref<512x32xf32, #tpu.memory_space<vmem>>
    %dma_wait3A_990 = arith.constant 0 : i32
    %dma_wait3A_991 = tpu.memref_slice %arg5[%dma_wait3A_984, %dma_wait3A_990] : memref<50x512xi32, #tpu.memory_space<vmem>> -> memref<1x512xi32, #tpu.memory_space<vmem>>
    %dma_wait3A_992 = tpu.memref_squeeze %dma_wait3A_991 : memref<1x512xi32, #tpu.memory_space<vmem>> -> memref<512xi32, #tpu.memory_space<vmem>>
    %dma_wait3A_993 = arith.constant 0 : i32
    %dma_wait3A_994 = arith.constant 0 : i32
    %dma_wait3A_995 = tpu.memref_slice %arg3[%dma_wait3A_993, %dma_wait3A_994] : memref<1000000x32xf32, #tpu.memory_space<hbm>> -> memref<1000000x32xf32, #tpu.memory_space<hbm>>
    tpu.wait_indirect_dma semaphore(%arg7 : memref<!tpu.dma_semaphore, #tpu.memory_space<semaphore_mem>>) src(%dma_wait3A_995 : memref<1000000x32xf32, #tpu.memory_space<hbm>>) dst(%dma_wait3A_989 : memref<512x32xf32, #tpu.memory_space<vmem>>)
    %add3A_996 = arith.constant 9216 : i32
    %add3A_997 = arith.addi %mul3A_2, %add3A_996 : i32
    %dma_start3A_998 = arith.constant 0 : i32
    %dma_start3A_999 = arith.constant 0 : i32
    %dma_start3A_1000 = arith.constant 0 : i32
    %dma_start3A_1001 = tpu.memref_slice %arg6[%dma_start3A_998, %dma_start3A_999, %dma_start3A_1000] : memref<6x512x32xf32, #tpu.memory_space<vmem>> -> memref<1x512x32xf32, #tpu.memory_space<vmem>>
    %dma_start3A_1002 = tpu.memref_squeeze %dma_start3A_1001 : memref<1x512x32xf32, #tpu.memory_space<vmem>> -> memref<512x32xf32, #tpu.memory_space<vmem>>
    %dma_start3A_1003 = arith.constant 0 : i32
    %dma_start3A_1004 = tpu.memref_slice %arg4[%add3A_997, %dma_start3A_1003] : memref<819200x32xf32, #tpu.memory_space<hbm>> -> memref<512x32xf32, #tpu.memory_space<hbm>>
    %dma_start3A_1005 = arith.constant 0 : i32
    %dma_start3A_1006 = tpu.memref_slice %arg4[%add3A_997, %dma_start3A_1005] : memref<819200x32xf32, #tpu.memory_space<hbm>> -> memref<512x32xf32, #tpu.memory_space<hbm>>
    %dma_start3A_1007 = arith.constant 0 : i32
    %dma_start3A_1008 = arith.constant 0 : i32
    %dma_start3A_1009 = tpu.memref_slice %arg6[%dma_start3A_998, %dma_start3A_1007, %dma_start3A_1008] : memref<6x512x32xf32, #tpu.memory_space<vmem>> -> memref<1x512x32xf32, #tpu.memory_space<vmem>>
    %dma_start3A_1010 = tpu.memref_squeeze %dma_start3A_1009 : memref<1x512x32xf32, #tpu.memory_space<vmem>> -> memref<512x32xf32, #tpu.memory_space<vmem>>
    tpu.enqueue_dma source(%dma_start3A_1010 : memref<512x32xf32, #tpu.memory_space<vmem>>) target(%dma_start3A_1006 : memref<512x32xf32, #tpu.memory_space<hbm>>) target_semaphore(%arg13 : memref<!tpu.dma_semaphore, #tpu.memory_space<semaphore_mem>>)
    %dma_wait3A_1011 = arith.constant 5 : i32
    %dma_wait3A_1012 = arith.constant 0 : i32
    %dma_wait3A_1013 = arith.constant 0 : i32
    %dma_wait3A_1014 = tpu.memref_slice %arg6[%dma_wait3A_1011, %dma_wait3A_1012, %dma_wait3A_1013] : memref<6x512x32xf32, #tpu.memory_space<vmem>> -> memref<1x512x32xf32, #tpu.memory_space<vmem>>
    %dma_wait3A_1015 = tpu.memref_squeeze %dma_wait3A_1014 : memref<1x512x32xf32, #tpu.memory_space<vmem>> -> memref<512x32xf32, #tpu.memory_space<vmem>>
    %dma_wait3A_1016 = arith.constant 0 : i32
    %dma_wait3A_1017 = tpu.memref_slice %arg4[%add3A_945, %dma_wait3A_1016] : memref<819200x32xf32, #tpu.memory_space<hbm>> -> memref<512x32xf32, #tpu.memory_space<hbm>>
    %dma_wait3A_1018 = arith.constant 0 : i32
    %dma_wait3A_1019 = tpu.memref_slice %arg4[%add3A_945, %dma_wait3A_1018] : memref<819200x32xf32, #tpu.memory_space<hbm>> -> memref<512x32xf32, #tpu.memory_space<hbm>>
    %dma_wait3A_1020 = arith.constant 0 : i32
    %dma_wait3A_1021 = arith.constant 0 : i32
    %dma_wait3A_1022 = tpu.memref_slice %arg6[%dma_wait3A_1011, %dma_wait3A_1020, %dma_wait3A_1021] : memref<6x512x32xf32, #tpu.memory_space<vmem>> -> memref<1x512x32xf32, #tpu.memory_space<vmem>>
    %dma_wait3A_1023 = tpu.memref_squeeze %dma_wait3A_1022 : memref<1x512x32xf32, #tpu.memory_space<vmem>> -> memref<512x32xf32, #tpu.memory_space<vmem>>
    tpu.wait_dma2 semaphore(%arg18 : memref<!tpu.dma_semaphore, #tpu.memory_space<semaphore_mem>>) src(%dma_wait3A_1023 : memref<512x32xf32, #tpu.memory_space<vmem>>) dst(%dma_wait3A_1019 : memref<512x32xf32, #tpu.memory_space<hbm>>)
    %dma_start3A_1024 = arith.constant 23 : i32
    %dma_start3A_1025 = arith.constant 5 : i32
    %dma_start3A_1026 = arith.constant 0 : i32
    %dma_start3A_1027 = arith.constant 0 : i32
    %dma_start3A_1028 = tpu.memref_slice %arg6[%dma_start3A_1025, %dma_start3A_1026, %dma_start3A_1027] : memref<6x512x32xf32, #tpu.memory_space<vmem>> -> memref<1x512x32xf32, #tpu.memory_space<vmem>>
    %dma_start3A_1029 = tpu.memref_squeeze %dma_start3A_1028 : memref<1x512x32xf32, #tpu.memory_space<vmem>> -> memref<512x32xf32, #tpu.memory_space<vmem>>
    %dma_start3A_1030 = arith.constant 0 : i32
    %dma_start3A_1031 = tpu.memref_slice %arg5[%dma_start3A_1024, %dma_start3A_1030] : memref<50x512xi32, #tpu.memory_space<vmem>> -> memref<1x512xi32, #tpu.memory_space<vmem>>
    %dma_start3A_1032 = tpu.memref_squeeze %dma_start3A_1031 : memref<1x512xi32, #tpu.memory_space<vmem>> -> memref<512xi32, #tpu.memory_space<vmem>>
    %dma_start3A_1033 = arith.constant 0 : i32
    %dma_start3A_1034 = arith.constant 0 : i32
    %dma_start3A_1035 = tpu.memref_slice %arg3[%dma_start3A_1033, %dma_start3A_1034] : memref<1000000x32xf32, #tpu.memory_space<hbm>> -> memref<1000000x32xf32, #tpu.memory_space<hbm>>
    tpu.enqueue_indirect_dma source(%dma_start3A_1035 : memref<1000000x32xf32, #tpu.memory_space<hbm>>) target(%dma_start3A_1029 : memref<512x32xf32, #tpu.memory_space<vmem>>) offsets(%dma_start3A_1032 : memref<512xi32, #tpu.memory_space<vmem>>) semaphore(%arg12 : memref<!tpu.dma_semaphore, #tpu.memory_space<semaphore_mem>>)
    %dma_wait3A_1036 = arith.constant 19 : i32
    %dma_wait3A_1037 = arith.constant 1 : i32
    %dma_wait3A_1038 = arith.constant 0 : i32
    %dma_wait3A_1039 = arith.constant 0 : i32
    %dma_wait3A_1040 = tpu.memref_slice %arg6[%dma_wait3A_1037, %dma_wait3A_1038, %dma_wait3A_1039] : memref<6x512x32xf32, #tpu.memory_space<vmem>> -> memref<1x512x32xf32, #tpu.memory_space<vmem>>
    %dma_wait3A_1041 = tpu.memref_squeeze %dma_wait3A_1040 : memref<1x512x32xf32, #tpu.memory_space<vmem>> -> memref<512x32xf32, #tpu.memory_space<vmem>>
    %dma_wait3A_1042 = arith.constant 0 : i32
    %dma_wait3A_1043 = tpu.memref_slice %arg5[%dma_wait3A_1036, %dma_wait3A_1042] : memref<50x512xi32, #tpu.memory_space<vmem>> -> memref<1x512xi32, #tpu.memory_space<vmem>>
    %dma_wait3A_1044 = tpu.memref_squeeze %dma_wait3A_1043 : memref<1x512xi32, #tpu.memory_space<vmem>> -> memref<512xi32, #tpu.memory_space<vmem>>
    %dma_wait3A_1045 = arith.constant 0 : i32
    %dma_wait3A_1046 = arith.constant 0 : i32
    %dma_wait3A_1047 = tpu.memref_slice %arg3[%dma_wait3A_1045, %dma_wait3A_1046] : memref<1000000x32xf32, #tpu.memory_space<hbm>> -> memref<1000000x32xf32, #tpu.memory_space<hbm>>
    tpu.wait_indirect_dma semaphore(%arg8 : memref<!tpu.dma_semaphore, #tpu.memory_space<semaphore_mem>>) src(%dma_wait3A_1047 : memref<1000000x32xf32, #tpu.memory_space<hbm>>) dst(%dma_wait3A_1041 : memref<512x32xf32, #tpu.memory_space<vmem>>)
    %add3A_1048 = arith.constant 9728 : i32
    %add3A_1049 = arith.addi %mul3A_2, %add3A_1048 : i32
    %dma_start3A_1050 = arith.constant 1 : i32
    %dma_start3A_1051 = arith.constant 0 : i32
    %dma_start3A_1052 = arith.constant 0 : i32
    %dma_start3A_1053 = tpu.memref_slice %arg6[%dma_start3A_1050, %dma_start3A_1051, %dma_start3A_1052] : memref<6x512x32xf32, #tpu.memory_space<vmem>> -> memref<1x512x32xf32, #tpu.memory_space<vmem>>
    %dma_start3A_1054 = tpu.memref_squeeze %dma_start3A_1053 : memref<1x512x32xf32, #tpu.memory_space<vmem>> -> memref<512x32xf32, #tpu.memory_space<vmem>>
    %dma_start3A_1055 = arith.constant 0 : i32
    %dma_start3A_1056 = tpu.memref_slice %arg4[%add3A_1049, %dma_start3A_1055] : memref<819200x32xf32, #tpu.memory_space<hbm>> -> memref<512x32xf32, #tpu.memory_space<hbm>>
    %dma_start3A_1057 = arith.constant 0 : i32
    %dma_start3A_1058 = tpu.memref_slice %arg4[%add3A_1049, %dma_start3A_1057] : memref<819200x32xf32, #tpu.memory_space<hbm>> -> memref<512x32xf32, #tpu.memory_space<hbm>>
    %dma_start3A_1059 = arith.constant 0 : i32
    %dma_start3A_1060 = arith.constant 0 : i32
    %dma_start3A_1061 = tpu.memref_slice %arg6[%dma_start3A_1050, %dma_start3A_1059, %dma_start3A_1060] : memref<6x512x32xf32, #tpu.memory_space<vmem>> -> memref<1x512x32xf32, #tpu.memory_space<vmem>>
    %dma_start3A_1062 = tpu.memref_squeeze %dma_start3A_1061 : memref<1x512x32xf32, #tpu.memory_space<vmem>> -> memref<512x32xf32, #tpu.memory_space<vmem>>
    tpu.enqueue_dma source(%dma_start3A_1062 : memref<512x32xf32, #tpu.memory_space<vmem>>) target(%dma_start3A_1058 : memref<512x32xf32, #tpu.memory_space<hbm>>) target_semaphore(%arg14 : memref<!tpu.dma_semaphore, #tpu.memory_space<semaphore_mem>>)
    %dma_wait3A_1063 = arith.constant 0 : i32
    %dma_wait3A_1064 = arith.constant 0 : i32
    %dma_wait3A_1065 = arith.constant 0 : i32
    %dma_wait3A_1066 = tpu.memref_slice %arg6[%dma_wait3A_1063, %dma_wait3A_1064, %dma_wait3A_1065] : memref<6x512x32xf32, #tpu.memory_space<vmem>> -> memref<1x512x32xf32, #tpu.memory_space<vmem>>
    %dma_wait3A_1067 = tpu.memref_squeeze %dma_wait3A_1066 : memref<1x512x32xf32, #tpu.memory_space<vmem>> -> memref<512x32xf32, #tpu.memory_space<vmem>>
    %dma_wait3A_1068 = arith.constant 0 : i32
    %dma_wait3A_1069 = tpu.memref_slice %arg4[%add3A_997, %dma_wait3A_1068] : memref<819200x32xf32, #tpu.memory_space<hbm>> -> memref<512x32xf32, #tpu.memory_space<hbm>>
    %dma_wait3A_1070 = arith.constant 0 : i32
    %dma_wait3A_1071 = tpu.memref_slice %arg4[%add3A_997, %dma_wait3A_1070] : memref<819200x32xf32, #tpu.memory_space<hbm>> -> memref<512x32xf32, #tpu.memory_space<hbm>>
    %dma_wait3A_1072 = arith.constant 0 : i32
    %dma_wait3A_1073 = arith.constant 0 : i32
    %dma_wait3A_1074 = tpu.memref_slice %arg6[%dma_wait3A_1063, %dma_wait3A_1072, %dma_wait3A_1073] : memref<6x512x32xf32, #tpu.memory_space<vmem>> -> memref<1x512x32xf32, #tpu.memory_space<vmem>>
    %dma_wait3A_1075 = tpu.memref_squeeze %dma_wait3A_1074 : memref<1x512x32xf32, #tpu.memory_space<vmem>> -> memref<512x32xf32, #tpu.memory_space<vmem>>
    tpu.wait_dma2 semaphore(%arg13 : memref<!tpu.dma_semaphore, #tpu.memory_space<semaphore_mem>>) src(%dma_wait3A_1075 : memref<512x32xf32, #tpu.memory_space<vmem>>) dst(%dma_wait3A_1071 : memref<512x32xf32, #tpu.memory_space<hbm>>)
    %dma_start3A_1076 = arith.constant 24 : i32
    %dma_start3A_1077 = arith.constant 0 : i32
    %dma_start3A_1078 = arith.constant 0 : i32
    %dma_start3A_1079 = arith.constant 0 : i32
    %dma_start3A_1080 = tpu.memref_slice %arg6[%dma_start3A_1077, %dma_start3A_1078, %dma_start3A_1079] : memref<6x512x32xf32, #tpu.memory_space<vmem>> -> memref<1x512x32xf32, #tpu.memory_space<vmem>>
    %dma_start3A_1081 = tpu.memref_squeeze %dma_start3A_1080 : memref<1x512x32xf32, #tpu.memory_space<vmem>> -> memref<512x32xf32, #tpu.memory_space<vmem>>
    %dma_start3A_1082 = arith.constant 0 : i32
    %dma_start3A_1083 = tpu.memref_slice %arg5[%dma_start3A_1076, %dma_start3A_1082] : memref<50x512xi32, #tpu.memory_space<vmem>> -> memref<1x512xi32, #tpu.memory_space<vmem>>
    %dma_start3A_1084 = tpu.memref_squeeze %dma_start3A_1083 : memref<1x512xi32, #tpu.memory_space<vmem>> -> memref<512xi32, #tpu.memory_space<vmem>>
    %dma_start3A_1085 = arith.constant 0 : i32
    %dma_start3A_1086 = arith.constant 0 : i32
    %dma_start3A_1087 = tpu.memref_slice %arg3[%dma_start3A_1085, %dma_start3A_1086] : memref<1000000x32xf32, #tpu.memory_space<hbm>> -> memref<1000000x32xf32, #tpu.memory_space<hbm>>
    tpu.enqueue_indirect_dma source(%dma_start3A_1087 : memref<1000000x32xf32, #tpu.memory_space<hbm>>) target(%dma_start3A_1081 : memref<512x32xf32, #tpu.memory_space<vmem>>) offsets(%dma_start3A_1084 : memref<512xi32, #tpu.memory_space<vmem>>) semaphore(%arg7 : memref<!tpu.dma_semaphore, #tpu.memory_space<semaphore_mem>>)
    %dma_wait3A_1088 = arith.constant 20 : i32
    %dma_wait3A_1089 = arith.constant 2 : i32
    %dma_wait3A_1090 = arith.constant 0 : i32
    %dma_wait3A_1091 = arith.constant 0 : i32
    %dma_wait3A_1092 = tpu.memref_slice %arg6[%dma_wait3A_1089, %dma_wait3A_1090, %dma_wait3A_1091] : memref<6x512x32xf32, #tpu.memory_space<vmem>> -> memref<1x512x32xf32, #tpu.memory_space<vmem>>
    %dma_wait3A_1093 = tpu.memref_squeeze %dma_wait3A_1092 : memref<1x512x32xf32, #tpu.memory_space<vmem>> -> memref<512x32xf32, #tpu.memory_space<vmem>>
    %dma_wait3A_1094 = arith.constant 0 : i32
    %dma_wait3A_1095 = tpu.memref_slice %arg5[%dma_wait3A_1088, %dma_wait3A_1094] : memref<50x512xi32, #tpu.memory_space<vmem>> -> memref<1x512xi32, #tpu.memory_space<vmem>>
    %dma_wait3A_1096 = tpu.memref_squeeze %dma_wait3A_1095 : memref<1x512xi32, #tpu.memory_space<vmem>> -> memref<512xi32, #tpu.memory_space<vmem>>
    %dma_wait3A_1097 = arith.constant 0 : i32
    %dma_wait3A_1098 = arith.constant 0 : i32
    %dma_wait3A_1099 = tpu.memref_slice %arg3[%dma_wait3A_1097, %dma_wait3A_1098] : memref<1000000x32xf32, #tpu.memory_space<hbm>> -> memref<1000000x32xf32, #tpu.memory_space<hbm>>
    tpu.wait_indirect_dma semaphore(%arg9 : memref<!tpu.dma_semaphore, #tpu.memory_space<semaphore_mem>>) src(%dma_wait3A_1099 : memref<1000000x32xf32, #tpu.memory_space<hbm>>) dst(%dma_wait3A_1093 : memref<512x32xf32, #tpu.memory_space<vmem>>)
    %add3A_1100 = arith.constant 10240 : i32
    %add3A_1101 = arith.addi %mul3A_2, %add3A_1100 : i32
    %dma_start3A_1102 = arith.constant 2 : i32
    %dma_start3A_1103 = arith.constant 0 : i32
    %dma_start3A_1104 = arith.constant 0 : i32
    %dma_start3A_1105 = tpu.memref_slice %arg6[%dma_start3A_1102, %dma_start3A_1103, %dma_start3A_1104] : memref<6x512x32xf32, #tpu.memory_space<vmem>> -> memref<1x512x32xf32, #tpu.memory_space<vmem>>
    %dma_start3A_1106 = tpu.memref_squeeze %dma_start3A_1105 : memref<1x512x32xf32, #tpu.memory_space<vmem>> -> memref<512x32xf32, #tpu.memory_space<vmem>>
    %dma_start3A_1107 = arith.constant 0 : i32
    %dma_start3A_1108 = tpu.memref_slice %arg4[%add3A_1101, %dma_start3A_1107] : memref<819200x32xf32, #tpu.memory_space<hbm>> -> memref<512x32xf32, #tpu.memory_space<hbm>>
    %dma_start3A_1109 = arith.constant 0 : i32
    %dma_start3A_1110 = tpu.memref_slice %arg4[%add3A_1101, %dma_start3A_1109] : memref<819200x32xf32, #tpu.memory_space<hbm>> -> memref<512x32xf32, #tpu.memory_space<hbm>>
    %dma_start3A_1111 = arith.constant 0 : i32
    %dma_start3A_1112 = arith.constant 0 : i32
    %dma_start3A_1113 = tpu.memref_slice %arg6[%dma_start3A_1102, %dma_start3A_1111, %dma_start3A_1112] : memref<6x512x32xf32, #tpu.memory_space<vmem>> -> memref<1x512x32xf32, #tpu.memory_space<vmem>>
    %dma_start3A_1114 = tpu.memref_squeeze %dma_start3A_1113 : memref<1x512x32xf32, #tpu.memory_space<vmem>> -> memref<512x32xf32, #tpu.memory_space<vmem>>
    tpu.enqueue_dma source(%dma_start3A_1114 : memref<512x32xf32, #tpu.memory_space<vmem>>) target(%dma_start3A_1110 : memref<512x32xf32, #tpu.memory_space<hbm>>) target_semaphore(%arg15 : memref<!tpu.dma_semaphore, #tpu.memory_space<semaphore_mem>>)
    %dma_wait3A_1115 = arith.constant 1 : i32
    %dma_wait3A_1116 = arith.constant 0 : i32
    %dma_wait3A_1117 = arith.constant 0 : i32
    %dma_wait3A_1118 = tpu.memref_slice %arg6[%dma_wait3A_1115, %dma_wait3A_1116, %dma_wait3A_1117] : memref<6x512x32xf32, #tpu.memory_space<vmem>> -> memref<1x512x32xf32, #tpu.memory_space<vmem>>
    %dma_wait3A_1119 = tpu.memref_squeeze %dma_wait3A_1118 : memref<1x512x32xf32, #tpu.memory_space<vmem>> -> memref<512x32xf32, #tpu.memory_space<vmem>>
    %dma_wait3A_1120 = arith.constant 0 : i32
    %dma_wait3A_1121 = tpu.memref_slice %arg4[%add3A_1049, %dma_wait3A_1120] : memref<819200x32xf32, #tpu.memory_space<hbm>> -> memref<512x32xf32, #tpu.memory_space<hbm>>
    %dma_wait3A_1122 = arith.constant 0 : i32
    %dma_wait3A_1123 = tpu.memref_slice %arg4[%add3A_1049, %dma_wait3A_1122] : memref<819200x32xf32, #tpu.memory_space<hbm>> -> memref<512x32xf32, #tpu.memory_space<hbm>>
    %dma_wait3A_1124 = arith.constant 0 : i32
    %dma_wait3A_1125 = arith.constant 0 : i32
    %dma_wait3A_1126 = tpu.memref_slice %arg6[%dma_wait3A_1115, %dma_wait3A_1124, %dma_wait3A_1125] : memref<6x512x32xf32, #tpu.memory_space<vmem>> -> memref<1x512x32xf32, #tpu.memory_space<vmem>>
    %dma_wait3A_1127 = tpu.memref_squeeze %dma_wait3A_1126 : memref<1x512x32xf32, #tpu.memory_space<vmem>> -> memref<512x32xf32, #tpu.memory_space<vmem>>
    tpu.wait_dma2 semaphore(%arg14 : memref<!tpu.dma_semaphore, #tpu.memory_space<semaphore_mem>>) src(%dma_wait3A_1127 : memref<512x32xf32, #tpu.memory_space<vmem>>) dst(%dma_wait3A_1123 : memref<512x32xf32, #tpu.memory_space<hbm>>)
    %dma_start3A_1128 = arith.constant 25 : i32
    %dma_start3A_1129 = arith.constant 1 : i32
    %dma_start3A_1130 = arith.constant 0 : i32
    %dma_start3A_1131 = arith.constant 0 : i32
    %dma_start3A_1132 = tpu.memref_slice %arg6[%dma_start3A_1129, %dma_start3A_1130, %dma_start3A_1131] : memref<6x512x32xf32, #tpu.memory_space<vmem>> -> memref<1x512x32xf32, #tpu.memory_space<vmem>>
    %dma_start3A_1133 = tpu.memref_squeeze %dma_start3A_1132 : memref<1x512x32xf32, #tpu.memory_space<vmem>> -> memref<512x32xf32, #tpu.memory_space<vmem>>
    %dma_start3A_1134 = arith.constant 0 : i32
    %dma_start3A_1135 = tpu.memref_slice %arg5[%dma_start3A_1128, %dma_start3A_1134] : memref<50x512xi32, #tpu.memory_space<vmem>> -> memref<1x512xi32, #tpu.memory_space<vmem>>
    %dma_start3A_1136 = tpu.memref_squeeze %dma_start3A_1135 : memref<1x512xi32, #tpu.memory_space<vmem>> -> memref<512xi32, #tpu.memory_space<vmem>>
    %dma_start3A_1137 = arith.constant 0 : i32
    %dma_start3A_1138 = arith.constant 0 : i32
    %dma_start3A_1139 = tpu.memref_slice %arg3[%dma_start3A_1137, %dma_start3A_1138] : memref<1000000x32xf32, #tpu.memory_space<hbm>> -> memref<1000000x32xf32, #tpu.memory_space<hbm>>
    tpu.enqueue_indirect_dma source(%dma_start3A_1139 : memref<1000000x32xf32, #tpu.memory_space<hbm>>) target(%dma_start3A_1133 : memref<512x32xf32, #tpu.memory_space<vmem>>) offsets(%dma_start3A_1136 : memref<512xi32, #tpu.memory_space<vmem>>) semaphore(%arg8 : memref<!tpu.dma_semaphore, #tpu.memory_space<semaphore_mem>>)
    %dma_wait3A_1140 = arith.constant 21 : i32
    %dma_wait3A_1141 = arith.constant 3 : i32
    %dma_wait3A_1142 = arith.constant 0 : i32
    %dma_wait3A_1143 = arith.constant 0 : i32
    %dma_wait3A_1144 = tpu.memref_slice %arg6[%dma_wait3A_1141, %dma_wait3A_1142, %dma_wait3A_1143] : memref<6x512x32xf32, #tpu.memory_space<vmem>> -> memref<1x512x32xf32, #tpu.memory_space<vmem>>
    %dma_wait3A_1145 = tpu.memref_squeeze %dma_wait3A_1144 : memref<1x512x32xf32, #tpu.memory_space<vmem>> -> memref<512x32xf32, #tpu.memory_space<vmem>>
    %dma_wait3A_1146 = arith.constant 0 : i32
    %dma_wait3A_1147 = tpu.memref_slice %arg5[%dma_wait3A_1140, %dma_wait3A_1146] : memref<50x512xi32, #tpu.memory_space<vmem>> -> memref<1x512xi32, #tpu.memory_space<vmem>>
    %dma_wait3A_1148 = tpu.memref_squeeze %dma_wait3A_1147 : memref<1x512xi32, #tpu.memory_space<vmem>> -> memref<512xi32, #tpu.memory_space<vmem>>
    %dma_wait3A_1149 = arith.constant 0 : i32
    %dma_wait3A_1150 = arith.constant 0 : i32
    %dma_wait3A_1151 = tpu.memref_slice %arg3[%dma_wait3A_1149, %dma_wait3A_1150] : memref<1000000x32xf32, #tpu.memory_space<hbm>> -> memref<1000000x32xf32, #tpu.memory_space<hbm>>
    tpu.wait_indirect_dma semaphore(%arg10 : memref<!tpu.dma_semaphore, #tpu.memory_space<semaphore_mem>>) src(%dma_wait3A_1151 : memref<1000000x32xf32, #tpu.memory_space<hbm>>) dst(%dma_wait3A_1145 : memref<512x32xf32, #tpu.memory_space<vmem>>)
    %add3A_1152 = arith.constant 10752 : i32
    %add3A_1153 = arith.addi %mul3A_2, %add3A_1152 : i32
    %dma_start3A_1154 = arith.constant 3 : i32
    %dma_start3A_1155 = arith.constant 0 : i32
    %dma_start3A_1156 = arith.constant 0 : i32
    %dma_start3A_1157 = tpu.memref_slice %arg6[%dma_start3A_1154, %dma_start3A_1155, %dma_start3A_1156] : memref<6x512x32xf32, #tpu.memory_space<vmem>> -> memref<1x512x32xf32, #tpu.memory_space<vmem>>
    %dma_start3A_1158 = tpu.memref_squeeze %dma_start3A_1157 : memref<1x512x32xf32, #tpu.memory_space<vmem>> -> memref<512x32xf32, #tpu.memory_space<vmem>>
    %dma_start3A_1159 = arith.constant 0 : i32
    %dma_start3A_1160 = tpu.memref_slice %arg4[%add3A_1153, %dma_start3A_1159] : memref<819200x32xf32, #tpu.memory_space<hbm>> -> memref<512x32xf32, #tpu.memory_space<hbm>>
    %dma_start3A_1161 = arith.constant 0 : i32
    %dma_start3A_1162 = tpu.memref_slice %arg4[%add3A_1153, %dma_start3A_1161] : memref<819200x32xf32, #tpu.memory_space<hbm>> -> memref<512x32xf32, #tpu.memory_space<hbm>>
    %dma_start3A_1163 = arith.constant 0 : i32
    %dma_start3A_1164 = arith.constant 0 : i32
    %dma_start3A_1165 = tpu.memref_slice %arg6[%dma_start3A_1154, %dma_start3A_1163, %dma_start3A_1164] : memref<6x512x32xf32, #tpu.memory_space<vmem>> -> memref<1x512x32xf32, #tpu.memory_space<vmem>>
    %dma_start3A_1166 = tpu.memref_squeeze %dma_start3A_1165 : memref<1x512x32xf32, #tpu.memory_space<vmem>> -> memref<512x32xf32, #tpu.memory_space<vmem>>
    tpu.enqueue_dma source(%dma_start3A_1166 : memref<512x32xf32, #tpu.memory_space<vmem>>) target(%dma_start3A_1162 : memref<512x32xf32, #tpu.memory_space<hbm>>) target_semaphore(%arg16 : memref<!tpu.dma_semaphore, #tpu.memory_space<semaphore_mem>>)
    %dma_wait3A_1167 = arith.constant 2 : i32
    %dma_wait3A_1168 = arith.constant 0 : i32
    %dma_wait3A_1169 = arith.constant 0 : i32
    %dma_wait3A_1170 = tpu.memref_slice %arg6[%dma_wait3A_1167, %dma_wait3A_1168, %dma_wait3A_1169] : memref<6x512x32xf32, #tpu.memory_space<vmem>> -> memref<1x512x32xf32, #tpu.memory_space<vmem>>
    %dma_wait3A_1171 = tpu.memref_squeeze %dma_wait3A_1170 : memref<1x512x32xf32, #tpu.memory_space<vmem>> -> memref<512x32xf32, #tpu.memory_space<vmem>>
    %dma_wait3A_1172 = arith.constant 0 : i32
    %dma_wait3A_1173 = tpu.memref_slice %arg4[%add3A_1101, %dma_wait3A_1172] : memref<819200x32xf32, #tpu.memory_space<hbm>> -> memref<512x32xf32, #tpu.memory_space<hbm>>
    %dma_wait3A_1174 = arith.constant 0 : i32
    %dma_wait3A_1175 = tpu.memref_slice %arg4[%add3A_1101, %dma_wait3A_1174] : memref<819200x32xf32, #tpu.memory_space<hbm>> -> memref<512x32xf32, #tpu.memory_space<hbm>>
    %dma_wait3A_1176 = arith.constant 0 : i32
    %dma_wait3A_1177 = arith.constant 0 : i32
    %dma_wait3A_1178 = tpu.memref_slice %arg6[%dma_wait3A_1167, %dma_wait3A_1176, %dma_wait3A_1177] : memref<6x512x32xf32, #tpu.memory_space<vmem>> -> memref<1x512x32xf32, #tpu.memory_space<vmem>>
    %dma_wait3A_1179 = tpu.memref_squeeze %dma_wait3A_1178 : memref<1x512x32xf32, #tpu.memory_space<vmem>> -> memref<512x32xf32, #tpu.memory_space<vmem>>
    tpu.wait_dma2 semaphore(%arg15 : memref<!tpu.dma_semaphore, #tpu.memory_space<semaphore_mem>>) src(%dma_wait3A_1179 : memref<512x32xf32, #tpu.memory_space<vmem>>) dst(%dma_wait3A_1175 : memref<512x32xf32, #tpu.memory_space<hbm>>)
    %dma_start3A_1180 = arith.constant 26 : i32
    %dma_start3A_1181 = arith.constant 2 : i32
    %dma_start3A_1182 = arith.constant 0 : i32
    %dma_start3A_1183 = arith.constant 0 : i32
    %dma_start3A_1184 = tpu.memref_slice %arg6[%dma_start3A_1181, %dma_start3A_1182, %dma_start3A_1183] : memref<6x512x32xf32, #tpu.memory_space<vmem>> -> memref<1x512x32xf32, #tpu.memory_space<vmem>>
    %dma_start3A_1185 = tpu.memref_squeeze %dma_start3A_1184 : memref<1x512x32xf32, #tpu.memory_space<vmem>> -> memref<512x32xf32, #tpu.memory_space<vmem>>
    %dma_start3A_1186 = arith.constant 0 : i32
    %dma_start3A_1187 = tpu.memref_slice %arg5[%dma_start3A_1180, %dma_start3A_1186] : memref<50x512xi32, #tpu.memory_space<vmem>> -> memref<1x512xi32, #tpu.memory_space<vmem>>
    %dma_start3A_1188 = tpu.memref_squeeze %dma_start3A_1187 : memref<1x512xi32, #tpu.memory_space<vmem>> -> memref<512xi32, #tpu.memory_space<vmem>>
    %dma_start3A_1189 = arith.constant 0 : i32
    %dma_start3A_1190 = arith.constant 0 : i32
    %dma_start3A_1191 = tpu.memref_slice %arg3[%dma_start3A_1189, %dma_start3A_1190] : memref<1000000x32xf32, #tpu.memory_space<hbm>> -> memref<1000000x32xf32, #tpu.memory_space<hbm>>
    tpu.enqueue_indirect_dma source(%dma_start3A_1191 : memref<1000000x32xf32, #tpu.memory_space<hbm>>) target(%dma_start3A_1185 : memref<512x32xf32, #tpu.memory_space<vmem>>) offsets(%dma_start3A_1188 : memref<512xi32, #tpu.memory_space<vmem>>) semaphore(%arg9 : memref<!tpu.dma_semaphore, #tpu.memory_space<semaphore_mem>>)
    %dma_wait3A_1192 = arith.constant 22 : i32
    %dma_wait3A_1193 = arith.constant 4 : i32
    %dma_wait3A_1194 = arith.constant 0 : i32
    %dma_wait3A_1195 = arith.constant 0 : i32
    %dma_wait3A_1196 = tpu.memref_slice %arg6[%dma_wait3A_1193, %dma_wait3A_1194, %dma_wait3A_1195] : memref<6x512x32xf32, #tpu.memory_space<vmem>> -> memref<1x512x32xf32, #tpu.memory_space<vmem>>
    %dma_wait3A_1197 = tpu.memref_squeeze %dma_wait3A_1196 : memref<1x512x32xf32, #tpu.memory_space<vmem>> -> memref<512x32xf32, #tpu.memory_space<vmem>>
    %dma_wait3A_1198 = arith.constant 0 : i32
    %dma_wait3A_1199 = tpu.memref_slice %arg5[%dma_wait3A_1192, %dma_wait3A_1198] : memref<50x512xi32, #tpu.memory_space<vmem>> -> memref<1x512xi32, #tpu.memory_space<vmem>>
    %dma_wait3A_1200 = tpu.memref_squeeze %dma_wait3A_1199 : memref<1x512xi32, #tpu.memory_space<vmem>> -> memref<512xi32, #tpu.memory_space<vmem>>
    %dma_wait3A_1201 = arith.constant 0 : i32
    %dma_wait3A_1202 = arith.constant 0 : i32
    %dma_wait3A_1203 = tpu.memref_slice %arg3[%dma_wait3A_1201, %dma_wait3A_1202] : memref<1000000x32xf32, #tpu.memory_space<hbm>> -> memref<1000000x32xf32, #tpu.memory_space<hbm>>
    tpu.wait_indirect_dma semaphore(%arg11 : memref<!tpu.dma_semaphore, #tpu.memory_space<semaphore_mem>>) src(%dma_wait3A_1203 : memref<1000000x32xf32, #tpu.memory_space<hbm>>) dst(%dma_wait3A_1197 : memref<512x32xf32, #tpu.memory_space<vmem>>)
    %add3A_1204 = arith.constant 11264 : i32
    %add3A_1205 = arith.addi %mul3A_2, %add3A_1204 : i32
    %dma_start3A_1206 = arith.constant 4 : i32
    %dma_start3A_1207 = arith.constant 0 : i32
    %dma_start3A_1208 = arith.constant 0 : i32
    %dma_start3A_1209 = tpu.memref_slice %arg6[%dma_start3A_1206, %dma_start3A_1207, %dma_start3A_1208] : memref<6x512x32xf32, #tpu.memory_space<vmem>> -> memref<1x512x32xf32, #tpu.memory_space<vmem>>
    %dma_start3A_1210 = tpu.memref_squeeze %dma_start3A_1209 : memref<1x512x32xf32, #tpu.memory_space<vmem>> -> memref<512x32xf32, #tpu.memory_space<vmem>>
    %dma_start3A_1211 = arith.constant 0 : i32
    %dma_start3A_1212 = tpu.memref_slice %arg4[%add3A_1205, %dma_start3A_1211] : memref<819200x32xf32, #tpu.memory_space<hbm>> -> memref<512x32xf32, #tpu.memory_space<hbm>>
    %dma_start3A_1213 = arith.constant 0 : i32
    %dma_start3A_1214 = tpu.memref_slice %arg4[%add3A_1205, %dma_start3A_1213] : memref<819200x32xf32, #tpu.memory_space<hbm>> -> memref<512x32xf32, #tpu.memory_space<hbm>>
    %dma_start3A_1215 = arith.constant 0 : i32
    %dma_start3A_1216 = arith.constant 0 : i32
    %dma_start3A_1217 = tpu.memref_slice %arg6[%dma_start3A_1206, %dma_start3A_1215, %dma_start3A_1216] : memref<6x512x32xf32, #tpu.memory_space<vmem>> -> memref<1x512x32xf32, #tpu.memory_space<vmem>>
    %dma_start3A_1218 = tpu.memref_squeeze %dma_start3A_1217 : memref<1x512x32xf32, #tpu.memory_space<vmem>> -> memref<512x32xf32, #tpu.memory_space<vmem>>
    tpu.enqueue_dma source(%dma_start3A_1218 : memref<512x32xf32, #tpu.memory_space<vmem>>) target(%dma_start3A_1214 : memref<512x32xf32, #tpu.memory_space<hbm>>) target_semaphore(%arg17 : memref<!tpu.dma_semaphore, #tpu.memory_space<semaphore_mem>>)
    %dma_wait3A_1219 = arith.constant 3 : i32
    %dma_wait3A_1220 = arith.constant 0 : i32
    %dma_wait3A_1221 = arith.constant 0 : i32
    %dma_wait3A_1222 = tpu.memref_slice %arg6[%dma_wait3A_1219, %dma_wait3A_1220, %dma_wait3A_1221] : memref<6x512x32xf32, #tpu.memory_space<vmem>> -> memref<1x512x32xf32, #tpu.memory_space<vmem>>
    %dma_wait3A_1223 = tpu.memref_squeeze %dma_wait3A_1222 : memref<1x512x32xf32, #tpu.memory_space<vmem>> -> memref<512x32xf32, #tpu.memory_space<vmem>>
    %dma_wait3A_1224 = arith.constant 0 : i32
    %dma_wait3A_1225 = tpu.memref_slice %arg4[%add3A_1153, %dma_wait3A_1224] : memref<819200x32xf32, #tpu.memory_space<hbm>> -> memref<512x32xf32, #tpu.memory_space<hbm>>
    %dma_wait3A_1226 = arith.constant 0 : i32
    %dma_wait3A_1227 = tpu.memref_slice %arg4[%add3A_1153, %dma_wait3A_1226] : memref<819200x32xf32, #tpu.memory_space<hbm>> -> memref<512x32xf32, #tpu.memory_space<hbm>>
    %dma_wait3A_1228 = arith.constant 0 : i32
    %dma_wait3A_1229 = arith.constant 0 : i32
    %dma_wait3A_1230 = tpu.memref_slice %arg6[%dma_wait3A_1219, %dma_wait3A_1228, %dma_wait3A_1229] : memref<6x512x32xf32, #tpu.memory_space<vmem>> -> memref<1x512x32xf32, #tpu.memory_space<vmem>>
    %dma_wait3A_1231 = tpu.memref_squeeze %dma_wait3A_1230 : memref<1x512x32xf32, #tpu.memory_space<vmem>> -> memref<512x32xf32, #tpu.memory_space<vmem>>
    tpu.wait_dma2 semaphore(%arg16 : memref<!tpu.dma_semaphore, #tpu.memory_space<semaphore_mem>>) src(%dma_wait3A_1231 : memref<512x32xf32, #tpu.memory_space<vmem>>) dst(%dma_wait3A_1227 : memref<512x32xf32, #tpu.memory_space<hbm>>)
    %dma_start3A_1232 = arith.constant 27 : i32
    %dma_start3A_1233 = arith.constant 3 : i32
    %dma_start3A_1234 = arith.constant 0 : i32
    %dma_start3A_1235 = arith.constant 0 : i32
    %dma_start3A_1236 = tpu.memref_slice %arg6[%dma_start3A_1233, %dma_start3A_1234, %dma_start3A_1235] : memref<6x512x32xf32, #tpu.memory_space<vmem>> -> memref<1x512x32xf32, #tpu.memory_space<vmem>>
    %dma_start3A_1237 = tpu.memref_squeeze %dma_start3A_1236 : memref<1x512x32xf32, #tpu.memory_space<vmem>> -> memref<512x32xf32, #tpu.memory_space<vmem>>
    %dma_start3A_1238 = arith.constant 0 : i32
    %dma_start3A_1239 = tpu.memref_slice %arg5[%dma_start3A_1232, %dma_start3A_1238] : memref<50x512xi32, #tpu.memory_space<vmem>> -> memref<1x512xi32, #tpu.memory_space<vmem>>
    %dma_start3A_1240 = tpu.memref_squeeze %dma_start3A_1239 : memref<1x512xi32, #tpu.memory_space<vmem>> -> memref<512xi32, #tpu.memory_space<vmem>>
    %dma_start3A_1241 = arith.constant 0 : i32
    %dma_start3A_1242 = arith.constant 0 : i32
    %dma_start3A_1243 = tpu.memref_slice %arg3[%dma_start3A_1241, %dma_start3A_1242] : memref<1000000x32xf32, #tpu.memory_space<hbm>> -> memref<1000000x32xf32, #tpu.memory_space<hbm>>
    tpu.enqueue_indirect_dma source(%dma_start3A_1243 : memref<1000000x32xf32, #tpu.memory_space<hbm>>) target(%dma_start3A_1237 : memref<512x32xf32, #tpu.memory_space<vmem>>) offsets(%dma_start3A_1240 : memref<512xi32, #tpu.memory_space<vmem>>) semaphore(%arg10 : memref<!tpu.dma_semaphore, #tpu.memory_space<semaphore_mem>>)
    %dma_wait3A_1244 = arith.constant 23 : i32
    %dma_wait3A_1245 = arith.constant 5 : i32
    %dma_wait3A_1246 = arith.constant 0 : i32
    %dma_wait3A_1247 = arith.constant 0 : i32
    %dma_wait3A_1248 = tpu.memref_slice %arg6[%dma_wait3A_1245, %dma_wait3A_1246, %dma_wait3A_1247] : memref<6x512x32xf32, #tpu.memory_space<vmem>> -> memref<1x512x32xf32, #tpu.memory_space<vmem>>
    %dma_wait3A_1249 = tpu.memref_squeeze %dma_wait3A_1248 : memref<1x512x32xf32, #tpu.memory_space<vmem>> -> memref<512x32xf32, #tpu.memory_space<vmem>>
    %dma_wait3A_1250 = arith.constant 0 : i32
    %dma_wait3A_1251 = tpu.memref_slice %arg5[%dma_wait3A_1244, %dma_wait3A_1250] : memref<50x512xi32, #tpu.memory_space<vmem>> -> memref<1x512xi32, #tpu.memory_space<vmem>>
    %dma_wait3A_1252 = tpu.memref_squeeze %dma_wait3A_1251 : memref<1x512xi32, #tpu.memory_space<vmem>> -> memref<512xi32, #tpu.memory_space<vmem>>
    %dma_wait3A_1253 = arith.constant 0 : i32
    %dma_wait3A_1254 = arith.constant 0 : i32
    %dma_wait3A_1255 = tpu.memref_slice %arg3[%dma_wait3A_1253, %dma_wait3A_1254] : memref<1000000x32xf32, #tpu.memory_space<hbm>> -> memref<1000000x32xf32, #tpu.memory_space<hbm>>
    tpu.wait_indirect_dma semaphore(%arg12 : memref<!tpu.dma_semaphore, #tpu.memory_space<semaphore_mem>>) src(%dma_wait3A_1255 : memref<1000000x32xf32, #tpu.memory_space<hbm>>) dst(%dma_wait3A_1249 : memref<512x32xf32, #tpu.memory_space<vmem>>)
    %add3A_1256 = arith.constant 11776 : i32
    %add3A_1257 = arith.addi %mul3A_2, %add3A_1256 : i32
    %dma_start3A_1258 = arith.constant 5 : i32
    %dma_start3A_1259 = arith.constant 0 : i32
    %dma_start3A_1260 = arith.constant 0 : i32
    %dma_start3A_1261 = tpu.memref_slice %arg6[%dma_start3A_1258, %dma_start3A_1259, %dma_start3A_1260] : memref<6x512x32xf32, #tpu.memory_space<vmem>> -> memref<1x512x32xf32, #tpu.memory_space<vmem>>
    %dma_start3A_1262 = tpu.memref_squeeze %dma_start3A_1261 : memref<1x512x32xf32, #tpu.memory_space<vmem>> -> memref<512x32xf32, #tpu.memory_space<vmem>>
    %dma_start3A_1263 = arith.constant 0 : i32
    %dma_start3A_1264 = tpu.memref_slice %arg4[%add3A_1257, %dma_start3A_1263] : memref<819200x32xf32, #tpu.memory_space<hbm>> -> memref<512x32xf32, #tpu.memory_space<hbm>>
    %dma_start3A_1265 = arith.constant 0 : i32
    %dma_start3A_1266 = tpu.memref_slice %arg4[%add3A_1257, %dma_start3A_1265] : memref<819200x32xf32, #tpu.memory_space<hbm>> -> memref<512x32xf32, #tpu.memory_space<hbm>>
    %dma_start3A_1267 = arith.constant 0 : i32
    %dma_start3A_1268 = arith.constant 0 : i32
    %dma_start3A_1269 = tpu.memref_slice %arg6[%dma_start3A_1258, %dma_start3A_1267, %dma_start3A_1268] : memref<6x512x32xf32, #tpu.memory_space<vmem>> -> memref<1x512x32xf32, #tpu.memory_space<vmem>>
    %dma_start3A_1270 = tpu.memref_squeeze %dma_start3A_1269 : memref<1x512x32xf32, #tpu.memory_space<vmem>> -> memref<512x32xf32, #tpu.memory_space<vmem>>
    tpu.enqueue_dma source(%dma_start3A_1270 : memref<512x32xf32, #tpu.memory_space<vmem>>) target(%dma_start3A_1266 : memref<512x32xf32, #tpu.memory_space<hbm>>) target_semaphore(%arg18 : memref<!tpu.dma_semaphore, #tpu.memory_space<semaphore_mem>>)
    %dma_wait3A_1271 = arith.constant 4 : i32
    %dma_wait3A_1272 = arith.constant 0 : i32
    %dma_wait3A_1273 = arith.constant 0 : i32
    %dma_wait3A_1274 = tpu.memref_slice %arg6[%dma_wait3A_1271, %dma_wait3A_1272, %dma_wait3A_1273] : memref<6x512x32xf32, #tpu.memory_space<vmem>> -> memref<1x512x32xf32, #tpu.memory_space<vmem>>
    %dma_wait3A_1275 = tpu.memref_squeeze %dma_wait3A_1274 : memref<1x512x32xf32, #tpu.memory_space<vmem>> -> memref<512x32xf32, #tpu.memory_space<vmem>>
    %dma_wait3A_1276 = arith.constant 0 : i32
    %dma_wait3A_1277 = tpu.memref_slice %arg4[%add3A_1205, %dma_wait3A_1276] : memref<819200x32xf32, #tpu.memory_space<hbm>> -> memref<512x32xf32, #tpu.memory_space<hbm>>
    %dma_wait3A_1278 = arith.constant 0 : i32
    %dma_wait3A_1279 = tpu.memref_slice %arg4[%add3A_1205, %dma_wait3A_1278] : memref<819200x32xf32, #tpu.memory_space<hbm>> -> memref<512x32xf32, #tpu.memory_space<hbm>>
    %dma_wait3A_1280 = arith.constant 0 : i32
    %dma_wait3A_1281 = arith.constant 0 : i32
    %dma_wait3A_1282 = tpu.memref_slice %arg6[%dma_wait3A_1271, %dma_wait3A_1280, %dma_wait3A_1281] : memref<6x512x32xf32, #tpu.memory_space<vmem>> -> memref<1x512x32xf32, #tpu.memory_space<vmem>>
    %dma_wait3A_1283 = tpu.memref_squeeze %dma_wait3A_1282 : memref<1x512x32xf32, #tpu.memory_space<vmem>> -> memref<512x32xf32, #tpu.memory_space<vmem>>
    tpu.wait_dma2 semaphore(%arg17 : memref<!tpu.dma_semaphore, #tpu.memory_space<semaphore_mem>>) src(%dma_wait3A_1283 : memref<512x32xf32, #tpu.memory_space<vmem>>) dst(%dma_wait3A_1279 : memref<512x32xf32, #tpu.memory_space<hbm>>)
    %dma_start3A_1284 = arith.constant 28 : i32
    %dma_start3A_1285 = arith.constant 4 : i32
    %dma_start3A_1286 = arith.constant 0 : i32
    %dma_start3A_1287 = arith.constant 0 : i32
    %dma_start3A_1288 = tpu.memref_slice %arg6[%dma_start3A_1285, %dma_start3A_1286, %dma_start3A_1287] : memref<6x512x32xf32, #tpu.memory_space<vmem>> -> memref<1x512x32xf32, #tpu.memory_space<vmem>>
    %dma_start3A_1289 = tpu.memref_squeeze %dma_start3A_1288 : memref<1x512x32xf32, #tpu.memory_space<vmem>> -> memref<512x32xf32, #tpu.memory_space<vmem>>
    %dma_start3A_1290 = arith.constant 0 : i32
    %dma_start3A_1291 = tpu.memref_slice %arg5[%dma_start3A_1284, %dma_start3A_1290] : memref<50x512xi32, #tpu.memory_space<vmem>> -> memref<1x512xi32, #tpu.memory_space<vmem>>
    %dma_start3A_1292 = tpu.memref_squeeze %dma_start3A_1291 : memref<1x512xi32, #tpu.memory_space<vmem>> -> memref<512xi32, #tpu.memory_space<vmem>>
    %dma_start3A_1293 = arith.constant 0 : i32
    %dma_start3A_1294 = arith.constant 0 : i32
    %dma_start3A_1295 = tpu.memref_slice %arg3[%dma_start3A_1293, %dma_start3A_1294] : memref<1000000x32xf32, #tpu.memory_space<hbm>> -> memref<1000000x32xf32, #tpu.memory_space<hbm>>
    tpu.enqueue_indirect_dma source(%dma_start3A_1295 : memref<1000000x32xf32, #tpu.memory_space<hbm>>) target(%dma_start3A_1289 : memref<512x32xf32, #tpu.memory_space<vmem>>) offsets(%dma_start3A_1292 : memref<512xi32, #tpu.memory_space<vmem>>) semaphore(%arg11 : memref<!tpu.dma_semaphore, #tpu.memory_space<semaphore_mem>>)
    %dma_wait3A_1296 = arith.constant 24 : i32
    %dma_wait3A_1297 = arith.constant 0 : i32
    %dma_wait3A_1298 = arith.constant 0 : i32
    %dma_wait3A_1299 = arith.constant 0 : i32
    %dma_wait3A_1300 = tpu.memref_slice %arg6[%dma_wait3A_1297, %dma_wait3A_1298, %dma_wait3A_1299] : memref<6x512x32xf32, #tpu.memory_space<vmem>> -> memref<1x512x32xf32, #tpu.memory_space<vmem>>
    %dma_wait3A_1301 = tpu.memref_squeeze %dma_wait3A_1300 : memref<1x512x32xf32, #tpu.memory_space<vmem>> -> memref<512x32xf32, #tpu.memory_space<vmem>>
    %dma_wait3A_1302 = arith.constant 0 : i32
    %dma_wait3A_1303 = tpu.memref_slice %arg5[%dma_wait3A_1296, %dma_wait3A_1302] : memref<50x512xi32, #tpu.memory_space<vmem>> -> memref<1x512xi32, #tpu.memory_space<vmem>>
    %dma_wait3A_1304 = tpu.memref_squeeze %dma_wait3A_1303 : memref<1x512xi32, #tpu.memory_space<vmem>> -> memref<512xi32, #tpu.memory_space<vmem>>
    %dma_wait3A_1305 = arith.constant 0 : i32
    %dma_wait3A_1306 = arith.constant 0 : i32
    %dma_wait3A_1307 = tpu.memref_slice %arg3[%dma_wait3A_1305, %dma_wait3A_1306] : memref<1000000x32xf32, #tpu.memory_space<hbm>> -> memref<1000000x32xf32, #tpu.memory_space<hbm>>
    tpu.wait_indirect_dma semaphore(%arg7 : memref<!tpu.dma_semaphore, #tpu.memory_space<semaphore_mem>>) src(%dma_wait3A_1307 : memref<1000000x32xf32, #tpu.memory_space<hbm>>) dst(%dma_wait3A_1301 : memref<512x32xf32, #tpu.memory_space<vmem>>)
    %add3A_1308 = arith.constant 12288 : i32
    %add3A_1309 = arith.addi %mul3A_2, %add3A_1308 : i32
    %dma_start3A_1310 = arith.constant 0 : i32
    %dma_start3A_1311 = arith.constant 0 : i32
    %dma_start3A_1312 = arith.constant 0 : i32
    %dma_start3A_1313 = tpu.memref_slice %arg6[%dma_start3A_1310, %dma_start3A_1311, %dma_start3A_1312] : memref<6x512x32xf32, #tpu.memory_space<vmem>> -> memref<1x512x32xf32, #tpu.memory_space<vmem>>
    %dma_start3A_1314 = tpu.memref_squeeze %dma_start3A_1313 : memref<1x512x32xf32, #tpu.memory_space<vmem>> -> memref<512x32xf32, #tpu.memory_space<vmem>>
    %dma_start3A_1315 = arith.constant 0 : i32
    %dma_start3A_1316 = tpu.memref_slice %arg4[%add3A_1309, %dma_start3A_1315] : memref<819200x32xf32, #tpu.memory_space<hbm>> -> memref<512x32xf32, #tpu.memory_space<hbm>>
    %dma_start3A_1317 = arith.constant 0 : i32
    %dma_start3A_1318 = tpu.memref_slice %arg4[%add3A_1309, %dma_start3A_1317] : memref<819200x32xf32, #tpu.memory_space<hbm>> -> memref<512x32xf32, #tpu.memory_space<hbm>>
    %dma_start3A_1319 = arith.constant 0 : i32
    %dma_start3A_1320 = arith.constant 0 : i32
    %dma_start3A_1321 = tpu.memref_slice %arg6[%dma_start3A_1310, %dma_start3A_1319, %dma_start3A_1320] : memref<6x512x32xf32, #tpu.memory_space<vmem>> -> memref<1x512x32xf32, #tpu.memory_space<vmem>>
    %dma_start3A_1322 = tpu.memref_squeeze %dma_start3A_1321 : memref<1x512x32xf32, #tpu.memory_space<vmem>> -> memref<512x32xf32, #tpu.memory_space<vmem>>
    tpu.enqueue_dma source(%dma_start3A_1322 : memref<512x32xf32, #tpu.memory_space<vmem>>) target(%dma_start3A_1318 : memref<512x32xf32, #tpu.memory_space<hbm>>) target_semaphore(%arg13 : memref<!tpu.dma_semaphore, #tpu.memory_space<semaphore_mem>>)
    %dma_wait3A_1323 = arith.constant 5 : i32
    %dma_wait3A_1324 = arith.constant 0 : i32
    %dma_wait3A_1325 = arith.constant 0 : i32
    %dma_wait3A_1326 = tpu.memref_slice %arg6[%dma_wait3A_1323, %dma_wait3A_1324, %dma_wait3A_1325] : memref<6x512x32xf32, #tpu.memory_space<vmem>> -> memref<1x512x32xf32, #tpu.memory_space<vmem>>
    %dma_wait3A_1327 = tpu.memref_squeeze %dma_wait3A_1326 : memref<1x512x32xf32, #tpu.memory_space<vmem>> -> memref<512x32xf32, #tpu.memory_space<vmem>>
    %dma_wait3A_1328 = arith.constant 0 : i32
    %dma_wait3A_1329 = tpu.memref_slice %arg4[%add3A_1257, %dma_wait3A_1328] : memref<819200x32xf32, #tpu.memory_space<hbm>> -> memref<512x32xf32, #tpu.memory_space<hbm>>
    %dma_wait3A_1330 = arith.constant 0 : i32
    %dma_wait3A_1331 = tpu.memref_slice %arg4[%add3A_1257, %dma_wait3A_1330] : memref<819200x32xf32, #tpu.memory_space<hbm>> -> memref<512x32xf32, #tpu.memory_space<hbm>>
    %dma_wait3A_1332 = arith.constant 0 : i32
    %dma_wait3A_1333 = arith.constant 0 : i32
    %dma_wait3A_1334 = tpu.memref_slice %arg6[%dma_wait3A_1323, %dma_wait3A_1332, %dma_wait3A_1333] : memref<6x512x32xf32, #tpu.memory_space<vmem>> -> memref<1x512x32xf32, #tpu.memory_space<vmem>>
    %dma_wait3A_1335 = tpu.memref_squeeze %dma_wait3A_1334 : memref<1x512x32xf32, #tpu.memory_space<vmem>> -> memref<512x32xf32, #tpu.memory_space<vmem>>
    tpu.wait_dma2 semaphore(%arg18 : memref<!tpu.dma_semaphore, #tpu.memory_space<semaphore_mem>>) src(%dma_wait3A_1335 : memref<512x32xf32, #tpu.memory_space<vmem>>) dst(%dma_wait3A_1331 : memref<512x32xf32, #tpu.memory_space<hbm>>)
    %dma_start3A_1336 = arith.constant 29 : i32
    %dma_start3A_1337 = arith.constant 5 : i32
    %dma_start3A_1338 = arith.constant 0 : i32
    %dma_start3A_1339 = arith.constant 0 : i32
    %dma_start3A_1340 = tpu.memref_slice %arg6[%dma_start3A_1337, %dma_start3A_1338, %dma_start3A_1339] : memref<6x512x32xf32, #tpu.memory_space<vmem>> -> memref<1x512x32xf32, #tpu.memory_space<vmem>>
    %dma_start3A_1341 = tpu.memref_squeeze %dma_start3A_1340 : memref<1x512x32xf32, #tpu.memory_space<vmem>> -> memref<512x32xf32, #tpu.memory_space<vmem>>
    %dma_start3A_1342 = arith.constant 0 : i32
    %dma_start3A_1343 = tpu.memref_slice %arg5[%dma_start3A_1336, %dma_start3A_1342] : memref<50x512xi32, #tpu.memory_space<vmem>> -> memref<1x512xi32, #tpu.memory_space<vmem>>
    %dma_start3A_1344 = tpu.memref_squeeze %dma_start3A_1343 : memref<1x512xi32, #tpu.memory_space<vmem>> -> memref<512xi32, #tpu.memory_space<vmem>>
    %dma_start3A_1345 = arith.constant 0 : i32
    %dma_start3A_1346 = arith.constant 0 : i32
    %dma_start3A_1347 = tpu.memref_slice %arg3[%dma_start3A_1345, %dma_start3A_1346] : memref<1000000x32xf32, #tpu.memory_space<hbm>> -> memref<1000000x32xf32, #tpu.memory_space<hbm>>
    tpu.enqueue_indirect_dma source(%dma_start3A_1347 : memref<1000000x32xf32, #tpu.memory_space<hbm>>) target(%dma_start3A_1341 : memref<512x32xf32, #tpu.memory_space<vmem>>) offsets(%dma_start3A_1344 : memref<512xi32, #tpu.memory_space<vmem>>) semaphore(%arg12 : memref<!tpu.dma_semaphore, #tpu.memory_space<semaphore_mem>>)
    %dma_wait3A_1348 = arith.constant 25 : i32
    %dma_wait3A_1349 = arith.constant 1 : i32
    %dma_wait3A_1350 = arith.constant 0 : i32
    %dma_wait3A_1351 = arith.constant 0 : i32
    %dma_wait3A_1352 = tpu.memref_slice %arg6[%dma_wait3A_1349, %dma_wait3A_1350, %dma_wait3A_1351] : memref<6x512x32xf32, #tpu.memory_space<vmem>> -> memref<1x512x32xf32, #tpu.memory_space<vmem>>
    %dma_wait3A_1353 = tpu.memref_squeeze %dma_wait3A_1352 : memref<1x512x32xf32, #tpu.memory_space<vmem>> -> memref<512x32xf32, #tpu.memory_space<vmem>>
    %dma_wait3A_1354 = arith.constant 0 : i32
    %dma_wait3A_1355 = tpu.memref_slice %arg5[%dma_wait3A_1348, %dma_wait3A_1354] : memref<50x512xi32, #tpu.memory_space<vmem>> -> memref<1x512xi32, #tpu.memory_space<vmem>>
    %dma_wait3A_1356 = tpu.memref_squeeze %dma_wait3A_1355 : memref<1x512xi32, #tpu.memory_space<vmem>> -> memref<512xi32, #tpu.memory_space<vmem>>
    %dma_wait3A_1357 = arith.constant 0 : i32
    %dma_wait3A_1358 = arith.constant 0 : i32
    %dma_wait3A_1359 = tpu.memref_slice %arg3[%dma_wait3A_1357, %dma_wait3A_1358] : memref<1000000x32xf32, #tpu.memory_space<hbm>> -> memref<1000000x32xf32, #tpu.memory_space<hbm>>
    tpu.wait_indirect_dma semaphore(%arg8 : memref<!tpu.dma_semaphore, #tpu.memory_space<semaphore_mem>>) src(%dma_wait3A_1359 : memref<1000000x32xf32, #tpu.memory_space<hbm>>) dst(%dma_wait3A_1353 : memref<512x32xf32, #tpu.memory_space<vmem>>)
    %add3A_1360 = arith.constant 12800 : i32
    %add3A_1361 = arith.addi %mul3A_2, %add3A_1360 : i32
    %dma_start3A_1362 = arith.constant 1 : i32
    %dma_start3A_1363 = arith.constant 0 : i32
    %dma_start3A_1364 = arith.constant 0 : i32
    %dma_start3A_1365 = tpu.memref_slice %arg6[%dma_start3A_1362, %dma_start3A_1363, %dma_start3A_1364] : memref<6x512x32xf32, #tpu.memory_space<vmem>> -> memref<1x512x32xf32, #tpu.memory_space<vmem>>
    %dma_start3A_1366 = tpu.memref_squeeze %dma_start3A_1365 : memref<1x512x32xf32, #tpu.memory_space<vmem>> -> memref<512x32xf32, #tpu.memory_space<vmem>>
    %dma_start3A_1367 = arith.constant 0 : i32
    %dma_start3A_1368 = tpu.memref_slice %arg4[%add3A_1361, %dma_start3A_1367] : memref<819200x32xf32, #tpu.memory_space<hbm>> -> memref<512x32xf32, #tpu.memory_space<hbm>>
    %dma_start3A_1369 = arith.constant 0 : i32
    %dma_start3A_1370 = tpu.memref_slice %arg4[%add3A_1361, %dma_start3A_1369] : memref<819200x32xf32, #tpu.memory_space<hbm>> -> memref<512x32xf32, #tpu.memory_space<hbm>>
    %dma_start3A_1371 = arith.constant 0 : i32
    %dma_start3A_1372 = arith.constant 0 : i32
    %dma_start3A_1373 = tpu.memref_slice %arg6[%dma_start3A_1362, %dma_start3A_1371, %dma_start3A_1372] : memref<6x512x32xf32, #tpu.memory_space<vmem>> -> memref<1x512x32xf32, #tpu.memory_space<vmem>>
    %dma_start3A_1374 = tpu.memref_squeeze %dma_start3A_1373 : memref<1x512x32xf32, #tpu.memory_space<vmem>> -> memref<512x32xf32, #tpu.memory_space<vmem>>
    tpu.enqueue_dma source(%dma_start3A_1374 : memref<512x32xf32, #tpu.memory_space<vmem>>) target(%dma_start3A_1370 : memref<512x32xf32, #tpu.memory_space<hbm>>) target_semaphore(%arg14 : memref<!tpu.dma_semaphore, #tpu.memory_space<semaphore_mem>>)
    %dma_wait3A_1375 = arith.constant 0 : i32
    %dma_wait3A_1376 = arith.constant 0 : i32
    %dma_wait3A_1377 = arith.constant 0 : i32
    %dma_wait3A_1378 = tpu.memref_slice %arg6[%dma_wait3A_1375, %dma_wait3A_1376, %dma_wait3A_1377] : memref<6x512x32xf32, #tpu.memory_space<vmem>> -> memref<1x512x32xf32, #tpu.memory_space<vmem>>
    %dma_wait3A_1379 = tpu.memref_squeeze %dma_wait3A_1378 : memref<1x512x32xf32, #tpu.memory_space<vmem>> -> memref<512x32xf32, #tpu.memory_space<vmem>>
    %dma_wait3A_1380 = arith.constant 0 : i32
    %dma_wait3A_1381 = tpu.memref_slice %arg4[%add3A_1309, %dma_wait3A_1380] : memref<819200x32xf32, #tpu.memory_space<hbm>> -> memref<512x32xf32, #tpu.memory_space<hbm>>
    %dma_wait3A_1382 = arith.constant 0 : i32
    %dma_wait3A_1383 = tpu.memref_slice %arg4[%add3A_1309, %dma_wait3A_1382] : memref<819200x32xf32, #tpu.memory_space<hbm>> -> memref<512x32xf32, #tpu.memory_space<hbm>>
    %dma_wait3A_1384 = arith.constant 0 : i32
    %dma_wait3A_1385 = arith.constant 0 : i32
    %dma_wait3A_1386 = tpu.memref_slice %arg6[%dma_wait3A_1375, %dma_wait3A_1384, %dma_wait3A_1385] : memref<6x512x32xf32, #tpu.memory_space<vmem>> -> memref<1x512x32xf32, #tpu.memory_space<vmem>>
    %dma_wait3A_1387 = tpu.memref_squeeze %dma_wait3A_1386 : memref<1x512x32xf32, #tpu.memory_space<vmem>> -> memref<512x32xf32, #tpu.memory_space<vmem>>
    tpu.wait_dma2 semaphore(%arg13 : memref<!tpu.dma_semaphore, #tpu.memory_space<semaphore_mem>>) src(%dma_wait3A_1387 : memref<512x32xf32, #tpu.memory_space<vmem>>) dst(%dma_wait3A_1383 : memref<512x32xf32, #tpu.memory_space<hbm>>)
    %dma_start3A_1388 = arith.constant 30 : i32
    %dma_start3A_1389 = arith.constant 0 : i32
    %dma_start3A_1390 = arith.constant 0 : i32
    %dma_start3A_1391 = arith.constant 0 : i32
    %dma_start3A_1392 = tpu.memref_slice %arg6[%dma_start3A_1389, %dma_start3A_1390, %dma_start3A_1391] : memref<6x512x32xf32, #tpu.memory_space<vmem>> -> memref<1x512x32xf32, #tpu.memory_space<vmem>>
    %dma_start3A_1393 = tpu.memref_squeeze %dma_start3A_1392 : memref<1x512x32xf32, #tpu.memory_space<vmem>> -> memref<512x32xf32, #tpu.memory_space<vmem>>
    %dma_start3A_1394 = arith.constant 0 : i32
    %dma_start3A_1395 = tpu.memref_slice %arg5[%dma_start3A_1388, %dma_start3A_1394] : memref<50x512xi32, #tpu.memory_space<vmem>> -> memref<1x512xi32, #tpu.memory_space<vmem>>
    %dma_start3A_1396 = tpu.memref_squeeze %dma_start3A_1395 : memref<1x512xi32, #tpu.memory_space<vmem>> -> memref<512xi32, #tpu.memory_space<vmem>>
    %dma_start3A_1397 = arith.constant 0 : i32
    %dma_start3A_1398 = arith.constant 0 : i32
    %dma_start3A_1399 = tpu.memref_slice %arg3[%dma_start3A_1397, %dma_start3A_1398] : memref<1000000x32xf32, #tpu.memory_space<hbm>> -> memref<1000000x32xf32, #tpu.memory_space<hbm>>
    tpu.enqueue_indirect_dma source(%dma_start3A_1399 : memref<1000000x32xf32, #tpu.memory_space<hbm>>) target(%dma_start3A_1393 : memref<512x32xf32, #tpu.memory_space<vmem>>) offsets(%dma_start3A_1396 : memref<512xi32, #tpu.memory_space<vmem>>) semaphore(%arg7 : memref<!tpu.dma_semaphore, #tpu.memory_space<semaphore_mem>>)
    %dma_wait3A_1400 = arith.constant 26 : i32
    %dma_wait3A_1401 = arith.constant 2 : i32
    %dma_wait3A_1402 = arith.constant 0 : i32
    %dma_wait3A_1403 = arith.constant 0 : i32
    %dma_wait3A_1404 = tpu.memref_slice %arg6[%dma_wait3A_1401, %dma_wait3A_1402, %dma_wait3A_1403] : memref<6x512x32xf32, #tpu.memory_space<vmem>> -> memref<1x512x32xf32, #tpu.memory_space<vmem>>
    %dma_wait3A_1405 = tpu.memref_squeeze %dma_wait3A_1404 : memref<1x512x32xf32, #tpu.memory_space<vmem>> -> memref<512x32xf32, #tpu.memory_space<vmem>>
    %dma_wait3A_1406 = arith.constant 0 : i32
    %dma_wait3A_1407 = tpu.memref_slice %arg5[%dma_wait3A_1400, %dma_wait3A_1406] : memref<50x512xi32, #tpu.memory_space<vmem>> -> memref<1x512xi32, #tpu.memory_space<vmem>>
    %dma_wait3A_1408 = tpu.memref_squeeze %dma_wait3A_1407 : memref<1x512xi32, #tpu.memory_space<vmem>> -> memref<512xi32, #tpu.memory_space<vmem>>
    %dma_wait3A_1409 = arith.constant 0 : i32
    %dma_wait3A_1410 = arith.constant 0 : i32
    %dma_wait3A_1411 = tpu.memref_slice %arg3[%dma_wait3A_1409, %dma_wait3A_1410] : memref<1000000x32xf32, #tpu.memory_space<hbm>> -> memref<1000000x32xf32, #tpu.memory_space<hbm>>
    tpu.wait_indirect_dma semaphore(%arg9 : memref<!tpu.dma_semaphore, #tpu.memory_space<semaphore_mem>>) src(%dma_wait3A_1411 : memref<1000000x32xf32, #tpu.memory_space<hbm>>) dst(%dma_wait3A_1405 : memref<512x32xf32, #tpu.memory_space<vmem>>)
    %add3A_1412 = arith.constant 13312 : i32
    %add3A_1413 = arith.addi %mul3A_2, %add3A_1412 : i32
    %dma_start3A_1414 = arith.constant 2 : i32
    %dma_start3A_1415 = arith.constant 0 : i32
    %dma_start3A_1416 = arith.constant 0 : i32
    %dma_start3A_1417 = tpu.memref_slice %arg6[%dma_start3A_1414, %dma_start3A_1415, %dma_start3A_1416] : memref<6x512x32xf32, #tpu.memory_space<vmem>> -> memref<1x512x32xf32, #tpu.memory_space<vmem>>
    %dma_start3A_1418 = tpu.memref_squeeze %dma_start3A_1417 : memref<1x512x32xf32, #tpu.memory_space<vmem>> -> memref<512x32xf32, #tpu.memory_space<vmem>>
    %dma_start3A_1419 = arith.constant 0 : i32
    %dma_start3A_1420 = tpu.memref_slice %arg4[%add3A_1413, %dma_start3A_1419] : memref<819200x32xf32, #tpu.memory_space<hbm>> -> memref<512x32xf32, #tpu.memory_space<hbm>>
    %dma_start3A_1421 = arith.constant 0 : i32
    %dma_start3A_1422 = tpu.memref_slice %arg4[%add3A_1413, %dma_start3A_1421] : memref<819200x32xf32, #tpu.memory_space<hbm>> -> memref<512x32xf32, #tpu.memory_space<hbm>>
    %dma_start3A_1423 = arith.constant 0 : i32
    %dma_start3A_1424 = arith.constant 0 : i32
    %dma_start3A_1425 = tpu.memref_slice %arg6[%dma_start3A_1414, %dma_start3A_1423, %dma_start3A_1424] : memref<6x512x32xf32, #tpu.memory_space<vmem>> -> memref<1x512x32xf32, #tpu.memory_space<vmem>>
    %dma_start3A_1426 = tpu.memref_squeeze %dma_start3A_1425 : memref<1x512x32xf32, #tpu.memory_space<vmem>> -> memref<512x32xf32, #tpu.memory_space<vmem>>
    tpu.enqueue_dma source(%dma_start3A_1426 : memref<512x32xf32, #tpu.memory_space<vmem>>) target(%dma_start3A_1422 : memref<512x32xf32, #tpu.memory_space<hbm>>) target_semaphore(%arg15 : memref<!tpu.dma_semaphore, #tpu.memory_space<semaphore_mem>>)
    %dma_wait3A_1427 = arith.constant 1 : i32
    %dma_wait3A_1428 = arith.constant 0 : i32
    %dma_wait3A_1429 = arith.constant 0 : i32
    %dma_wait3A_1430 = tpu.memref_slice %arg6[%dma_wait3A_1427, %dma_wait3A_1428, %dma_wait3A_1429] : memref<6x512x32xf32, #tpu.memory_space<vmem>> -> memref<1x512x32xf32, #tpu.memory_space<vmem>>
    %dma_wait3A_1431 = tpu.memref_squeeze %dma_wait3A_1430 : memref<1x512x32xf32, #tpu.memory_space<vmem>> -> memref<512x32xf32, #tpu.memory_space<vmem>>
    %dma_wait3A_1432 = arith.constant 0 : i32
    %dma_wait3A_1433 = tpu.memref_slice %arg4[%add3A_1361, %dma_wait3A_1432] : memref<819200x32xf32, #tpu.memory_space<hbm>> -> memref<512x32xf32, #tpu.memory_space<hbm>>
    %dma_wait3A_1434 = arith.constant 0 : i32
    %dma_wait3A_1435 = tpu.memref_slice %arg4[%add3A_1361, %dma_wait3A_1434] : memref<819200x32xf32, #tpu.memory_space<hbm>> -> memref<512x32xf32, #tpu.memory_space<hbm>>
    %dma_wait3A_1436 = arith.constant 0 : i32
    %dma_wait3A_1437 = arith.constant 0 : i32
    %dma_wait3A_1438 = tpu.memref_slice %arg6[%dma_wait3A_1427, %dma_wait3A_1436, %dma_wait3A_1437] : memref<6x512x32xf32, #tpu.memory_space<vmem>> -> memref<1x512x32xf32, #tpu.memory_space<vmem>>
    %dma_wait3A_1439 = tpu.memref_squeeze %dma_wait3A_1438 : memref<1x512x32xf32, #tpu.memory_space<vmem>> -> memref<512x32xf32, #tpu.memory_space<vmem>>
    tpu.wait_dma2 semaphore(%arg14 : memref<!tpu.dma_semaphore, #tpu.memory_space<semaphore_mem>>) src(%dma_wait3A_1439 : memref<512x32xf32, #tpu.memory_space<vmem>>) dst(%dma_wait3A_1435 : memref<512x32xf32, #tpu.memory_space<hbm>>)
    %dma_start3A_1440 = arith.constant 31 : i32
    %dma_start3A_1441 = arith.constant 1 : i32
    %dma_start3A_1442 = arith.constant 0 : i32
    %dma_start3A_1443 = arith.constant 0 : i32
    %dma_start3A_1444 = tpu.memref_slice %arg6[%dma_start3A_1441, %dma_start3A_1442, %dma_start3A_1443] : memref<6x512x32xf32, #tpu.memory_space<vmem>> -> memref<1x512x32xf32, #tpu.memory_space<vmem>>
    %dma_start3A_1445 = tpu.memref_squeeze %dma_start3A_1444 : memref<1x512x32xf32, #tpu.memory_space<vmem>> -> memref<512x32xf32, #tpu.memory_space<vmem>>
    %dma_start3A_1446 = arith.constant 0 : i32
    %dma_start3A_1447 = tpu.memref_slice %arg5[%dma_start3A_1440, %dma_start3A_1446] : memref<50x512xi32, #tpu.memory_space<vmem>> -> memref<1x512xi32, #tpu.memory_space<vmem>>
    %dma_start3A_1448 = tpu.memref_squeeze %dma_start3A_1447 : memref<1x512xi32, #tpu.memory_space<vmem>> -> memref<512xi32, #tpu.memory_space<vmem>>
    %dma_start3A_1449 = arith.constant 0 : i32
    %dma_start3A_1450 = arith.constant 0 : i32
    %dma_start3A_1451 = tpu.memref_slice %arg3[%dma_start3A_1449, %dma_start3A_1450] : memref<1000000x32xf32, #tpu.memory_space<hbm>> -> memref<1000000x32xf32, #tpu.memory_space<hbm>>
    tpu.enqueue_indirect_dma source(%dma_start3A_1451 : memref<1000000x32xf32, #tpu.memory_space<hbm>>) target(%dma_start3A_1445 : memref<512x32xf32, #tpu.memory_space<vmem>>) offsets(%dma_start3A_1448 : memref<512xi32, #tpu.memory_space<vmem>>) semaphore(%arg8 : memref<!tpu.dma_semaphore, #tpu.memory_space<semaphore_mem>>)
    %dma_wait3A_1452 = arith.constant 27 : i32
    %dma_wait3A_1453 = arith.constant 3 : i32
    %dma_wait3A_1454 = arith.constant 0 : i32
    %dma_wait3A_1455 = arith.constant 0 : i32
    %dma_wait3A_1456 = tpu.memref_slice %arg6[%dma_wait3A_1453, %dma_wait3A_1454, %dma_wait3A_1455] : memref<6x512x32xf32, #tpu.memory_space<vmem>> -> memref<1x512x32xf32, #tpu.memory_space<vmem>>
    %dma_wait3A_1457 = tpu.memref_squeeze %dma_wait3A_1456 : memref<1x512x32xf32, #tpu.memory_space<vmem>> -> memref<512x32xf32, #tpu.memory_space<vmem>>
    %dma_wait3A_1458 = arith.constant 0 : i32
    %dma_wait3A_1459 = tpu.memref_slice %arg5[%dma_wait3A_1452, %dma_wait3A_1458] : memref<50x512xi32, #tpu.memory_space<vmem>> -> memref<1x512xi32, #tpu.memory_space<vmem>>
    %dma_wait3A_1460 = tpu.memref_squeeze %dma_wait3A_1459 : memref<1x512xi32, #tpu.memory_space<vmem>> -> memref<512xi32, #tpu.memory_space<vmem>>
    %dma_wait3A_1461 = arith.constant 0 : i32
    %dma_wait3A_1462 = arith.constant 0 : i32
    %dma_wait3A_1463 = tpu.memref_slice %arg3[%dma_wait3A_1461, %dma_wait3A_1462] : memref<1000000x32xf32, #tpu.memory_space<hbm>> -> memref<1000000x32xf32, #tpu.memory_space<hbm>>
    tpu.wait_indirect_dma semaphore(%arg10 : memref<!tpu.dma_semaphore, #tpu.memory_space<semaphore_mem>>) src(%dma_wait3A_1463 : memref<1000000x32xf32, #tpu.memory_space<hbm>>) dst(%dma_wait3A_1457 : memref<512x32xf32, #tpu.memory_space<vmem>>)
    %add3A_1464 = arith.constant 13824 : i32
    %add3A_1465 = arith.addi %mul3A_2, %add3A_1464 : i32
    %dma_start3A_1466 = arith.constant 3 : i32
    %dma_start3A_1467 = arith.constant 0 : i32
    %dma_start3A_1468 = arith.constant 0 : i32
    %dma_start3A_1469 = tpu.memref_slice %arg6[%dma_start3A_1466, %dma_start3A_1467, %dma_start3A_1468] : memref<6x512x32xf32, #tpu.memory_space<vmem>> -> memref<1x512x32xf32, #tpu.memory_space<vmem>>
    %dma_start3A_1470 = tpu.memref_squeeze %dma_start3A_1469 : memref<1x512x32xf32, #tpu.memory_space<vmem>> -> memref<512x32xf32, #tpu.memory_space<vmem>>
    %dma_start3A_1471 = arith.constant 0 : i32
    %dma_start3A_1472 = tpu.memref_slice %arg4[%add3A_1465, %dma_start3A_1471] : memref<819200x32xf32, #tpu.memory_space<hbm>> -> memref<512x32xf32, #tpu.memory_space<hbm>>
    %dma_start3A_1473 = arith.constant 0 : i32
    %dma_start3A_1474 = tpu.memref_slice %arg4[%add3A_1465, %dma_start3A_1473] : memref<819200x32xf32, #tpu.memory_space<hbm>> -> memref<512x32xf32, #tpu.memory_space<hbm>>
    %dma_start3A_1475 = arith.constant 0 : i32
    %dma_start3A_1476 = arith.constant 0 : i32
    %dma_start3A_1477 = tpu.memref_slice %arg6[%dma_start3A_1466, %dma_start3A_1475, %dma_start3A_1476] : memref<6x512x32xf32, #tpu.memory_space<vmem>> -> memref<1x512x32xf32, #tpu.memory_space<vmem>>
    %dma_start3A_1478 = tpu.memref_squeeze %dma_start3A_1477 : memref<1x512x32xf32, #tpu.memory_space<vmem>> -> memref<512x32xf32, #tpu.memory_space<vmem>>
    tpu.enqueue_dma source(%dma_start3A_1478 : memref<512x32xf32, #tpu.memory_space<vmem>>) target(%dma_start3A_1474 : memref<512x32xf32, #tpu.memory_space<hbm>>) target_semaphore(%arg16 : memref<!tpu.dma_semaphore, #tpu.memory_space<semaphore_mem>>)
    %dma_wait3A_1479 = arith.constant 2 : i32
    %dma_wait3A_1480 = arith.constant 0 : i32
    %dma_wait3A_1481 = arith.constant 0 : i32
    %dma_wait3A_1482 = tpu.memref_slice %arg6[%dma_wait3A_1479, %dma_wait3A_1480, %dma_wait3A_1481] : memref<6x512x32xf32, #tpu.memory_space<vmem>> -> memref<1x512x32xf32, #tpu.memory_space<vmem>>
    %dma_wait3A_1483 = tpu.memref_squeeze %dma_wait3A_1482 : memref<1x512x32xf32, #tpu.memory_space<vmem>> -> memref<512x32xf32, #tpu.memory_space<vmem>>
    %dma_wait3A_1484 = arith.constant 0 : i32
    %dma_wait3A_1485 = tpu.memref_slice %arg4[%add3A_1413, %dma_wait3A_1484] : memref<819200x32xf32, #tpu.memory_space<hbm>> -> memref<512x32xf32, #tpu.memory_space<hbm>>
    %dma_wait3A_1486 = arith.constant 0 : i32
    %dma_wait3A_1487 = tpu.memref_slice %arg4[%add3A_1413, %dma_wait3A_1486] : memref<819200x32xf32, #tpu.memory_space<hbm>> -> memref<512x32xf32, #tpu.memory_space<hbm>>
    %dma_wait3A_1488 = arith.constant 0 : i32
    %dma_wait3A_1489 = arith.constant 0 : i32
    %dma_wait3A_1490 = tpu.memref_slice %arg6[%dma_wait3A_1479, %dma_wait3A_1488, %dma_wait3A_1489] : memref<6x512x32xf32, #tpu.memory_space<vmem>> -> memref<1x512x32xf32, #tpu.memory_space<vmem>>
    %dma_wait3A_1491 = tpu.memref_squeeze %dma_wait3A_1490 : memref<1x512x32xf32, #tpu.memory_space<vmem>> -> memref<512x32xf32, #tpu.memory_space<vmem>>
    tpu.wait_dma2 semaphore(%arg15 : memref<!tpu.dma_semaphore, #tpu.memory_space<semaphore_mem>>) src(%dma_wait3A_1491 : memref<512x32xf32, #tpu.memory_space<vmem>>) dst(%dma_wait3A_1487 : memref<512x32xf32, #tpu.memory_space<hbm>>)
    %dma_start3A_1492 = arith.constant 32 : i32
    %dma_start3A_1493 = arith.constant 2 : i32
    %dma_start3A_1494 = arith.constant 0 : i32
    %dma_start3A_1495 = arith.constant 0 : i32
    %dma_start3A_1496 = tpu.memref_slice %arg6[%dma_start3A_1493, %dma_start3A_1494, %dma_start3A_1495] : memref<6x512x32xf32, #tpu.memory_space<vmem>> -> memref<1x512x32xf32, #tpu.memory_space<vmem>>
    %dma_start3A_1497 = tpu.memref_squeeze %dma_start3A_1496 : memref<1x512x32xf32, #tpu.memory_space<vmem>> -> memref<512x32xf32, #tpu.memory_space<vmem>>
    %dma_start3A_1498 = arith.constant 0 : i32
    %dma_start3A_1499 = tpu.memref_slice %arg5[%dma_start3A_1492, %dma_start3A_1498] : memref<50x512xi32, #tpu.memory_space<vmem>> -> memref<1x512xi32, #tpu.memory_space<vmem>>
    %dma_start3A_1500 = tpu.memref_squeeze %dma_start3A_1499 : memref<1x512xi32, #tpu.memory_space<vmem>> -> memref<512xi32, #tpu.memory_space<vmem>>
    %dma_start3A_1501 = arith.constant 0 : i32
    %dma_start3A_1502 = arith.constant 0 : i32
    %dma_start3A_1503 = tpu.memref_slice %arg3[%dma_start3A_1501, %dma_start3A_1502] : memref<1000000x32xf32, #tpu.memory_space<hbm>> -> memref<1000000x32xf32, #tpu.memory_space<hbm>>
    tpu.enqueue_indirect_dma source(%dma_start3A_1503 : memref<1000000x32xf32, #tpu.memory_space<hbm>>) target(%dma_start3A_1497 : memref<512x32xf32, #tpu.memory_space<vmem>>) offsets(%dma_start3A_1500 : memref<512xi32, #tpu.memory_space<vmem>>) semaphore(%arg9 : memref<!tpu.dma_semaphore, #tpu.memory_space<semaphore_mem>>)
    %dma_wait3A_1504 = arith.constant 28 : i32
    %dma_wait3A_1505 = arith.constant 4 : i32
    %dma_wait3A_1506 = arith.constant 0 : i32
    %dma_wait3A_1507 = arith.constant 0 : i32
    %dma_wait3A_1508 = tpu.memref_slice %arg6[%dma_wait3A_1505, %dma_wait3A_1506, %dma_wait3A_1507] : memref<6x512x32xf32, #tpu.memory_space<vmem>> -> memref<1x512x32xf32, #tpu.memory_space<vmem>>
    %dma_wait3A_1509 = tpu.memref_squeeze %dma_wait3A_1508 : memref<1x512x32xf32, #tpu.memory_space<vmem>> -> memref<512x32xf32, #tpu.memory_space<vmem>>
    %dma_wait3A_1510 = arith.constant 0 : i32
    %dma_wait3A_1511 = tpu.memref_slice %arg5[%dma_wait3A_1504, %dma_wait3A_1510] : memref<50x512xi32, #tpu.memory_space<vmem>> -> memref<1x512xi32, #tpu.memory_space<vmem>>
    %dma_wait3A_1512 = tpu.memref_squeeze %dma_wait3A_1511 : memref<1x512xi32, #tpu.memory_space<vmem>> -> memref<512xi32, #tpu.memory_space<vmem>>
    %dma_wait3A_1513 = arith.constant 0 : i32
    %dma_wait3A_1514 = arith.constant 0 : i32
    %dma_wait3A_1515 = tpu.memref_slice %arg3[%dma_wait3A_1513, %dma_wait3A_1514] : memref<1000000x32xf32, #tpu.memory_space<hbm>> -> memref<1000000x32xf32, #tpu.memory_space<hbm>>
    tpu.wait_indirect_dma semaphore(%arg11 : memref<!tpu.dma_semaphore, #tpu.memory_space<semaphore_mem>>) src(%dma_wait3A_1515 : memref<1000000x32xf32, #tpu.memory_space<hbm>>) dst(%dma_wait3A_1509 : memref<512x32xf32, #tpu.memory_space<vmem>>)
    %add3A_1516 = arith.constant 14336 : i32
    %add3A_1517 = arith.addi %mul3A_2, %add3A_1516 : i32
    %dma_start3A_1518 = arith.constant 4 : i32
    %dma_start3A_1519 = arith.constant 0 : i32
    %dma_start3A_1520 = arith.constant 0 : i32
    %dma_start3A_1521 = tpu.memref_slice %arg6[%dma_start3A_1518, %dma_start3A_1519, %dma_start3A_1520] : memref<6x512x32xf32, #tpu.memory_space<vmem>> -> memref<1x512x32xf32, #tpu.memory_space<vmem>>
    %dma_start3A_1522 = tpu.memref_squeeze %dma_start3A_1521 : memref<1x512x32xf32, #tpu.memory_space<vmem>> -> memref<512x32xf32, #tpu.memory_space<vmem>>
    %dma_start3A_1523 = arith.constant 0 : i32
    %dma_start3A_1524 = tpu.memref_slice %arg4[%add3A_1517, %dma_start3A_1523] : memref<819200x32xf32, #tpu.memory_space<hbm>> -> memref<512x32xf32, #tpu.memory_space<hbm>>
    %dma_start3A_1525 = arith.constant 0 : i32
    %dma_start3A_1526 = tpu.memref_slice %arg4[%add3A_1517, %dma_start3A_1525] : memref<819200x32xf32, #tpu.memory_space<hbm>> -> memref<512x32xf32, #tpu.memory_space<hbm>>
    %dma_start3A_1527 = arith.constant 0 : i32
    %dma_start3A_1528 = arith.constant 0 : i32
    %dma_start3A_1529 = tpu.memref_slice %arg6[%dma_start3A_1518, %dma_start3A_1527, %dma_start3A_1528] : memref<6x512x32xf32, #tpu.memory_space<vmem>> -> memref<1x512x32xf32, #tpu.memory_space<vmem>>
    %dma_start3A_1530 = tpu.memref_squeeze %dma_start3A_1529 : memref<1x512x32xf32, #tpu.memory_space<vmem>> -> memref<512x32xf32, #tpu.memory_space<vmem>>
    tpu.enqueue_dma source(%dma_start3A_1530 : memref<512x32xf32, #tpu.memory_space<vmem>>) target(%dma_start3A_1526 : memref<512x32xf32, #tpu.memory_space<hbm>>) target_semaphore(%arg17 : memref<!tpu.dma_semaphore, #tpu.memory_space<semaphore_mem>>)
    %dma_wait3A_1531 = arith.constant 3 : i32
    %dma_wait3A_1532 = arith.constant 0 : i32
    %dma_wait3A_1533 = arith.constant 0 : i32
    %dma_wait3A_1534 = tpu.memref_slice %arg6[%dma_wait3A_1531, %dma_wait3A_1532, %dma_wait3A_1533] : memref<6x512x32xf32, #tpu.memory_space<vmem>> -> memref<1x512x32xf32, #tpu.memory_space<vmem>>
    %dma_wait3A_1535 = tpu.memref_squeeze %dma_wait3A_1534 : memref<1x512x32xf32, #tpu.memory_space<vmem>> -> memref<512x32xf32, #tpu.memory_space<vmem>>
    %dma_wait3A_1536 = arith.constant 0 : i32
    %dma_wait3A_1537 = tpu.memref_slice %arg4[%add3A_1465, %dma_wait3A_1536] : memref<819200x32xf32, #tpu.memory_space<hbm>> -> memref<512x32xf32, #tpu.memory_space<hbm>>
    %dma_wait3A_1538 = arith.constant 0 : i32
    %dma_wait3A_1539 = tpu.memref_slice %arg4[%add3A_1465, %dma_wait3A_1538] : memref<819200x32xf32, #tpu.memory_space<hbm>> -> memref<512x32xf32, #tpu.memory_space<hbm>>
    %dma_wait3A_1540 = arith.constant 0 : i32
    %dma_wait3A_1541 = arith.constant 0 : i32
    %dma_wait3A_1542 = tpu.memref_slice %arg6[%dma_wait3A_1531, %dma_wait3A_1540, %dma_wait3A_1541] : memref<6x512x32xf32, #tpu.memory_space<vmem>> -> memref<1x512x32xf32, #tpu.memory_space<vmem>>
    %dma_wait3A_1543 = tpu.memref_squeeze %dma_wait3A_1542 : memref<1x512x32xf32, #tpu.memory_space<vmem>> -> memref<512x32xf32, #tpu.memory_space<vmem>>
    tpu.wait_dma2 semaphore(%arg16 : memref<!tpu.dma_semaphore, #tpu.memory_space<semaphore_mem>>) src(%dma_wait3A_1543 : memref<512x32xf32, #tpu.memory_space<vmem>>) dst(%dma_wait3A_1539 : memref<512x32xf32, #tpu.memory_space<hbm>>)
    %dma_start3A_1544 = arith.constant 33 : i32
    %dma_start3A_1545 = arith.constant 3 : i32
    %dma_start3A_1546 = arith.constant 0 : i32
    %dma_start3A_1547 = arith.constant 0 : i32
    %dma_start3A_1548 = tpu.memref_slice %arg6[%dma_start3A_1545, %dma_start3A_1546, %dma_start3A_1547] : memref<6x512x32xf32, #tpu.memory_space<vmem>> -> memref<1x512x32xf32, #tpu.memory_space<vmem>>
    %dma_start3A_1549 = tpu.memref_squeeze %dma_start3A_1548 : memref<1x512x32xf32, #tpu.memory_space<vmem>> -> memref<512x32xf32, #tpu.memory_space<vmem>>
    %dma_start3A_1550 = arith.constant 0 : i32
    %dma_start3A_1551 = tpu.memref_slice %arg5[%dma_start3A_1544, %dma_start3A_1550] : memref<50x512xi32, #tpu.memory_space<vmem>> -> memref<1x512xi32, #tpu.memory_space<vmem>>
    %dma_start3A_1552 = tpu.memref_squeeze %dma_start3A_1551 : memref<1x512xi32, #tpu.memory_space<vmem>> -> memref<512xi32, #tpu.memory_space<vmem>>
    %dma_start3A_1553 = arith.constant 0 : i32
    %dma_start3A_1554 = arith.constant 0 : i32
    %dma_start3A_1555 = tpu.memref_slice %arg3[%dma_start3A_1553, %dma_start3A_1554] : memref<1000000x32xf32, #tpu.memory_space<hbm>> -> memref<1000000x32xf32, #tpu.memory_space<hbm>>
    tpu.enqueue_indirect_dma source(%dma_start3A_1555 : memref<1000000x32xf32, #tpu.memory_space<hbm>>) target(%dma_start3A_1549 : memref<512x32xf32, #tpu.memory_space<vmem>>) offsets(%dma_start3A_1552 : memref<512xi32, #tpu.memory_space<vmem>>) semaphore(%arg10 : memref<!tpu.dma_semaphore, #tpu.memory_space<semaphore_mem>>)
    %dma_wait3A_1556 = arith.constant 29 : i32
    %dma_wait3A_1557 = arith.constant 5 : i32
    %dma_wait3A_1558 = arith.constant 0 : i32
    %dma_wait3A_1559 = arith.constant 0 : i32
    %dma_wait3A_1560 = tpu.memref_slice %arg6[%dma_wait3A_1557, %dma_wait3A_1558, %dma_wait3A_1559] : memref<6x512x32xf32, #tpu.memory_space<vmem>> -> memref<1x512x32xf32, #tpu.memory_space<vmem>>
    %dma_wait3A_1561 = tpu.memref_squeeze %dma_wait3A_1560 : memref<1x512x32xf32, #tpu.memory_space<vmem>> -> memref<512x32xf32, #tpu.memory_space<vmem>>
    %dma_wait3A_1562 = arith.constant 0 : i32
    %dma_wait3A_1563 = tpu.memref_slice %arg5[%dma_wait3A_1556, %dma_wait3A_1562] : memref<50x512xi32, #tpu.memory_space<vmem>> -> memref<1x512xi32, #tpu.memory_space<vmem>>
    %dma_wait3A_1564 = tpu.memref_squeeze %dma_wait3A_1563 : memref<1x512xi32, #tpu.memory_space<vmem>> -> memref<512xi32, #tpu.memory_space<vmem>>
    %dma_wait3A_1565 = arith.constant 0 : i32
    %dma_wait3A_1566 = arith.constant 0 : i32
    %dma_wait3A_1567 = tpu.memref_slice %arg3[%dma_wait3A_1565, %dma_wait3A_1566] : memref<1000000x32xf32, #tpu.memory_space<hbm>> -> memref<1000000x32xf32, #tpu.memory_space<hbm>>
    tpu.wait_indirect_dma semaphore(%arg12 : memref<!tpu.dma_semaphore, #tpu.memory_space<semaphore_mem>>) src(%dma_wait3A_1567 : memref<1000000x32xf32, #tpu.memory_space<hbm>>) dst(%dma_wait3A_1561 : memref<512x32xf32, #tpu.memory_space<vmem>>)
    %add3A_1568 = arith.constant 14848 : i32
    %add3A_1569 = arith.addi %mul3A_2, %add3A_1568 : i32
    %dma_start3A_1570 = arith.constant 5 : i32
    %dma_start3A_1571 = arith.constant 0 : i32
    %dma_start3A_1572 = arith.constant 0 : i32
    %dma_start3A_1573 = tpu.memref_slice %arg6[%dma_start3A_1570, %dma_start3A_1571, %dma_start3A_1572] : memref<6x512x32xf32, #tpu.memory_space<vmem>> -> memref<1x512x32xf32, #tpu.memory_space<vmem>>
    %dma_start3A_1574 = tpu.memref_squeeze %dma_start3A_1573 : memref<1x512x32xf32, #tpu.memory_space<vmem>> -> memref<512x32xf32, #tpu.memory_space<vmem>>
    %dma_start3A_1575 = arith.constant 0 : i32
    %dma_start3A_1576 = tpu.memref_slice %arg4[%add3A_1569, %dma_start3A_1575] : memref<819200x32xf32, #tpu.memory_space<hbm>> -> memref<512x32xf32, #tpu.memory_space<hbm>>
    %dma_start3A_1577 = arith.constant 0 : i32
    %dma_start3A_1578 = tpu.memref_slice %arg4[%add3A_1569, %dma_start3A_1577] : memref<819200x32xf32, #tpu.memory_space<hbm>> -> memref<512x32xf32, #tpu.memory_space<hbm>>
    %dma_start3A_1579 = arith.constant 0 : i32
    %dma_start3A_1580 = arith.constant 0 : i32
    %dma_start3A_1581 = tpu.memref_slice %arg6[%dma_start3A_1570, %dma_start3A_1579, %dma_start3A_1580] : memref<6x512x32xf32, #tpu.memory_space<vmem>> -> memref<1x512x32xf32, #tpu.memory_space<vmem>>
    %dma_start3A_1582 = tpu.memref_squeeze %dma_start3A_1581 : memref<1x512x32xf32, #tpu.memory_space<vmem>> -> memref<512x32xf32, #tpu.memory_space<vmem>>
    tpu.enqueue_dma source(%dma_start3A_1582 : memref<512x32xf32, #tpu.memory_space<vmem>>) target(%dma_start3A_1578 : memref<512x32xf32, #tpu.memory_space<hbm>>) target_semaphore(%arg18 : memref<!tpu.dma_semaphore, #tpu.memory_space<semaphore_mem>>)
    %dma_wait3A_1583 = arith.constant 4 : i32
    %dma_wait3A_1584 = arith.constant 0 : i32
    %dma_wait3A_1585 = arith.constant 0 : i32
    %dma_wait3A_1586 = tpu.memref_slice %arg6[%dma_wait3A_1583, %dma_wait3A_1584, %dma_wait3A_1585] : memref<6x512x32xf32, #tpu.memory_space<vmem>> -> memref<1x512x32xf32, #tpu.memory_space<vmem>>
    %dma_wait3A_1587 = tpu.memref_squeeze %dma_wait3A_1586 : memref<1x512x32xf32, #tpu.memory_space<vmem>> -> memref<512x32xf32, #tpu.memory_space<vmem>>
    %dma_wait3A_1588 = arith.constant 0 : i32
    %dma_wait3A_1589 = tpu.memref_slice %arg4[%add3A_1517, %dma_wait3A_1588] : memref<819200x32xf32, #tpu.memory_space<hbm>> -> memref<512x32xf32, #tpu.memory_space<hbm>>
    %dma_wait3A_1590 = arith.constant 0 : i32
    %dma_wait3A_1591 = tpu.memref_slice %arg4[%add3A_1517, %dma_wait3A_1590] : memref<819200x32xf32, #tpu.memory_space<hbm>> -> memref<512x32xf32, #tpu.memory_space<hbm>>
    %dma_wait3A_1592 = arith.constant 0 : i32
    %dma_wait3A_1593 = arith.constant 0 : i32
    %dma_wait3A_1594 = tpu.memref_slice %arg6[%dma_wait3A_1583, %dma_wait3A_1592, %dma_wait3A_1593] : memref<6x512x32xf32, #tpu.memory_space<vmem>> -> memref<1x512x32xf32, #tpu.memory_space<vmem>>
    %dma_wait3A_1595 = tpu.memref_squeeze %dma_wait3A_1594 : memref<1x512x32xf32, #tpu.memory_space<vmem>> -> memref<512x32xf32, #tpu.memory_space<vmem>>
    tpu.wait_dma2 semaphore(%arg17 : memref<!tpu.dma_semaphore, #tpu.memory_space<semaphore_mem>>) src(%dma_wait3A_1595 : memref<512x32xf32, #tpu.memory_space<vmem>>) dst(%dma_wait3A_1591 : memref<512x32xf32, #tpu.memory_space<hbm>>)
    %dma_start3A_1596 = arith.constant 34 : i32
    %dma_start3A_1597 = arith.constant 4 : i32
    %dma_start3A_1598 = arith.constant 0 : i32
    %dma_start3A_1599 = arith.constant 0 : i32
    %dma_start3A_1600 = tpu.memref_slice %arg6[%dma_start3A_1597, %dma_start3A_1598, %dma_start3A_1599] : memref<6x512x32xf32, #tpu.memory_space<vmem>> -> memref<1x512x32xf32, #tpu.memory_space<vmem>>
    %dma_start3A_1601 = tpu.memref_squeeze %dma_start3A_1600 : memref<1x512x32xf32, #tpu.memory_space<vmem>> -> memref<512x32xf32, #tpu.memory_space<vmem>>
    %dma_start3A_1602 = arith.constant 0 : i32
    %dma_start3A_1603 = tpu.memref_slice %arg5[%dma_start3A_1596, %dma_start3A_1602] : memref<50x512xi32, #tpu.memory_space<vmem>> -> memref<1x512xi32, #tpu.memory_space<vmem>>
    %dma_start3A_1604 = tpu.memref_squeeze %dma_start3A_1603 : memref<1x512xi32, #tpu.memory_space<vmem>> -> memref<512xi32, #tpu.memory_space<vmem>>
    %dma_start3A_1605 = arith.constant 0 : i32
    %dma_start3A_1606 = arith.constant 0 : i32
    %dma_start3A_1607 = tpu.memref_slice %arg3[%dma_start3A_1605, %dma_start3A_1606] : memref<1000000x32xf32, #tpu.memory_space<hbm>> -> memref<1000000x32xf32, #tpu.memory_space<hbm>>
    tpu.enqueue_indirect_dma source(%dma_start3A_1607 : memref<1000000x32xf32, #tpu.memory_space<hbm>>) target(%dma_start3A_1601 : memref<512x32xf32, #tpu.memory_space<vmem>>) offsets(%dma_start3A_1604 : memref<512xi32, #tpu.memory_space<vmem>>) semaphore(%arg11 : memref<!tpu.dma_semaphore, #tpu.memory_space<semaphore_mem>>)
    %dma_wait3A_1608 = arith.constant 30 : i32
    %dma_wait3A_1609 = arith.constant 0 : i32
    %dma_wait3A_1610 = arith.constant 0 : i32
    %dma_wait3A_1611 = arith.constant 0 : i32
    %dma_wait3A_1612 = tpu.memref_slice %arg6[%dma_wait3A_1609, %dma_wait3A_1610, %dma_wait3A_1611] : memref<6x512x32xf32, #tpu.memory_space<vmem>> -> memref<1x512x32xf32, #tpu.memory_space<vmem>>
    %dma_wait3A_1613 = tpu.memref_squeeze %dma_wait3A_1612 : memref<1x512x32xf32, #tpu.memory_space<vmem>> -> memref<512x32xf32, #tpu.memory_space<vmem>>
    %dma_wait3A_1614 = arith.constant 0 : i32
    %dma_wait3A_1615 = tpu.memref_slice %arg5[%dma_wait3A_1608, %dma_wait3A_1614] : memref<50x512xi32, #tpu.memory_space<vmem>> -> memref<1x512xi32, #tpu.memory_space<vmem>>
    %dma_wait3A_1616 = tpu.memref_squeeze %dma_wait3A_1615 : memref<1x512xi32, #tpu.memory_space<vmem>> -> memref<512xi32, #tpu.memory_space<vmem>>
    %dma_wait3A_1617 = arith.constant 0 : i32
    %dma_wait3A_1618 = arith.constant 0 : i32
    %dma_wait3A_1619 = tpu.memref_slice %arg3[%dma_wait3A_1617, %dma_wait3A_1618] : memref<1000000x32xf32, #tpu.memory_space<hbm>> -> memref<1000000x32xf32, #tpu.memory_space<hbm>>
    tpu.wait_indirect_dma semaphore(%arg7 : memref<!tpu.dma_semaphore, #tpu.memory_space<semaphore_mem>>) src(%dma_wait3A_1619 : memref<1000000x32xf32, #tpu.memory_space<hbm>>) dst(%dma_wait3A_1613 : memref<512x32xf32, #tpu.memory_space<vmem>>)
    %add3A_1620 = arith.constant 15360 : i32
    %add3A_1621 = arith.addi %mul3A_2, %add3A_1620 : i32
    %dma_start3A_1622 = arith.constant 0 : i32
    %dma_start3A_1623 = arith.constant 0 : i32
    %dma_start3A_1624 = arith.constant 0 : i32
    %dma_start3A_1625 = tpu.memref_slice %arg6[%dma_start3A_1622, %dma_start3A_1623, %dma_start3A_1624] : memref<6x512x32xf32, #tpu.memory_space<vmem>> -> memref<1x512x32xf32, #tpu.memory_space<vmem>>
    %dma_start3A_1626 = tpu.memref_squeeze %dma_start3A_1625 : memref<1x512x32xf32, #tpu.memory_space<vmem>> -> memref<512x32xf32, #tpu.memory_space<vmem>>
    %dma_start3A_1627 = arith.constant 0 : i32
    %dma_start3A_1628 = tpu.memref_slice %arg4[%add3A_1621, %dma_start3A_1627] : memref<819200x32xf32, #tpu.memory_space<hbm>> -> memref<512x32xf32, #tpu.memory_space<hbm>>
    %dma_start3A_1629 = arith.constant 0 : i32
    %dma_start3A_1630 = tpu.memref_slice %arg4[%add3A_1621, %dma_start3A_1629] : memref<819200x32xf32, #tpu.memory_space<hbm>> -> memref<512x32xf32, #tpu.memory_space<hbm>>
    %dma_start3A_1631 = arith.constant 0 : i32
    %dma_start3A_1632 = arith.constant 0 : i32
    %dma_start3A_1633 = tpu.memref_slice %arg6[%dma_start3A_1622, %dma_start3A_1631, %dma_start3A_1632] : memref<6x512x32xf32, #tpu.memory_space<vmem>> -> memref<1x512x32xf32, #tpu.memory_space<vmem>>
    %dma_start3A_1634 = tpu.memref_squeeze %dma_start3A_1633 : memref<1x512x32xf32, #tpu.memory_space<vmem>> -> memref<512x32xf32, #tpu.memory_space<vmem>>
    tpu.enqueue_dma source(%dma_start3A_1634 : memref<512x32xf32, #tpu.memory_space<vmem>>) target(%dma_start3A_1630 : memref<512x32xf32, #tpu.memory_space<hbm>>) target_semaphore(%arg13 : memref<!tpu.dma_semaphore, #tpu.memory_space<semaphore_mem>>)
    %dma_wait3A_1635 = arith.constant 5 : i32
    %dma_wait3A_1636 = arith.constant 0 : i32
    %dma_wait3A_1637 = arith.constant 0 : i32
    %dma_wait3A_1638 = tpu.memref_slice %arg6[%dma_wait3A_1635, %dma_wait3A_1636, %dma_wait3A_1637] : memref<6x512x32xf32, #tpu.memory_space<vmem>> -> memref<1x512x32xf32, #tpu.memory_space<vmem>>
    %dma_wait3A_1639 = tpu.memref_squeeze %dma_wait3A_1638 : memref<1x512x32xf32, #tpu.memory_space<vmem>> -> memref<512x32xf32, #tpu.memory_space<vmem>>
    %dma_wait3A_1640 = arith.constant 0 : i32
    %dma_wait3A_1641 = tpu.memref_slice %arg4[%add3A_1569, %dma_wait3A_1640] : memref<819200x32xf32, #tpu.memory_space<hbm>> -> memref<512x32xf32, #tpu.memory_space<hbm>>
    %dma_wait3A_1642 = arith.constant 0 : i32
    %dma_wait3A_1643 = tpu.memref_slice %arg4[%add3A_1569, %dma_wait3A_1642] : memref<819200x32xf32, #tpu.memory_space<hbm>> -> memref<512x32xf32, #tpu.memory_space<hbm>>
    %dma_wait3A_1644 = arith.constant 0 : i32
    %dma_wait3A_1645 = arith.constant 0 : i32
    %dma_wait3A_1646 = tpu.memref_slice %arg6[%dma_wait3A_1635, %dma_wait3A_1644, %dma_wait3A_1645] : memref<6x512x32xf32, #tpu.memory_space<vmem>> -> memref<1x512x32xf32, #tpu.memory_space<vmem>>
    %dma_wait3A_1647 = tpu.memref_squeeze %dma_wait3A_1646 : memref<1x512x32xf32, #tpu.memory_space<vmem>> -> memref<512x32xf32, #tpu.memory_space<vmem>>
    tpu.wait_dma2 semaphore(%arg18 : memref<!tpu.dma_semaphore, #tpu.memory_space<semaphore_mem>>) src(%dma_wait3A_1647 : memref<512x32xf32, #tpu.memory_space<vmem>>) dst(%dma_wait3A_1643 : memref<512x32xf32, #tpu.memory_space<hbm>>)
    %dma_start3A_1648 = arith.constant 35 : i32
    %dma_start3A_1649 = arith.constant 5 : i32
    %dma_start3A_1650 = arith.constant 0 : i32
    %dma_start3A_1651 = arith.constant 0 : i32
    %dma_start3A_1652 = tpu.memref_slice %arg6[%dma_start3A_1649, %dma_start3A_1650, %dma_start3A_1651] : memref<6x512x32xf32, #tpu.memory_space<vmem>> -> memref<1x512x32xf32, #tpu.memory_space<vmem>>
    %dma_start3A_1653 = tpu.memref_squeeze %dma_start3A_1652 : memref<1x512x32xf32, #tpu.memory_space<vmem>> -> memref<512x32xf32, #tpu.memory_space<vmem>>
    %dma_start3A_1654 = arith.constant 0 : i32
    %dma_start3A_1655 = tpu.memref_slice %arg5[%dma_start3A_1648, %dma_start3A_1654] : memref<50x512xi32, #tpu.memory_space<vmem>> -> memref<1x512xi32, #tpu.memory_space<vmem>>
    %dma_start3A_1656 = tpu.memref_squeeze %dma_start3A_1655 : memref<1x512xi32, #tpu.memory_space<vmem>> -> memref<512xi32, #tpu.memory_space<vmem>>
    %dma_start3A_1657 = arith.constant 0 : i32
    %dma_start3A_1658 = arith.constant 0 : i32
    %dma_start3A_1659 = tpu.memref_slice %arg3[%dma_start3A_1657, %dma_start3A_1658] : memref<1000000x32xf32, #tpu.memory_space<hbm>> -> memref<1000000x32xf32, #tpu.memory_space<hbm>>
    tpu.enqueue_indirect_dma source(%dma_start3A_1659 : memref<1000000x32xf32, #tpu.memory_space<hbm>>) target(%dma_start3A_1653 : memref<512x32xf32, #tpu.memory_space<vmem>>) offsets(%dma_start3A_1656 : memref<512xi32, #tpu.memory_space<vmem>>) semaphore(%arg12 : memref<!tpu.dma_semaphore, #tpu.memory_space<semaphore_mem>>)
    %dma_wait3A_1660 = arith.constant 31 : i32
    %dma_wait3A_1661 = arith.constant 1 : i32
    %dma_wait3A_1662 = arith.constant 0 : i32
    %dma_wait3A_1663 = arith.constant 0 : i32
    %dma_wait3A_1664 = tpu.memref_slice %arg6[%dma_wait3A_1661, %dma_wait3A_1662, %dma_wait3A_1663] : memref<6x512x32xf32, #tpu.memory_space<vmem>> -> memref<1x512x32xf32, #tpu.memory_space<vmem>>
    %dma_wait3A_1665 = tpu.memref_squeeze %dma_wait3A_1664 : memref<1x512x32xf32, #tpu.memory_space<vmem>> -> memref<512x32xf32, #tpu.memory_space<vmem>>
    %dma_wait3A_1666 = arith.constant 0 : i32
    %dma_wait3A_1667 = tpu.memref_slice %arg5[%dma_wait3A_1660, %dma_wait3A_1666] : memref<50x512xi32, #tpu.memory_space<vmem>> -> memref<1x512xi32, #tpu.memory_space<vmem>>
    %dma_wait3A_1668 = tpu.memref_squeeze %dma_wait3A_1667 : memref<1x512xi32, #tpu.memory_space<vmem>> -> memref<512xi32, #tpu.memory_space<vmem>>
    %dma_wait3A_1669 = arith.constant 0 : i32
    %dma_wait3A_1670 = arith.constant 0 : i32
    %dma_wait3A_1671 = tpu.memref_slice %arg3[%dma_wait3A_1669, %dma_wait3A_1670] : memref<1000000x32xf32, #tpu.memory_space<hbm>> -> memref<1000000x32xf32, #tpu.memory_space<hbm>>
    tpu.wait_indirect_dma semaphore(%arg8 : memref<!tpu.dma_semaphore, #tpu.memory_space<semaphore_mem>>) src(%dma_wait3A_1671 : memref<1000000x32xf32, #tpu.memory_space<hbm>>) dst(%dma_wait3A_1665 : memref<512x32xf32, #tpu.memory_space<vmem>>)
    %add3A_1672 = arith.constant 15872 : i32
    %add3A_1673 = arith.addi %mul3A_2, %add3A_1672 : i32
    %dma_start3A_1674 = arith.constant 1 : i32
    %dma_start3A_1675 = arith.constant 0 : i32
    %dma_start3A_1676 = arith.constant 0 : i32
    %dma_start3A_1677 = tpu.memref_slice %arg6[%dma_start3A_1674, %dma_start3A_1675, %dma_start3A_1676] : memref<6x512x32xf32, #tpu.memory_space<vmem>> -> memref<1x512x32xf32, #tpu.memory_space<vmem>>
    %dma_start3A_1678 = tpu.memref_squeeze %dma_start3A_1677 : memref<1x512x32xf32, #tpu.memory_space<vmem>> -> memref<512x32xf32, #tpu.memory_space<vmem>>
    %dma_start3A_1679 = arith.constant 0 : i32
    %dma_start3A_1680 = tpu.memref_slice %arg4[%add3A_1673, %dma_start3A_1679] : memref<819200x32xf32, #tpu.memory_space<hbm>> -> memref<512x32xf32, #tpu.memory_space<hbm>>
    %dma_start3A_1681 = arith.constant 0 : i32
    %dma_start3A_1682 = tpu.memref_slice %arg4[%add3A_1673, %dma_start3A_1681] : memref<819200x32xf32, #tpu.memory_space<hbm>> -> memref<512x32xf32, #tpu.memory_space<hbm>>
    %dma_start3A_1683 = arith.constant 0 : i32
    %dma_start3A_1684 = arith.constant 0 : i32
    %dma_start3A_1685 = tpu.memref_slice %arg6[%dma_start3A_1674, %dma_start3A_1683, %dma_start3A_1684] : memref<6x512x32xf32, #tpu.memory_space<vmem>> -> memref<1x512x32xf32, #tpu.memory_space<vmem>>
    %dma_start3A_1686 = tpu.memref_squeeze %dma_start3A_1685 : memref<1x512x32xf32, #tpu.memory_space<vmem>> -> memref<512x32xf32, #tpu.memory_space<vmem>>
    tpu.enqueue_dma source(%dma_start3A_1686 : memref<512x32xf32, #tpu.memory_space<vmem>>) target(%dma_start3A_1682 : memref<512x32xf32, #tpu.memory_space<hbm>>) target_semaphore(%arg14 : memref<!tpu.dma_semaphore, #tpu.memory_space<semaphore_mem>>)
    %dma_wait3A_1687 = arith.constant 0 : i32
    %dma_wait3A_1688 = arith.constant 0 : i32
    %dma_wait3A_1689 = arith.constant 0 : i32
    %dma_wait3A_1690 = tpu.memref_slice %arg6[%dma_wait3A_1687, %dma_wait3A_1688, %dma_wait3A_1689] : memref<6x512x32xf32, #tpu.memory_space<vmem>> -> memref<1x512x32xf32, #tpu.memory_space<vmem>>
    %dma_wait3A_1691 = tpu.memref_squeeze %dma_wait3A_1690 : memref<1x512x32xf32, #tpu.memory_space<vmem>> -> memref<512x32xf32, #tpu.memory_space<vmem>>
    %dma_wait3A_1692 = arith.constant 0 : i32
    %dma_wait3A_1693 = tpu.memref_slice %arg4[%add3A_1621, %dma_wait3A_1692] : memref<819200x32xf32, #tpu.memory_space<hbm>> -> memref<512x32xf32, #tpu.memory_space<hbm>>
    %dma_wait3A_1694 = arith.constant 0 : i32
    %dma_wait3A_1695 = tpu.memref_slice %arg4[%add3A_1621, %dma_wait3A_1694] : memref<819200x32xf32, #tpu.memory_space<hbm>> -> memref<512x32xf32, #tpu.memory_space<hbm>>
    %dma_wait3A_1696 = arith.constant 0 : i32
    %dma_wait3A_1697 = arith.constant 0 : i32
    %dma_wait3A_1698 = tpu.memref_slice %arg6[%dma_wait3A_1687, %dma_wait3A_1696, %dma_wait3A_1697] : memref<6x512x32xf32, #tpu.memory_space<vmem>> -> memref<1x512x32xf32, #tpu.memory_space<vmem>>
    %dma_wait3A_1699 = tpu.memref_squeeze %dma_wait3A_1698 : memref<1x512x32xf32, #tpu.memory_space<vmem>> -> memref<512x32xf32, #tpu.memory_space<vmem>>
    tpu.wait_dma2 semaphore(%arg13 : memref<!tpu.dma_semaphore, #tpu.memory_space<semaphore_mem>>) src(%dma_wait3A_1699 : memref<512x32xf32, #tpu.memory_space<vmem>>) dst(%dma_wait3A_1695 : memref<512x32xf32, #tpu.memory_space<hbm>>)
    %dma_start3A_1700 = arith.constant 36 : i32
    %dma_start3A_1701 = arith.constant 0 : i32
    %dma_start3A_1702 = arith.constant 0 : i32
    %dma_start3A_1703 = arith.constant 0 : i32
    %dma_start3A_1704 = tpu.memref_slice %arg6[%dma_start3A_1701, %dma_start3A_1702, %dma_start3A_1703] : memref<6x512x32xf32, #tpu.memory_space<vmem>> -> memref<1x512x32xf32, #tpu.memory_space<vmem>>
    %dma_start3A_1705 = tpu.memref_squeeze %dma_start3A_1704 : memref<1x512x32xf32, #tpu.memory_space<vmem>> -> memref<512x32xf32, #tpu.memory_space<vmem>>
    %dma_start3A_1706 = arith.constant 0 : i32
    %dma_start3A_1707 = tpu.memref_slice %arg5[%dma_start3A_1700, %dma_start3A_1706] : memref<50x512xi32, #tpu.memory_space<vmem>> -> memref<1x512xi32, #tpu.memory_space<vmem>>
    %dma_start3A_1708 = tpu.memref_squeeze %dma_start3A_1707 : memref<1x512xi32, #tpu.memory_space<vmem>> -> memref<512xi32, #tpu.memory_space<vmem>>
    %dma_start3A_1709 = arith.constant 0 : i32
    %dma_start3A_1710 = arith.constant 0 : i32
    %dma_start3A_1711 = tpu.memref_slice %arg3[%dma_start3A_1709, %dma_start3A_1710] : memref<1000000x32xf32, #tpu.memory_space<hbm>> -> memref<1000000x32xf32, #tpu.memory_space<hbm>>
    tpu.enqueue_indirect_dma source(%dma_start3A_1711 : memref<1000000x32xf32, #tpu.memory_space<hbm>>) target(%dma_start3A_1705 : memref<512x32xf32, #tpu.memory_space<vmem>>) offsets(%dma_start3A_1708 : memref<512xi32, #tpu.memory_space<vmem>>) semaphore(%arg7 : memref<!tpu.dma_semaphore, #tpu.memory_space<semaphore_mem>>)
    %dma_wait3A_1712 = arith.constant 32 : i32
    %dma_wait3A_1713 = arith.constant 2 : i32
    %dma_wait3A_1714 = arith.constant 0 : i32
    %dma_wait3A_1715 = arith.constant 0 : i32
    %dma_wait3A_1716 = tpu.memref_slice %arg6[%dma_wait3A_1713, %dma_wait3A_1714, %dma_wait3A_1715] : memref<6x512x32xf32, #tpu.memory_space<vmem>> -> memref<1x512x32xf32, #tpu.memory_space<vmem>>
    %dma_wait3A_1717 = tpu.memref_squeeze %dma_wait3A_1716 : memref<1x512x32xf32, #tpu.memory_space<vmem>> -> memref<512x32xf32, #tpu.memory_space<vmem>>
    %dma_wait3A_1718 = arith.constant 0 : i32
    %dma_wait3A_1719 = tpu.memref_slice %arg5[%dma_wait3A_1712, %dma_wait3A_1718] : memref<50x512xi32, #tpu.memory_space<vmem>> -> memref<1x512xi32, #tpu.memory_space<vmem>>
    %dma_wait3A_1720 = tpu.memref_squeeze %dma_wait3A_1719 : memref<1x512xi32, #tpu.memory_space<vmem>> -> memref<512xi32, #tpu.memory_space<vmem>>
    %dma_wait3A_1721 = arith.constant 0 : i32
    %dma_wait3A_1722 = arith.constant 0 : i32
    %dma_wait3A_1723 = tpu.memref_slice %arg3[%dma_wait3A_1721, %dma_wait3A_1722] : memref<1000000x32xf32, #tpu.memory_space<hbm>> -> memref<1000000x32xf32, #tpu.memory_space<hbm>>
    tpu.wait_indirect_dma semaphore(%arg9 : memref<!tpu.dma_semaphore, #tpu.memory_space<semaphore_mem>>) src(%dma_wait3A_1723 : memref<1000000x32xf32, #tpu.memory_space<hbm>>) dst(%dma_wait3A_1717 : memref<512x32xf32, #tpu.memory_space<vmem>>)
    %add3A_1724 = arith.constant 16384 : i32
    %add3A_1725 = arith.addi %mul3A_2, %add3A_1724 : i32
    %dma_start3A_1726 = arith.constant 2 : i32
    %dma_start3A_1727 = arith.constant 0 : i32
    %dma_start3A_1728 = arith.constant 0 : i32
    %dma_start3A_1729 = tpu.memref_slice %arg6[%dma_start3A_1726, %dma_start3A_1727, %dma_start3A_1728] : memref<6x512x32xf32, #tpu.memory_space<vmem>> -> memref<1x512x32xf32, #tpu.memory_space<vmem>>
    %dma_start3A_1730 = tpu.memref_squeeze %dma_start3A_1729 : memref<1x512x32xf32, #tpu.memory_space<vmem>> -> memref<512x32xf32, #tpu.memory_space<vmem>>
    %dma_start3A_1731 = arith.constant 0 : i32
    %dma_start3A_1732 = tpu.memref_slice %arg4[%add3A_1725, %dma_start3A_1731] : memref<819200x32xf32, #tpu.memory_space<hbm>> -> memref<512x32xf32, #tpu.memory_space<hbm>>
    %dma_start3A_1733 = arith.constant 0 : i32
    %dma_start3A_1734 = tpu.memref_slice %arg4[%add3A_1725, %dma_start3A_1733] : memref<819200x32xf32, #tpu.memory_space<hbm>> -> memref<512x32xf32, #tpu.memory_space<hbm>>
    %dma_start3A_1735 = arith.constant 0 : i32
    %dma_start3A_1736 = arith.constant 0 : i32
    %dma_start3A_1737 = tpu.memref_slice %arg6[%dma_start3A_1726, %dma_start3A_1735, %dma_start3A_1736] : memref<6x512x32xf32, #tpu.memory_space<vmem>> -> memref<1x512x32xf32, #tpu.memory_space<vmem>>
    %dma_start3A_1738 = tpu.memref_squeeze %dma_start3A_1737 : memref<1x512x32xf32, #tpu.memory_space<vmem>> -> memref<512x32xf32, #tpu.memory_space<vmem>>
    tpu.enqueue_dma source(%dma_start3A_1738 : memref<512x32xf32, #tpu.memory_space<vmem>>) target(%dma_start3A_1734 : memref<512x32xf32, #tpu.memory_space<hbm>>) target_semaphore(%arg15 : memref<!tpu.dma_semaphore, #tpu.memory_space<semaphore_mem>>)
    %dma_wait3A_1739 = arith.constant 1 : i32
    %dma_wait3A_1740 = arith.constant 0 : i32
    %dma_wait3A_1741 = arith.constant 0 : i32
    %dma_wait3A_1742 = tpu.memref_slice %arg6[%dma_wait3A_1739, %dma_wait3A_1740, %dma_wait3A_1741] : memref<6x512x32xf32, #tpu.memory_space<vmem>> -> memref<1x512x32xf32, #tpu.memory_space<vmem>>
    %dma_wait3A_1743 = tpu.memref_squeeze %dma_wait3A_1742 : memref<1x512x32xf32, #tpu.memory_space<vmem>> -> memref<512x32xf32, #tpu.memory_space<vmem>>
    %dma_wait3A_1744 = arith.constant 0 : i32
    %dma_wait3A_1745 = tpu.memref_slice %arg4[%add3A_1673, %dma_wait3A_1744] : memref<819200x32xf32, #tpu.memory_space<hbm>> -> memref<512x32xf32, #tpu.memory_space<hbm>>
    %dma_wait3A_1746 = arith.constant 0 : i32
    %dma_wait3A_1747 = tpu.memref_slice %arg4[%add3A_1673, %dma_wait3A_1746] : memref<819200x32xf32, #tpu.memory_space<hbm>> -> memref<512x32xf32, #tpu.memory_space<hbm>>
    %dma_wait3A_1748 = arith.constant 0 : i32
    %dma_wait3A_1749 = arith.constant 0 : i32
    %dma_wait3A_1750 = tpu.memref_slice %arg6[%dma_wait3A_1739, %dma_wait3A_1748, %dma_wait3A_1749] : memref<6x512x32xf32, #tpu.memory_space<vmem>> -> memref<1x512x32xf32, #tpu.memory_space<vmem>>
    %dma_wait3A_1751 = tpu.memref_squeeze %dma_wait3A_1750 : memref<1x512x32xf32, #tpu.memory_space<vmem>> -> memref<512x32xf32, #tpu.memory_space<vmem>>
    tpu.wait_dma2 semaphore(%arg14 : memref<!tpu.dma_semaphore, #tpu.memory_space<semaphore_mem>>) src(%dma_wait3A_1751 : memref<512x32xf32, #tpu.memory_space<vmem>>) dst(%dma_wait3A_1747 : memref<512x32xf32, #tpu.memory_space<hbm>>)
    %dma_start3A_1752 = arith.constant 37 : i32
    %dma_start3A_1753 = arith.constant 1 : i32
    %dma_start3A_1754 = arith.constant 0 : i32
    %dma_start3A_1755 = arith.constant 0 : i32
    %dma_start3A_1756 = tpu.memref_slice %arg6[%dma_start3A_1753, %dma_start3A_1754, %dma_start3A_1755] : memref<6x512x32xf32, #tpu.memory_space<vmem>> -> memref<1x512x32xf32, #tpu.memory_space<vmem>>
    %dma_start3A_1757 = tpu.memref_squeeze %dma_start3A_1756 : memref<1x512x32xf32, #tpu.memory_space<vmem>> -> memref<512x32xf32, #tpu.memory_space<vmem>>
    %dma_start3A_1758 = arith.constant 0 : i32
    %dma_start3A_1759 = tpu.memref_slice %arg5[%dma_start3A_1752, %dma_start3A_1758] : memref<50x512xi32, #tpu.memory_space<vmem>> -> memref<1x512xi32, #tpu.memory_space<vmem>>
    %dma_start3A_1760 = tpu.memref_squeeze %dma_start3A_1759 : memref<1x512xi32, #tpu.memory_space<vmem>> -> memref<512xi32, #tpu.memory_space<vmem>>
    %dma_start3A_1761 = arith.constant 0 : i32
    %dma_start3A_1762 = arith.constant 0 : i32
    %dma_start3A_1763 = tpu.memref_slice %arg3[%dma_start3A_1761, %dma_start3A_1762] : memref<1000000x32xf32, #tpu.memory_space<hbm>> -> memref<1000000x32xf32, #tpu.memory_space<hbm>>
    tpu.enqueue_indirect_dma source(%dma_start3A_1763 : memref<1000000x32xf32, #tpu.memory_space<hbm>>) target(%dma_start3A_1757 : memref<512x32xf32, #tpu.memory_space<vmem>>) offsets(%dma_start3A_1760 : memref<512xi32, #tpu.memory_space<vmem>>) semaphore(%arg8 : memref<!tpu.dma_semaphore, #tpu.memory_space<semaphore_mem>>)
    %dma_wait3A_1764 = arith.constant 33 : i32
    %dma_wait3A_1765 = arith.constant 3 : i32
    %dma_wait3A_1766 = arith.constant 0 : i32
    %dma_wait3A_1767 = arith.constant 0 : i32
    %dma_wait3A_1768 = tpu.memref_slice %arg6[%dma_wait3A_1765, %dma_wait3A_1766, %dma_wait3A_1767] : memref<6x512x32xf32, #tpu.memory_space<vmem>> -> memref<1x512x32xf32, #tpu.memory_space<vmem>>
    %dma_wait3A_1769 = tpu.memref_squeeze %dma_wait3A_1768 : memref<1x512x32xf32, #tpu.memory_space<vmem>> -> memref<512x32xf32, #tpu.memory_space<vmem>>
    %dma_wait3A_1770 = arith.constant 0 : i32
    %dma_wait3A_1771 = tpu.memref_slice %arg5[%dma_wait3A_1764, %dma_wait3A_1770] : memref<50x512xi32, #tpu.memory_space<vmem>> -> memref<1x512xi32, #tpu.memory_space<vmem>>
    %dma_wait3A_1772 = tpu.memref_squeeze %dma_wait3A_1771 : memref<1x512xi32, #tpu.memory_space<vmem>> -> memref<512xi32, #tpu.memory_space<vmem>>
    %dma_wait3A_1773 = arith.constant 0 : i32
    %dma_wait3A_1774 = arith.constant 0 : i32
    %dma_wait3A_1775 = tpu.memref_slice %arg3[%dma_wait3A_1773, %dma_wait3A_1774] : memref<1000000x32xf32, #tpu.memory_space<hbm>> -> memref<1000000x32xf32, #tpu.memory_space<hbm>>
    tpu.wait_indirect_dma semaphore(%arg10 : memref<!tpu.dma_semaphore, #tpu.memory_space<semaphore_mem>>) src(%dma_wait3A_1775 : memref<1000000x32xf32, #tpu.memory_space<hbm>>) dst(%dma_wait3A_1769 : memref<512x32xf32, #tpu.memory_space<vmem>>)
    %add3A_1776 = arith.constant 16896 : i32
    %add3A_1777 = arith.addi %mul3A_2, %add3A_1776 : i32
    %dma_start3A_1778 = arith.constant 3 : i32
    %dma_start3A_1779 = arith.constant 0 : i32
    %dma_start3A_1780 = arith.constant 0 : i32
    %dma_start3A_1781 = tpu.memref_slice %arg6[%dma_start3A_1778, %dma_start3A_1779, %dma_start3A_1780] : memref<6x512x32xf32, #tpu.memory_space<vmem>> -> memref<1x512x32xf32, #tpu.memory_space<vmem>>
    %dma_start3A_1782 = tpu.memref_squeeze %dma_start3A_1781 : memref<1x512x32xf32, #tpu.memory_space<vmem>> -> memref<512x32xf32, #tpu.memory_space<vmem>>
    %dma_start3A_1783 = arith.constant 0 : i32
    %dma_start3A_1784 = tpu.memref_slice %arg4[%add3A_1777, %dma_start3A_1783] : memref<819200x32xf32, #tpu.memory_space<hbm>> -> memref<512x32xf32, #tpu.memory_space<hbm>>
    %dma_start3A_1785 = arith.constant 0 : i32
    %dma_start3A_1786 = tpu.memref_slice %arg4[%add3A_1777, %dma_start3A_1785] : memref<819200x32xf32, #tpu.memory_space<hbm>> -> memref<512x32xf32, #tpu.memory_space<hbm>>
    %dma_start3A_1787 = arith.constant 0 : i32
    %dma_start3A_1788 = arith.constant 0 : i32
    %dma_start3A_1789 = tpu.memref_slice %arg6[%dma_start3A_1778, %dma_start3A_1787, %dma_start3A_1788] : memref<6x512x32xf32, #tpu.memory_space<vmem>> -> memref<1x512x32xf32, #tpu.memory_space<vmem>>
    %dma_start3A_1790 = tpu.memref_squeeze %dma_start3A_1789 : memref<1x512x32xf32, #tpu.memory_space<vmem>> -> memref<512x32xf32, #tpu.memory_space<vmem>>
    tpu.enqueue_dma source(%dma_start3A_1790 : memref<512x32xf32, #tpu.memory_space<vmem>>) target(%dma_start3A_1786 : memref<512x32xf32, #tpu.memory_space<hbm>>) target_semaphore(%arg16 : memref<!tpu.dma_semaphore, #tpu.memory_space<semaphore_mem>>)
    %dma_wait3A_1791 = arith.constant 2 : i32
    %dma_wait3A_1792 = arith.constant 0 : i32
    %dma_wait3A_1793 = arith.constant 0 : i32
    %dma_wait3A_1794 = tpu.memref_slice %arg6[%dma_wait3A_1791, %dma_wait3A_1792, %dma_wait3A_1793] : memref<6x512x32xf32, #tpu.memory_space<vmem>> -> memref<1x512x32xf32, #tpu.memory_space<vmem>>
    %dma_wait3A_1795 = tpu.memref_squeeze %dma_wait3A_1794 : memref<1x512x32xf32, #tpu.memory_space<vmem>> -> memref<512x32xf32, #tpu.memory_space<vmem>>
    %dma_wait3A_1796 = arith.constant 0 : i32
    %dma_wait3A_1797 = tpu.memref_slice %arg4[%add3A_1725, %dma_wait3A_1796] : memref<819200x32xf32, #tpu.memory_space<hbm>> -> memref<512x32xf32, #tpu.memory_space<hbm>>
    %dma_wait3A_1798 = arith.constant 0 : i32
    %dma_wait3A_1799 = tpu.memref_slice %arg4[%add3A_1725, %dma_wait3A_1798] : memref<819200x32xf32, #tpu.memory_space<hbm>> -> memref<512x32xf32, #tpu.memory_space<hbm>>
    %dma_wait3A_1800 = arith.constant 0 : i32
    %dma_wait3A_1801 = arith.constant 0 : i32
    %dma_wait3A_1802 = tpu.memref_slice %arg6[%dma_wait3A_1791, %dma_wait3A_1800, %dma_wait3A_1801] : memref<6x512x32xf32, #tpu.memory_space<vmem>> -> memref<1x512x32xf32, #tpu.memory_space<vmem>>
    %dma_wait3A_1803 = tpu.memref_squeeze %dma_wait3A_1802 : memref<1x512x32xf32, #tpu.memory_space<vmem>> -> memref<512x32xf32, #tpu.memory_space<vmem>>
    tpu.wait_dma2 semaphore(%arg15 : memref<!tpu.dma_semaphore, #tpu.memory_space<semaphore_mem>>) src(%dma_wait3A_1803 : memref<512x32xf32, #tpu.memory_space<vmem>>) dst(%dma_wait3A_1799 : memref<512x32xf32, #tpu.memory_space<hbm>>)
    %dma_start3A_1804 = arith.constant 38 : i32
    %dma_start3A_1805 = arith.constant 2 : i32
    %dma_start3A_1806 = arith.constant 0 : i32
    %dma_start3A_1807 = arith.constant 0 : i32
    %dma_start3A_1808 = tpu.memref_slice %arg6[%dma_start3A_1805, %dma_start3A_1806, %dma_start3A_1807] : memref<6x512x32xf32, #tpu.memory_space<vmem>> -> memref<1x512x32xf32, #tpu.memory_space<vmem>>
    %dma_start3A_1809 = tpu.memref_squeeze %dma_start3A_1808 : memref<1x512x32xf32, #tpu.memory_space<vmem>> -> memref<512x32xf32, #tpu.memory_space<vmem>>
    %dma_start3A_1810 = arith.constant 0 : i32
    %dma_start3A_1811 = tpu.memref_slice %arg5[%dma_start3A_1804, %dma_start3A_1810] : memref<50x512xi32, #tpu.memory_space<vmem>> -> memref<1x512xi32, #tpu.memory_space<vmem>>
    %dma_start3A_1812 = tpu.memref_squeeze %dma_start3A_1811 : memref<1x512xi32, #tpu.memory_space<vmem>> -> memref<512xi32, #tpu.memory_space<vmem>>
    %dma_start3A_1813 = arith.constant 0 : i32
    %dma_start3A_1814 = arith.constant 0 : i32
    %dma_start3A_1815 = tpu.memref_slice %arg3[%dma_start3A_1813, %dma_start3A_1814] : memref<1000000x32xf32, #tpu.memory_space<hbm>> -> memref<1000000x32xf32, #tpu.memory_space<hbm>>
    tpu.enqueue_indirect_dma source(%dma_start3A_1815 : memref<1000000x32xf32, #tpu.memory_space<hbm>>) target(%dma_start3A_1809 : memref<512x32xf32, #tpu.memory_space<vmem>>) offsets(%dma_start3A_1812 : memref<512xi32, #tpu.memory_space<vmem>>) semaphore(%arg9 : memref<!tpu.dma_semaphore, #tpu.memory_space<semaphore_mem>>)
    %dma_wait3A_1816 = arith.constant 34 : i32
    %dma_wait3A_1817 = arith.constant 4 : i32
    %dma_wait3A_1818 = arith.constant 0 : i32
    %dma_wait3A_1819 = arith.constant 0 : i32
    %dma_wait3A_1820 = tpu.memref_slice %arg6[%dma_wait3A_1817, %dma_wait3A_1818, %dma_wait3A_1819] : memref<6x512x32xf32, #tpu.memory_space<vmem>> -> memref<1x512x32xf32, #tpu.memory_space<vmem>>
    %dma_wait3A_1821 = tpu.memref_squeeze %dma_wait3A_1820 : memref<1x512x32xf32, #tpu.memory_space<vmem>> -> memref<512x32xf32, #tpu.memory_space<vmem>>
    %dma_wait3A_1822 = arith.constant 0 : i32
    %dma_wait3A_1823 = tpu.memref_slice %arg5[%dma_wait3A_1816, %dma_wait3A_1822] : memref<50x512xi32, #tpu.memory_space<vmem>> -> memref<1x512xi32, #tpu.memory_space<vmem>>
    %dma_wait3A_1824 = tpu.memref_squeeze %dma_wait3A_1823 : memref<1x512xi32, #tpu.memory_space<vmem>> -> memref<512xi32, #tpu.memory_space<vmem>>
    %dma_wait3A_1825 = arith.constant 0 : i32
    %dma_wait3A_1826 = arith.constant 0 : i32
    %dma_wait3A_1827 = tpu.memref_slice %arg3[%dma_wait3A_1825, %dma_wait3A_1826] : memref<1000000x32xf32, #tpu.memory_space<hbm>> -> memref<1000000x32xf32, #tpu.memory_space<hbm>>
    tpu.wait_indirect_dma semaphore(%arg11 : memref<!tpu.dma_semaphore, #tpu.memory_space<semaphore_mem>>) src(%dma_wait3A_1827 : memref<1000000x32xf32, #tpu.memory_space<hbm>>) dst(%dma_wait3A_1821 : memref<512x32xf32, #tpu.memory_space<vmem>>)
    %add3A_1828 = arith.constant 17408 : i32
    %add3A_1829 = arith.addi %mul3A_2, %add3A_1828 : i32
    %dma_start3A_1830 = arith.constant 4 : i32
    %dma_start3A_1831 = arith.constant 0 : i32
    %dma_start3A_1832 = arith.constant 0 : i32
    %dma_start3A_1833 = tpu.memref_slice %arg6[%dma_start3A_1830, %dma_start3A_1831, %dma_start3A_1832] : memref<6x512x32xf32, #tpu.memory_space<vmem>> -> memref<1x512x32xf32, #tpu.memory_space<vmem>>
    %dma_start3A_1834 = tpu.memref_squeeze %dma_start3A_1833 : memref<1x512x32xf32, #tpu.memory_space<vmem>> -> memref<512x32xf32, #tpu.memory_space<vmem>>
    %dma_start3A_1835 = arith.constant 0 : i32
    %dma_start3A_1836 = tpu.memref_slice %arg4[%add3A_1829, %dma_start3A_1835] : memref<819200x32xf32, #tpu.memory_space<hbm>> -> memref<512x32xf32, #tpu.memory_space<hbm>>
    %dma_start3A_1837 = arith.constant 0 : i32
    %dma_start3A_1838 = tpu.memref_slice %arg4[%add3A_1829, %dma_start3A_1837] : memref<819200x32xf32, #tpu.memory_space<hbm>> -> memref<512x32xf32, #tpu.memory_space<hbm>>
    %dma_start3A_1839 = arith.constant 0 : i32
    %dma_start3A_1840 = arith.constant 0 : i32
    %dma_start3A_1841 = tpu.memref_slice %arg6[%dma_start3A_1830, %dma_start3A_1839, %dma_start3A_1840] : memref<6x512x32xf32, #tpu.memory_space<vmem>> -> memref<1x512x32xf32, #tpu.memory_space<vmem>>
    %dma_start3A_1842 = tpu.memref_squeeze %dma_start3A_1841 : memref<1x512x32xf32, #tpu.memory_space<vmem>> -> memref<512x32xf32, #tpu.memory_space<vmem>>
    tpu.enqueue_dma source(%dma_start3A_1842 : memref<512x32xf32, #tpu.memory_space<vmem>>) target(%dma_start3A_1838 : memref<512x32xf32, #tpu.memory_space<hbm>>) target_semaphore(%arg17 : memref<!tpu.dma_semaphore, #tpu.memory_space<semaphore_mem>>)
    %dma_wait3A_1843 = arith.constant 3 : i32
    %dma_wait3A_1844 = arith.constant 0 : i32
    %dma_wait3A_1845 = arith.constant 0 : i32
    %dma_wait3A_1846 = tpu.memref_slice %arg6[%dma_wait3A_1843, %dma_wait3A_1844, %dma_wait3A_1845] : memref<6x512x32xf32, #tpu.memory_space<vmem>> -> memref<1x512x32xf32, #tpu.memory_space<vmem>>
    %dma_wait3A_1847 = tpu.memref_squeeze %dma_wait3A_1846 : memref<1x512x32xf32, #tpu.memory_space<vmem>> -> memref<512x32xf32, #tpu.memory_space<vmem>>
    %dma_wait3A_1848 = arith.constant 0 : i32
    %dma_wait3A_1849 = tpu.memref_slice %arg4[%add3A_1777, %dma_wait3A_1848] : memref<819200x32xf32, #tpu.memory_space<hbm>> -> memref<512x32xf32, #tpu.memory_space<hbm>>
    %dma_wait3A_1850 = arith.constant 0 : i32
    %dma_wait3A_1851 = tpu.memref_slice %arg4[%add3A_1777, %dma_wait3A_1850] : memref<819200x32xf32, #tpu.memory_space<hbm>> -> memref<512x32xf32, #tpu.memory_space<hbm>>
    %dma_wait3A_1852 = arith.constant 0 : i32
    %dma_wait3A_1853 = arith.constant 0 : i32
    %dma_wait3A_1854 = tpu.memref_slice %arg6[%dma_wait3A_1843, %dma_wait3A_1852, %dma_wait3A_1853] : memref<6x512x32xf32, #tpu.memory_space<vmem>> -> memref<1x512x32xf32, #tpu.memory_space<vmem>>
    %dma_wait3A_1855 = tpu.memref_squeeze %dma_wait3A_1854 : memref<1x512x32xf32, #tpu.memory_space<vmem>> -> memref<512x32xf32, #tpu.memory_space<vmem>>
    tpu.wait_dma2 semaphore(%arg16 : memref<!tpu.dma_semaphore, #tpu.memory_space<semaphore_mem>>) src(%dma_wait3A_1855 : memref<512x32xf32, #tpu.memory_space<vmem>>) dst(%dma_wait3A_1851 : memref<512x32xf32, #tpu.memory_space<hbm>>)
    %dma_start3A_1856 = arith.constant 39 : i32
    %dma_start3A_1857 = arith.constant 3 : i32
    %dma_start3A_1858 = arith.constant 0 : i32
    %dma_start3A_1859 = arith.constant 0 : i32
    %dma_start3A_1860 = tpu.memref_slice %arg6[%dma_start3A_1857, %dma_start3A_1858, %dma_start3A_1859] : memref<6x512x32xf32, #tpu.memory_space<vmem>> -> memref<1x512x32xf32, #tpu.memory_space<vmem>>
    %dma_start3A_1861 = tpu.memref_squeeze %dma_start3A_1860 : memref<1x512x32xf32, #tpu.memory_space<vmem>> -> memref<512x32xf32, #tpu.memory_space<vmem>>
    %dma_start3A_1862 = arith.constant 0 : i32
    %dma_start3A_1863 = tpu.memref_slice %arg5[%dma_start3A_1856, %dma_start3A_1862] : memref<50x512xi32, #tpu.memory_space<vmem>> -> memref<1x512xi32, #tpu.memory_space<vmem>>
    %dma_start3A_1864 = tpu.memref_squeeze %dma_start3A_1863 : memref<1x512xi32, #tpu.memory_space<vmem>> -> memref<512xi32, #tpu.memory_space<vmem>>
    %dma_start3A_1865 = arith.constant 0 : i32
    %dma_start3A_1866 = arith.constant 0 : i32
    %dma_start3A_1867 = tpu.memref_slice %arg3[%dma_start3A_1865, %dma_start3A_1866] : memref<1000000x32xf32, #tpu.memory_space<hbm>> -> memref<1000000x32xf32, #tpu.memory_space<hbm>>
    tpu.enqueue_indirect_dma source(%dma_start3A_1867 : memref<1000000x32xf32, #tpu.memory_space<hbm>>) target(%dma_start3A_1861 : memref<512x32xf32, #tpu.memory_space<vmem>>) offsets(%dma_start3A_1864 : memref<512xi32, #tpu.memory_space<vmem>>) semaphore(%arg10 : memref<!tpu.dma_semaphore, #tpu.memory_space<semaphore_mem>>)
    %dma_wait3A_1868 = arith.constant 35 : i32
    %dma_wait3A_1869 = arith.constant 5 : i32
    %dma_wait3A_1870 = arith.constant 0 : i32
    %dma_wait3A_1871 = arith.constant 0 : i32
    %dma_wait3A_1872 = tpu.memref_slice %arg6[%dma_wait3A_1869, %dma_wait3A_1870, %dma_wait3A_1871] : memref<6x512x32xf32, #tpu.memory_space<vmem>> -> memref<1x512x32xf32, #tpu.memory_space<vmem>>
    %dma_wait3A_1873 = tpu.memref_squeeze %dma_wait3A_1872 : memref<1x512x32xf32, #tpu.memory_space<vmem>> -> memref<512x32xf32, #tpu.memory_space<vmem>>
    %dma_wait3A_1874 = arith.constant 0 : i32
    %dma_wait3A_1875 = tpu.memref_slice %arg5[%dma_wait3A_1868, %dma_wait3A_1874] : memref<50x512xi32, #tpu.memory_space<vmem>> -> memref<1x512xi32, #tpu.memory_space<vmem>>
    %dma_wait3A_1876 = tpu.memref_squeeze %dma_wait3A_1875 : memref<1x512xi32, #tpu.memory_space<vmem>> -> memref<512xi32, #tpu.memory_space<vmem>>
    %dma_wait3A_1877 = arith.constant 0 : i32
    %dma_wait3A_1878 = arith.constant 0 : i32
    %dma_wait3A_1879 = tpu.memref_slice %arg3[%dma_wait3A_1877, %dma_wait3A_1878] : memref<1000000x32xf32, #tpu.memory_space<hbm>> -> memref<1000000x32xf32, #tpu.memory_space<hbm>>
    tpu.wait_indirect_dma semaphore(%arg12 : memref<!tpu.dma_semaphore, #tpu.memory_space<semaphore_mem>>) src(%dma_wait3A_1879 : memref<1000000x32xf32, #tpu.memory_space<hbm>>) dst(%dma_wait3A_1873 : memref<512x32xf32, #tpu.memory_space<vmem>>)
    %add3A_1880 = arith.constant 17920 : i32
    %add3A_1881 = arith.addi %mul3A_2, %add3A_1880 : i32
    %dma_start3A_1882 = arith.constant 5 : i32
    %dma_start3A_1883 = arith.constant 0 : i32
    %dma_start3A_1884 = arith.constant 0 : i32
    %dma_start3A_1885 = tpu.memref_slice %arg6[%dma_start3A_1882, %dma_start3A_1883, %dma_start3A_1884] : memref<6x512x32xf32, #tpu.memory_space<vmem>> -> memref<1x512x32xf32, #tpu.memory_space<vmem>>
    %dma_start3A_1886 = tpu.memref_squeeze %dma_start3A_1885 : memref<1x512x32xf32, #tpu.memory_space<vmem>> -> memref<512x32xf32, #tpu.memory_space<vmem>>
    %dma_start3A_1887 = arith.constant 0 : i32
    %dma_start3A_1888 = tpu.memref_slice %arg4[%add3A_1881, %dma_start3A_1887] : memref<819200x32xf32, #tpu.memory_space<hbm>> -> memref<512x32xf32, #tpu.memory_space<hbm>>
    %dma_start3A_1889 = arith.constant 0 : i32
    %dma_start3A_1890 = tpu.memref_slice %arg4[%add3A_1881, %dma_start3A_1889] : memref<819200x32xf32, #tpu.memory_space<hbm>> -> memref<512x32xf32, #tpu.memory_space<hbm>>
    %dma_start3A_1891 = arith.constant 0 : i32
    %dma_start3A_1892 = arith.constant 0 : i32
    %dma_start3A_1893 = tpu.memref_slice %arg6[%dma_start3A_1882, %dma_start3A_1891, %dma_start3A_1892] : memref<6x512x32xf32, #tpu.memory_space<vmem>> -> memref<1x512x32xf32, #tpu.memory_space<vmem>>
    %dma_start3A_1894 = tpu.memref_squeeze %dma_start3A_1893 : memref<1x512x32xf32, #tpu.memory_space<vmem>> -> memref<512x32xf32, #tpu.memory_space<vmem>>
    tpu.enqueue_dma source(%dma_start3A_1894 : memref<512x32xf32, #tpu.memory_space<vmem>>) target(%dma_start3A_1890 : memref<512x32xf32, #tpu.memory_space<hbm>>) target_semaphore(%arg18 : memref<!tpu.dma_semaphore, #tpu.memory_space<semaphore_mem>>)
    %dma_wait3A_1895 = arith.constant 4 : i32
    %dma_wait3A_1896 = arith.constant 0 : i32
    %dma_wait3A_1897 = arith.constant 0 : i32
    %dma_wait3A_1898 = tpu.memref_slice %arg6[%dma_wait3A_1895, %dma_wait3A_1896, %dma_wait3A_1897] : memref<6x512x32xf32, #tpu.memory_space<vmem>> -> memref<1x512x32xf32, #tpu.memory_space<vmem>>
    %dma_wait3A_1899 = tpu.memref_squeeze %dma_wait3A_1898 : memref<1x512x32xf32, #tpu.memory_space<vmem>> -> memref<512x32xf32, #tpu.memory_space<vmem>>
    %dma_wait3A_1900 = arith.constant 0 : i32
    %dma_wait3A_1901 = tpu.memref_slice %arg4[%add3A_1829, %dma_wait3A_1900] : memref<819200x32xf32, #tpu.memory_space<hbm>> -> memref<512x32xf32, #tpu.memory_space<hbm>>
    %dma_wait3A_1902 = arith.constant 0 : i32
    %dma_wait3A_1903 = tpu.memref_slice %arg4[%add3A_1829, %dma_wait3A_1902] : memref<819200x32xf32, #tpu.memory_space<hbm>> -> memref<512x32xf32, #tpu.memory_space<hbm>>
    %dma_wait3A_1904 = arith.constant 0 : i32
    %dma_wait3A_1905 = arith.constant 0 : i32
    %dma_wait3A_1906 = tpu.memref_slice %arg6[%dma_wait3A_1895, %dma_wait3A_1904, %dma_wait3A_1905] : memref<6x512x32xf32, #tpu.memory_space<vmem>> -> memref<1x512x32xf32, #tpu.memory_space<vmem>>
    %dma_wait3A_1907 = tpu.memref_squeeze %dma_wait3A_1906 : memref<1x512x32xf32, #tpu.memory_space<vmem>> -> memref<512x32xf32, #tpu.memory_space<vmem>>
    tpu.wait_dma2 semaphore(%arg17 : memref<!tpu.dma_semaphore, #tpu.memory_space<semaphore_mem>>) src(%dma_wait3A_1907 : memref<512x32xf32, #tpu.memory_space<vmem>>) dst(%dma_wait3A_1903 : memref<512x32xf32, #tpu.memory_space<hbm>>)
    %dma_start3A_1908 = arith.constant 40 : i32
    %dma_start3A_1909 = arith.constant 4 : i32
    %dma_start3A_1910 = arith.constant 0 : i32
    %dma_start3A_1911 = arith.constant 0 : i32
    %dma_start3A_1912 = tpu.memref_slice %arg6[%dma_start3A_1909, %dma_start3A_1910, %dma_start3A_1911] : memref<6x512x32xf32, #tpu.memory_space<vmem>> -> memref<1x512x32xf32, #tpu.memory_space<vmem>>
    %dma_start3A_1913 = tpu.memref_squeeze %dma_start3A_1912 : memref<1x512x32xf32, #tpu.memory_space<vmem>> -> memref<512x32xf32, #tpu.memory_space<vmem>>
    %dma_start3A_1914 = arith.constant 0 : i32
    %dma_start3A_1915 = tpu.memref_slice %arg5[%dma_start3A_1908, %dma_start3A_1914] : memref<50x512xi32, #tpu.memory_space<vmem>> -> memref<1x512xi32, #tpu.memory_space<vmem>>
    %dma_start3A_1916 = tpu.memref_squeeze %dma_start3A_1915 : memref<1x512xi32, #tpu.memory_space<vmem>> -> memref<512xi32, #tpu.memory_space<vmem>>
    %dma_start3A_1917 = arith.constant 0 : i32
    %dma_start3A_1918 = arith.constant 0 : i32
    %dma_start3A_1919 = tpu.memref_slice %arg3[%dma_start3A_1917, %dma_start3A_1918] : memref<1000000x32xf32, #tpu.memory_space<hbm>> -> memref<1000000x32xf32, #tpu.memory_space<hbm>>
    tpu.enqueue_indirect_dma source(%dma_start3A_1919 : memref<1000000x32xf32, #tpu.memory_space<hbm>>) target(%dma_start3A_1913 : memref<512x32xf32, #tpu.memory_space<vmem>>) offsets(%dma_start3A_1916 : memref<512xi32, #tpu.memory_space<vmem>>) semaphore(%arg11 : memref<!tpu.dma_semaphore, #tpu.memory_space<semaphore_mem>>)
    %dma_wait3A_1920 = arith.constant 36 : i32
    %dma_wait3A_1921 = arith.constant 0 : i32
    %dma_wait3A_1922 = arith.constant 0 : i32
    %dma_wait3A_1923 = arith.constant 0 : i32
    %dma_wait3A_1924 = tpu.memref_slice %arg6[%dma_wait3A_1921, %dma_wait3A_1922, %dma_wait3A_1923] : memref<6x512x32xf32, #tpu.memory_space<vmem>> -> memref<1x512x32xf32, #tpu.memory_space<vmem>>
    %dma_wait3A_1925 = tpu.memref_squeeze %dma_wait3A_1924 : memref<1x512x32xf32, #tpu.memory_space<vmem>> -> memref<512x32xf32, #tpu.memory_space<vmem>>
    %dma_wait3A_1926 = arith.constant 0 : i32
    %dma_wait3A_1927 = tpu.memref_slice %arg5[%dma_wait3A_1920, %dma_wait3A_1926] : memref<50x512xi32, #tpu.memory_space<vmem>> -> memref<1x512xi32, #tpu.memory_space<vmem>>
    %dma_wait3A_1928 = tpu.memref_squeeze %dma_wait3A_1927 : memref<1x512xi32, #tpu.memory_space<vmem>> -> memref<512xi32, #tpu.memory_space<vmem>>
    %dma_wait3A_1929 = arith.constant 0 : i32
    %dma_wait3A_1930 = arith.constant 0 : i32
    %dma_wait3A_1931 = tpu.memref_slice %arg3[%dma_wait3A_1929, %dma_wait3A_1930] : memref<1000000x32xf32, #tpu.memory_space<hbm>> -> memref<1000000x32xf32, #tpu.memory_space<hbm>>
    tpu.wait_indirect_dma semaphore(%arg7 : memref<!tpu.dma_semaphore, #tpu.memory_space<semaphore_mem>>) src(%dma_wait3A_1931 : memref<1000000x32xf32, #tpu.memory_space<hbm>>) dst(%dma_wait3A_1925 : memref<512x32xf32, #tpu.memory_space<vmem>>)
    %add3A_1932 = arith.constant 18432 : i32
    %add3A_1933 = arith.addi %mul3A_2, %add3A_1932 : i32
    %dma_start3A_1934 = arith.constant 0 : i32
    %dma_start3A_1935 = arith.constant 0 : i32
    %dma_start3A_1936 = arith.constant 0 : i32
    %dma_start3A_1937 = tpu.memref_slice %arg6[%dma_start3A_1934, %dma_start3A_1935, %dma_start3A_1936] : memref<6x512x32xf32, #tpu.memory_space<vmem>> -> memref<1x512x32xf32, #tpu.memory_space<vmem>>
    %dma_start3A_1938 = tpu.memref_squeeze %dma_start3A_1937 : memref<1x512x32xf32, #tpu.memory_space<vmem>> -> memref<512x32xf32, #tpu.memory_space<vmem>>
    %dma_start3A_1939 = arith.constant 0 : i32
    %dma_start3A_1940 = tpu.memref_slice %arg4[%add3A_1933, %dma_start3A_1939] : memref<819200x32xf32, #tpu.memory_space<hbm>> -> memref<512x32xf32, #tpu.memory_space<hbm>>
    %dma_start3A_1941 = arith.constant 0 : i32
    %dma_start3A_1942 = tpu.memref_slice %arg4[%add3A_1933, %dma_start3A_1941] : memref<819200x32xf32, #tpu.memory_space<hbm>> -> memref<512x32xf32, #tpu.memory_space<hbm>>
    %dma_start3A_1943 = arith.constant 0 : i32
    %dma_start3A_1944 = arith.constant 0 : i32
    %dma_start3A_1945 = tpu.memref_slice %arg6[%dma_start3A_1934, %dma_start3A_1943, %dma_start3A_1944] : memref<6x512x32xf32, #tpu.memory_space<vmem>> -> memref<1x512x32xf32, #tpu.memory_space<vmem>>
    %dma_start3A_1946 = tpu.memref_squeeze %dma_start3A_1945 : memref<1x512x32xf32, #tpu.memory_space<vmem>> -> memref<512x32xf32, #tpu.memory_space<vmem>>
    tpu.enqueue_dma source(%dma_start3A_1946 : memref<512x32xf32, #tpu.memory_space<vmem>>) target(%dma_start3A_1942 : memref<512x32xf32, #tpu.memory_space<hbm>>) target_semaphore(%arg13 : memref<!tpu.dma_semaphore, #tpu.memory_space<semaphore_mem>>)
    %dma_wait3A_1947 = arith.constant 5 : i32
    %dma_wait3A_1948 = arith.constant 0 : i32
    %dma_wait3A_1949 = arith.constant 0 : i32
    %dma_wait3A_1950 = tpu.memref_slice %arg6[%dma_wait3A_1947, %dma_wait3A_1948, %dma_wait3A_1949] : memref<6x512x32xf32, #tpu.memory_space<vmem>> -> memref<1x512x32xf32, #tpu.memory_space<vmem>>
    %dma_wait3A_1951 = tpu.memref_squeeze %dma_wait3A_1950 : memref<1x512x32xf32, #tpu.memory_space<vmem>> -> memref<512x32xf32, #tpu.memory_space<vmem>>
    %dma_wait3A_1952 = arith.constant 0 : i32
    %dma_wait3A_1953 = tpu.memref_slice %arg4[%add3A_1881, %dma_wait3A_1952] : memref<819200x32xf32, #tpu.memory_space<hbm>> -> memref<512x32xf32, #tpu.memory_space<hbm>>
    %dma_wait3A_1954 = arith.constant 0 : i32
    %dma_wait3A_1955 = tpu.memref_slice %arg4[%add3A_1881, %dma_wait3A_1954] : memref<819200x32xf32, #tpu.memory_space<hbm>> -> memref<512x32xf32, #tpu.memory_space<hbm>>
    %dma_wait3A_1956 = arith.constant 0 : i32
    %dma_wait3A_1957 = arith.constant 0 : i32
    %dma_wait3A_1958 = tpu.memref_slice %arg6[%dma_wait3A_1947, %dma_wait3A_1956, %dma_wait3A_1957] : memref<6x512x32xf32, #tpu.memory_space<vmem>> -> memref<1x512x32xf32, #tpu.memory_space<vmem>>
    %dma_wait3A_1959 = tpu.memref_squeeze %dma_wait3A_1958 : memref<1x512x32xf32, #tpu.memory_space<vmem>> -> memref<512x32xf32, #tpu.memory_space<vmem>>
    tpu.wait_dma2 semaphore(%arg18 : memref<!tpu.dma_semaphore, #tpu.memory_space<semaphore_mem>>) src(%dma_wait3A_1959 : memref<512x32xf32, #tpu.memory_space<vmem>>) dst(%dma_wait3A_1955 : memref<512x32xf32, #tpu.memory_space<hbm>>)
    %dma_start3A_1960 = arith.constant 41 : i32
    %dma_start3A_1961 = arith.constant 5 : i32
    %dma_start3A_1962 = arith.constant 0 : i32
    %dma_start3A_1963 = arith.constant 0 : i32
    %dma_start3A_1964 = tpu.memref_slice %arg6[%dma_start3A_1961, %dma_start3A_1962, %dma_start3A_1963] : memref<6x512x32xf32, #tpu.memory_space<vmem>> -> memref<1x512x32xf32, #tpu.memory_space<vmem>>
    %dma_start3A_1965 = tpu.memref_squeeze %dma_start3A_1964 : memref<1x512x32xf32, #tpu.memory_space<vmem>> -> memref<512x32xf32, #tpu.memory_space<vmem>>
    %dma_start3A_1966 = arith.constant 0 : i32
    %dma_start3A_1967 = tpu.memref_slice %arg5[%dma_start3A_1960, %dma_start3A_1966] : memref<50x512xi32, #tpu.memory_space<vmem>> -> memref<1x512xi32, #tpu.memory_space<vmem>>
    %dma_start3A_1968 = tpu.memref_squeeze %dma_start3A_1967 : memref<1x512xi32, #tpu.memory_space<vmem>> -> memref<512xi32, #tpu.memory_space<vmem>>
    %dma_start3A_1969 = arith.constant 0 : i32
    %dma_start3A_1970 = arith.constant 0 : i32
    %dma_start3A_1971 = tpu.memref_slice %arg3[%dma_start3A_1969, %dma_start3A_1970] : memref<1000000x32xf32, #tpu.memory_space<hbm>> -> memref<1000000x32xf32, #tpu.memory_space<hbm>>
    tpu.enqueue_indirect_dma source(%dma_start3A_1971 : memref<1000000x32xf32, #tpu.memory_space<hbm>>) target(%dma_start3A_1965 : memref<512x32xf32, #tpu.memory_space<vmem>>) offsets(%dma_start3A_1968 : memref<512xi32, #tpu.memory_space<vmem>>) semaphore(%arg12 : memref<!tpu.dma_semaphore, #tpu.memory_space<semaphore_mem>>)
    %dma_wait3A_1972 = arith.constant 37 : i32
    %dma_wait3A_1973 = arith.constant 1 : i32
    %dma_wait3A_1974 = arith.constant 0 : i32
    %dma_wait3A_1975 = arith.constant 0 : i32
    %dma_wait3A_1976 = tpu.memref_slice %arg6[%dma_wait3A_1973, %dma_wait3A_1974, %dma_wait3A_1975] : memref<6x512x32xf32, #tpu.memory_space<vmem>> -> memref<1x512x32xf32, #tpu.memory_space<vmem>>
    %dma_wait3A_1977 = tpu.memref_squeeze %dma_wait3A_1976 : memref<1x512x32xf32, #tpu.memory_space<vmem>> -> memref<512x32xf32, #tpu.memory_space<vmem>>
    %dma_wait3A_1978 = arith.constant 0 : i32
    %dma_wait3A_1979 = tpu.memref_slice %arg5[%dma_wait3A_1972, %dma_wait3A_1978] : memref<50x512xi32, #tpu.memory_space<vmem>> -> memref<1x512xi32, #tpu.memory_space<vmem>>
    %dma_wait3A_1980 = tpu.memref_squeeze %dma_wait3A_1979 : memref<1x512xi32, #tpu.memory_space<vmem>> -> memref<512xi32, #tpu.memory_space<vmem>>
    %dma_wait3A_1981 = arith.constant 0 : i32
    %dma_wait3A_1982 = arith.constant 0 : i32
    %dma_wait3A_1983 = tpu.memref_slice %arg3[%dma_wait3A_1981, %dma_wait3A_1982] : memref<1000000x32xf32, #tpu.memory_space<hbm>> -> memref<1000000x32xf32, #tpu.memory_space<hbm>>
    tpu.wait_indirect_dma semaphore(%arg8 : memref<!tpu.dma_semaphore, #tpu.memory_space<semaphore_mem>>) src(%dma_wait3A_1983 : memref<1000000x32xf32, #tpu.memory_space<hbm>>) dst(%dma_wait3A_1977 : memref<512x32xf32, #tpu.memory_space<vmem>>)
    %add3A_1984 = arith.constant 18944 : i32
    %add3A_1985 = arith.addi %mul3A_2, %add3A_1984 : i32
    %dma_start3A_1986 = arith.constant 1 : i32
    %dma_start3A_1987 = arith.constant 0 : i32
    %dma_start3A_1988 = arith.constant 0 : i32
    %dma_start3A_1989 = tpu.memref_slice %arg6[%dma_start3A_1986, %dma_start3A_1987, %dma_start3A_1988] : memref<6x512x32xf32, #tpu.memory_space<vmem>> -> memref<1x512x32xf32, #tpu.memory_space<vmem>>
    %dma_start3A_1990 = tpu.memref_squeeze %dma_start3A_1989 : memref<1x512x32xf32, #tpu.memory_space<vmem>> -> memref<512x32xf32, #tpu.memory_space<vmem>>
    %dma_start3A_1991 = arith.constant 0 : i32
    %dma_start3A_1992 = tpu.memref_slice %arg4[%add3A_1985, %dma_start3A_1991] : memref<819200x32xf32, #tpu.memory_space<hbm>> -> memref<512x32xf32, #tpu.memory_space<hbm>>
    %dma_start3A_1993 = arith.constant 0 : i32
    %dma_start3A_1994 = tpu.memref_slice %arg4[%add3A_1985, %dma_start3A_1993] : memref<819200x32xf32, #tpu.memory_space<hbm>> -> memref<512x32xf32, #tpu.memory_space<hbm>>
    %dma_start3A_1995 = arith.constant 0 : i32
    %dma_start3A_1996 = arith.constant 0 : i32
    %dma_start3A_1997 = tpu.memref_slice %arg6[%dma_start3A_1986, %dma_start3A_1995, %dma_start3A_1996] : memref<6x512x32xf32, #tpu.memory_space<vmem>> -> memref<1x512x32xf32, #tpu.memory_space<vmem>>
    %dma_start3A_1998 = tpu.memref_squeeze %dma_start3A_1997 : memref<1x512x32xf32, #tpu.memory_space<vmem>> -> memref<512x32xf32, #tpu.memory_space<vmem>>
    tpu.enqueue_dma source(%dma_start3A_1998 : memref<512x32xf32, #tpu.memory_space<vmem>>) target(%dma_start3A_1994 : memref<512x32xf32, #tpu.memory_space<hbm>>) target_semaphore(%arg14 : memref<!tpu.dma_semaphore, #tpu.memory_space<semaphore_mem>>)
    %dma_wait3A_1999 = arith.constant 0 : i32
    %dma_wait3A_2000 = arith.constant 0 : i32
    %dma_wait3A_2001 = arith.constant 0 : i32
    %dma_wait3A_2002 = tpu.memref_slice %arg6[%dma_wait3A_1999, %dma_wait3A_2000, %dma_wait3A_2001] : memref<6x512x32xf32, #tpu.memory_space<vmem>> -> memref<1x512x32xf32, #tpu.memory_space<vmem>>
    %dma_wait3A_2003 = tpu.memref_squeeze %dma_wait3A_2002 : memref<1x512x32xf32, #tpu.memory_space<vmem>> -> memref<512x32xf32, #tpu.memory_space<vmem>>
    %dma_wait3A_2004 = arith.constant 0 : i32
    %dma_wait3A_2005 = tpu.memref_slice %arg4[%add3A_1933, %dma_wait3A_2004] : memref<819200x32xf32, #tpu.memory_space<hbm>> -> memref<512x32xf32, #tpu.memory_space<hbm>>
    %dma_wait3A_2006 = arith.constant 0 : i32
    %dma_wait3A_2007 = tpu.memref_slice %arg4[%add3A_1933, %dma_wait3A_2006] : memref<819200x32xf32, #tpu.memory_space<hbm>> -> memref<512x32xf32, #tpu.memory_space<hbm>>
    %dma_wait3A_2008 = arith.constant 0 : i32
    %dma_wait3A_2009 = arith.constant 0 : i32
    %dma_wait3A_2010 = tpu.memref_slice %arg6[%dma_wait3A_1999, %dma_wait3A_2008, %dma_wait3A_2009] : memref<6x512x32xf32, #tpu.memory_space<vmem>> -> memref<1x512x32xf32, #tpu.memory_space<vmem>>
    %dma_wait3A_2011 = tpu.memref_squeeze %dma_wait3A_2010 : memref<1x512x32xf32, #tpu.memory_space<vmem>> -> memref<512x32xf32, #tpu.memory_space<vmem>>
    tpu.wait_dma2 semaphore(%arg13 : memref<!tpu.dma_semaphore, #tpu.memory_space<semaphore_mem>>) src(%dma_wait3A_2011 : memref<512x32xf32, #tpu.memory_space<vmem>>) dst(%dma_wait3A_2007 : memref<512x32xf32, #tpu.memory_space<hbm>>)
    %dma_start3A_2012 = arith.constant 42 : i32
    %dma_start3A_2013 = arith.constant 0 : i32
    %dma_start3A_2014 = arith.constant 0 : i32
    %dma_start3A_2015 = arith.constant 0 : i32
    %dma_start3A_2016 = tpu.memref_slice %arg6[%dma_start3A_2013, %dma_start3A_2014, %dma_start3A_2015] : memref<6x512x32xf32, #tpu.memory_space<vmem>> -> memref<1x512x32xf32, #tpu.memory_space<vmem>>
    %dma_start3A_2017 = tpu.memref_squeeze %dma_start3A_2016 : memref<1x512x32xf32, #tpu.memory_space<vmem>> -> memref<512x32xf32, #tpu.memory_space<vmem>>
    %dma_start3A_2018 = arith.constant 0 : i32
    %dma_start3A_2019 = tpu.memref_slice %arg5[%dma_start3A_2012, %dma_start3A_2018] : memref<50x512xi32, #tpu.memory_space<vmem>> -> memref<1x512xi32, #tpu.memory_space<vmem>>
    %dma_start3A_2020 = tpu.memref_squeeze %dma_start3A_2019 : memref<1x512xi32, #tpu.memory_space<vmem>> -> memref<512xi32, #tpu.memory_space<vmem>>
    %dma_start3A_2021 = arith.constant 0 : i32
    %dma_start3A_2022 = arith.constant 0 : i32
    %dma_start3A_2023 = tpu.memref_slice %arg3[%dma_start3A_2021, %dma_start3A_2022] : memref<1000000x32xf32, #tpu.memory_space<hbm>> -> memref<1000000x32xf32, #tpu.memory_space<hbm>>
    tpu.enqueue_indirect_dma source(%dma_start3A_2023 : memref<1000000x32xf32, #tpu.memory_space<hbm>>) target(%dma_start3A_2017 : memref<512x32xf32, #tpu.memory_space<vmem>>) offsets(%dma_start3A_2020 : memref<512xi32, #tpu.memory_space<vmem>>) semaphore(%arg7 : memref<!tpu.dma_semaphore, #tpu.memory_space<semaphore_mem>>)
    %dma_wait3A_2024 = arith.constant 38 : i32
    %dma_wait3A_2025 = arith.constant 2 : i32
    %dma_wait3A_2026 = arith.constant 0 : i32
    %dma_wait3A_2027 = arith.constant 0 : i32
    %dma_wait3A_2028 = tpu.memref_slice %arg6[%dma_wait3A_2025, %dma_wait3A_2026, %dma_wait3A_2027] : memref<6x512x32xf32, #tpu.memory_space<vmem>> -> memref<1x512x32xf32, #tpu.memory_space<vmem>>
    %dma_wait3A_2029 = tpu.memref_squeeze %dma_wait3A_2028 : memref<1x512x32xf32, #tpu.memory_space<vmem>> -> memref<512x32xf32, #tpu.memory_space<vmem>>
    %dma_wait3A_2030 = arith.constant 0 : i32
    %dma_wait3A_2031 = tpu.memref_slice %arg5[%dma_wait3A_2024, %dma_wait3A_2030] : memref<50x512xi32, #tpu.memory_space<vmem>> -> memref<1x512xi32, #tpu.memory_space<vmem>>
    %dma_wait3A_2032 = tpu.memref_squeeze %dma_wait3A_2031 : memref<1x512xi32, #tpu.memory_space<vmem>> -> memref<512xi32, #tpu.memory_space<vmem>>
    %dma_wait3A_2033 = arith.constant 0 : i32
    %dma_wait3A_2034 = arith.constant 0 : i32
    %dma_wait3A_2035 = tpu.memref_slice %arg3[%dma_wait3A_2033, %dma_wait3A_2034] : memref<1000000x32xf32, #tpu.memory_space<hbm>> -> memref<1000000x32xf32, #tpu.memory_space<hbm>>
    tpu.wait_indirect_dma semaphore(%arg9 : memref<!tpu.dma_semaphore, #tpu.memory_space<semaphore_mem>>) src(%dma_wait3A_2035 : memref<1000000x32xf32, #tpu.memory_space<hbm>>) dst(%dma_wait3A_2029 : memref<512x32xf32, #tpu.memory_space<vmem>>)
    %add3A_2036 = arith.constant 19456 : i32
    %add3A_2037 = arith.addi %mul3A_2, %add3A_2036 : i32
    %dma_start3A_2038 = arith.constant 2 : i32
    %dma_start3A_2039 = arith.constant 0 : i32
    %dma_start3A_2040 = arith.constant 0 : i32
    %dma_start3A_2041 = tpu.memref_slice %arg6[%dma_start3A_2038, %dma_start3A_2039, %dma_start3A_2040] : memref<6x512x32xf32, #tpu.memory_space<vmem>> -> memref<1x512x32xf32, #tpu.memory_space<vmem>>
    %dma_start3A_2042 = tpu.memref_squeeze %dma_start3A_2041 : memref<1x512x32xf32, #tpu.memory_space<vmem>> -> memref<512x32xf32, #tpu.memory_space<vmem>>
    %dma_start3A_2043 = arith.constant 0 : i32
    %dma_start3A_2044 = tpu.memref_slice %arg4[%add3A_2037, %dma_start3A_2043] : memref<819200x32xf32, #tpu.memory_space<hbm>> -> memref<512x32xf32, #tpu.memory_space<hbm>>
    %dma_start3A_2045 = arith.constant 0 : i32
    %dma_start3A_2046 = tpu.memref_slice %arg4[%add3A_2037, %dma_start3A_2045] : memref<819200x32xf32, #tpu.memory_space<hbm>> -> memref<512x32xf32, #tpu.memory_space<hbm>>
    %dma_start3A_2047 = arith.constant 0 : i32
    %dma_start3A_2048 = arith.constant 0 : i32
    %dma_start3A_2049 = tpu.memref_slice %arg6[%dma_start3A_2038, %dma_start3A_2047, %dma_start3A_2048] : memref<6x512x32xf32, #tpu.memory_space<vmem>> -> memref<1x512x32xf32, #tpu.memory_space<vmem>>
    %dma_start3A_2050 = tpu.memref_squeeze %dma_start3A_2049 : memref<1x512x32xf32, #tpu.memory_space<vmem>> -> memref<512x32xf32, #tpu.memory_space<vmem>>
    tpu.enqueue_dma source(%dma_start3A_2050 : memref<512x32xf32, #tpu.memory_space<vmem>>) target(%dma_start3A_2046 : memref<512x32xf32, #tpu.memory_space<hbm>>) target_semaphore(%arg15 : memref<!tpu.dma_semaphore, #tpu.memory_space<semaphore_mem>>)
    %dma_wait3A_2051 = arith.constant 1 : i32
    %dma_wait3A_2052 = arith.constant 0 : i32
    %dma_wait3A_2053 = arith.constant 0 : i32
    %dma_wait3A_2054 = tpu.memref_slice %arg6[%dma_wait3A_2051, %dma_wait3A_2052, %dma_wait3A_2053] : memref<6x512x32xf32, #tpu.memory_space<vmem>> -> memref<1x512x32xf32, #tpu.memory_space<vmem>>
    %dma_wait3A_2055 = tpu.memref_squeeze %dma_wait3A_2054 : memref<1x512x32xf32, #tpu.memory_space<vmem>> -> memref<512x32xf32, #tpu.memory_space<vmem>>
    %dma_wait3A_2056 = arith.constant 0 : i32
    %dma_wait3A_2057 = tpu.memref_slice %arg4[%add3A_1985, %dma_wait3A_2056] : memref<819200x32xf32, #tpu.memory_space<hbm>> -> memref<512x32xf32, #tpu.memory_space<hbm>>
    %dma_wait3A_2058 = arith.constant 0 : i32
    %dma_wait3A_2059 = tpu.memref_slice %arg4[%add3A_1985, %dma_wait3A_2058] : memref<819200x32xf32, #tpu.memory_space<hbm>> -> memref<512x32xf32, #tpu.memory_space<hbm>>
    %dma_wait3A_2060 = arith.constant 0 : i32
    %dma_wait3A_2061 = arith.constant 0 : i32
    %dma_wait3A_2062 = tpu.memref_slice %arg6[%dma_wait3A_2051, %dma_wait3A_2060, %dma_wait3A_2061] : memref<6x512x32xf32, #tpu.memory_space<vmem>> -> memref<1x512x32xf32, #tpu.memory_space<vmem>>
    %dma_wait3A_2063 = tpu.memref_squeeze %dma_wait3A_2062 : memref<1x512x32xf32, #tpu.memory_space<vmem>> -> memref<512x32xf32, #tpu.memory_space<vmem>>
    tpu.wait_dma2 semaphore(%arg14 : memref<!tpu.dma_semaphore, #tpu.memory_space<semaphore_mem>>) src(%dma_wait3A_2063 : memref<512x32xf32, #tpu.memory_space<vmem>>) dst(%dma_wait3A_2059 : memref<512x32xf32, #tpu.memory_space<hbm>>)
    %dma_start3A_2064 = arith.constant 43 : i32
    %dma_start3A_2065 = arith.constant 1 : i32
    %dma_start3A_2066 = arith.constant 0 : i32
    %dma_start3A_2067 = arith.constant 0 : i32
    %dma_start3A_2068 = tpu.memref_slice %arg6[%dma_start3A_2065, %dma_start3A_2066, %dma_start3A_2067] : memref<6x512x32xf32, #tpu.memory_space<vmem>> -> memref<1x512x32xf32, #tpu.memory_space<vmem>>
    %dma_start3A_2069 = tpu.memref_squeeze %dma_start3A_2068 : memref<1x512x32xf32, #tpu.memory_space<vmem>> -> memref<512x32xf32, #tpu.memory_space<vmem>>
    %dma_start3A_2070 = arith.constant 0 : i32
    %dma_start3A_2071 = tpu.memref_slice %arg5[%dma_start3A_2064, %dma_start3A_2070] : memref<50x512xi32, #tpu.memory_space<vmem>> -> memref<1x512xi32, #tpu.memory_space<vmem>>
    %dma_start3A_2072 = tpu.memref_squeeze %dma_start3A_2071 : memref<1x512xi32, #tpu.memory_space<vmem>> -> memref<512xi32, #tpu.memory_space<vmem>>
    %dma_start3A_2073 = arith.constant 0 : i32
    %dma_start3A_2074 = arith.constant 0 : i32
    %dma_start3A_2075 = tpu.memref_slice %arg3[%dma_start3A_2073, %dma_start3A_2074] : memref<1000000x32xf32, #tpu.memory_space<hbm>> -> memref<1000000x32xf32, #tpu.memory_space<hbm>>
    tpu.enqueue_indirect_dma source(%dma_start3A_2075 : memref<1000000x32xf32, #tpu.memory_space<hbm>>) target(%dma_start3A_2069 : memref<512x32xf32, #tpu.memory_space<vmem>>) offsets(%dma_start3A_2072 : memref<512xi32, #tpu.memory_space<vmem>>) semaphore(%arg8 : memref<!tpu.dma_semaphore, #tpu.memory_space<semaphore_mem>>)
    %dma_wait3A_2076 = arith.constant 39 : i32
    %dma_wait3A_2077 = arith.constant 3 : i32
    %dma_wait3A_2078 = arith.constant 0 : i32
    %dma_wait3A_2079 = arith.constant 0 : i32
    %dma_wait3A_2080 = tpu.memref_slice %arg6[%dma_wait3A_2077, %dma_wait3A_2078, %dma_wait3A_2079] : memref<6x512x32xf32, #tpu.memory_space<vmem>> -> memref<1x512x32xf32, #tpu.memory_space<vmem>>
    %dma_wait3A_2081 = tpu.memref_squeeze %dma_wait3A_2080 : memref<1x512x32xf32, #tpu.memory_space<vmem>> -> memref<512x32xf32, #tpu.memory_space<vmem>>
    %dma_wait3A_2082 = arith.constant 0 : i32
    %dma_wait3A_2083 = tpu.memref_slice %arg5[%dma_wait3A_2076, %dma_wait3A_2082] : memref<50x512xi32, #tpu.memory_space<vmem>> -> memref<1x512xi32, #tpu.memory_space<vmem>>
    %dma_wait3A_2084 = tpu.memref_squeeze %dma_wait3A_2083 : memref<1x512xi32, #tpu.memory_space<vmem>> -> memref<512xi32, #tpu.memory_space<vmem>>
    %dma_wait3A_2085 = arith.constant 0 : i32
    %dma_wait3A_2086 = arith.constant 0 : i32
    %dma_wait3A_2087 = tpu.memref_slice %arg3[%dma_wait3A_2085, %dma_wait3A_2086] : memref<1000000x32xf32, #tpu.memory_space<hbm>> -> memref<1000000x32xf32, #tpu.memory_space<hbm>>
    tpu.wait_indirect_dma semaphore(%arg10 : memref<!tpu.dma_semaphore, #tpu.memory_space<semaphore_mem>>) src(%dma_wait3A_2087 : memref<1000000x32xf32, #tpu.memory_space<hbm>>) dst(%dma_wait3A_2081 : memref<512x32xf32, #tpu.memory_space<vmem>>)
    %add3A_2088 = arith.constant 19968 : i32
    %add3A_2089 = arith.addi %mul3A_2, %add3A_2088 : i32
    %dma_start3A_2090 = arith.constant 3 : i32
    %dma_start3A_2091 = arith.constant 0 : i32
    %dma_start3A_2092 = arith.constant 0 : i32
    %dma_start3A_2093 = tpu.memref_slice %arg6[%dma_start3A_2090, %dma_start3A_2091, %dma_start3A_2092] : memref<6x512x32xf32, #tpu.memory_space<vmem>> -> memref<1x512x32xf32, #tpu.memory_space<vmem>>
    %dma_start3A_2094 = tpu.memref_squeeze %dma_start3A_2093 : memref<1x512x32xf32, #tpu.memory_space<vmem>> -> memref<512x32xf32, #tpu.memory_space<vmem>>
    %dma_start3A_2095 = arith.constant 0 : i32
    %dma_start3A_2096 = tpu.memref_slice %arg4[%add3A_2089, %dma_start3A_2095] : memref<819200x32xf32, #tpu.memory_space<hbm>> -> memref<512x32xf32, #tpu.memory_space<hbm>>
    %dma_start3A_2097 = arith.constant 0 : i32
    %dma_start3A_2098 = tpu.memref_slice %arg4[%add3A_2089, %dma_start3A_2097] : memref<819200x32xf32, #tpu.memory_space<hbm>> -> memref<512x32xf32, #tpu.memory_space<hbm>>
    %dma_start3A_2099 = arith.constant 0 : i32
    %dma_start3A_2100 = arith.constant 0 : i32
    %dma_start3A_2101 = tpu.memref_slice %arg6[%dma_start3A_2090, %dma_start3A_2099, %dma_start3A_2100] : memref<6x512x32xf32, #tpu.memory_space<vmem>> -> memref<1x512x32xf32, #tpu.memory_space<vmem>>
    %dma_start3A_2102 = tpu.memref_squeeze %dma_start3A_2101 : memref<1x512x32xf32, #tpu.memory_space<vmem>> -> memref<512x32xf32, #tpu.memory_space<vmem>>
    tpu.enqueue_dma source(%dma_start3A_2102 : memref<512x32xf32, #tpu.memory_space<vmem>>) target(%dma_start3A_2098 : memref<512x32xf32, #tpu.memory_space<hbm>>) target_semaphore(%arg16 : memref<!tpu.dma_semaphore, #tpu.memory_space<semaphore_mem>>)
    %dma_wait3A_2103 = arith.constant 2 : i32
    %dma_wait3A_2104 = arith.constant 0 : i32
    %dma_wait3A_2105 = arith.constant 0 : i32
    %dma_wait3A_2106 = tpu.memref_slice %arg6[%dma_wait3A_2103, %dma_wait3A_2104, %dma_wait3A_2105] : memref<6x512x32xf32, #tpu.memory_space<vmem>> -> memref<1x512x32xf32, #tpu.memory_space<vmem>>
    %dma_wait3A_2107 = tpu.memref_squeeze %dma_wait3A_2106 : memref<1x512x32xf32, #tpu.memory_space<vmem>> -> memref<512x32xf32, #tpu.memory_space<vmem>>
    %dma_wait3A_2108 = arith.constant 0 : i32
    %dma_wait3A_2109 = tpu.memref_slice %arg4[%add3A_2037, %dma_wait3A_2108] : memref<819200x32xf32, #tpu.memory_space<hbm>> -> memref<512x32xf32, #tpu.memory_space<hbm>>
    %dma_wait3A_2110 = arith.constant 0 : i32
    %dma_wait3A_2111 = tpu.memref_slice %arg4[%add3A_2037, %dma_wait3A_2110] : memref<819200x32xf32, #tpu.memory_space<hbm>> -> memref<512x32xf32, #tpu.memory_space<hbm>>
    %dma_wait3A_2112 = arith.constant 0 : i32
    %dma_wait3A_2113 = arith.constant 0 : i32
    %dma_wait3A_2114 = tpu.memref_slice %arg6[%dma_wait3A_2103, %dma_wait3A_2112, %dma_wait3A_2113] : memref<6x512x32xf32, #tpu.memory_space<vmem>> -> memref<1x512x32xf32, #tpu.memory_space<vmem>>
    %dma_wait3A_2115 = tpu.memref_squeeze %dma_wait3A_2114 : memref<1x512x32xf32, #tpu.memory_space<vmem>> -> memref<512x32xf32, #tpu.memory_space<vmem>>
    tpu.wait_dma2 semaphore(%arg15 : memref<!tpu.dma_semaphore, #tpu.memory_space<semaphore_mem>>) src(%dma_wait3A_2115 : memref<512x32xf32, #tpu.memory_space<vmem>>) dst(%dma_wait3A_2111 : memref<512x32xf32, #tpu.memory_space<hbm>>)
    %dma_start3A_2116 = arith.constant 44 : i32
    %dma_start3A_2117 = arith.constant 2 : i32
    %dma_start3A_2118 = arith.constant 0 : i32
    %dma_start3A_2119 = arith.constant 0 : i32
    %dma_start3A_2120 = tpu.memref_slice %arg6[%dma_start3A_2117, %dma_start3A_2118, %dma_start3A_2119] : memref<6x512x32xf32, #tpu.memory_space<vmem>> -> memref<1x512x32xf32, #tpu.memory_space<vmem>>
    %dma_start3A_2121 = tpu.memref_squeeze %dma_start3A_2120 : memref<1x512x32xf32, #tpu.memory_space<vmem>> -> memref<512x32xf32, #tpu.memory_space<vmem>>
    %dma_start3A_2122 = arith.constant 0 : i32
    %dma_start3A_2123 = tpu.memref_slice %arg5[%dma_start3A_2116, %dma_start3A_2122] : memref<50x512xi32, #tpu.memory_space<vmem>> -> memref<1x512xi32, #tpu.memory_space<vmem>>
    %dma_start3A_2124 = tpu.memref_squeeze %dma_start3A_2123 : memref<1x512xi32, #tpu.memory_space<vmem>> -> memref<512xi32, #tpu.memory_space<vmem>>
    %dma_start3A_2125 = arith.constant 0 : i32
    %dma_start3A_2126 = arith.constant 0 : i32
    %dma_start3A_2127 = tpu.memref_slice %arg3[%dma_start3A_2125, %dma_start3A_2126] : memref<1000000x32xf32, #tpu.memory_space<hbm>> -> memref<1000000x32xf32, #tpu.memory_space<hbm>>
    tpu.enqueue_indirect_dma source(%dma_start3A_2127 : memref<1000000x32xf32, #tpu.memory_space<hbm>>) target(%dma_start3A_2121 : memref<512x32xf32, #tpu.memory_space<vmem>>) offsets(%dma_start3A_2124 : memref<512xi32, #tpu.memory_space<vmem>>) semaphore(%arg9 : memref<!tpu.dma_semaphore, #tpu.memory_space<semaphore_mem>>)
    %dma_wait3A_2128 = arith.constant 40 : i32
    %dma_wait3A_2129 = arith.constant 4 : i32
    %dma_wait3A_2130 = arith.constant 0 : i32
    %dma_wait3A_2131 = arith.constant 0 : i32
    %dma_wait3A_2132 = tpu.memref_slice %arg6[%dma_wait3A_2129, %dma_wait3A_2130, %dma_wait3A_2131] : memref<6x512x32xf32, #tpu.memory_space<vmem>> -> memref<1x512x32xf32, #tpu.memory_space<vmem>>
    %dma_wait3A_2133 = tpu.memref_squeeze %dma_wait3A_2132 : memref<1x512x32xf32, #tpu.memory_space<vmem>> -> memref<512x32xf32, #tpu.memory_space<vmem>>
    %dma_wait3A_2134 = arith.constant 0 : i32
    %dma_wait3A_2135 = tpu.memref_slice %arg5[%dma_wait3A_2128, %dma_wait3A_2134] : memref<50x512xi32, #tpu.memory_space<vmem>> -> memref<1x512xi32, #tpu.memory_space<vmem>>
    %dma_wait3A_2136 = tpu.memref_squeeze %dma_wait3A_2135 : memref<1x512xi32, #tpu.memory_space<vmem>> -> memref<512xi32, #tpu.memory_space<vmem>>
    %dma_wait3A_2137 = arith.constant 0 : i32
    %dma_wait3A_2138 = arith.constant 0 : i32
    %dma_wait3A_2139 = tpu.memref_slice %arg3[%dma_wait3A_2137, %dma_wait3A_2138] : memref<1000000x32xf32, #tpu.memory_space<hbm>> -> memref<1000000x32xf32, #tpu.memory_space<hbm>>
    tpu.wait_indirect_dma semaphore(%arg11 : memref<!tpu.dma_semaphore, #tpu.memory_space<semaphore_mem>>) src(%dma_wait3A_2139 : memref<1000000x32xf32, #tpu.memory_space<hbm>>) dst(%dma_wait3A_2133 : memref<512x32xf32, #tpu.memory_space<vmem>>)
    %add3A_2140 = arith.constant 20480 : i32
    %add3A_2141 = arith.addi %mul3A_2, %add3A_2140 : i32
    %dma_start3A_2142 = arith.constant 4 : i32
    %dma_start3A_2143 = arith.constant 0 : i32
    %dma_start3A_2144 = arith.constant 0 : i32
    %dma_start3A_2145 = tpu.memref_slice %arg6[%dma_start3A_2142, %dma_start3A_2143, %dma_start3A_2144] : memref<6x512x32xf32, #tpu.memory_space<vmem>> -> memref<1x512x32xf32, #tpu.memory_space<vmem>>
    %dma_start3A_2146 = tpu.memref_squeeze %dma_start3A_2145 : memref<1x512x32xf32, #tpu.memory_space<vmem>> -> memref<512x32xf32, #tpu.memory_space<vmem>>
    %dma_start3A_2147 = arith.constant 0 : i32
    %dma_start3A_2148 = tpu.memref_slice %arg4[%add3A_2141, %dma_start3A_2147] : memref<819200x32xf32, #tpu.memory_space<hbm>> -> memref<512x32xf32, #tpu.memory_space<hbm>>
    %dma_start3A_2149 = arith.constant 0 : i32
    %dma_start3A_2150 = tpu.memref_slice %arg4[%add3A_2141, %dma_start3A_2149] : memref<819200x32xf32, #tpu.memory_space<hbm>> -> memref<512x32xf32, #tpu.memory_space<hbm>>
    %dma_start3A_2151 = arith.constant 0 : i32
    %dma_start3A_2152 = arith.constant 0 : i32
    %dma_start3A_2153 = tpu.memref_slice %arg6[%dma_start3A_2142, %dma_start3A_2151, %dma_start3A_2152] : memref<6x512x32xf32, #tpu.memory_space<vmem>> -> memref<1x512x32xf32, #tpu.memory_space<vmem>>
    %dma_start3A_2154 = tpu.memref_squeeze %dma_start3A_2153 : memref<1x512x32xf32, #tpu.memory_space<vmem>> -> memref<512x32xf32, #tpu.memory_space<vmem>>
    tpu.enqueue_dma source(%dma_start3A_2154 : memref<512x32xf32, #tpu.memory_space<vmem>>) target(%dma_start3A_2150 : memref<512x32xf32, #tpu.memory_space<hbm>>) target_semaphore(%arg17 : memref<!tpu.dma_semaphore, #tpu.memory_space<semaphore_mem>>)
    %dma_wait3A_2155 = arith.constant 3 : i32
    %dma_wait3A_2156 = arith.constant 0 : i32
    %dma_wait3A_2157 = arith.constant 0 : i32
    %dma_wait3A_2158 = tpu.memref_slice %arg6[%dma_wait3A_2155, %dma_wait3A_2156, %dma_wait3A_2157] : memref<6x512x32xf32, #tpu.memory_space<vmem>> -> memref<1x512x32xf32, #tpu.memory_space<vmem>>
    %dma_wait3A_2159 = tpu.memref_squeeze %dma_wait3A_2158 : memref<1x512x32xf32, #tpu.memory_space<vmem>> -> memref<512x32xf32, #tpu.memory_space<vmem>>
    %dma_wait3A_2160 = arith.constant 0 : i32
    %dma_wait3A_2161 = tpu.memref_slice %arg4[%add3A_2089, %dma_wait3A_2160] : memref<819200x32xf32, #tpu.memory_space<hbm>> -> memref<512x32xf32, #tpu.memory_space<hbm>>
    %dma_wait3A_2162 = arith.constant 0 : i32
    %dma_wait3A_2163 = tpu.memref_slice %arg4[%add3A_2089, %dma_wait3A_2162] : memref<819200x32xf32, #tpu.memory_space<hbm>> -> memref<512x32xf32, #tpu.memory_space<hbm>>
    %dma_wait3A_2164 = arith.constant 0 : i32
    %dma_wait3A_2165 = arith.constant 0 : i32
    %dma_wait3A_2166 = tpu.memref_slice %arg6[%dma_wait3A_2155, %dma_wait3A_2164, %dma_wait3A_2165] : memref<6x512x32xf32, #tpu.memory_space<vmem>> -> memref<1x512x32xf32, #tpu.memory_space<vmem>>
    %dma_wait3A_2167 = tpu.memref_squeeze %dma_wait3A_2166 : memref<1x512x32xf32, #tpu.memory_space<vmem>> -> memref<512x32xf32, #tpu.memory_space<vmem>>
    tpu.wait_dma2 semaphore(%arg16 : memref<!tpu.dma_semaphore, #tpu.memory_space<semaphore_mem>>) src(%dma_wait3A_2167 : memref<512x32xf32, #tpu.memory_space<vmem>>) dst(%dma_wait3A_2163 : memref<512x32xf32, #tpu.memory_space<hbm>>)
    %dma_start3A_2168 = arith.constant 45 : i32
    %dma_start3A_2169 = arith.constant 3 : i32
    %dma_start3A_2170 = arith.constant 0 : i32
    %dma_start3A_2171 = arith.constant 0 : i32
    %dma_start3A_2172 = tpu.memref_slice %arg6[%dma_start3A_2169, %dma_start3A_2170, %dma_start3A_2171] : memref<6x512x32xf32, #tpu.memory_space<vmem>> -> memref<1x512x32xf32, #tpu.memory_space<vmem>>
    %dma_start3A_2173 = tpu.memref_squeeze %dma_start3A_2172 : memref<1x512x32xf32, #tpu.memory_space<vmem>> -> memref<512x32xf32, #tpu.memory_space<vmem>>
    %dma_start3A_2174 = arith.constant 0 : i32
    %dma_start3A_2175 = tpu.memref_slice %arg5[%dma_start3A_2168, %dma_start3A_2174] : memref<50x512xi32, #tpu.memory_space<vmem>> -> memref<1x512xi32, #tpu.memory_space<vmem>>
    %dma_start3A_2176 = tpu.memref_squeeze %dma_start3A_2175 : memref<1x512xi32, #tpu.memory_space<vmem>> -> memref<512xi32, #tpu.memory_space<vmem>>
    %dma_start3A_2177 = arith.constant 0 : i32
    %dma_start3A_2178 = arith.constant 0 : i32
    %dma_start3A_2179 = tpu.memref_slice %arg3[%dma_start3A_2177, %dma_start3A_2178] : memref<1000000x32xf32, #tpu.memory_space<hbm>> -> memref<1000000x32xf32, #tpu.memory_space<hbm>>
    tpu.enqueue_indirect_dma source(%dma_start3A_2179 : memref<1000000x32xf32, #tpu.memory_space<hbm>>) target(%dma_start3A_2173 : memref<512x32xf32, #tpu.memory_space<vmem>>) offsets(%dma_start3A_2176 : memref<512xi32, #tpu.memory_space<vmem>>) semaphore(%arg10 : memref<!tpu.dma_semaphore, #tpu.memory_space<semaphore_mem>>)
    %dma_wait3A_2180 = arith.constant 41 : i32
    %dma_wait3A_2181 = arith.constant 5 : i32
    %dma_wait3A_2182 = arith.constant 0 : i32
    %dma_wait3A_2183 = arith.constant 0 : i32
    %dma_wait3A_2184 = tpu.memref_slice %arg6[%dma_wait3A_2181, %dma_wait3A_2182, %dma_wait3A_2183] : memref<6x512x32xf32, #tpu.memory_space<vmem>> -> memref<1x512x32xf32, #tpu.memory_space<vmem>>
    %dma_wait3A_2185 = tpu.memref_squeeze %dma_wait3A_2184 : memref<1x512x32xf32, #tpu.memory_space<vmem>> -> memref<512x32xf32, #tpu.memory_space<vmem>>
    %dma_wait3A_2186 = arith.constant 0 : i32
    %dma_wait3A_2187 = tpu.memref_slice %arg5[%dma_wait3A_2180, %dma_wait3A_2186] : memref<50x512xi32, #tpu.memory_space<vmem>> -> memref<1x512xi32, #tpu.memory_space<vmem>>
    %dma_wait3A_2188 = tpu.memref_squeeze %dma_wait3A_2187 : memref<1x512xi32, #tpu.memory_space<vmem>> -> memref<512xi32, #tpu.memory_space<vmem>>
    %dma_wait3A_2189 = arith.constant 0 : i32
    %dma_wait3A_2190 = arith.constant 0 : i32
    %dma_wait3A_2191 = tpu.memref_slice %arg3[%dma_wait3A_2189, %dma_wait3A_2190] : memref<1000000x32xf32, #tpu.memory_space<hbm>> -> memref<1000000x32xf32, #tpu.memory_space<hbm>>
    tpu.wait_indirect_dma semaphore(%arg12 : memref<!tpu.dma_semaphore, #tpu.memory_space<semaphore_mem>>) src(%dma_wait3A_2191 : memref<1000000x32xf32, #tpu.memory_space<hbm>>) dst(%dma_wait3A_2185 : memref<512x32xf32, #tpu.memory_space<vmem>>)
    %add3A_2192 = arith.constant 20992 : i32
    %add3A_2193 = arith.addi %mul3A_2, %add3A_2192 : i32
    %dma_start3A_2194 = arith.constant 5 : i32
    %dma_start3A_2195 = arith.constant 0 : i32
    %dma_start3A_2196 = arith.constant 0 : i32
    %dma_start3A_2197 = tpu.memref_slice %arg6[%dma_start3A_2194, %dma_start3A_2195, %dma_start3A_2196] : memref<6x512x32xf32, #tpu.memory_space<vmem>> -> memref<1x512x32xf32, #tpu.memory_space<vmem>>
    %dma_start3A_2198 = tpu.memref_squeeze %dma_start3A_2197 : memref<1x512x32xf32, #tpu.memory_space<vmem>> -> memref<512x32xf32, #tpu.memory_space<vmem>>
    %dma_start3A_2199 = arith.constant 0 : i32
    %dma_start3A_2200 = tpu.memref_slice %arg4[%add3A_2193, %dma_start3A_2199] : memref<819200x32xf32, #tpu.memory_space<hbm>> -> memref<512x32xf32, #tpu.memory_space<hbm>>
    %dma_start3A_2201 = arith.constant 0 : i32
    %dma_start3A_2202 = tpu.memref_slice %arg4[%add3A_2193, %dma_start3A_2201] : memref<819200x32xf32, #tpu.memory_space<hbm>> -> memref<512x32xf32, #tpu.memory_space<hbm>>
    %dma_start3A_2203 = arith.constant 0 : i32
    %dma_start3A_2204 = arith.constant 0 : i32
    %dma_start3A_2205 = tpu.memref_slice %arg6[%dma_start3A_2194, %dma_start3A_2203, %dma_start3A_2204] : memref<6x512x32xf32, #tpu.memory_space<vmem>> -> memref<1x512x32xf32, #tpu.memory_space<vmem>>
    %dma_start3A_2206 = tpu.memref_squeeze %dma_start3A_2205 : memref<1x512x32xf32, #tpu.memory_space<vmem>> -> memref<512x32xf32, #tpu.memory_space<vmem>>
    tpu.enqueue_dma source(%dma_start3A_2206 : memref<512x32xf32, #tpu.memory_space<vmem>>) target(%dma_start3A_2202 : memref<512x32xf32, #tpu.memory_space<hbm>>) target_semaphore(%arg18 : memref<!tpu.dma_semaphore, #tpu.memory_space<semaphore_mem>>)
    %dma_wait3A_2207 = arith.constant 4 : i32
    %dma_wait3A_2208 = arith.constant 0 : i32
    %dma_wait3A_2209 = arith.constant 0 : i32
    %dma_wait3A_2210 = tpu.memref_slice %arg6[%dma_wait3A_2207, %dma_wait3A_2208, %dma_wait3A_2209] : memref<6x512x32xf32, #tpu.memory_space<vmem>> -> memref<1x512x32xf32, #tpu.memory_space<vmem>>
    %dma_wait3A_2211 = tpu.memref_squeeze %dma_wait3A_2210 : memref<1x512x32xf32, #tpu.memory_space<vmem>> -> memref<512x32xf32, #tpu.memory_space<vmem>>
    %dma_wait3A_2212 = arith.constant 0 : i32
    %dma_wait3A_2213 = tpu.memref_slice %arg4[%add3A_2141, %dma_wait3A_2212] : memref<819200x32xf32, #tpu.memory_space<hbm>> -> memref<512x32xf32, #tpu.memory_space<hbm>>
    %dma_wait3A_2214 = arith.constant 0 : i32
    %dma_wait3A_2215 = tpu.memref_slice %arg4[%add3A_2141, %dma_wait3A_2214] : memref<819200x32xf32, #tpu.memory_space<hbm>> -> memref<512x32xf32, #tpu.memory_space<hbm>>
    %dma_wait3A_2216 = arith.constant 0 : i32
    %dma_wait3A_2217 = arith.constant 0 : i32
    %dma_wait3A_2218 = tpu.memref_slice %arg6[%dma_wait3A_2207, %dma_wait3A_2216, %dma_wait3A_2217] : memref<6x512x32xf32, #tpu.memory_space<vmem>> -> memref<1x512x32xf32, #tpu.memory_space<vmem>>
    %dma_wait3A_2219 = tpu.memref_squeeze %dma_wait3A_2218 : memref<1x512x32xf32, #tpu.memory_space<vmem>> -> memref<512x32xf32, #tpu.memory_space<vmem>>
    tpu.wait_dma2 semaphore(%arg17 : memref<!tpu.dma_semaphore, #tpu.memory_space<semaphore_mem>>) src(%dma_wait3A_2219 : memref<512x32xf32, #tpu.memory_space<vmem>>) dst(%dma_wait3A_2215 : memref<512x32xf32, #tpu.memory_space<hbm>>)
    %dma_start3A_2220 = arith.constant 46 : i32
    %dma_start3A_2221 = arith.constant 4 : i32
    %dma_start3A_2222 = arith.constant 0 : i32
    %dma_start3A_2223 = arith.constant 0 : i32
    %dma_start3A_2224 = tpu.memref_slice %arg6[%dma_start3A_2221, %dma_start3A_2222, %dma_start3A_2223] : memref<6x512x32xf32, #tpu.memory_space<vmem>> -> memref<1x512x32xf32, #tpu.memory_space<vmem>>
    %dma_start3A_2225 = tpu.memref_squeeze %dma_start3A_2224 : memref<1x512x32xf32, #tpu.memory_space<vmem>> -> memref<512x32xf32, #tpu.memory_space<vmem>>
    %dma_start3A_2226 = arith.constant 0 : i32
    %dma_start3A_2227 = tpu.memref_slice %arg5[%dma_start3A_2220, %dma_start3A_2226] : memref<50x512xi32, #tpu.memory_space<vmem>> -> memref<1x512xi32, #tpu.memory_space<vmem>>
    %dma_start3A_2228 = tpu.memref_squeeze %dma_start3A_2227 : memref<1x512xi32, #tpu.memory_space<vmem>> -> memref<512xi32, #tpu.memory_space<vmem>>
    %dma_start3A_2229 = arith.constant 0 : i32
    %dma_start3A_2230 = arith.constant 0 : i32
    %dma_start3A_2231 = tpu.memref_slice %arg3[%dma_start3A_2229, %dma_start3A_2230] : memref<1000000x32xf32, #tpu.memory_space<hbm>> -> memref<1000000x32xf32, #tpu.memory_space<hbm>>
    tpu.enqueue_indirect_dma source(%dma_start3A_2231 : memref<1000000x32xf32, #tpu.memory_space<hbm>>) target(%dma_start3A_2225 : memref<512x32xf32, #tpu.memory_space<vmem>>) offsets(%dma_start3A_2228 : memref<512xi32, #tpu.memory_space<vmem>>) semaphore(%arg11 : memref<!tpu.dma_semaphore, #tpu.memory_space<semaphore_mem>>)
    %dma_wait3A_2232 = arith.constant 42 : i32
    %dma_wait3A_2233 = arith.constant 0 : i32
    %dma_wait3A_2234 = arith.constant 0 : i32
    %dma_wait3A_2235 = arith.constant 0 : i32
    %dma_wait3A_2236 = tpu.memref_slice %arg6[%dma_wait3A_2233, %dma_wait3A_2234, %dma_wait3A_2235] : memref<6x512x32xf32, #tpu.memory_space<vmem>> -> memref<1x512x32xf32, #tpu.memory_space<vmem>>
    %dma_wait3A_2237 = tpu.memref_squeeze %dma_wait3A_2236 : memref<1x512x32xf32, #tpu.memory_space<vmem>> -> memref<512x32xf32, #tpu.memory_space<vmem>>
    %dma_wait3A_2238 = arith.constant 0 : i32
    %dma_wait3A_2239 = tpu.memref_slice %arg5[%dma_wait3A_2232, %dma_wait3A_2238] : memref<50x512xi32, #tpu.memory_space<vmem>> -> memref<1x512xi32, #tpu.memory_space<vmem>>
    %dma_wait3A_2240 = tpu.memref_squeeze %dma_wait3A_2239 : memref<1x512xi32, #tpu.memory_space<vmem>> -> memref<512xi32, #tpu.memory_space<vmem>>
    %dma_wait3A_2241 = arith.constant 0 : i32
    %dma_wait3A_2242 = arith.constant 0 : i32
    %dma_wait3A_2243 = tpu.memref_slice %arg3[%dma_wait3A_2241, %dma_wait3A_2242] : memref<1000000x32xf32, #tpu.memory_space<hbm>> -> memref<1000000x32xf32, #tpu.memory_space<hbm>>
    tpu.wait_indirect_dma semaphore(%arg7 : memref<!tpu.dma_semaphore, #tpu.memory_space<semaphore_mem>>) src(%dma_wait3A_2243 : memref<1000000x32xf32, #tpu.memory_space<hbm>>) dst(%dma_wait3A_2237 : memref<512x32xf32, #tpu.memory_space<vmem>>)
    %add3A_2244 = arith.constant 21504 : i32
    %add3A_2245 = arith.addi %mul3A_2, %add3A_2244 : i32
    %dma_start3A_2246 = arith.constant 0 : i32
    %dma_start3A_2247 = arith.constant 0 : i32
    %dma_start3A_2248 = arith.constant 0 : i32
    %dma_start3A_2249 = tpu.memref_slice %arg6[%dma_start3A_2246, %dma_start3A_2247, %dma_start3A_2248] : memref<6x512x32xf32, #tpu.memory_space<vmem>> -> memref<1x512x32xf32, #tpu.memory_space<vmem>>
    %dma_start3A_2250 = tpu.memref_squeeze %dma_start3A_2249 : memref<1x512x32xf32, #tpu.memory_space<vmem>> -> memref<512x32xf32, #tpu.memory_space<vmem>>
    %dma_start3A_2251 = arith.constant 0 : i32
    %dma_start3A_2252 = tpu.memref_slice %arg4[%add3A_2245, %dma_start3A_2251] : memref<819200x32xf32, #tpu.memory_space<hbm>> -> memref<512x32xf32, #tpu.memory_space<hbm>>
    %dma_start3A_2253 = arith.constant 0 : i32
    %dma_start3A_2254 = tpu.memref_slice %arg4[%add3A_2245, %dma_start3A_2253] : memref<819200x32xf32, #tpu.memory_space<hbm>> -> memref<512x32xf32, #tpu.memory_space<hbm>>
    %dma_start3A_2255 = arith.constant 0 : i32
    %dma_start3A_2256 = arith.constant 0 : i32
    %dma_start3A_2257 = tpu.memref_slice %arg6[%dma_start3A_2246, %dma_start3A_2255, %dma_start3A_2256] : memref<6x512x32xf32, #tpu.memory_space<vmem>> -> memref<1x512x32xf32, #tpu.memory_space<vmem>>
    %dma_start3A_2258 = tpu.memref_squeeze %dma_start3A_2257 : memref<1x512x32xf32, #tpu.memory_space<vmem>> -> memref<512x32xf32, #tpu.memory_space<vmem>>
    tpu.enqueue_dma source(%dma_start3A_2258 : memref<512x32xf32, #tpu.memory_space<vmem>>) target(%dma_start3A_2254 : memref<512x32xf32, #tpu.memory_space<hbm>>) target_semaphore(%arg13 : memref<!tpu.dma_semaphore, #tpu.memory_space<semaphore_mem>>)
    %dma_wait3A_2259 = arith.constant 5 : i32
    %dma_wait3A_2260 = arith.constant 0 : i32
    %dma_wait3A_2261 = arith.constant 0 : i32
    %dma_wait3A_2262 = tpu.memref_slice %arg6[%dma_wait3A_2259, %dma_wait3A_2260, %dma_wait3A_2261] : memref<6x512x32xf32, #tpu.memory_space<vmem>> -> memref<1x512x32xf32, #tpu.memory_space<vmem>>
    %dma_wait3A_2263 = tpu.memref_squeeze %dma_wait3A_2262 : memref<1x512x32xf32, #tpu.memory_space<vmem>> -> memref<512x32xf32, #tpu.memory_space<vmem>>
    %dma_wait3A_2264 = arith.constant 0 : i32
    %dma_wait3A_2265 = tpu.memref_slice %arg4[%add3A_2193, %dma_wait3A_2264] : memref<819200x32xf32, #tpu.memory_space<hbm>> -> memref<512x32xf32, #tpu.memory_space<hbm>>
    %dma_wait3A_2266 = arith.constant 0 : i32
    %dma_wait3A_2267 = tpu.memref_slice %arg4[%add3A_2193, %dma_wait3A_2266] : memref<819200x32xf32, #tpu.memory_space<hbm>> -> memref<512x32xf32, #tpu.memory_space<hbm>>
    %dma_wait3A_2268 = arith.constant 0 : i32
    %dma_wait3A_2269 = arith.constant 0 : i32
    %dma_wait3A_2270 = tpu.memref_slice %arg6[%dma_wait3A_2259, %dma_wait3A_2268, %dma_wait3A_2269] : memref<6x512x32xf32, #tpu.memory_space<vmem>> -> memref<1x512x32xf32, #tpu.memory_space<vmem>>
    %dma_wait3A_2271 = tpu.memref_squeeze %dma_wait3A_2270 : memref<1x512x32xf32, #tpu.memory_space<vmem>> -> memref<512x32xf32, #tpu.memory_space<vmem>>
    tpu.wait_dma2 semaphore(%arg18 : memref<!tpu.dma_semaphore, #tpu.memory_space<semaphore_mem>>) src(%dma_wait3A_2271 : memref<512x32xf32, #tpu.memory_space<vmem>>) dst(%dma_wait3A_2267 : memref<512x32xf32, #tpu.memory_space<hbm>>)
    %dma_start3A_2272 = arith.constant 47 : i32
    %dma_start3A_2273 = arith.constant 5 : i32
    %dma_start3A_2274 = arith.constant 0 : i32
    %dma_start3A_2275 = arith.constant 0 : i32
    %dma_start3A_2276 = tpu.memref_slice %arg6[%dma_start3A_2273, %dma_start3A_2274, %dma_start3A_2275] : memref<6x512x32xf32, #tpu.memory_space<vmem>> -> memref<1x512x32xf32, #tpu.memory_space<vmem>>
    %dma_start3A_2277 = tpu.memref_squeeze %dma_start3A_2276 : memref<1x512x32xf32, #tpu.memory_space<vmem>> -> memref<512x32xf32, #tpu.memory_space<vmem>>
    %dma_start3A_2278 = arith.constant 0 : i32
    %dma_start3A_2279 = tpu.memref_slice %arg5[%dma_start3A_2272, %dma_start3A_2278] : memref<50x512xi32, #tpu.memory_space<vmem>> -> memref<1x512xi32, #tpu.memory_space<vmem>>
    %dma_start3A_2280 = tpu.memref_squeeze %dma_start3A_2279 : memref<1x512xi32, #tpu.memory_space<vmem>> -> memref<512xi32, #tpu.memory_space<vmem>>
    %dma_start3A_2281 = arith.constant 0 : i32
    %dma_start3A_2282 = arith.constant 0 : i32
    %dma_start3A_2283 = tpu.memref_slice %arg3[%dma_start3A_2281, %dma_start3A_2282] : memref<1000000x32xf32, #tpu.memory_space<hbm>> -> memref<1000000x32xf32, #tpu.memory_space<hbm>>
    tpu.enqueue_indirect_dma source(%dma_start3A_2283 : memref<1000000x32xf32, #tpu.memory_space<hbm>>) target(%dma_start3A_2277 : memref<512x32xf32, #tpu.memory_space<vmem>>) offsets(%dma_start3A_2280 : memref<512xi32, #tpu.memory_space<vmem>>) semaphore(%arg12 : memref<!tpu.dma_semaphore, #tpu.memory_space<semaphore_mem>>)
    %dma_wait3A_2284 = arith.constant 43 : i32
    %dma_wait3A_2285 = arith.constant 1 : i32
    %dma_wait3A_2286 = arith.constant 0 : i32
    %dma_wait3A_2287 = arith.constant 0 : i32
    %dma_wait3A_2288 = tpu.memref_slice %arg6[%dma_wait3A_2285, %dma_wait3A_2286, %dma_wait3A_2287] : memref<6x512x32xf32, #tpu.memory_space<vmem>> -> memref<1x512x32xf32, #tpu.memory_space<vmem>>
    %dma_wait3A_2289 = tpu.memref_squeeze %dma_wait3A_2288 : memref<1x512x32xf32, #tpu.memory_space<vmem>> -> memref<512x32xf32, #tpu.memory_space<vmem>>
    %dma_wait3A_2290 = arith.constant 0 : i32
    %dma_wait3A_2291 = tpu.memref_slice %arg5[%dma_wait3A_2284, %dma_wait3A_2290] : memref<50x512xi32, #tpu.memory_space<vmem>> -> memref<1x512xi32, #tpu.memory_space<vmem>>
    %dma_wait3A_2292 = tpu.memref_squeeze %dma_wait3A_2291 : memref<1x512xi32, #tpu.memory_space<vmem>> -> memref<512xi32, #tpu.memory_space<vmem>>
    %dma_wait3A_2293 = arith.constant 0 : i32
    %dma_wait3A_2294 = arith.constant 0 : i32
    %dma_wait3A_2295 = tpu.memref_slice %arg3[%dma_wait3A_2293, %dma_wait3A_2294] : memref<1000000x32xf32, #tpu.memory_space<hbm>> -> memref<1000000x32xf32, #tpu.memory_space<hbm>>
    tpu.wait_indirect_dma semaphore(%arg8 : memref<!tpu.dma_semaphore, #tpu.memory_space<semaphore_mem>>) src(%dma_wait3A_2295 : memref<1000000x32xf32, #tpu.memory_space<hbm>>) dst(%dma_wait3A_2289 : memref<512x32xf32, #tpu.memory_space<vmem>>)
    %add3A_2296 = arith.constant 22016 : i32
    %add3A_2297 = arith.addi %mul3A_2, %add3A_2296 : i32
    %dma_start3A_2298 = arith.constant 1 : i32
    %dma_start3A_2299 = arith.constant 0 : i32
    %dma_start3A_2300 = arith.constant 0 : i32
    %dma_start3A_2301 = tpu.memref_slice %arg6[%dma_start3A_2298, %dma_start3A_2299, %dma_start3A_2300] : memref<6x512x32xf32, #tpu.memory_space<vmem>> -> memref<1x512x32xf32, #tpu.memory_space<vmem>>
    %dma_start3A_2302 = tpu.memref_squeeze %dma_start3A_2301 : memref<1x512x32xf32, #tpu.memory_space<vmem>> -> memref<512x32xf32, #tpu.memory_space<vmem>>
    %dma_start3A_2303 = arith.constant 0 : i32
    %dma_start3A_2304 = tpu.memref_slice %arg4[%add3A_2297, %dma_start3A_2303] : memref<819200x32xf32, #tpu.memory_space<hbm>> -> memref<512x32xf32, #tpu.memory_space<hbm>>
    %dma_start3A_2305 = arith.constant 0 : i32
    %dma_start3A_2306 = tpu.memref_slice %arg4[%add3A_2297, %dma_start3A_2305] : memref<819200x32xf32, #tpu.memory_space<hbm>> -> memref<512x32xf32, #tpu.memory_space<hbm>>
    %dma_start3A_2307 = arith.constant 0 : i32
    %dma_start3A_2308 = arith.constant 0 : i32
    %dma_start3A_2309 = tpu.memref_slice %arg6[%dma_start3A_2298, %dma_start3A_2307, %dma_start3A_2308] : memref<6x512x32xf32, #tpu.memory_space<vmem>> -> memref<1x512x32xf32, #tpu.memory_space<vmem>>
    %dma_start3A_2310 = tpu.memref_squeeze %dma_start3A_2309 : memref<1x512x32xf32, #tpu.memory_space<vmem>> -> memref<512x32xf32, #tpu.memory_space<vmem>>
    tpu.enqueue_dma source(%dma_start3A_2310 : memref<512x32xf32, #tpu.memory_space<vmem>>) target(%dma_start3A_2306 : memref<512x32xf32, #tpu.memory_space<hbm>>) target_semaphore(%arg14 : memref<!tpu.dma_semaphore, #tpu.memory_space<semaphore_mem>>)
    %dma_wait3A_2311 = arith.constant 0 : i32
    %dma_wait3A_2312 = arith.constant 0 : i32
    %dma_wait3A_2313 = arith.constant 0 : i32
    %dma_wait3A_2314 = tpu.memref_slice %arg6[%dma_wait3A_2311, %dma_wait3A_2312, %dma_wait3A_2313] : memref<6x512x32xf32, #tpu.memory_space<vmem>> -> memref<1x512x32xf32, #tpu.memory_space<vmem>>
    %dma_wait3A_2315 = tpu.memref_squeeze %dma_wait3A_2314 : memref<1x512x32xf32, #tpu.memory_space<vmem>> -> memref<512x32xf32, #tpu.memory_space<vmem>>
    %dma_wait3A_2316 = arith.constant 0 : i32
    %dma_wait3A_2317 = tpu.memref_slice %arg4[%add3A_2245, %dma_wait3A_2316] : memref<819200x32xf32, #tpu.memory_space<hbm>> -> memref<512x32xf32, #tpu.memory_space<hbm>>
    %dma_wait3A_2318 = arith.constant 0 : i32
    %dma_wait3A_2319 = tpu.memref_slice %arg4[%add3A_2245, %dma_wait3A_2318] : memref<819200x32xf32, #tpu.memory_space<hbm>> -> memref<512x32xf32, #tpu.memory_space<hbm>>
    %dma_wait3A_2320 = arith.constant 0 : i32
    %dma_wait3A_2321 = arith.constant 0 : i32
    %dma_wait3A_2322 = tpu.memref_slice %arg6[%dma_wait3A_2311, %dma_wait3A_2320, %dma_wait3A_2321] : memref<6x512x32xf32, #tpu.memory_space<vmem>> -> memref<1x512x32xf32, #tpu.memory_space<vmem>>
    %dma_wait3A_2323 = tpu.memref_squeeze %dma_wait3A_2322 : memref<1x512x32xf32, #tpu.memory_space<vmem>> -> memref<512x32xf32, #tpu.memory_space<vmem>>
    tpu.wait_dma2 semaphore(%arg13 : memref<!tpu.dma_semaphore, #tpu.memory_space<semaphore_mem>>) src(%dma_wait3A_2323 : memref<512x32xf32, #tpu.memory_space<vmem>>) dst(%dma_wait3A_2319 : memref<512x32xf32, #tpu.memory_space<hbm>>)
    %dma_start3A_2324 = arith.constant 48 : i32
    %dma_start3A_2325 = arith.constant 0 : i32
    %dma_start3A_2326 = arith.constant 0 : i32
    %dma_start3A_2327 = arith.constant 0 : i32
    %dma_start3A_2328 = tpu.memref_slice %arg6[%dma_start3A_2325, %dma_start3A_2326, %dma_start3A_2327] : memref<6x512x32xf32, #tpu.memory_space<vmem>> -> memref<1x512x32xf32, #tpu.memory_space<vmem>>
    %dma_start3A_2329 = tpu.memref_squeeze %dma_start3A_2328 : memref<1x512x32xf32, #tpu.memory_space<vmem>> -> memref<512x32xf32, #tpu.memory_space<vmem>>
    %dma_start3A_2330 = arith.constant 0 : i32
    %dma_start3A_2331 = tpu.memref_slice %arg5[%dma_start3A_2324, %dma_start3A_2330] : memref<50x512xi32, #tpu.memory_space<vmem>> -> memref<1x512xi32, #tpu.memory_space<vmem>>
    %dma_start3A_2332 = tpu.memref_squeeze %dma_start3A_2331 : memref<1x512xi32, #tpu.memory_space<vmem>> -> memref<512xi32, #tpu.memory_space<vmem>>
    %dma_start3A_2333 = arith.constant 0 : i32
    %dma_start3A_2334 = arith.constant 0 : i32
    %dma_start3A_2335 = tpu.memref_slice %arg3[%dma_start3A_2333, %dma_start3A_2334] : memref<1000000x32xf32, #tpu.memory_space<hbm>> -> memref<1000000x32xf32, #tpu.memory_space<hbm>>
    tpu.enqueue_indirect_dma source(%dma_start3A_2335 : memref<1000000x32xf32, #tpu.memory_space<hbm>>) target(%dma_start3A_2329 : memref<512x32xf32, #tpu.memory_space<vmem>>) offsets(%dma_start3A_2332 : memref<512xi32, #tpu.memory_space<vmem>>) semaphore(%arg7 : memref<!tpu.dma_semaphore, #tpu.memory_space<semaphore_mem>>)
    %dma_wait3A_2336 = arith.constant 44 : i32
    %dma_wait3A_2337 = arith.constant 2 : i32
    %dma_wait3A_2338 = arith.constant 0 : i32
    %dma_wait3A_2339 = arith.constant 0 : i32
    %dma_wait3A_2340 = tpu.memref_slice %arg6[%dma_wait3A_2337, %dma_wait3A_2338, %dma_wait3A_2339] : memref<6x512x32xf32, #tpu.memory_space<vmem>> -> memref<1x512x32xf32, #tpu.memory_space<vmem>>
    %dma_wait3A_2341 = tpu.memref_squeeze %dma_wait3A_2340 : memref<1x512x32xf32, #tpu.memory_space<vmem>> -> memref<512x32xf32, #tpu.memory_space<vmem>>
    %dma_wait3A_2342 = arith.constant 0 : i32
    %dma_wait3A_2343 = tpu.memref_slice %arg5[%dma_wait3A_2336, %dma_wait3A_2342] : memref<50x512xi32, #tpu.memory_space<vmem>> -> memref<1x512xi32, #tpu.memory_space<vmem>>
    %dma_wait3A_2344 = tpu.memref_squeeze %dma_wait3A_2343 : memref<1x512xi32, #tpu.memory_space<vmem>> -> memref<512xi32, #tpu.memory_space<vmem>>
    %dma_wait3A_2345 = arith.constant 0 : i32
    %dma_wait3A_2346 = arith.constant 0 : i32
    %dma_wait3A_2347 = tpu.memref_slice %arg3[%dma_wait3A_2345, %dma_wait3A_2346] : memref<1000000x32xf32, #tpu.memory_space<hbm>> -> memref<1000000x32xf32, #tpu.memory_space<hbm>>
    tpu.wait_indirect_dma semaphore(%arg9 : memref<!tpu.dma_semaphore, #tpu.memory_space<semaphore_mem>>) src(%dma_wait3A_2347 : memref<1000000x32xf32, #tpu.memory_space<hbm>>) dst(%dma_wait3A_2341 : memref<512x32xf32, #tpu.memory_space<vmem>>)
    %add3A_2348 = arith.constant 22528 : i32
    %add3A_2349 = arith.addi %mul3A_2, %add3A_2348 : i32
    %dma_start3A_2350 = arith.constant 2 : i32
    %dma_start3A_2351 = arith.constant 0 : i32
    %dma_start3A_2352 = arith.constant 0 : i32
    %dma_start3A_2353 = tpu.memref_slice %arg6[%dma_start3A_2350, %dma_start3A_2351, %dma_start3A_2352] : memref<6x512x32xf32, #tpu.memory_space<vmem>> -> memref<1x512x32xf32, #tpu.memory_space<vmem>>
    %dma_start3A_2354 = tpu.memref_squeeze %dma_start3A_2353 : memref<1x512x32xf32, #tpu.memory_space<vmem>> -> memref<512x32xf32, #tpu.memory_space<vmem>>
    %dma_start3A_2355 = arith.constant 0 : i32
    %dma_start3A_2356 = tpu.memref_slice %arg4[%add3A_2349, %dma_start3A_2355] : memref<819200x32xf32, #tpu.memory_space<hbm>> -> memref<512x32xf32, #tpu.memory_space<hbm>>
    %dma_start3A_2357 = arith.constant 0 : i32
    %dma_start3A_2358 = tpu.memref_slice %arg4[%add3A_2349, %dma_start3A_2357] : memref<819200x32xf32, #tpu.memory_space<hbm>> -> memref<512x32xf32, #tpu.memory_space<hbm>>
    %dma_start3A_2359 = arith.constant 0 : i32
    %dma_start3A_2360 = arith.constant 0 : i32
    %dma_start3A_2361 = tpu.memref_slice %arg6[%dma_start3A_2350, %dma_start3A_2359, %dma_start3A_2360] : memref<6x512x32xf32, #tpu.memory_space<vmem>> -> memref<1x512x32xf32, #tpu.memory_space<vmem>>
    %dma_start3A_2362 = tpu.memref_squeeze %dma_start3A_2361 : memref<1x512x32xf32, #tpu.memory_space<vmem>> -> memref<512x32xf32, #tpu.memory_space<vmem>>
    tpu.enqueue_dma source(%dma_start3A_2362 : memref<512x32xf32, #tpu.memory_space<vmem>>) target(%dma_start3A_2358 : memref<512x32xf32, #tpu.memory_space<hbm>>) target_semaphore(%arg15 : memref<!tpu.dma_semaphore, #tpu.memory_space<semaphore_mem>>)
    %dma_wait3A_2363 = arith.constant 1 : i32
    %dma_wait3A_2364 = arith.constant 0 : i32
    %dma_wait3A_2365 = arith.constant 0 : i32
    %dma_wait3A_2366 = tpu.memref_slice %arg6[%dma_wait3A_2363, %dma_wait3A_2364, %dma_wait3A_2365] : memref<6x512x32xf32, #tpu.memory_space<vmem>> -> memref<1x512x32xf32, #tpu.memory_space<vmem>>
    %dma_wait3A_2367 = tpu.memref_squeeze %dma_wait3A_2366 : memref<1x512x32xf32, #tpu.memory_space<vmem>> -> memref<512x32xf32, #tpu.memory_space<vmem>>
    %dma_wait3A_2368 = arith.constant 0 : i32
    %dma_wait3A_2369 = tpu.memref_slice %arg4[%add3A_2297, %dma_wait3A_2368] : memref<819200x32xf32, #tpu.memory_space<hbm>> -> memref<512x32xf32, #tpu.memory_space<hbm>>
    %dma_wait3A_2370 = arith.constant 0 : i32
    %dma_wait3A_2371 = tpu.memref_slice %arg4[%add3A_2297, %dma_wait3A_2370] : memref<819200x32xf32, #tpu.memory_space<hbm>> -> memref<512x32xf32, #tpu.memory_space<hbm>>
    %dma_wait3A_2372 = arith.constant 0 : i32
    %dma_wait3A_2373 = arith.constant 0 : i32
    %dma_wait3A_2374 = tpu.memref_slice %arg6[%dma_wait3A_2363, %dma_wait3A_2372, %dma_wait3A_2373] : memref<6x512x32xf32, #tpu.memory_space<vmem>> -> memref<1x512x32xf32, #tpu.memory_space<vmem>>
    %dma_wait3A_2375 = tpu.memref_squeeze %dma_wait3A_2374 : memref<1x512x32xf32, #tpu.memory_space<vmem>> -> memref<512x32xf32, #tpu.memory_space<vmem>>
    tpu.wait_dma2 semaphore(%arg14 : memref<!tpu.dma_semaphore, #tpu.memory_space<semaphore_mem>>) src(%dma_wait3A_2375 : memref<512x32xf32, #tpu.memory_space<vmem>>) dst(%dma_wait3A_2371 : memref<512x32xf32, #tpu.memory_space<hbm>>)
    %dma_start3A_2376 = arith.constant 49 : i32
    %dma_start3A_2377 = arith.constant 1 : i32
    %dma_start3A_2378 = arith.constant 0 : i32
    %dma_start3A_2379 = arith.constant 0 : i32
    %dma_start3A_2380 = tpu.memref_slice %arg6[%dma_start3A_2377, %dma_start3A_2378, %dma_start3A_2379] : memref<6x512x32xf32, #tpu.memory_space<vmem>> -> memref<1x512x32xf32, #tpu.memory_space<vmem>>
    %dma_start3A_2381 = tpu.memref_squeeze %dma_start3A_2380 : memref<1x512x32xf32, #tpu.memory_space<vmem>> -> memref<512x32xf32, #tpu.memory_space<vmem>>
    %dma_start3A_2382 = arith.constant 0 : i32
    %dma_start3A_2383 = tpu.memref_slice %arg5[%dma_start3A_2376, %dma_start3A_2382] : memref<50x512xi32, #tpu.memory_space<vmem>> -> memref<1x512xi32, #tpu.memory_space<vmem>>
    %dma_start3A_2384 = tpu.memref_squeeze %dma_start3A_2383 : memref<1x512xi32, #tpu.memory_space<vmem>> -> memref<512xi32, #tpu.memory_space<vmem>>
    %dma_start3A_2385 = arith.constant 0 : i32
    %dma_start3A_2386 = arith.constant 0 : i32
    %dma_start3A_2387 = tpu.memref_slice %arg3[%dma_start3A_2385, %dma_start3A_2386] : memref<1000000x32xf32, #tpu.memory_space<hbm>> -> memref<1000000x32xf32, #tpu.memory_space<hbm>>
    tpu.enqueue_indirect_dma source(%dma_start3A_2387 : memref<1000000x32xf32, #tpu.memory_space<hbm>>) target(%dma_start3A_2381 : memref<512x32xf32, #tpu.memory_space<vmem>>) offsets(%dma_start3A_2384 : memref<512xi32, #tpu.memory_space<vmem>>) semaphore(%arg8 : memref<!tpu.dma_semaphore, #tpu.memory_space<semaphore_mem>>)
    %dma_wait3A_2388 = arith.constant 45 : i32
    %dma_wait3A_2389 = arith.constant 3 : i32
    %dma_wait3A_2390 = arith.constant 0 : i32
    %dma_wait3A_2391 = arith.constant 0 : i32
    %dma_wait3A_2392 = tpu.memref_slice %arg6[%dma_wait3A_2389, %dma_wait3A_2390, %dma_wait3A_2391] : memref<6x512x32xf32, #tpu.memory_space<vmem>> -> memref<1x512x32xf32, #tpu.memory_space<vmem>>
    %dma_wait3A_2393 = tpu.memref_squeeze %dma_wait3A_2392 : memref<1x512x32xf32, #tpu.memory_space<vmem>> -> memref<512x32xf32, #tpu.memory_space<vmem>>
    %dma_wait3A_2394 = arith.constant 0 : i32
    %dma_wait3A_2395 = tpu.memref_slice %arg5[%dma_wait3A_2388, %dma_wait3A_2394] : memref<50x512xi32, #tpu.memory_space<vmem>> -> memref<1x512xi32, #tpu.memory_space<vmem>>
    %dma_wait3A_2396 = tpu.memref_squeeze %dma_wait3A_2395 : memref<1x512xi32, #tpu.memory_space<vmem>> -> memref<512xi32, #tpu.memory_space<vmem>>
    %dma_wait3A_2397 = arith.constant 0 : i32
    %dma_wait3A_2398 = arith.constant 0 : i32
    %dma_wait3A_2399 = tpu.memref_slice %arg3[%dma_wait3A_2397, %dma_wait3A_2398] : memref<1000000x32xf32, #tpu.memory_space<hbm>> -> memref<1000000x32xf32, #tpu.memory_space<hbm>>
    tpu.wait_indirect_dma semaphore(%arg10 : memref<!tpu.dma_semaphore, #tpu.memory_space<semaphore_mem>>) src(%dma_wait3A_2399 : memref<1000000x32xf32, #tpu.memory_space<hbm>>) dst(%dma_wait3A_2393 : memref<512x32xf32, #tpu.memory_space<vmem>>)
    %add3A_2400 = arith.constant 23040 : i32
    %add3A_2401 = arith.addi %mul3A_2, %add3A_2400 : i32
    %dma_start3A_2402 = arith.constant 3 : i32
    %dma_start3A_2403 = arith.constant 0 : i32
    %dma_start3A_2404 = arith.constant 0 : i32
    %dma_start3A_2405 = tpu.memref_slice %arg6[%dma_start3A_2402, %dma_start3A_2403, %dma_start3A_2404] : memref<6x512x32xf32, #tpu.memory_space<vmem>> -> memref<1x512x32xf32, #tpu.memory_space<vmem>>
    %dma_start3A_2406 = tpu.memref_squeeze %dma_start3A_2405 : memref<1x512x32xf32, #tpu.memory_space<vmem>> -> memref<512x32xf32, #tpu.memory_space<vmem>>
    %dma_start3A_2407 = arith.constant 0 : i32
    %dma_start3A_2408 = tpu.memref_slice %arg4[%add3A_2401, %dma_start3A_2407] : memref<819200x32xf32, #tpu.memory_space<hbm>> -> memref<512x32xf32, #tpu.memory_space<hbm>>
    %dma_start3A_2409 = arith.constant 0 : i32
    %dma_start3A_2410 = tpu.memref_slice %arg4[%add3A_2401, %dma_start3A_2409] : memref<819200x32xf32, #tpu.memory_space<hbm>> -> memref<512x32xf32, #tpu.memory_space<hbm>>
    %dma_start3A_2411 = arith.constant 0 : i32
    %dma_start3A_2412 = arith.constant 0 : i32
    %dma_start3A_2413 = tpu.memref_slice %arg6[%dma_start3A_2402, %dma_start3A_2411, %dma_start3A_2412] : memref<6x512x32xf32, #tpu.memory_space<vmem>> -> memref<1x512x32xf32, #tpu.memory_space<vmem>>
    %dma_start3A_2414 = tpu.memref_squeeze %dma_start3A_2413 : memref<1x512x32xf32, #tpu.memory_space<vmem>> -> memref<512x32xf32, #tpu.memory_space<vmem>>
    tpu.enqueue_dma source(%dma_start3A_2414 : memref<512x32xf32, #tpu.memory_space<vmem>>) target(%dma_start3A_2410 : memref<512x32xf32, #tpu.memory_space<hbm>>) target_semaphore(%arg16 : memref<!tpu.dma_semaphore, #tpu.memory_space<semaphore_mem>>)
    %dma_wait3A_2415 = arith.constant 46 : i32
    %dma_wait3A_2416 = arith.constant 4 : i32
    %dma_wait3A_2417 = arith.constant 0 : i32
    %dma_wait3A_2418 = arith.constant 0 : i32
    %dma_wait3A_2419 = tpu.memref_slice %arg6[%dma_wait3A_2416, %dma_wait3A_2417, %dma_wait3A_2418] : memref<6x512x32xf32, #tpu.memory_space<vmem>> -> memref<1x512x32xf32, #tpu.memory_space<vmem>>
    %dma_wait3A_2420 = tpu.memref_squeeze %dma_wait3A_2419 : memref<1x512x32xf32, #tpu.memory_space<vmem>> -> memref<512x32xf32, #tpu.memory_space<vmem>>
    %dma_wait3A_2421 = arith.constant 0 : i32
    %dma_wait3A_2422 = tpu.memref_slice %arg5[%dma_wait3A_2415, %dma_wait3A_2421] : memref<50x512xi32, #tpu.memory_space<vmem>> -> memref<1x512xi32, #tpu.memory_space<vmem>>
    %dma_wait3A_2423 = tpu.memref_squeeze %dma_wait3A_2422 : memref<1x512xi32, #tpu.memory_space<vmem>> -> memref<512xi32, #tpu.memory_space<vmem>>
    %dma_wait3A_2424 = arith.constant 0 : i32
    %dma_wait3A_2425 = arith.constant 0 : i32
    %dma_wait3A_2426 = tpu.memref_slice %arg3[%dma_wait3A_2424, %dma_wait3A_2425] : memref<1000000x32xf32, #tpu.memory_space<hbm>> -> memref<1000000x32xf32, #tpu.memory_space<hbm>>
    tpu.wait_indirect_dma semaphore(%arg11 : memref<!tpu.dma_semaphore, #tpu.memory_space<semaphore_mem>>) src(%dma_wait3A_2426 : memref<1000000x32xf32, #tpu.memory_space<hbm>>) dst(%dma_wait3A_2420 : memref<512x32xf32, #tpu.memory_space<vmem>>)
    %add3A_2427 = arith.constant 23552 : i32
    %add3A_2428 = arith.addi %mul3A_2, %add3A_2427 : i32
    %dma_start3A_2429 = arith.constant 4 : i32
    %dma_start3A_2430 = arith.constant 0 : i32
    %dma_start3A_2431 = arith.constant 0 : i32
    %dma_start3A_2432 = tpu.memref_slice %arg6[%dma_start3A_2429, %dma_start3A_2430, %dma_start3A_2431] : memref<6x512x32xf32, #tpu.memory_space<vmem>> -> memref<1x512x32xf32, #tpu.memory_space<vmem>>
    %dma_start3A_2433 = tpu.memref_squeeze %dma_start3A_2432 : memref<1x512x32xf32, #tpu.memory_space<vmem>> -> memref<512x32xf32, #tpu.memory_space<vmem>>
    %dma_start3A_2434 = arith.constant 0 : i32
    %dma_start3A_2435 = tpu.memref_slice %arg4[%add3A_2428, %dma_start3A_2434] : memref<819200x32xf32, #tpu.memory_space<hbm>> -> memref<512x32xf32, #tpu.memory_space<hbm>>
    %dma_start3A_2436 = arith.constant 0 : i32
    %dma_start3A_2437 = tpu.memref_slice %arg4[%add3A_2428, %dma_start3A_2436] : memref<819200x32xf32, #tpu.memory_space<hbm>> -> memref<512x32xf32, #tpu.memory_space<hbm>>
    %dma_start3A_2438 = arith.constant 0 : i32
    %dma_start3A_2439 = arith.constant 0 : i32
    %dma_start3A_2440 = tpu.memref_slice %arg6[%dma_start3A_2429, %dma_start3A_2438, %dma_start3A_2439] : memref<6x512x32xf32, #tpu.memory_space<vmem>> -> memref<1x512x32xf32, #tpu.memory_space<vmem>>
    %dma_start3A_2441 = tpu.memref_squeeze %dma_start3A_2440 : memref<1x512x32xf32, #tpu.memory_space<vmem>> -> memref<512x32xf32, #tpu.memory_space<vmem>>
    tpu.enqueue_dma source(%dma_start3A_2441 : memref<512x32xf32, #tpu.memory_space<vmem>>) target(%dma_start3A_2437 : memref<512x32xf32, #tpu.memory_space<hbm>>) target_semaphore(%arg17 : memref<!tpu.dma_semaphore, #tpu.memory_space<semaphore_mem>>)
    %dma_wait3A_2442 = arith.constant 47 : i32
    %dma_wait3A_2443 = arith.constant 5 : i32
    %dma_wait3A_2444 = arith.constant 0 : i32
    %dma_wait3A_2445 = arith.constant 0 : i32
    %dma_wait3A_2446 = tpu.memref_slice %arg6[%dma_wait3A_2443, %dma_wait3A_2444, %dma_wait3A_2445] : memref<6x512x32xf32, #tpu.memory_space<vmem>> -> memref<1x512x32xf32, #tpu.memory_space<vmem>>
    %dma_wait3A_2447 = tpu.memref_squeeze %dma_wait3A_2446 : memref<1x512x32xf32, #tpu.memory_space<vmem>> -> memref<512x32xf32, #tpu.memory_space<vmem>>
    %dma_wait3A_2448 = arith.constant 0 : i32
    %dma_wait3A_2449 = tpu.memref_slice %arg5[%dma_wait3A_2442, %dma_wait3A_2448] : memref<50x512xi32, #tpu.memory_space<vmem>> -> memref<1x512xi32, #tpu.memory_space<vmem>>
    %dma_wait3A_2450 = tpu.memref_squeeze %dma_wait3A_2449 : memref<1x512xi32, #tpu.memory_space<vmem>> -> memref<512xi32, #tpu.memory_space<vmem>>
    %dma_wait3A_2451 = arith.constant 0 : i32
    %dma_wait3A_2452 = arith.constant 0 : i32
    %dma_wait3A_2453 = tpu.memref_slice %arg3[%dma_wait3A_2451, %dma_wait3A_2452] : memref<1000000x32xf32, #tpu.memory_space<hbm>> -> memref<1000000x32xf32, #tpu.memory_space<hbm>>
    tpu.wait_indirect_dma semaphore(%arg12 : memref<!tpu.dma_semaphore, #tpu.memory_space<semaphore_mem>>) src(%dma_wait3A_2453 : memref<1000000x32xf32, #tpu.memory_space<hbm>>) dst(%dma_wait3A_2447 : memref<512x32xf32, #tpu.memory_space<vmem>>)
    %add3A_2454 = arith.constant 24064 : i32
    %add3A_2455 = arith.addi %mul3A_2, %add3A_2454 : i32
    %dma_start3A_2456 = arith.constant 5 : i32
    %dma_start3A_2457 = arith.constant 0 : i32
    %dma_start3A_2458 = arith.constant 0 : i32
    %dma_start3A_2459 = tpu.memref_slice %arg6[%dma_start3A_2456, %dma_start3A_2457, %dma_start3A_2458] : memref<6x512x32xf32, #tpu.memory_space<vmem>> -> memref<1x512x32xf32, #tpu.memory_space<vmem>>
    %dma_start3A_2460 = tpu.memref_squeeze %dma_start3A_2459 : memref<1x512x32xf32, #tpu.memory_space<vmem>> -> memref<512x32xf32, #tpu.memory_space<vmem>>
    %dma_start3A_2461 = arith.constant 0 : i32
    %dma_start3A_2462 = tpu.memref_slice %arg4[%add3A_2455, %dma_start3A_2461] : memref<819200x32xf32, #tpu.memory_space<hbm>> -> memref<512x32xf32, #tpu.memory_space<hbm>>
    %dma_start3A_2463 = arith.constant 0 : i32
    %dma_start3A_2464 = tpu.memref_slice %arg4[%add3A_2455, %dma_start3A_2463] : memref<819200x32xf32, #tpu.memory_space<hbm>> -> memref<512x32xf32, #tpu.memory_space<hbm>>
    %dma_start3A_2465 = arith.constant 0 : i32
    %dma_start3A_2466 = arith.constant 0 : i32
    %dma_start3A_2467 = tpu.memref_slice %arg6[%dma_start3A_2456, %dma_start3A_2465, %dma_start3A_2466] : memref<6x512x32xf32, #tpu.memory_space<vmem>> -> memref<1x512x32xf32, #tpu.memory_space<vmem>>
    %dma_start3A_2468 = tpu.memref_squeeze %dma_start3A_2467 : memref<1x512x32xf32, #tpu.memory_space<vmem>> -> memref<512x32xf32, #tpu.memory_space<vmem>>
    tpu.enqueue_dma source(%dma_start3A_2468 : memref<512x32xf32, #tpu.memory_space<vmem>>) target(%dma_start3A_2464 : memref<512x32xf32, #tpu.memory_space<hbm>>) target_semaphore(%arg18 : memref<!tpu.dma_semaphore, #tpu.memory_space<semaphore_mem>>)
    %dma_wait3A_2469 = arith.constant 48 : i32
    %dma_wait3A_2470 = arith.constant 0 : i32
    %dma_wait3A_2471 = arith.constant 0 : i32
    %dma_wait3A_2472 = arith.constant 0 : i32
    %dma_wait3A_2473 = tpu.memref_slice %arg6[%dma_wait3A_2470, %dma_wait3A_2471, %dma_wait3A_2472] : memref<6x512x32xf32, #tpu.memory_space<vmem>> -> memref<1x512x32xf32, #tpu.memory_space<vmem>>
    %dma_wait3A_2474 = tpu.memref_squeeze %dma_wait3A_2473 : memref<1x512x32xf32, #tpu.memory_space<vmem>> -> memref<512x32xf32, #tpu.memory_space<vmem>>
    %dma_wait3A_2475 = arith.constant 0 : i32
    %dma_wait3A_2476 = tpu.memref_slice %arg5[%dma_wait3A_2469, %dma_wait3A_2475] : memref<50x512xi32, #tpu.memory_space<vmem>> -> memref<1x512xi32, #tpu.memory_space<vmem>>
    %dma_wait3A_2477 = tpu.memref_squeeze %dma_wait3A_2476 : memref<1x512xi32, #tpu.memory_space<vmem>> -> memref<512xi32, #tpu.memory_space<vmem>>
    %dma_wait3A_2478 = arith.constant 0 : i32
    %dma_wait3A_2479 = arith.constant 0 : i32
    %dma_wait3A_2480 = tpu.memref_slice %arg3[%dma_wait3A_2478, %dma_wait3A_2479] : memref<1000000x32xf32, #tpu.memory_space<hbm>> -> memref<1000000x32xf32, #tpu.memory_space<hbm>>
    tpu.wait_indirect_dma semaphore(%arg7 : memref<!tpu.dma_semaphore, #tpu.memory_space<semaphore_mem>>) src(%dma_wait3A_2480 : memref<1000000x32xf32, #tpu.memory_space<hbm>>) dst(%dma_wait3A_2474 : memref<512x32xf32, #tpu.memory_space<vmem>>)
    %add3A_2481 = arith.constant 24576 : i32
    %add3A_2482 = arith.addi %mul3A_2, %add3A_2481 : i32
    %dma_start3A_2483 = arith.constant 0 : i32
    %dma_start3A_2484 = arith.constant 0 : i32
    %dma_start3A_2485 = arith.constant 0 : i32
    %dma_start3A_2486 = tpu.memref_slice %arg6[%dma_start3A_2483, %dma_start3A_2484, %dma_start3A_2485] : memref<6x512x32xf32, #tpu.memory_space<vmem>> -> memref<1x512x32xf32, #tpu.memory_space<vmem>>
    %dma_start3A_2487 = tpu.memref_squeeze %dma_start3A_2486 : memref<1x512x32xf32, #tpu.memory_space<vmem>> -> memref<512x32xf32, #tpu.memory_space<vmem>>
    %dma_start3A_2488 = arith.constant 0 : i32
    %dma_start3A_2489 = tpu.memref_slice %arg4[%add3A_2482, %dma_start3A_2488] : memref<819200x32xf32, #tpu.memory_space<hbm>> -> memref<512x32xf32, #tpu.memory_space<hbm>>
    %dma_start3A_2490 = arith.constant 0 : i32
    %dma_start3A_2491 = tpu.memref_slice %arg4[%add3A_2482, %dma_start3A_2490] : memref<819200x32xf32, #tpu.memory_space<hbm>> -> memref<512x32xf32, #tpu.memory_space<hbm>>
    %dma_start3A_2492 = arith.constant 0 : i32
    %dma_start3A_2493 = arith.constant 0 : i32
    %dma_start3A_2494 = tpu.memref_slice %arg6[%dma_start3A_2483, %dma_start3A_2492, %dma_start3A_2493] : memref<6x512x32xf32, #tpu.memory_space<vmem>> -> memref<1x512x32xf32, #tpu.memory_space<vmem>>
    %dma_start3A_2495 = tpu.memref_squeeze %dma_start3A_2494 : memref<1x512x32xf32, #tpu.memory_space<vmem>> -> memref<512x32xf32, #tpu.memory_space<vmem>>
    tpu.enqueue_dma source(%dma_start3A_2495 : memref<512x32xf32, #tpu.memory_space<vmem>>) target(%dma_start3A_2491 : memref<512x32xf32, #tpu.memory_space<hbm>>) target_semaphore(%arg13 : memref<!tpu.dma_semaphore, #tpu.memory_space<semaphore_mem>>)
    %dma_wait3A_2496 = arith.constant 49 : i32
    %dma_wait3A_2497 = arith.constant 1 : i32
    %dma_wait3A_2498 = arith.constant 0 : i32
    %dma_wait3A_2499 = arith.constant 0 : i32
    %dma_wait3A_2500 = tpu.memref_slice %arg6[%dma_wait3A_2497, %dma_wait3A_2498, %dma_wait3A_2499] : memref<6x512x32xf32, #tpu.memory_space<vmem>> -> memref<1x512x32xf32, #tpu.memory_space<vmem>>
    %dma_wait3A_2501 = tpu.memref_squeeze %dma_wait3A_2500 : memref<1x512x32xf32, #tpu.memory_space<vmem>> -> memref<512x32xf32, #tpu.memory_space<vmem>>
    %dma_wait3A_2502 = arith.constant 0 : i32
    %dma_wait3A_2503 = tpu.memref_slice %arg5[%dma_wait3A_2496, %dma_wait3A_2502] : memref<50x512xi32, #tpu.memory_space<vmem>> -> memref<1x512xi32, #tpu.memory_space<vmem>>
    %dma_wait3A_2504 = tpu.memref_squeeze %dma_wait3A_2503 : memref<1x512xi32, #tpu.memory_space<vmem>> -> memref<512xi32, #tpu.memory_space<vmem>>
    %dma_wait3A_2505 = arith.constant 0 : i32
    %dma_wait3A_2506 = arith.constant 0 : i32
    %dma_wait3A_2507 = tpu.memref_slice %arg3[%dma_wait3A_2505, %dma_wait3A_2506] : memref<1000000x32xf32, #tpu.memory_space<hbm>> -> memref<1000000x32xf32, #tpu.memory_space<hbm>>
    tpu.wait_indirect_dma semaphore(%arg8 : memref<!tpu.dma_semaphore, #tpu.memory_space<semaphore_mem>>) src(%dma_wait3A_2507 : memref<1000000x32xf32, #tpu.memory_space<hbm>>) dst(%dma_wait3A_2501 : memref<512x32xf32, #tpu.memory_space<vmem>>)
    %add3A_2508 = arith.constant 25088 : i32
    %add3A_2509 = arith.addi %mul3A_2, %add3A_2508 : i32
    %dma_start3A_2510 = arith.constant 1 : i32
    %dma_start3A_2511 = arith.constant 0 : i32
    %dma_start3A_2512 = arith.constant 0 : i32
    %dma_start3A_2513 = tpu.memref_slice %arg6[%dma_start3A_2510, %dma_start3A_2511, %dma_start3A_2512] : memref<6x512x32xf32, #tpu.memory_space<vmem>> -> memref<1x512x32xf32, #tpu.memory_space<vmem>>
    %dma_start3A_2514 = tpu.memref_squeeze %dma_start3A_2513 : memref<1x512x32xf32, #tpu.memory_space<vmem>> -> memref<512x32xf32, #tpu.memory_space<vmem>>
    %dma_start3A_2515 = arith.constant 0 : i32
    %dma_start3A_2516 = tpu.memref_slice %arg4[%add3A_2509, %dma_start3A_2515] : memref<819200x32xf32, #tpu.memory_space<hbm>> -> memref<512x32xf32, #tpu.memory_space<hbm>>
    %dma_start3A_2517 = arith.constant 0 : i32
    %dma_start3A_2518 = tpu.memref_slice %arg4[%add3A_2509, %dma_start3A_2517] : memref<819200x32xf32, #tpu.memory_space<hbm>> -> memref<512x32xf32, #tpu.memory_space<hbm>>
    %dma_start3A_2519 = arith.constant 0 : i32
    %dma_start3A_2520 = arith.constant 0 : i32
    %dma_start3A_2521 = tpu.memref_slice %arg6[%dma_start3A_2510, %dma_start3A_2519, %dma_start3A_2520] : memref<6x512x32xf32, #tpu.memory_space<vmem>> -> memref<1x512x32xf32, #tpu.memory_space<vmem>>
    %dma_start3A_2522 = tpu.memref_squeeze %dma_start3A_2521 : memref<1x512x32xf32, #tpu.memory_space<vmem>> -> memref<512x32xf32, #tpu.memory_space<vmem>>
    tpu.enqueue_dma source(%dma_start3A_2522 : memref<512x32xf32, #tpu.memory_space<vmem>>) target(%dma_start3A_2518 : memref<512x32xf32, #tpu.memory_space<hbm>>) target_semaphore(%arg14 : memref<!tpu.dma_semaphore, #tpu.memory_space<semaphore_mem>>)
    %dma_wait3A_2523 = arith.constant 2 : i32
    %dma_wait3A_2524 = arith.constant 0 : i32
    %dma_wait3A_2525 = arith.constant 0 : i32
    %dma_wait3A_2526 = tpu.memref_slice %arg6[%dma_wait3A_2523, %dma_wait3A_2524, %dma_wait3A_2525] : memref<6x512x32xf32, #tpu.memory_space<vmem>> -> memref<1x512x32xf32, #tpu.memory_space<vmem>>
    %dma_wait3A_2527 = tpu.memref_squeeze %dma_wait3A_2526 : memref<1x512x32xf32, #tpu.memory_space<vmem>> -> memref<512x32xf32, #tpu.memory_space<vmem>>
    %dma_wait3A_2528 = arith.constant 0 : i32
    %dma_wait3A_2529 = tpu.memref_slice %arg4[%add3A_2349, %dma_wait3A_2528] : memref<819200x32xf32, #tpu.memory_space<hbm>> -> memref<512x32xf32, #tpu.memory_space<hbm>>
    %dma_wait3A_2530 = arith.constant 0 : i32
    %dma_wait3A_2531 = tpu.memref_slice %arg4[%add3A_2349, %dma_wait3A_2530] : memref<819200x32xf32, #tpu.memory_space<hbm>> -> memref<512x32xf32, #tpu.memory_space<hbm>>
    %dma_wait3A_2532 = arith.constant 0 : i32
    %dma_wait3A_2533 = arith.constant 0 : i32
    %dma_wait3A_2534 = tpu.memref_slice %arg6[%dma_wait3A_2523, %dma_wait3A_2532, %dma_wait3A_2533] : memref<6x512x32xf32, #tpu.memory_space<vmem>> -> memref<1x512x32xf32, #tpu.memory_space<vmem>>
    %dma_wait3A_2535 = tpu.memref_squeeze %dma_wait3A_2534 : memref<1x512x32xf32, #tpu.memory_space<vmem>> -> memref<512x32xf32, #tpu.memory_space<vmem>>
    tpu.wait_dma2 semaphore(%arg15 : memref<!tpu.dma_semaphore, #tpu.memory_space<semaphore_mem>>) src(%dma_wait3A_2535 : memref<512x32xf32, #tpu.memory_space<vmem>>) dst(%dma_wait3A_2531 : memref<512x32xf32, #tpu.memory_space<hbm>>)
    %dma_wait3A_2536 = arith.constant 3 : i32
    %dma_wait3A_2537 = arith.constant 0 : i32
    %dma_wait3A_2538 = arith.constant 0 : i32
    %dma_wait3A_2539 = tpu.memref_slice %arg6[%dma_wait3A_2536, %dma_wait3A_2537, %dma_wait3A_2538] : memref<6x512x32xf32, #tpu.memory_space<vmem>> -> memref<1x512x32xf32, #tpu.memory_space<vmem>>
    %dma_wait3A_2540 = tpu.memref_squeeze %dma_wait3A_2539 : memref<1x512x32xf32, #tpu.memory_space<vmem>> -> memref<512x32xf32, #tpu.memory_space<vmem>>
    %dma_wait3A_2541 = arith.constant 0 : i32
    %dma_wait3A_2542 = tpu.memref_slice %arg4[%add3A_2401, %dma_wait3A_2541] : memref<819200x32xf32, #tpu.memory_space<hbm>> -> memref<512x32xf32, #tpu.memory_space<hbm>>
    %dma_wait3A_2543 = arith.constant 0 : i32
    %dma_wait3A_2544 = tpu.memref_slice %arg4[%add3A_2401, %dma_wait3A_2543] : memref<819200x32xf32, #tpu.memory_space<hbm>> -> memref<512x32xf32, #tpu.memory_space<hbm>>
    %dma_wait3A_2545 = arith.constant 0 : i32
    %dma_wait3A_2546 = arith.constant 0 : i32
    %dma_wait3A_2547 = tpu.memref_slice %arg6[%dma_wait3A_2536, %dma_wait3A_2545, %dma_wait3A_2546] : memref<6x512x32xf32, #tpu.memory_space<vmem>> -> memref<1x512x32xf32, #tpu.memory_space<vmem>>
    %dma_wait3A_2548 = tpu.memref_squeeze %dma_wait3A_2547 : memref<1x512x32xf32, #tpu.memory_space<vmem>> -> memref<512x32xf32, #tpu.memory_space<vmem>>
    tpu.wait_dma2 semaphore(%arg16 : memref<!tpu.dma_semaphore, #tpu.memory_space<semaphore_mem>>) src(%dma_wait3A_2548 : memref<512x32xf32, #tpu.memory_space<vmem>>) dst(%dma_wait3A_2544 : memref<512x32xf32, #tpu.memory_space<hbm>>)
    %dma_wait3A_2549 = arith.constant 4 : i32
    %dma_wait3A_2550 = arith.constant 0 : i32
    %dma_wait3A_2551 = arith.constant 0 : i32
    %dma_wait3A_2552 = tpu.memref_slice %arg6[%dma_wait3A_2549, %dma_wait3A_2550, %dma_wait3A_2551] : memref<6x512x32xf32, #tpu.memory_space<vmem>> -> memref<1x512x32xf32, #tpu.memory_space<vmem>>
    %dma_wait3A_2553 = tpu.memref_squeeze %dma_wait3A_2552 : memref<1x512x32xf32, #tpu.memory_space<vmem>> -> memref<512x32xf32, #tpu.memory_space<vmem>>
    %dma_wait3A_2554 = arith.constant 0 : i32
    %dma_wait3A_2555 = tpu.memref_slice %arg4[%add3A_2428, %dma_wait3A_2554] : memref<819200x32xf32, #tpu.memory_space<hbm>> -> memref<512x32xf32, #tpu.memory_space<hbm>>
    %dma_wait3A_2556 = arith.constant 0 : i32
    %dma_wait3A_2557 = tpu.memref_slice %arg4[%add3A_2428, %dma_wait3A_2556] : memref<819200x32xf32, #tpu.memory_space<hbm>> -> memref<512x32xf32, #tpu.memory_space<hbm>>
    %dma_wait3A_2558 = arith.constant 0 : i32
    %dma_wait3A_2559 = arith.constant 0 : i32
    %dma_wait3A_2560 = tpu.memref_slice %arg6[%dma_wait3A_2549, %dma_wait3A_2558, %dma_wait3A_2559] : memref<6x512x32xf32, #tpu.memory_space<vmem>> -> memref<1x512x32xf32, #tpu.memory_space<vmem>>
    %dma_wait3A_2561 = tpu.memref_squeeze %dma_wait3A_2560 : memref<1x512x32xf32, #tpu.memory_space<vmem>> -> memref<512x32xf32, #tpu.memory_space<vmem>>
    tpu.wait_dma2 semaphore(%arg17 : memref<!tpu.dma_semaphore, #tpu.memory_space<semaphore_mem>>) src(%dma_wait3A_2561 : memref<512x32xf32, #tpu.memory_space<vmem>>) dst(%dma_wait3A_2557 : memref<512x32xf32, #tpu.memory_space<hbm>>)
    %dma_wait3A_2562 = arith.constant 5 : i32
    %dma_wait3A_2563 = arith.constant 0 : i32
    %dma_wait3A_2564 = arith.constant 0 : i32
    %dma_wait3A_2565 = tpu.memref_slice %arg6[%dma_wait3A_2562, %dma_wait3A_2563, %dma_wait3A_2564] : memref<6x512x32xf32, #tpu.memory_space<vmem>> -> memref<1x512x32xf32, #tpu.memory_space<vmem>>
    %dma_wait3A_2566 = tpu.memref_squeeze %dma_wait3A_2565 : memref<1x512x32xf32, #tpu.memory_space<vmem>> -> memref<512x32xf32, #tpu.memory_space<vmem>>
    %dma_wait3A_2567 = arith.constant 0 : i32
    %dma_wait3A_2568 = tpu.memref_slice %arg4[%add3A_2455, %dma_wait3A_2567] : memref<819200x32xf32, #tpu.memory_space<hbm>> -> memref<512x32xf32, #tpu.memory_space<hbm>>
    %dma_wait3A_2569 = arith.constant 0 : i32
    %dma_wait3A_2570 = tpu.memref_slice %arg4[%add3A_2455, %dma_wait3A_2569] : memref<819200x32xf32, #tpu.memory_space<hbm>> -> memref<512x32xf32, #tpu.memory_space<hbm>>
    %dma_wait3A_2571 = arith.constant 0 : i32
    %dma_wait3A_2572 = arith.constant 0 : i32
    %dma_wait3A_2573 = tpu.memref_slice %arg6[%dma_wait3A_2562, %dma_wait3A_2571, %dma_wait3A_2572] : memref<6x512x32xf32, #tpu.memory_space<vmem>> -> memref<1x512x32xf32, #tpu.memory_space<vmem>>
    %dma_wait3A_2574 = tpu.memref_squeeze %dma_wait3A_2573 : memref<1x512x32xf32, #tpu.memory_space<vmem>> -> memref<512x32xf32, #tpu.memory_space<vmem>>
    tpu.wait_dma2 semaphore(%arg18 : memref<!tpu.dma_semaphore, #tpu.memory_space<semaphore_mem>>) src(%dma_wait3A_2574 : memref<512x32xf32, #tpu.memory_space<vmem>>) dst(%dma_wait3A_2570 : memref<512x32xf32, #tpu.memory_space<hbm>>)
    %dma_wait3A_2575 = arith.constant 0 : i32
    %dma_wait3A_2576 = arith.constant 0 : i32
    %dma_wait3A_2577 = arith.constant 0 : i32
    %dma_wait3A_2578 = tpu.memref_slice %arg6[%dma_wait3A_2575, %dma_wait3A_2576, %dma_wait3A_2577] : memref<6x512x32xf32, #tpu.memory_space<vmem>> -> memref<1x512x32xf32, #tpu.memory_space<vmem>>
    %dma_wait3A_2579 = tpu.memref_squeeze %dma_wait3A_2578 : memref<1x512x32xf32, #tpu.memory_space<vmem>> -> memref<512x32xf32, #tpu.memory_space<vmem>>
    %dma_wait3A_2580 = arith.constant 0 : i32
    %dma_wait3A_2581 = tpu.memref_slice %arg4[%add3A_2482, %dma_wait3A_2580] : memref<819200x32xf32, #tpu.memory_space<hbm>> -> memref<512x32xf32, #tpu.memory_space<hbm>>
    %dma_wait3A_2582 = arith.constant 0 : i32
    %dma_wait3A_2583 = tpu.memref_slice %arg4[%add3A_2482, %dma_wait3A_2582] : memref<819200x32xf32, #tpu.memory_space<hbm>> -> memref<512x32xf32, #tpu.memory_space<hbm>>
    %dma_wait3A_2584 = arith.constant 0 : i32
    %dma_wait3A_2585 = arith.constant 0 : i32
    %dma_wait3A_2586 = tpu.memref_slice %arg6[%dma_wait3A_2575, %dma_wait3A_2584, %dma_wait3A_2585] : memref<6x512x32xf32, #tpu.memory_space<vmem>> -> memref<1x512x32xf32, #tpu.memory_space<vmem>>
    %dma_wait3A_2587 = tpu.memref_squeeze %dma_wait3A_2586 : memref<1x512x32xf32, #tpu.memory_space<vmem>> -> memref<512x32xf32, #tpu.memory_space<vmem>>
    tpu.wait_dma2 semaphore(%arg13 : memref<!tpu.dma_semaphore, #tpu.memory_space<semaphore_mem>>) src(%dma_wait3A_2587 : memref<512x32xf32, #tpu.memory_space<vmem>>) dst(%dma_wait3A_2583 : memref<512x32xf32, #tpu.memory_space<hbm>>)
    %dma_wait3A_2588 = arith.constant 1 : i32
    %dma_wait3A_2589 = arith.constant 0 : i32
    %dma_wait3A_2590 = arith.constant 0 : i32
    %dma_wait3A_2591 = tpu.memref_slice %arg6[%dma_wait3A_2588, %dma_wait3A_2589, %dma_wait3A_2590] : memref<6x512x32xf32, #tpu.memory_space<vmem>> -> memref<1x512x32xf32, #tpu.memory_space<vmem>>
    %dma_wait3A_2592 = tpu.memref_squeeze %dma_wait3A_2591 : memref<1x512x32xf32, #tpu.memory_space<vmem>> -> memref<512x32xf32, #tpu.memory_space<vmem>>
    %dma_wait3A_2593 = arith.constant 0 : i32
    %dma_wait3A_2594 = tpu.memref_slice %arg4[%add3A_2509, %dma_wait3A_2593] : memref<819200x32xf32, #tpu.memory_space<hbm>> -> memref<512x32xf32, #tpu.memory_space<hbm>>
    %dma_wait3A_2595 = arith.constant 0 : i32
    %dma_wait3A_2596 = tpu.memref_slice %arg4[%add3A_2509, %dma_wait3A_2595] : memref<819200x32xf32, #tpu.memory_space<hbm>> -> memref<512x32xf32, #tpu.memory_space<hbm>>
    %dma_wait3A_2597 = arith.constant 0 : i32
    %dma_wait3A_2598 = arith.constant 0 : i32
    %dma_wait3A_2599 = tpu.memref_slice %arg6[%dma_wait3A_2588, %dma_wait3A_2597, %dma_wait3A_2598] : memref<6x512x32xf32, #tpu.memory_space<vmem>> -> memref<1x512x32xf32, #tpu.memory_space<vmem>>
    %dma_wait3A_2600 = tpu.memref_squeeze %dma_wait3A_2599 : memref<1x512x32xf32, #tpu.memory_space<vmem>> -> memref<512x32xf32, #tpu.memory_space<vmem>>
    tpu.wait_dma2 semaphore(%arg14 : memref<!tpu.dma_semaphore, #tpu.memory_space<semaphore_mem>>) src(%dma_wait3A_2600 : memref<512x32xf32, #tpu.memory_space<vmem>>) dst(%dma_wait3A_2596 : memref<512x32xf32, #tpu.memory_space<hbm>>)
    return
  }
}

</mosaic_0001>

<sc_bundles>
// kernel: kernel.3.cloned.1.call-start
scs
__scs_entry_jumppad:
0x0: {  	(pc) =	sbr.rel $0x88, $3  }
0x1: {  	(tag) =	ssettag $0x0;
	lr =	simm.s32 $0x1  }
0x2: {  	[smem:$0x3F9F] =	sst lr;
	_ =	strace $0xD0000000  }
0x3: {  	_ = 	snop  }
0x4: {  	_ = 	snop  }
0x5: {  	_ = 	snop  }
0x6: {  	_ = 	snop  }
0x7: {  	_ = 	snop  }
__scs_overlays_trampoline_lowered:
0x8: {  	[smem:$0x3FAE] =	sst s0  }
0x9: {  	[smem:$0x3FAF] =	sst s1  }
0xa: {  	[smem:$0x3FB0] =	sst s2  }
0xb: {  	[smem:$0x3FB1] =	sst s3  }
0xc: {  	[smem:$0x3FB2] =	sst s4  }
0xd: {  	[smem:$0x3FB3] =	sst s5  }
0xe: {  	[smem:$0x3FB4] =	sst s6  }
0xf: {  	[smem:$0x3FB5] =	sst s7  }
0x10: {  	[smem:$0x3FB6] =	sst s8  }
0x11: {  	[smem:$0x3FB7] =	sst s9;
	s0 =	simm.s32 @!p0 $0x0  }
0x12: {  	s1 =	sld [smem:$0x3F9D];
	s0 =	simm.s32 @p0 $0x1  }
0x13: {  	[smem:$0x3FB8] =	sst s0;
	s0 =	simm.s32 @!p1 $0x0  }
0x14: {  	s2 =	sld [smem:$0x3F9C];
	s0 =	simm.s32 @p1 $0x1  }
0x15: {  	[smem:$0x3FB9] =	sst s0;
	s0 =	simm.s32 @!p2 $0x0  }
0x16: {  	s3 =	sld [smem:$0x3FDB];
	s0 =	simm.s32 @p2 $0x1  }
0x17: {  	s4 =	simm.s32 $0x1BF5;
	[smem:$0x3FBB] =	sst s0  }
0x18: {  	s0 =	sld [smem:$0x3F9E];
	_ =	swait.ge [sflag:s4], $0x0  }
0x19: {  	s7 =	sld [smem:$0x3F9F]  }
0x1a: {  	s8 =	sadd.s32 $0xFFFFE003, lr  }
0x1b: {  	s9 =	sadd.s32 $0xFFFFFEF7, lr;
	s5 =	simm.s32 $0xFFFFFFFF;
	p2 =	slt.u32 s8, $0xFFFFF086  }
0x1c: {  	p1 =	slt.u32 s9, $0xF7A;
	s5 =	simm.s32 @!p2 $0x0  }
0x1d: {  	s5 =	simm.s32 @p1 $0x1;
	p0 =	seq.s32 s7, s2  }
0x1e: {  	s7 =	smul.u32 @!p0 $0xF7A, s2;
	p2 =	seq.s32 @!p0 s5, $0x0  }
0x1f: {  	s9 =	smul.u32 $0xF7A, s1;
	s8 =	simm.s32 @!p0 $0x1BF5;
	p2 =	por !p2, p0  }
0x20: {  	[sflag:s8] =	ssyncset.s32 @!p0 $0xFFFFF086;
	s6 =	sadd.s32 @!p0 s3, s7;
	s7 =	simm.s32 @!p0 $0x108  }
0x21: {  	s3 =	sadd.s32 s3, s9;
	s6 =	sadd.s32 @!p0 $0x88, s6;
	s7 =	simm.s32 @p2 $0x1082  }
0x22: {  	[simem:s7], [sflag:s8] =	dma.local @!p0 [hbm:s6], $0xF7A  }
0x23: {  	s9 =	sor.u32 $0xD0000000, s2;
	s6 =	simm.s32 $0x108;
	_ =	swait.ge @!p0 [sflag:s8], $0x0  }
0x24: {  	s3 =	sadd.s32 $0x88, s3;
	s6 =	simm.s32 @!p1 $0x1082;
	[sflag:s4] =	ssyncset.s32 $0xFFFFF086  }
0x25: {  	[simem:s6], [sflag:s4] =	dma.local [hbm:s3], $0xF7A  }
0x26: {  	[smem:$0x3F9F] =	sst s1;
	(tag) =	ssettag s2;
	_ =	strace s9  }
0x27: {  	s1 =	sld [smem:$0x3FAF]  }
0x28: {  	s2 =	sld [smem:$0x3FB0]  }
0x29: {  	s4 =	sld [smem:$0x3FB2]  }
0x2a: {  	p0 =	seq.s32 s5, $0x0;
	s5 =	sld [smem:$0x3FB3]  }
0x2b: {  	s6 =	sld [smem:$0x3FB4]  }
0x2c: {  	s7 =	sld [smem:$0x3FB5]  }
0x2d: {  	s3 =	simm.s32 $0x108;
	s8 =	sld [smem:$0x3FB6]  }
0x2e: {  	s3 =	simm.s32 @!p0 $0x1082;
	s9 =	sld [smem:$0x3FB7]  }
0x2f: {  	lr =	sadd.s32 s0, s3;
	s0 =	sld [smem:$0x3FAE]  }
0x30: {  	s3 =	sld [smem:$0x3FB1]  }
0x31: {  	[smem:$0x3FBA] =	sst s10  }
0x32: {  	s10 =	sld [smem:$0x3FB8];
	_ =	sdelay $0x3  }
0x33: {  	p0 =	seq.s32 s10, $0x1;
	s10 =	sld [smem:$0x3FBA];
	_ =	sdelay $0x3  }
0x34: {  	[smem:$0x3FBA] =	sst s10  }
0x35: {  	s10 =	sld [smem:$0x3FB9];
	_ =	sdelay $0x3  }
0x36: {  	p1 =	seq.s32 s10, $0x1;
	s10 =	sld [smem:$0x3FBA];
	_ =	sdelay $0x3  }
0x37: {  	[smem:$0x3FBA] =	sst s10  }
0x38: {  	s10 =	sld [smem:$0x3FBB]  }
0x39: {  	_ = 	snop;
	(pc) =	sbr.ind lr, $3  }
0x3a: {  	_ = 	snop  }
0x3b: {  	_ = 	snop  }
0x3c: {  	p2 =	seq.s32 s10, $0x1;
	s10 =	sld [smem:$0x3FBA]  }
0x3d: {  	_ =	shalt  }
0x3e: {  	_ =	shalt  }
0x3f: {  	_ =	shalt  }
0x40: {  	_ =	shalt  }
0x41: {  	_ =	shalt  }
0x42: {  	_ =	shalt  }
0x43: {  	_ =	shalt  }
0x44: {  	_ =	shalt  }
0x45: {  	_ =	shalt  }
0x46: {  	_ =	shalt  }
0x47: {  	_ =	shalt  }
0x48: {  	_ =	shalt  }
0x49: {  	_ =	shalt  }
0x4a: {  	_ =	shalt  }
0x4b: {  	_ =	shalt  }
0x4c: {  	_ =	shalt  }
0x4d: {  	_ =	shalt  }
0x4e: {  	_ =	shalt  }
0x4f: {  	_ =	shalt  }
0x50: {  	_ =	shalt  }
0x51: {  	_ =	shalt  }
0x52: {  	_ =	shalt  }
0x53: {  	_ =	shalt  }
0x54: {  	_ =	shalt  }
0x55: {  	_ =	shalt  }
0x56: {  	_ =	shalt  }
0x57: {  	_ =	shalt  }
0x58: {  	_ =	shalt  }
0x59: {  	_ =	shalt  }
0x5a: {  	_ =	shalt  }
0x5b: {  	_ =	shalt  }
0x5c: {  	_ =	shalt  }
0x5d: {  	_ =	shalt  }
0x5e: {  	_ =	shalt  }
0x5f: {  	_ =	shalt  }
0x60: {  	_ =	shalt  }
0x61: {  	_ =	shalt  }
0x62: {  	_ =	shalt  }
0x63: {  	_ =	shalt  }
0x64: {  	_ =	shalt  }
0x65: {  	_ =	shalt  }
0x66: {  	_ =	shalt  }
0x67: {  	_ =	shalt  }
0x68: {  	_ =	shalt  }
0x69: {  	_ =	shalt  }
0x6a: {  	_ =	shalt  }
0x6b: {  	_ =	shalt  }
0x6c: {  	_ =	shalt  }
0x6d: {  	_ =	shalt  }
0x6e: {  	_ =	shalt  }
0x6f: {  	_ =	shalt  }
0x70: {  	_ =	shalt  }
0x71: {  	_ =	shalt  }
0x72: {  	_ =	shalt  }
0x73: {  	_ =	shalt  }
0x74: {  	_ =	shalt  }
0x75: {  	_ =	shalt  }
0x76: {  	_ =	shalt  }
0x77: {  	_ =	shalt  }
0x78: {  	_ =	shalt  }
0x79: {  	_ =	shalt  }
0x7a: {  	_ =	shalt  }
0x7b: {  	_ =	shalt  }
0x7c: {  	_ =	shalt  }
0x7d: {  	_ =	shalt  }
0x7e: {  	_ =	shalt  }
0x7f: {  	_ =	shalt  }
0x80: {  	_ =	shalt  }
0x81: {  	_ =	shalt  }
0x82: {  	_ =	shalt  }
0x83: {  	_ =	shalt  }
0x84: {  	_ =	shalt  }
0x85: {  	_ =	shalt  }
0x86: {  	_ =	shalt  }
0x87: {  	_ =	shalt  }
.Lfunc_end0:
.L_simem_size_0:
called_computation.2_lowered:
.L_overlay_start_0:
0x88: {  	s2 =	sld [smem:$0x3FD9]  }
0x89: {  	s3 =	sld [smem:$0x3FFE];
	_ =	sdelay $0x1  }
0x8a: {  	s1 =	srdreg.scid  }
0x8b: {  	s0 =	sand.u32 $0x1, s1  }
0x8c: {  	s17 =	sshll.u32 s0, $0xA;
	s2 =	sadd.s32 s3, s2  }
0x8d: {  	s2 =	sadd.s32 s2, s17  }
0x8e: {  	[smem:$0x3FC6] =	sst s2  }
0x8f: {  	_ = 	snop  }
0x90: {  	s2 =	sld [smem:$0x3FD0];
	(tm) =	ssettm $0x1  }
0x91: {  	s18 =	sld [smem:$0x3FFB];
	_ =	sdelay $0x3  }
0x92: {  	_ =	strace s18  }
0x93: {  	s3 =	sld [smem:$0x3FFC];
	_ =	sdelay $0x3  }
0x94: {  	_ =	strace s3  }
0x95: {  	s3 =	sld [smem:$0x3FFD];
	_ =	sdelay $0x3  }
0x96: {  	_ =	strace s3  }
0x97: {  	_ =	strace $0x8FFFFFFF  }
0x98: {  	s19 =	sld [smem:$0x3FDB];
	_ =	sdelay $0x1  }
0x99: {  	s4 =	simm.s32 $_scs_section_size  }
0x9a: {  	s5 =	simm.s32 $_size__tile_overlayer_lowered;
	s6 =	simm.s32 $_tile_overlayer_lowered  }
0x9b: {  	s22 =	simm.s32 $0x1BFF;
	s21 =	sshll.u32 s6, $0x1;
	s3 =	sadd.s32 s4, s19  }
0x9c: {  	s7 =	simm.s32 $0x0;
	s20 =	sshll.u32 s5, $0x1;
	s5 =	sadd.s32 s21, s3  }
0x9d: {  	[timem:s7], [sflag:s22] =	dma.local [hbm:s5], s20  }
0x9e: {  	_ =	swait.ge [sflag:s22], s20  }
0x9f: {  	s4 =	ssub.s32 $0x0, s20;
	[sflag:s22] =	ssyncset.done $0x0  }
0xa0: {  	[sflag:s22] =	ssyncadd.s32 s4;
	_ =	sdelay $0x1  }
0xa1: {  	s23 =	simm.s32 $0x1B8B  }
0xa2: {  	_ =	swait.ge [sflag:s23], $0x1  }
0xa3: {  	[sflag:s23] =	ssyncset.done $0x0  }
0xa4: {  	s25 =	simm.s32 $0x1B8E;
	s24 =	sld [smem:$0x3FFE];
	[sflag:s23] =	ssyncadd.s32 $0xFFFFFFFF  }
0xa5: {  	s26 =	simm.s32 $execute0_lowered;
	[smem:$0x3FD2] =	sst s25  }
0xa6: {  	s5 =	sshll.u32 s26, $0x1;
	_ =	strace $0x80000046;
	[dreg:$0x1] =	wrdreg $0xFFFFFFFF  }
0xa7: {  	s28 =	simm.s32 $_size_execute0_lowered;
	s3 =	sadd.s32 s3, s5;
	[dreg:$0x0] =	wrdreg $0x0  }
0xa8: {  	s5 =	sshll.u32 s28, $0x1;
	[dreg:$0x2] =	wrdreg s3  }
0xa9: {  	[dreg:$0x3] =	wrdreg s5  }
0xaa: {  	[dreg:$0x4] =	wrdreg $0xC0  }
0xab: {  	_ =	task [dreg:s7], $0x5FFFF  }
0xac: {  	[dreg:$0x1] =	wrdreg $0xFFFFFFFF  }
0xad: {  	[dreg:$0x0] =	wrdreg $0x60  }
0xae: {  	[dreg:$0x2] =	wrdreg s24  }
0xaf: {  	[dreg:$0x3] =	wrdreg s2  }
0xb0: {  	[dreg:$0x4] =	wrdreg $0x9  }
0xb1: {  	_ =	task.clear_ibuf [dreg:s7], $0x5FFFF;
	_ =	strace $0x90000046  }
0xb2: {  	s29 =	simm.s32 $0x9;
	_ =	strace $0x80000048  }
0xb3: {  	_ =	swait.ge [sflag:s29], $0x1  }
0xb4: {  	[sflag:s29] =	ssyncadd.s32 $0xFFFFFFFF  }
0xb5: {  	_ =	strace $0x90000048  }
0xb6: {  	_ =	sfence  }
0xb7: {  	s30 =	sld [smem:$0x0];
	_ =	sdelay $0x2  }
0xb8: {  	s31 =	sshll.u32 s1, $0xD;
	s1 =	sshrl.u32 s1, $0x2  }
0xb9: {  	s3 =	sand.u32 $0x4000, s31;
	s1 =	sadd.s32 s1, s30  }
0xba: {  	s0 =	sor.u32 s3, s0;
	s1 =	sshll.u32 s1, $0x11  }
0xbb: {  	s0 =	sor.u32 s1, s0  }
0xbc: {  	s0 =	sadd.s32 $0x8F2B, s0  }
0xbd: {  	[sflag:s0] =	ssyncadd.remote.s32 $0x1  }
0xbe: {  	_ =	sfence.sel $0xFFFF  }
0xbf: {  	[dreg:$0x0] =	wrdreg $0xFFFFFFFF;
	(pc) =	sbr.abs _section_cstart, $3  }
0xc0: {  	[dreg:$0x1] =	wrdreg $0xFFFFFFFF  }
0xc1: {  	_ =	task.clear_ibuf [dreg:s7], $0x2FFFF;
	_ =	strace $0x9FFFFFFF  }
0xc2: {  	(tm) =	ssettm $0x7FFFFFFF  }
0xc3: {  	_ =	shalt  }
tec
execute0_lowered:
.L_overlay_start_1:
0x0: {  	(tag) =	ssettag $0x1  }
0x1: {  	s0 =	srdreg.scid;
	s23 =	stileid.u32  }
0x2: {  	s1 =	sand.u32 $0x1, s0;
	s7 =	sshll.u32 s23, $0x1  }
0x3: {  	s0 =	sor.u32 s1, s7  }
0x4: {  	s5 =	smul.u32 $0xC80, s0  }
0x5: {  	s3 =	rddreg [dreg:$0x0];
	s2 =	simm.s32 $0x0;
	s6 =	smul.u32 $0x19000, s0  }
0x6: {  	[smem:$0x7FF] =	sst s2;
	s0 =	smul.u32 $0xC8000, s0  }
0x7: {  	s4 =	rddreg [dreg:$0x1];
	_ =	strace $0x80000047;
	s5 =	sadd.s32 s5, s3  }
0x8: {  	s30 =	sadd.s32 s4, s6;
	s0 =	sshrl.u32 s0, $0x3;
	s5 =	sadd.s32 $0xE00, s5  }
0x9: {  	s8 =	sadd.s32 $0x800, s30;
	s4 =	sadd.s32 s4, s0;
	[dreg:$0x3] =	wrdreg s5  }
0xa: {  	[dreg:$0x4] =	wrdreg s8;
	s0 =	sadd.s32 $0x1000, s4  }
0xb: {  	s9 =	sadd.s32 $0x1800, s4;
	[dreg:$0x5] =	wrdreg s0  }
0xc: {  	s10 =	sadd.s32 $0x2000, s4;
	[dreg:$0x6] =	wrdreg s9  }
0xd: {  	s11 =	sadd.s32 $0x2800, s4;
	[dreg:$0x7] =	wrdreg s10  }
0xe: {  	s12 =	sadd.s32 $0x3000, s4;
	[dreg:$0x8] =	wrdreg s11  }
0xf: {  	s13 =	sadd.s32 $0x3800, s4;
	[dreg:$0x9] =	wrdreg s12  }
0x10: {  	s14 =	sadd.s32 $0x4000, s4;
	[dreg:$0xa] =	wrdreg s13  }
0x11: {  	s15 =	sadd.s32 $0x4800, s4;
	[dreg:$0xb] =	wrdreg s14  }
0x12: {  	s16 =	sadd.s32 $0x5000, s4;
	[dreg:$0xc] =	wrdreg s15  }
0x13: {  	s17 =	sadd.s32 $0x5800, s4;
	[dreg:$0xd] =	wrdreg s16  }
0x14: {  	s18 =	sadd.s32 $0x6000, s4;
	[dreg:$0xe] =	wrdreg s17  }
0x15: {  	s19 =	sadd.s32 $0x6800, s4;
	[dreg:$0xf] =	wrdreg s18  }
0x16: {  	s20 =	sadd.s32 $0x7000, s4;
	[dreg:$0x10] =	wrdreg s19  }
0x17: {  	s21 =	sadd.s32 $0x7800, s4;
	[dreg:$0x11] =	wrdreg s20  }
0x18: {  	s22 =	sadd.s32 $0x8000, s4;
	[dreg:$0x12] =	wrdreg s21  }
0x19: {  	s24 =	sadd.s32 $0x8800, s4;
	[dreg:$0x13] =	wrdreg s22  }
0x1a: {  	s25 =	sadd.s32 $0x9000, s4;
	[dreg:$0x14] =	wrdreg s24  }
0x1b: {  	s26 =	sadd.s32 $0x9800, s4;
	[dreg:$0x15] =	wrdreg s25  }
0x1c: {  	s5 =	sadd.s32 $0xA000, s4;
	[dreg:$0x16] =	wrdreg s26  }
0x1d: {  	s6 =	sadd.s32 $0xA800, s4;
	[dreg:$0x17] =	wrdreg s5  }
0x1e: {  	s7 =	sadd.s32 $0xB000, s4;
	[dreg:$0x18] =	wrdreg s6  }
0x1f: {  	s8 =	sadd.s32 $0xB800, s4;
	[dreg:$0x19] =	wrdreg s7  }
0x20: {  	[dreg:$0x1a] =	wrdreg s8  }
0x21: {  	s9 =	sadd.s32 $0xC000, s4;
	s0 =	rddreg [dreg:$0x3]  }
0x22: {  	s10 =	sadd.s32 $0xC800, s4;
	[dreg:$0x1b] =	wrdreg s9  }
0x23: {  	s11 =	sadd.s32 $0xD000, s4;
	[dreg:$0x1c] =	wrdreg s10  }
0x24: {  	s12 =	sadd.s32 $0xD800, s4;
	[dreg:$0x1d] =	wrdreg s11  }
0x25: {  	s13 =	sadd.s32 $0xE000, s4;
	[dreg:$0x1e] =	wrdreg s12  }
0x26: {  	s14 =	sadd.s32 $0xE800, s4;
	[dreg:$0x1f] =	wrdreg s13  }
0x27: {  	s15 =	sadd.s32 $0xF000, s4;
	[smem:$0x7BF] =	sst s14  }
0x28: {  	s16 =	sadd.s32 $0xF800, s4;
	[smem:$0x7C0] =	sst s15  }
0x29: {  	s17 =	sadd.s32 $0x10000, s4;
	[smem:$0x7C1] =	sst s16  }
0x2a: {  	s18 =	sadd.s32 $0x10800, s4;
	[smem:$0x7C2] =	sst s17  }
0x2b: {  	s19 =	sadd.s32 $0x11000, s4;
	[smem:$0x7C3] =	sst s18  }
0x2c: {  	s20 =	sadd.s32 $0x11800, s4;
	[smem:$0x7C4] =	sst s19  }
0x2d: {  	s21 =	sadd.s32 $0x12000, s4;
	[smem:$0x7C5] =	sst s20  }
0x2e: {  	s22 =	sadd.s32 $0x12800, s4;
	[smem:$0x7C6] =	sst s21  }
0x2f: {  	s24 =	sadd.s32 $0x13000, s4;
	[smem:$0x7C7] =	sst s22  }
0x30: {  	s25 =	sadd.s32 $0x13800, s4;
	[smem:$0x7C8] =	sst s24  }
0x31: {  	s26 =	sadd.s32 $0x14000, s4;
	[smem:$0x7C9] =	sst s25  }
0x32: {  	s5 =	sadd.s32 $0x14800, s4;
	[smem:$0x7CA] =	sst s26  }
0x33: {  	s6 =	sadd.s32 $0x15000, s4;
	[smem:$0x7CB] =	sst s5  }
0x34: {  	s7 =	sadd.s32 $0x15800, s4;
	[smem:$0x7CC] =	sst s6  }
0x35: {  	s8 =	sadd.s32 $0x16000, s4;
	[smem:$0x7CD] =	sst s7  }
0x36: {  	[smem:$0x7CE] =	sst s8;
	s9 =	sadd.s32 $0x16800, s4  }
0x37: {  	s10 =	sadd.s32 $0x17000, s4;
	[smem:$0x7CF] =	sst s9  }
0x38: {  	s11 =	sadd.s32 $0x17800, s4;
	[smem:$0x7D0] =	sst s10  }
0x39: {  	s12 =	sadd.s32 $0x18000, s4;
	[smem:$0x7D1] =	sst s11  }
0x3a: {  	s13 =	sadd.s32 $0x18800, s4;
	[smem:$0x7D2] =	sst s12  }
0x3b: {  	s14 =	simm.s32 $0x400;
	[smem:$0x7D3] =	sst s13  }
0x3c: {  	s15 =	simm.s32 $0x600;
	[smem:$0x7D4] =	sst s14  }
0x3d: {  	s16 =	simm.s32 $0x800;
	[smem:$0x7D5] =	sst s15  }
0x3e: {  	s17 =	simm.s32 $0xA00;
	[smem:$0x7D6] =	sst s16  }
0x3f: {  	s18 =	simm.s32 $0xC00;
	[smem:$0x7D7] =	sst s17  }
0x40: {  	s19 =	simm.s32 $0xE00;
	[smem:$0x7D8] =	sst s18  }
0x41: {  	s20 =	simm.s32 $0x1000;
	[smem:$0x7D9] =	sst s19  }
0x42: {  	s21 =	simm.s32 $0x1200;
	[smem:$0x7DA] =	sst s20  }
0x43: {  	s22 =	simm.s32 $0x1400;
	[smem:$0x7DB] =	sst s21  }
0x44: {  	s24 =	simm.s32 $0x1600;
	[smem:$0x7DC] =	sst s22  }
0x45: {  	s25 =	simm.s32 $0x1800;
	[smem:$0x7DD] =	sst s24  }
0x46: {  	s26 =	simm.s32 $0x1A00;
	[smem:$0x7DE] =	sst s25  }
0x47: {  	s4 =	simm.s32 $0x1C00;
	[smem:$0x7DF] =	sst s26  }
0x48: {  	s5 =	simm.s32 $0x1E00;
	[smem:$0x7E0] =	sst s4  }
0x49: {  	s6 =	simm.s32 $0x2000;
	[smem:$0x7E1] =	sst s5  }
0x4a: {  	s7 =	simm.s32 $0x2200;
	[smem:$0x7E2] =	sst s6  }
0x4b: {  	s31 =	simm.s32 $0xD;
	s8 =	simm.s32 $0x2400;
	[smem:$0x7E3] =	sst s7  }
0x4c: {  	p0 =	por $0x0, $0x0;
	[smem:$0x7E4] =	sst s8;
	s9 =	simm.s32 $0x2600  }
0x4d: {  	s29 =	simm.s32 $0x5A00;
	s10 =	simm.s32 $0x2800;
	[smem:$0x7E5] =	sst s9  }
0x4e: {  	s28 =	simm.s32 $0x5C00;
	s11 =	simm.s32 $0x2A00;
	[smem:$0x7E6] =	sst s10  }
0x4f: {  	s1 =	ssub.s32 $0x2, s1;
	s13 =	simm.s32 $0x2C00;
	[smem:$0x7E7] =	sst s11  }
0x50: {  	s4 =	sadd.s32 $0xF43200, s3;
	s14 =	simm.s32 $0x2E00;
	[smem:$0x7E8] =	sst s13  }
0x51: {  	s12 =	sshrl.u32 s1, $0x1;
	s15 =	simm.s32 $0x3000;
	[smem:$0x7E9] =	sst s14  }
0x52: {  	s16 =	simm.s32 $0x3200;
	s17 =	simm.s32 $0x3400;
	[smem:$0x7EA] =	sst s15  }
0x53: {  	s5 =	simm.s32 $0x6400;
	s18 =	simm.s32 $0x3600;
	[smem:$0x7EB] =	sst s16  }
0x54: {  	s3 =	simm.s32 $0xA400;
	s19 =	simm.s32 $0x3800;
	[smem:$0x7EC] =	sst s17  }
0x55: {  	s20 =	simm.s32 $0x3A00;
	s21 =	simm.s32 $0x3C00;
	[smem:$0x7ED] =	sst s18  }
0x56: {  	s22 =	simm.s32 $0x3E00;
	s8 =	simm.s32 $0x1;
	[smem:$0x7EE] =	sst s19  }
0x57: {  	s24 =	simm.s32 $0x4000;
	s25 =	simm.s32 $0x4200;
	[smem:$0x7EF] =	sst s20  }
0x58: {  	s26 =	simm.s32 $0x4400;
	s6 =	simm.s32 $0x7;
	[smem:$0x7F0] =	sst s21  }
0x59: {  	s7 =	simm.s32 $0x4600;
	s1 =	ssub.s32 s1, s12;
	[smem:$0x7F1] =	sst s22  }
0x5a: {  	s9 =	simm.s32 $0x200;
	s15 =	simm.s32 $0xE400;
	[smem:$0x7F2] =	sst s24  }
0x5b: {  	s13 =	simm.s32 $0x12400;
	s11 =	simm.s32 $0x16400;
	[smem:$0x7F3] =	sst s25  }
0x5c: {  	s12 =	simm.s32 $0x1A400;
	s10 =	simm.s32 $0x2;
	[smem:$0x7F4] =	sst s26  }
0x5d: {  	s22 =	simm.s32 $0x3;
	[smem:$0x7F5] =	sst s7;
	s14 =	simm.s32 $0x4800  }
0x5e: {  	s7 =	simm.s32 $0x8;
	s16 =	simm.s32 $0x4A00;
	s19 =	simm.s32 $0x4  }
0x5f: {  	s17 =	simm.s32 $0x4C00;
	s18 =	simm.s32 $0x4E00;
	[smem:$0x7F6] =	sst s14  }
0x60: {  	s20 =	simm.s32 $0x5;
	s21 =	simm.s32 $0x5000;
	[smem:$0x7F7] =	sst s16  }
0x61: {  	s24 =	simm.s32 $0x5200;
	s1 =	smax.u32 s1, $0x1;
	[smem:$0x7F8] =	sst s17  }
0x62: {  	s25 =	simm.s32 $0x5400;
	[smem:$0x7F9] =	sst s18;
	p1 =	sne.s32 s1, $0x1  }
.Ltmp0:
0x63: {  	s26 =	simm.s32 $0x5600;
	[smem:$0x7FA] =	sst s21;
	(pc) =	sbr.rel @!p1 .LBB2_1-.Ltmp0, $4  }
0x64: {  	s14 =	simm.s32 $0x9;
	s16 =	simm.s32 $0xA;
	[smem:$0x7FB] =	sst s24  }
0x65: {  	s21 =	simm.s32 $0x6;
	s17 =	simm.s32 $0xB;
	[smem:$0x7FC] =	sst s25  }
0x66: {  	[smem:$0x7FD] =	sst s26;
	s18 =	simm.s32 $0xC;
	s26 =	simm.s32 $0x5E00  }
0x67: {  	s25 =	simm.s32 $0x6000;
	s24 =	simm.s32 $0x6200;
	s1 =	sadd.s32 $0xFFFFFFFF, s1  }
0x68: {  	[tilespmem:s2], [sflag:$0xD] =	stream.linear.gather [hbm4b:s0+s2], $0x6400, $0x38;
	[tilespmem:$0x1E400] =	vst v63  }
0x69: {  	_ =	swait.ge [sflag:s31], $0x6400  }
0x6a: {  	[sflag:s31] =	ssyncset.done $0x0  }
0x6b: {  	[sflag:s31] =	ssyncadd.s32 $0xFFFF9C00  }
0x6c: {  	[tilespmem:s5], [sflag:$0x1] =	stream.indirect.gather [hbm4b:s4+s9], $0x20, s2, s9, $0xb8;
	[tilespmem:$0x1E400] =	vst v63  }
0x6d: {  	s0 =	sld [smem:$0x7D4]  }
0x6e: {  	[tilespmem:s3], [sflag:$0x2] =	stream.indirect.gather [hbm4b:s4+s9], $0x20, s9, s9, $0xb8;
	[tilespmem:$0x1E400] =	vst v63  }
0x6f: {  	s23 =	smov.u32 s1;
	s1 =	sld [smem:$0x7D5]  }
0x70: {  	[tilespmem:s15], [sflag:$0x3] =	stream.indirect.gather [hbm4b:s4+s9], $0x20, s0, s9, $0xb8;
	[tilespmem:$0x1E400] =	vst v63  }
0x71: {  	s0 =	sld [smem:$0x7D6]  }
0x72: {  	[tilespmem:s13], [sflag:$0x4] =	stream.indirect.gather [hbm4b:s4+s9], $0x20, s1, s9, $0xb8;
	[tilespmem:$0x1E400] =	vst v63  }
0x73: {  	_ = 	snop  }
0x74: {  	[tilespmem:s11], [sflag:$0x5] =	stream.indirect.gather [hbm4b:s4+s9], $0x20, s0, s9, $0xb8;
	[tilespmem:$0x1E400] =	vst v63  }
0x75: {  	_ =	swait.ge [sflag:s8], $0x4000  }
0x76: {  	[sflag:s8] =	ssyncset.done $0x0  }
0x77: {  	s1 =	sld [smem:$0x7D7];
	[sflag:s8] =	ssyncadd.s32 $0xFFFFC000  }
0x78: {  	[hbm4b:s30+s2] =	stream.linear.scatter [tilespmem:s5], [sflag:$0x7], $0x4000, $0x38;
	[tilespmem:$0x1E400] =	vst v63  }
0x79: {  	_ = 	snop  }
0x7a: {  	[tilespmem:s12], [sflag:$0x6] =	stream.indirect.gather [hbm4b:s4+s9], $0x20, s1, s9, $0xb8;
	[tilespmem:$0x1E400] =	vst v63  }
0x7b: {  	_ =	swait.ge [sflag:s10], $0x4000  }
0x7c: {  	[sflag:s10] =	ssyncset.done $0x0  }
0x7d: {  	s1 =	rddreg [dreg:$0x4];
	[sflag:s10] =	ssyncadd.s32 $0xFFFFC000  }
0x7e: {  	[hbm4b:s1+s2] =	stream.linear.scatter [tilespmem:s3], [sflag:$0x8], $0x4000, $0x38;
	[tilespmem:$0x1E400] =	vst v63  }
0x7f: {  	_ =	swait.ge [sflag:s6], $0x4000  }
0x80: {  	s1 =	sld [smem:$0x7D8]  }
0x81: {  	[sflag:s6] =	ssyncset.done $0x0  }
0x82: {  	[sflag:s6] =	ssyncadd.s32 $0xFFFFC000  }
0x83: {  	[tilespmem:s5], [sflag:$0x1] =	stream.indirect.gather [hbm4b:s4+s9], $0x20, s1, s9, $0xb8;
	[tilespmem:$0x1E400] =	vst v63  }
0x84: {  	_ =	swait.ge [sflag:s22], $0x4000  }
0x85: {  	[sflag:s22] =	ssyncset.done $0x0  }
0x86: {  	s1 =	rddreg [dreg:$0x5];
	[sflag:s22] =	ssyncadd.s32 $0xFFFFC000  }
0x87: {  	[hbm4b:s1+s2] =	stream.linear.scatter [tilespmem:s15], [sflag:$0x9], $0x4000, $0x38;
	[tilespmem:$0x1E400] =	vst v63  }
0x88: {  	_ =	swait.ge [sflag:s7], $0x4000  }
0x89: {  	s1 =	sld [smem:$0x7D9]  }
0x8a: {  	[sflag:s7] =	ssyncset.done $0x0  }
0x8b: {  	[sflag:s7] =	ssyncadd.s32 $0xFFFFC000  }
0x8c: {  	[tilespmem:s3], [sflag:$0x2] =	stream.indirect.gather [hbm4b:s4+s9], $0x20, s1, s9, $0xb8;
	[tilespmem:$0x1E400] =	vst v63  }
0x8d: {  	_ =	swait.ge [sflag:s19], $0x4000  }
0x8e: {  	[sflag:s19] =	ssyncset.done $0x0  }
0x8f: {  	s1 =	rddreg [dreg:$0x6];
	[sflag:s19] =	ssyncadd.s32 $0xFFFFC000  }
0x90: {  	[hbm4b:s1+s2] =	stream.linear.scatter [tilespmem:s13], [sflag:$0xA], $0x4000, $0x38;
	[tilespmem:$0x1E400] =	vst v63  }
0x91: {  	_ =	swait.ge [sflag:s14], $0x4000  }
0x92: {  	s1 =	sld [smem:$0x7DA]  }
0x93: {  	[sflag:s14] =	ssyncset.done $0x0  }
0x94: {  	[sflag:s14] =	ssyncadd.s32 $0xFFFFC000  }
0x95: {  	[tilespmem:s15], [sflag:$0x3] =	stream.indirect.gather [hbm4b:s4+s9], $0x20, s1, s9, $0xb8;
	[tilespmem:$0x1E400] =	vst v63  }
0x96: {  	_ =	swait.ge [sflag:s20], $0x4000  }
0x97: {  	[sflag:s20] =	ssyncset.done $0x0  }
0x98: {  	s1 =	rddreg [dreg:$0x7];
	[sflag:s20] =	ssyncadd.s32 $0xFFFFC000  }
0x99: {  	[hbm4b:s1+s2] =	stream.linear.scatter [tilespmem:s11], [sflag:$0xB], $0x4000, $0x38;
	[tilespmem:$0x1E400] =	vst v63  }
0x9a: {  	_ =	swait.ge [sflag:s16], $0x4000  }
0x9b: {  	s1 =	sld [smem:$0x7DB]  }
0x9c: {  	[sflag:s16] =	ssyncset.done $0x0  }
0x9d: {  	[sflag:s16] =	ssyncadd.s32 $0xFFFFC000  }
0x9e: {  	[tilespmem:s13], [sflag:$0x4] =	stream.indirect.gather [hbm4b:s4+s9], $0x20, s1, s9, $0xb8;
	[tilespmem:$0x1E400] =	vst v63  }
0x9f: {  	_ =	swait.ge [sflag:s21], $0x4000  }
0xa0: {  	[sflag:s21] =	ssyncset.done $0x0  }
0xa1: {  	s1 =	rddreg [dreg:$0x8];
	[sflag:s21] =	ssyncadd.s32 $0xFFFFC000  }
0xa2: {  	[hbm4b:s1+s2] =	stream.linear.scatter [tilespmem:s12], [sflag:$0xC], $0x4000, $0x38;
	[tilespmem:$0x1E400] =	vst v63  }
0xa3: {  	_ =	swait.ge [sflag:s17], $0x4000  }
0xa4: {  	s1 =	sld [smem:$0x7DC]  }
0xa5: {  	[sflag:s17] =	ssyncset.done $0x0  }
0xa6: {  	[sflag:s17] =	ssyncadd.s32 $0xFFFFC000  }
0xa7: {  	[tilespmem:s11], [sflag:$0x5] =	stream.indirect.gather [hbm4b:s4+s9], $0x20, s1, s9, $0xb8;
	[tilespmem:$0x1E400] =	vst v63  }
0xa8: {  	_ =	swait.ge [sflag:s8], $0x4000  }
0xa9: {  	[sflag:s8] =	ssyncset.done $0x0  }
0xaa: {  	s1 =	rddreg [dreg:$0x9];
	[sflag:s8] =	ssyncadd.s32 $0xFFFFC000  }
0xab: {  	[hbm4b:s1+s2] =	stream.linear.scatter [tilespmem:s5], [sflag:$0x7], $0x4000, $0x38;
	[tilespmem:$0x1E400] =	vst v63  }
0xac: {  	_ =	swait.ge [sflag:s18], $0x4000  }
0xad: {  	s1 =	sld [smem:$0x7DD]  }
0xae: {  	[sflag:s18] =	ssyncset.done $0x0  }
0xaf: {  	[sflag:s18] =	ssyncadd.s32 $0xFFFFC000  }
0xb0: {  	[tilespmem:s12], [sflag:$0x6] =	stream.indirect.gather [hbm4b:s4+s9], $0x20, s1, s9, $0xb8;
	[tilespmem:$0x1E400] =	vst v63  }
0xb1: {  	_ =	swait.ge [sflag:s10], $0x4000  }
0xb2: {  	[sflag:s10] =	ssyncset.done $0x0  }
0xb3: {  	s1 =	rddreg [dreg:$0xa];
	[sflag:s10] =	ssyncadd.s32 $0xFFFFC000  }
0xb4: {  	[hbm4b:s1+s2] =	stream.linear.scatter [tilespmem:s3], [sflag:$0x8], $0x4000, $0x38;
	[tilespmem:$0x1E400] =	vst v63  }
0xb5: {  	_ =	swait.ge [sflag:s6], $0x4000  }
0xb6: {  	s1 =	sld [smem:$0x7DE]  }
0xb7: {  	[sflag:s6] =	ssyncset.done $0x0  }
0xb8: {  	[sflag:s6] =	ssyncadd.s32 $0xFFFFC000  }
0xb9: {  	[tilespmem:s5], [sflag:$0x1] =	stream.indirect.gather [hbm4b:s4+s9], $0x20, s1, s9, $0xb8;
	[tilespmem:$0x1E400] =	vst v63  }
0xba: {  	_ =	swait.ge [sflag:s22], $0x4000  }
0xbb: {  	[sflag:s22] =	ssyncset.done $0x0  }
0xbc: {  	s1 =	rddreg [dreg:$0xb];
	[sflag:s22] =	ssyncadd.s32 $0xFFFFC000  }
0xbd: {  	[hbm4b:s1+s2] =	stream.linear.scatter [tilespmem:s15], [sflag:$0x9], $0x4000, $0x38;
	[tilespmem:$0x1E400] =	vst v63  }
0xbe: {  	_ =	swait.ge [sflag:s7], $0x4000  }
0xbf: {  	s1 =	sld [smem:$0x7DF]  }
0xc0: {  	[sflag:s7] =	ssyncset.done $0x0  }
0xc1: {  	[sflag:s7] =	ssyncadd.s32 $0xFFFFC000  }
0xc2: {  	[tilespmem:s3], [sflag:$0x2] =	stream.indirect.gather [hbm4b:s4+s9], $0x20, s1, s9, $0xb8;
	[tilespmem:$0x1E400] =	vst v63  }
0xc3: {  	_ =	swait.ge [sflag:s19], $0x4000  }
0xc4: {  	[sflag:s19] =	ssyncset.done $0x0  }
0xc5: {  	s1 =	rddreg [dreg:$0xc];
	[sflag:s19] =	ssyncadd.s32 $0xFFFFC000  }
0xc6: {  	[hbm4b:s1+s2] =	stream.linear.scatter [tilespmem:s13], [sflag:$0xA], $0x4000, $0x38;
	[tilespmem:$0x1E400] =	vst v63  }
0xc7: {  	_ =	swait.ge [sflag:s14], $0x4000  }
0xc8: {  	s1 =	sld [smem:$0x7E0]  }
0xc9: {  	[sflag:s14] =	ssyncset.done $0x0  }
0xca: {  	[sflag:s14] =	ssyncadd.s32 $0xFFFFC000  }
0xcb: {  	[tilespmem:s15], [sflag:$0x3] =	stream.indirect.gather [hbm4b:s4+s9], $0x20, s1, s9, $0xb8;
	[tilespmem:$0x1E400] =	vst v63  }
0xcc: {  	_ =	swait.ge [sflag:s20], $0x4000  }
0xcd: {  	[sflag:s20] =	ssyncset.done $0x0  }
0xce: {  	s1 =	rddreg [dreg:$0xd];
	[sflag:s20] =	ssyncadd.s32 $0xFFFFC000  }
0xcf: {  	[hbm4b:s1+s2] =	stream.linear.scatter [tilespmem:s11], [sflag:$0xB], $0x4000, $0x38;
	[tilespmem:$0x1E400] =	vst v63  }
0xd0: {  	_ =	swait.ge [sflag:s16], $0x4000  }
0xd1: {  	s1 =	sld [smem:$0x7E1]  }
0xd2: {  	[sflag:s16] =	ssyncset.done $0x0  }
0xd3: {  	[sflag:s16] =	ssyncadd.s32 $0xFFFFC000  }
0xd4: {  	[tilespmem:s13], [sflag:$0x4] =	stream.indirect.gather [hbm4b:s4+s9], $0x20, s1, s9, $0xb8;
	[tilespmem:$0x1E400] =	vst v63  }
0xd5: {  	_ =	swait.ge [sflag:s21], $0x4000  }
0xd6: {  	[sflag:s21] =	ssyncset.done $0x0  }
0xd7: {  	s1 =	rddreg [dreg:$0xe];
	[sflag:s21] =	ssyncadd.s32 $0xFFFFC000  }
0xd8: {  	[hbm4b:s1+s2] =	stream.linear.scatter [tilespmem:s12], [sflag:$0xC], $0x4000, $0x38;
	[tilespmem:$0x1E400] =	vst v63  }
0xd9: {  	_ =	swait.ge [sflag:s17], $0x4000  }
0xda: {  	s1 =	sld [smem:$0x7E2]  }
0xdb: {  	[sflag:s17] =	ssyncset.done $0x0  }
0xdc: {  	[sflag:s17] =	ssyncadd.s32 $0xFFFFC000  }
0xdd: {  	[tilespmem:s11], [sflag:$0x5] =	stream.indirect.gather [hbm4b:s4+s9], $0x20, s1, s9, $0xb8;
	[tilespmem:$0x1E400] =	vst v63  }
0xde: {  	_ =	swait.ge [sflag:s8], $0x4000  }
0xdf: {  	[sflag:s8] =	ssyncset.done $0x0  }
0xe0: {  	s1 =	rddreg [dreg:$0xf];
	[sflag:s8] =	ssyncadd.s32 $0xFFFFC000  }
0xe1: {  	[hbm4b:s1+s2] =	stream.linear.scatter [tilespmem:s5], [sflag:$0x7], $0x4000, $0x38;
	[tilespmem:$0x1E400] =	vst v63  }
0xe2: {  	_ =	swait.ge [sflag:s18], $0x4000  }
0xe3: {  	s1 =	sld [smem:$0x7E3]  }
0xe4: {  	[sflag:s18] =	ssyncset.done $0x0  }
0xe5: {  	[sflag:s18] =	ssyncadd.s32 $0xFFFFC000  }
0xe6: {  	[tilespmem:s12], [sflag:$0x6] =	stream.indirect.gather [hbm4b:s4+s9], $0x20, s1, s9, $0xb8;
	[tilespmem:$0x1E400] =	vst v63  }
0xe7: {  	_ =	swait.ge [sflag:s10], $0x4000  }
0xe8: {  	[sflag:s10] =	ssyncset.done $0x0  }
0xe9: {  	s1 =	rddreg [dreg:$0x10];
	[sflag:s10] =	ssyncadd.s32 $0xFFFFC000  }
0xea: {  	[hbm4b:s1+s2] =	stream.linear.scatter [tilespmem:s3], [sflag:$0x8], $0x4000, $0x38;
	[tilespmem:$0x1E400] =	vst v63  }
0xeb: {  	_ =	swait.ge [sflag:s6], $0x4000  }
0xec: {  	s1 =	sld [smem:$0x7E4]  }
0xed: {  	[sflag:s6] =	ssyncset.done $0x0  }
0xee: {  	[sflag:s6] =	ssyncadd.s32 $0xFFFFC000  }
0xef: {  	[tilespmem:s5], [sflag:$0x1] =	stream.indirect.gather [hbm4b:s4+s9], $0x20, s1, s9, $0xb8;
	[tilespmem:$0x1E400] =	vst v63  }
0xf0: {  	_ =	swait.ge [sflag:s22], $0x4000  }
0xf1: {  	[sflag:s22] =	ssyncset.done $0x0  }
0xf2: {  	s1 =	rddreg [dreg:$0x11];
	[sflag:s22] =	ssyncadd.s32 $0xFFFFC000  }
0xf3: {  	[hbm4b:s1+s2] =	stream.linear.scatter [tilespmem:s15], [sflag:$0x9], $0x4000, $0x38;
	[tilespmem:$0x1E400] =	vst v63  }
0xf4: {  	_ =	swait.ge [sflag:s7], $0x4000  }
0xf5: {  	s1 =	sld [smem:$0x7E5]  }
0xf6: {  	[sflag:s7] =	ssyncset.done $0x0  }
0xf7: {  	[sflag:s7] =	ssyncadd.s32 $0xFFFFC000  }
0xf8: {  	[tilespmem:s3], [sflag:$0x2] =	stream.indirect.gather [hbm4b:s4+s9], $0x20, s1, s9, $0xb8;
	[tilespmem:$0x1E400] =	vst v63  }
0xf9: {  	_ =	swait.ge [sflag:s19], $0x4000  }
0xfa: {  	[sflag:s19] =	ssyncset.done $0x0  }
0xfb: {  	s1 =	rddreg [dreg:$0x12];
	[sflag:s19] =	ssyncadd.s32 $0xFFFFC000  }
0xfc: {  	[hbm4b:s1+s2] =	stream.linear.scatter [tilespmem:s13], [sflag:$0xA], $0x4000, $0x38;
	[tilespmem:$0x1E400] =	vst v63  }
0xfd: {  	_ =	swait.ge [sflag:s14], $0x4000  }
0xfe: {  	s1 =	sld [smem:$0x7E6]  }
0xff: {  	[sflag:s14] =	ssyncset.done $0x0  }
0x100: {  	[sflag:s14] =	ssyncadd.s32 $0xFFFFC000  }
0x101: {  	[tilespmem:s15], [sflag:$0x3] =	stream.indirect.gather [hbm4b:s4+s9], $0x20, s1, s9, $0xb8;
	[tilespmem:$0x1E400] =	vst v63  }
0x102: {  	_ =	swait.ge [sflag:s20], $0x4000  }
0x103: {  	[sflag:s20] =	ssyncset.done $0x0  }
0x104: {  	s1 =	rddreg [dreg:$0x13];
	[sflag:s20] =	ssyncadd.s32 $0xFFFFC000  }
0x105: {  	[hbm4b:s1+s2] =	stream.linear.scatter [tilespmem:s11], [sflag:$0xB], $0x4000, $0x38;
	[tilespmem:$0x1E400] =	vst v63  }
0x106: {  	_ =	swait.ge [sflag:s16], $0x4000  }
0x107: {  	s1 =	sld [smem:$0x7E7]  }
0x108: {  	[sflag:s16] =	ssyncset.done $0x0  }
0x109: {  	[sflag:s16] =	ssyncadd.s32 $0xFFFFC000  }
0x10a: {  	[tilespmem:s13], [sflag:$0x4] =	stream.indirect.gather [hbm4b:s4+s9], $0x20, s1, s9, $0xb8;
	[tilespmem:$0x1E400] =	vst v63  }
0x10b: {  	_ =	swait.ge [sflag:s21], $0x4000  }
0x10c: {  	[sflag:s21] =	ssyncset.done $0x0  }
0x10d: {  	s1 =	rddreg [dreg:$0x14];
	[sflag:s21] =	ssyncadd.s32 $0xFFFFC000  }
0x10e: {  	[hbm4b:s1+s2] =	stream.linear.scatter [tilespmem:s12], [sflag:$0xC], $0x4000, $0x38;
	[tilespmem:$0x1E400] =	vst v63  }
0x10f: {  	_ =	swait.ge [sflag:s17], $0x4000  }
0x110: {  	s1 =	sld [smem:$0x7E8]  }
0x111: {  	[sflag:s17] =	ssyncset.done $0x0  }
0x112: {  	[sflag:s17] =	ssyncadd.s32 $0xFFFFC000  }
0x113: {  	[tilespmem:s11], [sflag:$0x5] =	stream.indirect.gather [hbm4b:s4+s9], $0x20, s1, s9, $0xb8;
	[tilespmem:$0x1E400] =	vst v63  }
0x114: {  	_ =	swait.ge [sflag:s8], $0x4000  }
0x115: {  	[sflag:s8] =	ssyncset.done $0x0  }
0x116: {  	s1 =	rddreg [dreg:$0x15];
	[sflag:s8] =	ssyncadd.s32 $0xFFFFC000  }
0x117: {  	[hbm4b:s1+s2] =	stream.linear.scatter [tilespmem:s5], [sflag:$0x7], $0x4000, $0x38;
	[tilespmem:$0x1E400] =	vst v63  }
0x118: {  	_ =	swait.ge [sflag:s18], $0x4000  }
0x119: {  	s1 =	sld [smem:$0x7E9]  }
0x11a: {  	[sflag:s18] =	ssyncset.done $0x0  }
0x11b: {  	[sflag:s18] =	ssyncadd.s32 $0xFFFFC000  }
0x11c: {  	[tilespmem:s12], [sflag:$0x6] =	stream.indirect.gather [hbm4b:s4+s9], $0x20, s1, s9, $0xb8;
	[tilespmem:$0x1E400] =	vst v63  }
0x11d: {  	_ =	swait.ge [sflag:s10], $0x4000  }
0x11e: {  	[sflag:s10] =	ssyncset.done $0x0  }
0x11f: {  	s1 =	rddreg [dreg:$0x16];
	[sflag:s10] =	ssyncadd.s32 $0xFFFFC000  }
0x120: {  	[hbm4b:s1+s2] =	stream.linear.scatter [tilespmem:s3], [sflag:$0x8], $0x4000, $0x38;
	[tilespmem:$0x1E400] =	vst v63  }
0x121: {  	_ =	swait.ge [sflag:s6], $0x4000  }
0x122: {  	s1 =	sld [smem:$0x7EA]  }
0x123: {  	[sflag:s6] =	ssyncset.done $0x0  }
0x124: {  	[sflag:s6] =	ssyncadd.s32 $0xFFFFC000  }
0x125: {  	[tilespmem:s5], [sflag:$0x1] =	stream.indirect.gather [hbm4b:s4+s9], $0x20, s1, s9, $0xb8;
	[tilespmem:$0x1E400] =	vst v63  }
0x126: {  	_ =	swait.ge [sflag:s22], $0x4000  }
0x127: {  	[sflag:s22] =	ssyncset.done $0x0  }
0x128: {  	s1 =	rddreg [dreg:$0x17];
	[sflag:s22] =	ssyncadd.s32 $0xFFFFC000  }
0x129: {  	[hbm4b:s1+s2] =	stream.linear.scatter [tilespmem:s15], [sflag:$0x9], $0x4000, $0x38;
	[tilespmem:$0x1E400] =	vst v63  }
0x12a: {  	_ =	swait.ge [sflag:s7], $0x4000  }
0x12b: {  	s1 =	sld [smem:$0x7EB]  }
0x12c: {  	[sflag:s7] =	ssyncset.done $0x0  }
0x12d: {  	[sflag:s7] =	ssyncadd.s32 $0xFFFFC000  }
0x12e: {  	[tilespmem:s3], [sflag:$0x2] =	stream.indirect.gather [hbm4b:s4+s9], $0x20, s1, s9, $0xb8;
	[tilespmem:$0x1E400] =	vst v63  }
0x12f: {  	_ =	swait.ge [sflag:s19], $0x4000  }
0x130: {  	[sflag:s19] =	ssyncset.done $0x0  }
0x131: {  	s1 =	rddreg [dreg:$0x18];
	[sflag:s19] =	ssyncadd.s32 $0xFFFFC000  }
0x132: {  	[hbm4b:s1+s2] =	stream.linear.scatter [tilespmem:s13], [sflag:$0xA], $0x4000, $0x38;
	[tilespmem:$0x1E400] =	vst v63  }
0x133: {  	_ =	swait.ge [sflag:s14], $0x4000  }
0x134: {  	s1 =	sld [smem:$0x7EC]  }
0x135: {  	[sflag:s14] =	ssyncset.done $0x0  }
0x136: {  	[sflag:s14] =	ssyncadd.s32 $0xFFFFC000  }
0x137: {  	[tilespmem:s15], [sflag:$0x3] =	stream.indirect.gather [hbm4b:s4+s9], $0x20, s1, s9, $0xb8;
	[tilespmem:$0x1E400] =	vst v63  }
0x138: {  	_ =	swait.ge [sflag:s20], $0x4000  }
0x139: {  	[sflag:s20] =	ssyncset.done $0x0  }
0x13a: {  	s1 =	rddreg [dreg:$0x19];
	[sflag:s20] =	ssyncadd.s32 $0xFFFFC000  }
0x13b: {  	[hbm4b:s1+s2] =	stream.linear.scatter [tilespmem:s11], [sflag:$0xB], $0x4000, $0x38;
	[tilespmem:$0x1E400] =	vst v63  }
0x13c: {  	_ =	swait.ge [sflag:s16], $0x4000  }
0x13d: {  	s1 =	sld [smem:$0x7ED]  }
0x13e: {  	[sflag:s16] =	ssyncset.done $0x0  }
0x13f: {  	[sflag:s16] =	ssyncadd.s32 $0xFFFFC000  }
0x140: {  	[tilespmem:s13], [sflag:$0x4] =	stream.indirect.gather [hbm4b:s4+s9], $0x20, s1, s9, $0xb8;
	[tilespmem:$0x1E400] =	vst v63  }
0x141: {  	_ =	swait.ge [sflag:s21], $0x4000  }
0x142: {  	[sflag:s21] =	ssyncset.done $0x0  }
0x143: {  	s1 =	rddreg [dreg:$0x1a];
	[sflag:s21] =	ssyncadd.s32 $0xFFFFC000  }
0x144: {  	[hbm4b:s1+s2] =	stream.linear.scatter [tilespmem:s12], [sflag:$0xC], $0x4000, $0x38;
	[tilespmem:$0x1E400] =	vst v63  }
0x145: {  	_ =	swait.ge [sflag:s17], $0x4000  }
0x146: {  	s1 =	sld [smem:$0x7EE]  }
0x147: {  	[sflag:s17] =	ssyncset.done $0x0  }
0x148: {  	[sflag:s17] =	ssyncadd.s32 $0xFFFFC000  }
0x149: {  	[tilespmem:s11], [sflag:$0x5] =	stream.indirect.gather [hbm4b:s4+s9], $0x20, s1, s9, $0xb8;
	[tilespmem:$0x1E400] =	vst v63  }
0x14a: {  	_ =	swait.ge [sflag:s8], $0x4000  }
0x14b: {  	[sflag:s8] =	ssyncset.done $0x0  }
0x14c: {  	s1 =	rddreg [dreg:$0x1b];
	[sflag:s8] =	ssyncadd.s32 $0xFFFFC000  }
0x14d: {  	[hbm4b:s1+s2] =	stream.linear.scatter [tilespmem:s5], [sflag:$0x7], $0x4000, $0x38;
	[tilespmem:$0x1E400] =	vst v63  }
0x14e: {  	_ =	swait.ge [sflag:s18], $0x4000  }
0x14f: {  	s1 =	sld [smem:$0x7EF]  }
0x150: {  	[sflag:s18] =	ssyncset.done $0x0  }
0x151: {  	[sflag:s18] =	ssyncadd.s32 $0xFFFFC000  }
0x152: {  	[tilespmem:s12], [sflag:$0x6] =	stream.indirect.gather [hbm4b:s4+s9], $0x20, s1, s9, $0xb8;
	[tilespmem:$0x1E400] =	vst v63  }
0x153: {  	_ =	swait.ge [sflag:s10], $0x4000  }
0x154: {  	[sflag:s10] =	ssyncset.done $0x0  }
0x155: {  	s1 =	rddreg [dreg:$0x1c];
	[sflag:s10] =	ssyncadd.s32 $0xFFFFC000  }
0x156: {  	[hbm4b:s1+s2] =	stream.linear.scatter [tilespmem:s3], [sflag:$0x8], $0x4000, $0x38;
	[tilespmem:$0x1E400] =	vst v63  }
0x157: {  	_ =	swait.ge [sflag:s6], $0x4000  }
0x158: {  	s1 =	sld [smem:$0x7F0]  }
0x159: {  	[sflag:s6] =	ssyncset.done $0x0  }
0x15a: {  	[sflag:s6] =	ssyncadd.s32 $0xFFFFC000  }
0x15b: {  	[tilespmem:s5], [sflag:$0x1] =	stream.indirect.gather [hbm4b:s4+s9], $0x20, s1, s9, $0xb8;
	[tilespmem:$0x1E400] =	vst v63  }
0x15c: {  	_ =	swait.ge [sflag:s22], $0x4000  }
0x15d: {  	[sflag:s22] =	ssyncset.done $0x0  }
0x15e: {  	s1 =	rddreg [dreg:$0x1d];
	[sflag:s22] =	ssyncadd.s32 $0xFFFFC000  }
0x15f: {  	[hbm4b:s1+s2] =	stream.linear.scatter [tilespmem:s15], [sflag:$0x9], $0x4000, $0x38;
	[tilespmem:$0x1E400] =	vst v63  }
0x160: {  	_ =	swait.ge [sflag:s7], $0x4000  }
0x161: {  	s1 =	sld [smem:$0x7F1]  }
0x162: {  	[sflag:s7] =	ssyncset.done $0x0  }
0x163: {  	[sflag:s7] =	ssyncadd.s32 $0xFFFFC000  }
0x164: {  	[tilespmem:s3], [sflag:$0x2] =	stream.indirect.gather [hbm4b:s4+s9], $0x20, s1, s9, $0xb8;
	[tilespmem:$0x1E400] =	vst v63  }
0x165: {  	_ =	swait.ge [sflag:s19], $0x4000  }
0x166: {  	[sflag:s19] =	ssyncset.done $0x0  }
0x167: {  	s1 =	rddreg [dreg:$0x1e];
	[sflag:s19] =	ssyncadd.s32 $0xFFFFC000  }
0x168: {  	[hbm4b:s1+s2] =	stream.linear.scatter [tilespmem:s13], [sflag:$0xA], $0x4000, $0x38;
	[tilespmem:$0x1E400] =	vst v63  }
0x169: {  	_ =	swait.ge [sflag:s14], $0x4000  }
0x16a: {  	s1 =	sld [smem:$0x7F2]  }
0x16b: {  	[sflag:s14] =	ssyncset.done $0x0  }
0x16c: {  	[sflag:s14] =	ssyncadd.s32 $0xFFFFC000  }
0x16d: {  	[tilespmem:s15], [sflag:$0x3] =	stream.indirect.gather [hbm4b:s4+s9], $0x20, s1, s9, $0xb8;
	[tilespmem:$0x1E400] =	vst v63  }
0x16e: {  	_ =	swait.ge [sflag:s20], $0x4000  }
0x16f: {  	[sflag:s20] =	ssyncset.done $0x0  }
0x170: {  	s1 =	rddreg [dreg:$0x1f];
	[sflag:s20] =	ssyncadd.s32 $0xFFFFC000  }
0x171: {  	[hbm4b:s1+s2] =	stream.linear.scatter [tilespmem:s11], [sflag:$0xB], $0x4000, $0x38;
	[tilespmem:$0x1E400] =	vst v63  }
0x172: {  	_ =	swait.ge [sflag:s16], $0x4000  }
0x173: {  	s1 =	sld [smem:$0x7F3]  }
0x174: {  	[sflag:s16] =	ssyncset.done $0x0  }
0x175: {  	[sflag:s16] =	ssyncadd.s32 $0xFFFFC000  }
0x176: {  	[tilespmem:s13], [sflag:$0x4] =	stream.indirect.gather [hbm4b:s4+s9], $0x20, s1, s9, $0xb8;
	[tilespmem:$0x1E400] =	vst v63  }
0x177: {  	_ =	swait.ge [sflag:s21], $0x4000  }
0x178: {  	s1 =	sld [smem:$0x7BF]  }
0x179: {  	[sflag:s21] =	ssyncset.done $0x0  }
0x17a: {  	[sflag:s21] =	ssyncadd.s32 $0xFFFFC000  }
0x17b: {  	[hbm4b:s1+s2] =	stream.linear.scatter [tilespmem:s12], [sflag:$0xC], $0x4000, $0x38;
	[tilespmem:$0x1E400] =	vst v63  }
0x17c: {  	_ =	swait.ge [sflag:s17], $0x4000  }
0x17d: {  	s1 =	sld [smem:$0x7F4]  }
0x17e: {  	[sflag:s17] =	ssyncset.done $0x0  }
0x17f: {  	[sflag:s17] =	ssyncadd.s32 $0xFFFFC000  }
0x180: {  	[tilespmem:s11], [sflag:$0x5] =	stream.indirect.gather [hbm4b:s4+s9], $0x20, s1, s9, $0xb8;
	[tilespmem:$0x1E400] =	vst v63  }
0x181: {  	_ =	swait.ge [sflag:s8], $0x4000  }
0x182: {  	s1 =	sld [smem:$0x7C0]  }
0x183: {  	[sflag:s8] =	ssyncset.done $0x0  }
0x184: {  	[sflag:s8] =	ssyncadd.s32 $0xFFFFC000  }
0x185: {  	[hbm4b:s1+s2] =	stream.linear.scatter [tilespmem:s5], [sflag:$0x7], $0x4000, $0x38;
	[tilespmem:$0x1E400] =	vst v63  }
0x186: {  	_ =	swait.ge [sflag:s18], $0x4000  }
0x187: {  	s1 =	sld [smem:$0x7F5]  }
0x188: {  	[sflag:s18] =	ssyncset.done $0x0  }
0x189: {  	[sflag:s18] =	ssyncadd.s32 $0xFFFFC000  }
0x18a: {  	[tilespmem:s12], [sflag:$0x6] =	stream.indirect.gather [hbm4b:s4+s9], $0x20, s1, s9, $0xb8;
	[tilespmem:$0x1E400] =	vst v63  }
0x18b: {  	_ =	swait.ge [sflag:s10], $0x4000  }
0x18c: {  	s1 =	sld [smem:$0x7C1]  }
0x18d: {  	[sflag:s10] =	ssyncset.done $0x0  }
0x18e: {  	[sflag:s10] =	ssyncadd.s32 $0xFFFFC000  }
0x18f: {  	[hbm4b:s1+s2] =	stream.linear.scatter [tilespmem:s3], [sflag:$0x8], $0x4000, $0x38;
	[tilespmem:$0x1E400] =	vst v63  }
0x190: {  	_ =	swait.ge [sflag:s6], $0x4000  }
0x191: {  	s1 =	sld [smem:$0x7F6]  }
0x192: {  	[sflag:s6] =	ssyncset.done $0x0  }
0x193: {  	[sflag:s6] =	ssyncadd.s32 $0xFFFFC000  }
0x194: {  	[tilespmem:s5], [sflag:$0x1] =	stream.indirect.gather [hbm4b:s4+s9], $0x20, s1, s9, $0xb8;
	[tilespmem:$0x1E400] =	vst v63  }
0x195: {  	_ =	swait.ge [sflag:s22], $0x4000  }
0x196: {  	s1 =	sld [smem:$0x7C2]  }
0x197: {  	[sflag:s22] =	ssyncset.done $0x0  }
0x198: {  	[sflag:s22] =	ssyncadd.s32 $0xFFFFC000  }
0x199: {  	[hbm4b:s1+s2] =	stream.linear.scatter [tilespmem:s15], [sflag:$0x9], $0x4000, $0x38;
	[tilespmem:$0x1E400] =	vst v63  }
0x19a: {  	_ =	swait.ge [sflag:s7], $0x4000  }
0x19b: {  	s1 =	sld [smem:$0x7F7]  }
0x19c: {  	[sflag:s7] =	ssyncset.done $0x0  }
0x19d: {  	[sflag:s7] =	ssyncadd.s32 $0xFFFFC000  }
0x19e: {  	[tilespmem:s3], [sflag:$0x2] =	stream.indirect.gather [hbm4b:s4+s9], $0x20, s1, s9, $0xb8;
	[tilespmem:$0x1E400] =	vst v63  }
0x19f: {  	_ =	swait.ge [sflag:s19], $0x4000  }
0x1a0: {  	s1 =	sld [smem:$0x7C3]  }
0x1a1: {  	[sflag:s19] =	ssyncset.done $0x0  }
0x1a2: {  	[sflag:s19] =	ssyncadd.s32 $0xFFFFC000  }
0x1a3: {  	[hbm4b:s1+s2] =	stream.linear.scatter [tilespmem:s13], [sflag:$0xA], $0x4000, $0x38;
	[tilespmem:$0x1E400] =	vst v63  }
0x1a4: {  	_ =	swait.ge [sflag:s14], $0x4000  }
0x1a5: {  	s1 =	sld [smem:$0x7F8]  }
0x1a6: {  	[sflag:s14] =	ssyncset.done $0x0  }
0x1a7: {  	[sflag:s14] =	ssyncadd.s32 $0xFFFFC000  }
0x1a8: {  	[tilespmem:s15], [sflag:$0x3] =	stream.indirect.gather [hbm4b:s4+s9], $0x20, s1, s9, $0xb8;
	[tilespmem:$0x1E400] =	vst v63  }
0x1a9: {  	_ =	swait.ge [sflag:s20], $0x4000  }
0x1aa: {  	s1 =	sld [smem:$0x7C4]  }
0x1ab: {  	[sflag:s20] =	ssyncset.done $0x0  }
0x1ac: {  	[sflag:s20] =	ssyncadd.s32 $0xFFFFC000  }
0x1ad: {  	[hbm4b:s1+s2] =	stream.linear.scatter [tilespmem:s11], [sflag:$0xB], $0x4000, $0x38;
	[tilespmem:$0x1E400] =	vst v63  }
0x1ae: {  	_ =	swait.ge [sflag:s16], $0x4000  }
0x1af: {  	s1 =	sld [smem:$0x7F9]  }
0x1b0: {  	[sflag:s16] =	ssyncset.done $0x0  }
0x1b1: {  	[sflag:s16] =	ssyncadd.s32 $0xFFFFC000  }
0x1b2: {  	[tilespmem:s13], [sflag:$0x4] =	stream.indirect.gather [hbm4b:s4+s9], $0x20, s1, s9, $0xb8;
	[tilespmem:$0x1E400] =	vst v63  }
0x1b3: {  	_ =	swait.ge [sflag:s21], $0x4000  }
0x1b4: {  	s1 =	sld [smem:$0x7C5]  }
0x1b5: {  	[sflag:s21] =	ssyncset.done $0x0  }
0x1b6: {  	[sflag:s21] =	ssyncadd.s32 $0xFFFFC000  }
0x1b7: {  	[hbm4b:s1+s2] =	stream.linear.scatter [tilespmem:s12], [sflag:$0xC], $0x4000, $0x38;
	[tilespmem:$0x1E400] =	vst v63  }
0x1b8: {  	_ =	swait.ge [sflag:s17], $0x4000  }
0x1b9: {  	s1 =	sld [smem:$0x7FA]  }
0x1ba: {  	[sflag:s17] =	ssyncset.done $0x0  }
0x1bb: {  	[sflag:s17] =	ssyncadd.s32 $0xFFFFC000  }
0x1bc: {  	[tilespmem:s11], [sflag:$0x5] =	stream.indirect.gather [hbm4b:s4+s9], $0x20, s1, s9, $0xb8;
	[tilespmem:$0x1E400] =	vst v63  }
0x1bd: {  	_ =	swait.ge [sflag:s8], $0x4000  }
0x1be: {  	s1 =	sld [smem:$0x7C6]  }
0x1bf: {  	[sflag:s8] =	ssyncset.done $0x0  }
0x1c0: {  	[sflag:s8] =	ssyncadd.s32 $0xFFFFC000  }
0x1c1: {  	[hbm4b:s1+s2] =	stream.linear.scatter [tilespmem:s5], [sflag:$0x7], $0x4000, $0x38;
	[tilespmem:$0x1E400] =	vst v63  }
0x1c2: {  	_ =	swait.ge [sflag:s18], $0x4000  }
0x1c3: {  	s1 =	sld [smem:$0x7FB]  }
0x1c4: {  	[sflag:s18] =	ssyncset.done $0x0  }
0x1c5: {  	[sflag:s18] =	ssyncadd.s32 $0xFFFFC000  }
0x1c6: {  	[tilespmem:s12], [sflag:$0x6] =	stream.indirect.gather [hbm4b:s4+s9], $0x20, s1, s9, $0xb8;
	[tilespmem:$0x1E400] =	vst v63  }
0x1c7: {  	_ =	swait.ge [sflag:s10], $0x4000  }
0x1c8: {  	s1 =	sld [smem:$0x7C7]  }
0x1c9: {  	[sflag:s10] =	ssyncset.done $0x0  }
0x1ca: {  	[sflag:s10] =	ssyncadd.s32 $0xFFFFC000  }
0x1cb: {  	[hbm4b:s1+s2] =	stream.linear.scatter [tilespmem:s3], [sflag:$0x8], $0x4000, $0x38;
	[tilespmem:$0x1E400] =	vst v63  }
0x1cc: {  	_ =	swait.ge [sflag:s6], $0x4000  }
0x1cd: {  	s1 =	sld [smem:$0x7FC]  }
0x1ce: {  	[sflag:s6] =	ssyncset.done $0x0  }
0x1cf: {  	[sflag:s6] =	ssyncadd.s32 $0xFFFFC000  }
0x1d0: {  	[tilespmem:s5], [sflag:$0x1] =	stream.indirect.gather [hbm4b:s4+s9], $0x20, s1, s9, $0xb8;
	[tilespmem:$0x1E400] =	vst v63  }
0x1d1: {  	_ =	swait.ge [sflag:s22], $0x4000  }
0x1d2: {  	s1 =	sld [smem:$0x7C8]  }
0x1d3: {  	[sflag:s22] =	ssyncset.done $0x0  }
0x1d4: {  	[sflag:s22] =	ssyncadd.s32 $0xFFFFC000  }
0x1d5: {  	[hbm4b:s1+s2] =	stream.linear.scatter [tilespmem:s15], [sflag:$0x9], $0x4000, $0x38;
	[tilespmem:$0x1E400] =	vst v63  }
0x1d6: {  	_ =	swait.ge [sflag:s7], $0x4000  }
0x1d7: {  	s1 =	sld [smem:$0x7FD]  }
0x1d8: {  	[sflag:s7] =	ssyncset.done $0x0  }
0x1d9: {  	[sflag:s7] =	ssyncadd.s32 $0xFFFFC000  }
0x1da: {  	[tilespmem:s3], [sflag:$0x2] =	stream.indirect.gather [hbm4b:s4+s9], $0x20, s1, s9, $0xb8;
	[tilespmem:$0x1E400] =	vst v63  }
0x1db: {  	_ =	swait.ge [sflag:s19], $0x4000  }
0x1dc: {  	s1 =	sld [smem:$0x7C9]  }
0x1dd: {  	[sflag:s19] =	ssyncset.done $0x0  }
0x1de: {  	[sflag:s19] =	ssyncadd.s32 $0xFFFFC000  }
0x1df: {  	[hbm4b:s1+s2] =	stream.linear.scatter [tilespmem:s13], [sflag:$0xA], $0x4000, $0x38;
	[tilespmem:$0x1E400] =	vst v63  }
0x1e0: {  	_ =	swait.ge [sflag:s14], $0x4000  }
0x1e1: {  	[sflag:s14] =	ssyncset.done $0x0  }
0x1e2: {  	s1 =	simm.s32 $0x5800;
	[sflag:s14] =	ssyncadd.s32 $0xFFFFC000  }
0x1e3: {  	[tilespmem:s15], [sflag:$0x3] =	stream.indirect.gather [hbm4b:s4+s9], $0x20, s1, s9, $0xb8;
	[tilespmem:$0x1E400] =	vst v63  }
0x1e4: {  	_ =	swait.ge [sflag:s20], $0x4000  }
0x1e5: {  	s1 =	sld [smem:$0x7CA]  }
0x1e6: {  	[sflag:s20] =	ssyncset.done $0x0  }
0x1e7: {  	[sflag:s20] =	ssyncadd.s32 $0xFFFFC000  }
0x1e8: {  	[hbm4b:s1+s2] =	stream.linear.scatter [tilespmem:s11], [sflag:$0xB], $0x4000, $0x38;
	[tilespmem:$0x1E400] =	vst v63  }
0x1e9: {  	_ =	swait.ge [sflag:s16], $0x4000  }
0x1ea: {  	[sflag:s16] =	ssyncset.done $0x0  }
0x1eb: {  	[sflag:s16] =	ssyncadd.s32 $0xFFFFC000  }
0x1ec: {  	[tilespmem:s13], [sflag:$0x4] =	stream.indirect.gather [hbm4b:s4+s9], $0x20, s29, s9, $0xb8;
	[tilespmem:$0x1E400] =	vst v63  }
0x1ed: {  	_ =	swait.ge [sflag:s21], $0x4000  }
0x1ee: {  	s1 =	sld [smem:$0x7CB]  }
0x1ef: {  	[sflag:s21] =	ssyncset.done $0x0  }
0x1f0: {  	[sflag:s21] =	ssyncadd.s32 $0xFFFFC000  }
0x1f1: {  	[hbm4b:s1+s2] =	stream.linear.scatter [tilespmem:s12], [sflag:$0xC], $0x4000, $0x38;
	[tilespmem:$0x1E400] =	vst v63  }
0x1f2: {  	_ =	swait.ge [sflag:s17], $0x4000  }
0x1f3: {  	[sflag:s17] =	ssyncset.done $0x0  }
0x1f4: {  	[sflag:s17] =	ssyncadd.s32 $0xFFFFC000  }
0x1f5: {  	[tilespmem:s11], [sflag:$0x5] =	stream.indirect.gather [hbm4b:s4+s9], $0x20, s28, s9, $0xb8;
	[tilespmem:$0x1E400] =	vst v63  }
0x1f6: {  	_ =	swait.ge [sflag:s8], $0x4000  }
0x1f7: {  	s1 =	sld [smem:$0x7CC]  }
0x1f8: {  	[sflag:s8] =	ssyncset.done $0x0  }
0x1f9: {  	[sflag:s8] =	ssyncadd.s32 $0xFFFFC000  }
0x1fa: {  	[hbm4b:s1+s2] =	stream.linear.scatter [tilespmem:s5], [sflag:$0x7], $0x4000, $0x38;
	[tilespmem:$0x1E400] =	vst v63  }
0x1fb: {  	_ =	swait.ge [sflag:s18], $0x4000  }
0x1fc: {  	[sflag:s18] =	ssyncset.done $0x0  }
0x1fd: {  	[sflag:s18] =	ssyncadd.s32 $0xFFFFC000  }
0x1fe: {  	[tilespmem:s12], [sflag:$0x6] =	stream.indirect.gather [hbm4b:s4+s9], $0x20, s26, s9, $0xb8;
	[tilespmem:$0x1E400] =	vst v63  }
0x1ff: {  	_ =	swait.ge [sflag:s10], $0x4000  }
0x200: {  	s1 =	sld [smem:$0x7CD]  }
0x201: {  	[sflag:s10] =	ssyncset.done $0x0  }
0x202: {  	[sflag:s10] =	ssyncadd.s32 $0xFFFFC000  }
0x203: {  	[hbm4b:s1+s2] =	stream.linear.scatter [tilespmem:s3], [sflag:$0x8], $0x4000, $0x38;
	[tilespmem:$0x1E400] =	vst v63  }
0x204: {  	_ =	swait.ge [sflag:s6], $0x4000  }
0x205: {  	[sflag:s6] =	ssyncset.done $0x0  }
0x206: {  	[sflag:s6] =	ssyncadd.s32 $0xFFFFC000  }
0x207: {  	[tilespmem:s5], [sflag:$0x1] =	stream.indirect.gather [hbm4b:s4+s9], $0x20, s25, s9, $0xb8;
	[tilespmem:$0x1E400] =	vst v63  }
0x208: {  	_ =	swait.ge [sflag:s22], $0x4000  }
0x209: {  	s1 =	sld [smem:$0x7CE]  }
0x20a: {  	[sflag:s22] =	ssyncset.done $0x0  }
0x20b: {  	[sflag:s22] =	ssyncadd.s32 $0xFFFFC000  }
0x20c: {  	[hbm4b:s1+s2] =	stream.linear.scatter [tilespmem:s15], [sflag:$0x9], $0x4000, $0x38;
	[tilespmem:$0x1E400] =	vst v63  }
0x20d: {  	_ =	swait.ge [sflag:s7], $0x4000  }
0x20e: {  	[sflag:s7] =	ssyncset.done $0x0  }
0x20f: {  	[sflag:s7] =	ssyncadd.s32 $0xFFFFC000  }
0x210: {  	[tilespmem:s3], [sflag:$0x2] =	stream.indirect.gather [hbm4b:s4+s9], $0x20, s24, s9, $0xb8;
	[tilespmem:$0x1E400] =	vst v63  }
0x211: {  	_ =	swait.ge [sflag:s19], $0x4000  }
0x212: {  	s1 =	sld [smem:$0x7CF]  }
0x213: {  	[sflag:s19] =	ssyncset.done $0x0  }
0x214: {  	[sflag:s19] =	ssyncadd.s32 $0xFFFFC000  }
0x215: {  	[hbm4b:s1+s2] =	stream.linear.scatter [tilespmem:s13], [sflag:$0xA], $0x4000, $0x38;
	[tilespmem:$0x1E400] =	vst v63  }
0x216: {  	_ =	swait.ge [sflag:s20], $0x4000  }
0x217: {  	s1 =	sld [smem:$0x7D0]  }
0x218: {  	[sflag:s20] =	ssyncset.done $0x0  }
0x219: {  	[sflag:s20] =	ssyncadd.s32 $0xFFFFC000  }
0x21a: {  	[hbm4b:s1+s2] =	stream.linear.scatter [tilespmem:s11], [sflag:$0xB], $0x4000, $0x38;
	[tilespmem:$0x1E400] =	vst v63  }
0x21b: {  	_ =	swait.ge [sflag:s21], $0x4000  }
0x21c: {  	s1 =	sld [smem:$0x7D1]  }
0x21d: {  	[sflag:s21] =	ssyncset.done $0x0  }
0x21e: {  	[sflag:s21] =	ssyncadd.s32 $0xFFFFC000  }
0x21f: {  	[hbm4b:s1+s2] =	stream.linear.scatter [tilespmem:s12], [sflag:$0xC], $0x4000, $0x38;
	[tilespmem:$0x1E400] =	vst v63  }
0x220: {  	_ =	swait.ge [sflag:s8], $0x4000  }
0x221: {  	s1 =	sld [smem:$0x7D2]  }
0x222: {  	[sflag:s8] =	ssyncset.done $0x0  }
0x223: {  	[sflag:s8] =	ssyncadd.s32 $0xFFFFC000  }
0x224: {  	[hbm4b:s1+s2] =	stream.linear.scatter [tilespmem:s5], [sflag:$0x7], $0x4000, $0x38;
	[tilespmem:$0x1E400] =	vst v63  }
0x225: {  	_ =	swait.ge [sflag:s10], $0x4000  }
0x226: {  	s1 =	sld [smem:$0x7D3]  }
0x227: {  	[sflag:s10] =	ssyncset.done $0x0  }
0x228: {  	[sflag:s10] =	ssyncadd.s32 $0xFFFFC000  }
0x229: {  	[hbm4b:s1+s2] =	stream.linear.scatter [tilespmem:s3], [sflag:$0x8], $0x4000, $0x38;
	[tilespmem:$0x1E400] =	vst v63  }
0x22a: {  	_ =	swait.ge [sflag:s14], $0x4000  }
0x22b: {  	[sflag:s14] =	ssyncset.done $0x0  }
0x22c: {  	[sflag:s14] =	ssyncadd.s32 $0xFFFFC000  }
0x22d: {  	_ =	swait.ge [sflag:s16], $0x4000  }
0x22e: {  	[sflag:s16] =	ssyncset.done $0x0  }
0x22f: {  	[sflag:s16] =	ssyncadd.s32 $0xFFFFC000  }
0x230: {  	_ =	swait.ge [sflag:s17], $0x4000  }
0x231: {  	[sflag:s17] =	ssyncset.done $0x0  }
0x232: {  	[sflag:s17] =	ssyncadd.s32 $0xFFFFC000  }
0x233: {  	_ =	swait.ge [sflag:s18], $0x4000  }
0x234: {  	[sflag:s18] =	ssyncset.done $0x0  }
0x235: {  	p1 =	sne.s32 s23, $0x1;
	[sflag:s18] =	ssyncadd.s32 $0xFFFFC000  }
.Ltmp1:
0x236: {  	_ =	swait.ge [sflag:s6], $0x4000;
	(pc) =	sbr.rel @!p1 .LBB2_3-.Ltmp1, $4  }
0x237: {  	[sflag:s6] =	ssyncset.done $0x0  }
0x238: {  	[sflag:s6] =	ssyncadd.s32 $0xFFFFC000  }
0x239: {  	p0 =	por $0x1, $0x1;
	_ =	swait.ge [sflag:s7], $0x4000  }
0x23a: {  	s1 =	sadd.s32 $0xFFFFFFFF, s23;
	s0 =	rddreg [dreg:$0x3];
	[sflag:s7] =	ssyncset.done $0x0  }
.LBB2_4:
0x23b: {  	[sflag:s7] =	ssyncadd.s32 $0xFFFFC000  }
0x23c: {  	[tilespmem:s2], [sflag:$0xD] =	stream.linear.gather [hbm4b:s0+s2], $0x6400, $0x38;
	[tilespmem:$0x1E400] =	vst v63  }
0x23d: {  	_ =	swait.ge [sflag:s31], $0x6400  }
0x23e: {  	[sflag:s31] =	ssyncset.done $0x0  }
0x23f: {  	[sflag:s31] =	ssyncadd.s32 $0xFFFF9C00  }
0x240: {  	[tilespmem:s5], [sflag:$0x1] =	stream.indirect.gather [hbm4b:s4+s9], $0x20, s2, s9, $0xb8;
	[tilespmem:$0x1E400] =	vst v63  }
0x241: {  	s0 =	sld [smem:$0x7D4]  }
0x242: {  	[tilespmem:s3], [sflag:$0x2] =	stream.indirect.gather [hbm4b:s4+s9], $0x20, s9, s9, $0xb8;
	[tilespmem:$0x1E400] =	vst v63  }
0x243: {  	s23 =	sld [smem:$0x7D5]  }
0x244: {  	[tilespmem:s15], [sflag:$0x3] =	stream.indirect.gather [hbm4b:s4+s9], $0x20, s0, s9, $0xb8;
	[tilespmem:$0x1E400] =	vst v63  }
0x245: {  	s0 =	sld [smem:$0x7D6]  }
0x246: {  	[tilespmem:s13], [sflag:$0x4] =	stream.indirect.gather [hbm4b:s4+s9], $0x20, s23, s9, $0xb8;
	[tilespmem:$0x1E400] =	vst v63  }
0x247: {  	_ = 	snop  }
0x248: {  	[tilespmem:s11], [sflag:$0x5] =	stream.indirect.gather [hbm4b:s4+s9], $0x20, s0, s9, $0xb8;
	[tilespmem:$0x1E400] =	vst v63  }
0x249: {  	_ =	swait.ge [sflag:s8], $0x4000  }
0x24a: {  	[sflag:s8] =	ssyncset.done $0x0  }
0x24b: {  	s23 =	sld [smem:$0x7D7];
	[sflag:s8] =	ssyncadd.s32 $0xFFFFC000  }
0x24c: {  	[hbm4b:s30+s2] =	stream.linear.scatter [tilespmem:s5], [sflag:$0x7], $0x4000, $0x38;
	[tilespmem:$0x1E400] =	vst v63  }
0x24d: {  	_ = 	snop  }
0x24e: {  	[tilespmem:s12], [sflag:$0x6] =	stream.indirect.gather [hbm4b:s4+s9], $0x20, s23, s9, $0xb8;
	[tilespmem:$0x1E400] =	vst v63  }
0x24f: {  	_ =	swait.ge [sflag:s10], $0x4000  }
0x250: {  	[sflag:s10] =	ssyncset.done $0x0  }
0x251: {  	s23 =	rddreg [dreg:$0x4];
	[sflag:s10] =	ssyncadd.s32 $0xFFFFC000  }
0x252: {  	[hbm4b:s23+s2] =	stream.linear.scatter [tilespmem:s3], [sflag:$0x8], $0x4000, $0x38;
	[tilespmem:$0x1E400] =	vst v63  }
0x253: {  	_ =	swait.ge [sflag:s6], $0x4000  }
0x254: {  	s23 =	sld [smem:$0x7D8]  }
0x255: {  	[sflag:s6] =	ssyncset.done $0x0  }
0x256: {  	[sflag:s6] =	ssyncadd.s32 $0xFFFFC000  }
0x257: {  	[tilespmem:s5], [sflag:$0x1] =	stream.indirect.gather [hbm4b:s4+s9], $0x20, s23, s9, $0xb8;
	[tilespmem:$0x1E400] =	vst v63  }
0x258: {  	_ =	swait.ge [sflag:s22], $0x4000  }
0x259: {  	[sflag:s22] =	ssyncset.done $0x0  }
0x25a: {  	s23 =	rddreg [dreg:$0x5];
	[sflag:s22] =	ssyncadd.s32 $0xFFFFC000  }
0x25b: {  	[hbm4b:s23+s2] =	stream.linear.scatter [tilespmem:s15], [sflag:$0x9], $0x4000, $0x38;
	[tilespmem:$0x1E400] =	vst v63  }
0x25c: {  	_ =	swait.ge [sflag:s7], $0x4000  }
0x25d: {  	s23 =	sld [smem:$0x7D9]  }
0x25e: {  	[sflag:s7] =	ssyncset.done $0x0  }
0x25f: {  	[sflag:s7] =	ssyncadd.s32 $0xFFFFC000  }
0x260: {  	[tilespmem:s3], [sflag:$0x2] =	stream.indirect.gather [hbm4b:s4+s9], $0x20, s23, s9, $0xb8;
	[tilespmem:$0x1E400] =	vst v63  }
0x261: {  	_ =	swait.ge [sflag:s19], $0x4000  }
0x262: {  	[sflag:s19] =	ssyncset.done $0x0  }
0x263: {  	s23 =	rddreg [dreg:$0x6];
	[sflag:s19] =	ssyncadd.s32 $0xFFFFC000  }
0x264: {  	[hbm4b:s23+s2] =	stream.linear.scatter [tilespmem:s13], [sflag:$0xA], $0x4000, $0x38;
	[tilespmem:$0x1E400] =	vst v63  }
0x265: {  	_ =	swait.ge [sflag:s14], $0x4000  }
0x266: {  	s23 =	sld [smem:$0x7DA]  }
0x267: {  	[sflag:s14] =	ssyncset.done $0x0  }
0x268: {  	[sflag:s14] =	ssyncadd.s32 $0xFFFFC000  }
0x269: {  	[tilespmem:s15], [sflag:$0x3] =	stream.indirect.gather [hbm4b:s4+s9], $0x20, s23, s9, $0xb8;
	[tilespmem:$0x1E400] =	vst v63  }
0x26a: {  	_ =	swait.ge [sflag:s20], $0x4000  }
0x26b: {  	[sflag:s20] =	ssyncset.done $0x0  }
0x26c: {  	s23 =	rddreg [dreg:$0x7];
	[sflag:s20] =	ssyncadd.s32 $0xFFFFC000  }
0x26d: {  	[hbm4b:s23+s2] =	stream.linear.scatter [tilespmem:s11], [sflag:$0xB], $0x4000, $0x38;
	[tilespmem:$0x1E400] =	vst v63  }
0x26e: {  	_ =	swait.ge [sflag:s16], $0x4000  }
0x26f: {  	s23 =	sld [smem:$0x7DB]  }
0x270: {  	[sflag:s16] =	ssyncset.done $0x0  }
0x271: {  	[sflag:s16] =	ssyncadd.s32 $0xFFFFC000  }
0x272: {  	[tilespmem:s13], [sflag:$0x4] =	stream.indirect.gather [hbm4b:s4+s9], $0x20, s23, s9, $0xb8;
	[tilespmem:$0x1E400] =	vst v63  }
0x273: {  	_ =	swait.ge [sflag:s21], $0x4000  }
0x274: {  	[sflag:s21] =	ssyncset.done $0x0  }
0x275: {  	s23 =	rddreg [dreg:$0x8];
	[sflag:s21] =	ssyncadd.s32 $0xFFFFC000  }
0x276: {  	[hbm4b:s23+s2] =	stream.linear.scatter [tilespmem:s12], [sflag:$0xC], $0x4000, $0x38;
	[tilespmem:$0x1E400] =	vst v63  }
0x277: {  	_ =	swait.ge [sflag:s17], $0x4000  }
0x278: {  	s23 =	sld [smem:$0x7DC]  }
0x279: {  	[sflag:s17] =	ssyncset.done $0x0  }
0x27a: {  	[sflag:s17] =	ssyncadd.s32 $0xFFFFC000  }
0x27b: {  	[tilespmem:s11], [sflag:$0x5] =	stream.indirect.gather [hbm4b:s4+s9], $0x20, s23, s9, $0xb8;
	[tilespmem:$0x1E400] =	vst v63  }
0x27c: {  	_ =	swait.ge [sflag:s8], $0x4000  }
0x27d: {  	[sflag:s8] =	ssyncset.done $0x0  }
0x27e: {  	s23 =	rddreg [dreg:$0x9];
	[sflag:s8] =	ssyncadd.s32 $0xFFFFC000  }
0x27f: {  	[hbm4b:s23+s2] =	stream.linear.scatter [tilespmem:s5], [sflag:$0x7], $0x4000, $0x38;
	[tilespmem:$0x1E400] =	vst v63  }
0x280: {  	_ =	swait.ge [sflag:s18], $0x4000  }
0x281: {  	s23 =	sld [smem:$0x7DD]  }
0x282: {  	[sflag:s18] =	ssyncset.done $0x0  }
0x283: {  	[sflag:s18] =	ssyncadd.s32 $0xFFFFC000  }
0x284: {  	[tilespmem:s12], [sflag:$0x6] =	stream.indirect.gather [hbm4b:s4+s9], $0x20, s23, s9, $0xb8;
	[tilespmem:$0x1E400] =	vst v63  }
0x285: {  	_ =	swait.ge [sflag:s10], $0x4000  }
0x286: {  	[sflag:s10] =	ssyncset.done $0x0  }
0x287: {  	s23 =	rddreg [dreg:$0xa];
	[sflag:s10] =	ssyncadd.s32 $0xFFFFC000  }
0x288: {  	[hbm4b:s23+s2] =	stream.linear.scatter [tilespmem:s3], [sflag:$0x8], $0x4000, $0x38;
	[tilespmem:$0x1E400] =	vst v63  }
0x289: {  	_ =	swait.ge [sflag:s6], $0x4000  }
0x28a: {  	s23 =	sld [smem:$0x7DE]  }
0x28b: {  	[sflag:s6] =	ssyncset.done $0x0  }
0x28c: {  	[sflag:s6] =	ssyncadd.s32 $0xFFFFC000  }
0x28d: {  	[tilespmem:s5], [sflag:$0x1] =	stream.indirect.gather [hbm4b:s4+s9], $0x20, s23, s9, $0xb8;
	[tilespmem:$0x1E400] =	vst v63  }
0x28e: {  	_ =	swait.ge [sflag:s22], $0x4000  }
0x28f: {  	[sflag:s22] =	ssyncset.done $0x0  }
0x290: {  	s23 =	rddreg [dreg:$0xb];
	[sflag:s22] =	ssyncadd.s32 $0xFFFFC000  }
0x291: {  	[hbm4b:s23+s2] =	stream.linear.scatter [tilespmem:s15], [sflag:$0x9], $0x4000, $0x38;
	[tilespmem:$0x1E400] =	vst v63  }
0x292: {  	_ =	swait.ge [sflag:s7], $0x4000  }
0x293: {  	s23 =	sld [smem:$0x7DF]  }
0x294: {  	[sflag:s7] =	ssyncset.done $0x0  }
0x295: {  	[sflag:s7] =	ssyncadd.s32 $0xFFFFC000  }
0x296: {  	[tilespmem:s3], [sflag:$0x2] =	stream.indirect.gather [hbm4b:s4+s9], $0x20, s23, s9, $0xb8;
	[tilespmem:$0x1E400] =	vst v63  }
0x297: {  	_ =	swait.ge [sflag:s19], $0x4000  }
0x298: {  	[sflag:s19] =	ssyncset.done $0x0  }
0x299: {  	s23 =	rddreg [dreg:$0xc];
	[sflag:s19] =	ssyncadd.s32 $0xFFFFC000  }
0x29a: {  	[hbm4b:s23+s2] =	stream.linear.scatter [tilespmem:s13], [sflag:$0xA], $0x4000, $0x38;
	[tilespmem:$0x1E400] =	vst v63  }
0x29b: {  	_ =	swait.ge [sflag:s14], $0x4000  }
0x29c: {  	s23 =	sld [smem:$0x7E0]  }
0x29d: {  	[sflag:s14] =	ssyncset.done $0x0  }
0x29e: {  	[sflag:s14] =	ssyncadd.s32 $0xFFFFC000  }
0x29f: {  	[tilespmem:s15], [sflag:$0x3] =	stream.indirect.gather [hbm4b:s4+s9], $0x20, s23, s9, $0xb8;
	[tilespmem:$0x1E400] =	vst v63  }
0x2a0: {  	_ =	swait.ge [sflag:s20], $0x4000  }
0x2a1: {  	[sflag:s20] =	ssyncset.done $0x0  }
0x2a2: {  	s23 =	rddreg [dreg:$0xd];
	[sflag:s20] =	ssyncadd.s32 $0xFFFFC000  }
0x2a3: {  	[hbm4b:s23+s2] =	stream.linear.scatter [tilespmem:s11], [sflag:$0xB], $0x4000, $0x38;
	[tilespmem:$0x1E400] =	vst v63  }
0x2a4: {  	_ =	swait.ge [sflag:s16], $0x4000  }
0x2a5: {  	s23 =	sld [smem:$0x7E1]  }
0x2a6: {  	[sflag:s16] =	ssyncset.done $0x0  }
0x2a7: {  	[sflag:s16] =	ssyncadd.s32 $0xFFFFC000  }
0x2a8: {  	[tilespmem:s13], [sflag:$0x4] =	stream.indirect.gather [hbm4b:s4+s9], $0x20, s23, s9, $0xb8;
	[tilespmem:$0x1E400] =	vst v63  }
0x2a9: {  	_ =	swait.ge [sflag:s21], $0x4000  }
0x2aa: {  	[sflag:s21] =	ssyncset.done $0x0  }
0x2ab: {  	s23 =	rddreg [dreg:$0xe];
	[sflag:s21] =	ssyncadd.s32 $0xFFFFC000  }
0x2ac: {  	[hbm4b:s23+s2] =	stream.linear.scatter [tilespmem:s12], [sflag:$0xC], $0x4000, $0x38;
	[tilespmem:$0x1E400] =	vst v63  }
0x2ad: {  	_ =	swait.ge [sflag:s17], $0x4000  }
0x2ae: {  	s23 =	sld [smem:$0x7E2]  }
0x2af: {  	[sflag:s17] =	ssyncset.done $0x0  }
0x2b0: {  	[sflag:s17] =	ssyncadd.s32 $0xFFFFC000  }
0x2b1: {  	[tilespmem:s11], [sflag:$0x5] =	stream.indirect.gather [hbm4b:s4+s9], $0x20, s23, s9, $0xb8;
	[tilespmem:$0x1E400] =	vst v63  }
0x2b2: {  	_ =	swait.ge [sflag:s8], $0x4000  }
0x2b3: {  	[sflag:s8] =	ssyncset.done $0x0  }
0x2b4: {  	s23 =	rddreg [dreg:$0xf];
	[sflag:s8] =	ssyncadd.s32 $0xFFFFC000  }
0x2b5: {  	[hbm4b:s23+s2] =	stream.linear.scatter [tilespmem:s5], [sflag:$0x7], $0x4000, $0x38;
	[tilespmem:$0x1E400] =	vst v63  }
0x2b6: {  	_ =	swait.ge [sflag:s18], $0x4000  }
0x2b7: {  	s23 =	sld [smem:$0x7E3]  }
0x2b8: {  	[sflag:s18] =	ssyncset.done $0x0  }
0x2b9: {  	[sflag:s18] =	ssyncadd.s32 $0xFFFFC000  }
0x2ba: {  	[tilespmem:s12], [sflag:$0x6] =	stream.indirect.gather [hbm4b:s4+s9], $0x20, s23, s9, $0xb8;
	[tilespmem:$0x1E400] =	vst v63  }
0x2bb: {  	_ =	swait.ge [sflag:s10], $0x4000  }
0x2bc: {  	[sflag:s10] =	ssyncset.done $0x0  }
0x2bd: {  	s23 =	rddreg [dreg:$0x10];
	[sflag:s10] =	ssyncadd.s32 $0xFFFFC000  }
0x2be: {  	[hbm4b:s23+s2] =	stream.linear.scatter [tilespmem:s3], [sflag:$0x8], $0x4000, $0x38;
	[tilespmem:$0x1E400] =	vst v63  }
0x2bf: {  	_ =	swait.ge [sflag:s6], $0x4000  }
0x2c0: {  	s23 =	sld [smem:$0x7E4]  }
0x2c1: {  	[sflag:s6] =	ssyncset.done $0x0  }
0x2c2: {  	[sflag:s6] =	ssyncadd.s32 $0xFFFFC000  }
0x2c3: {  	[tilespmem:s5], [sflag:$0x1] =	stream.indirect.gather [hbm4b:s4+s9], $0x20, s23, s9, $0xb8;
	[tilespmem:$0x1E400] =	vst v63  }
0x2c4: {  	_ =	swait.ge [sflag:s22], $0x4000  }
0x2c5: {  	[sflag:s22] =	ssyncset.done $0x0  }
0x2c6: {  	s23 =	rddreg [dreg:$0x11];
	[sflag:s22] =	ssyncadd.s32 $0xFFFFC000  }
0x2c7: {  	[hbm4b:s23+s2] =	stream.linear.scatter [tilespmem:s15], [sflag:$0x9], $0x4000, $0x38;
	[tilespmem:$0x1E400] =	vst v63  }
0x2c8: {  	_ =	swait.ge [sflag:s7], $0x4000  }
0x2c9: {  	s23 =	sld [smem:$0x7E5]  }
0x2ca: {  	[sflag:s7] =	ssyncset.done $0x0  }
0x2cb: {  	[sflag:s7] =	ssyncadd.s32 $0xFFFFC000  }
0x2cc: {  	[tilespmem:s3], [sflag:$0x2] =	stream.indirect.gather [hbm4b:s4+s9], $0x20, s23, s9, $0xb8;
	[tilespmem:$0x1E400] =	vst v63  }
0x2cd: {  	_ =	swait.ge [sflag:s19], $0x4000  }
0x2ce: {  	[sflag:s19] =	ssyncset.done $0x0  }
0x2cf: {  	s23 =	rddreg [dreg:$0x12];
	[sflag:s19] =	ssyncadd.s32 $0xFFFFC000  }
0x2d0: {  	[hbm4b:s23+s2] =	stream.linear.scatter [tilespmem:s13], [sflag:$0xA], $0x4000, $0x38;
	[tilespmem:$0x1E400] =	vst v63  }
0x2d1: {  	_ =	swait.ge [sflag:s14], $0x4000  }
0x2d2: {  	s23 =	sld [smem:$0x7E6]  }
0x2d3: {  	[sflag:s14] =	ssyncset.done $0x0  }
0x2d4: {  	[sflag:s14] =	ssyncadd.s32 $0xFFFFC000  }
0x2d5: {  	[tilespmem:s15], [sflag:$0x3] =	stream.indirect.gather [hbm4b:s4+s9], $0x20, s23, s9, $0xb8;
	[tilespmem:$0x1E400] =	vst v63  }
0x2d6: {  	_ =	swait.ge [sflag:s20], $0x4000  }
0x2d7: {  	[sflag:s20] =	ssyncset.done $0x0  }
0x2d8: {  	s23 =	rddreg [dreg:$0x13];
	[sflag:s20] =	ssyncadd.s32 $0xFFFFC000  }
0x2d9: {  	[hbm4b:s23+s2] =	stream.linear.scatter [tilespmem:s11], [sflag:$0xB], $0x4000, $0x38;
	[tilespmem:$0x1E400] =	vst v63  }
0x2da: {  	_ =	swait.ge [sflag:s16], $0x4000  }
0x2db: {  	s23 =	sld [smem:$0x7E7]  }
0x2dc: {  	[sflag:s16] =	ssyncset.done $0x0  }
0x2dd: {  	[sflag:s16] =	ssyncadd.s32 $0xFFFFC000  }
0x2de: {  	[tilespmem:s13], [sflag:$0x4] =	stream.indirect.gather [hbm4b:s4+s9], $0x20, s23, s9, $0xb8;
	[tilespmem:$0x1E400] =	vst v63  }
0x2df: {  	_ =	swait.ge [sflag:s21], $0x4000  }
0x2e0: {  	[sflag:s21] =	ssyncset.done $0x0  }
0x2e1: {  	s23 =	rddreg [dreg:$0x14];
	[sflag:s21] =	ssyncadd.s32 $0xFFFFC000  }
0x2e2: {  	[hbm4b:s23+s2] =	stream.linear.scatter [tilespmem:s12], [sflag:$0xC], $0x4000, $0x38;
	[tilespmem:$0x1E400] =	vst v63  }
0x2e3: {  	_ =	swait.ge [sflag:s17], $0x4000  }
0x2e4: {  	s23 =	sld [smem:$0x7E8]  }
0x2e5: {  	[sflag:s17] =	ssyncset.done $0x0  }
0x2e6: {  	[sflag:s17] =	ssyncadd.s32 $0xFFFFC000  }
0x2e7: {  	[tilespmem:s11], [sflag:$0x5] =	stream.indirect.gather [hbm4b:s4+s9], $0x20, s23, s9, $0xb8;
	[tilespmem:$0x1E400] =	vst v63  }
0x2e8: {  	_ =	swait.ge [sflag:s8], $0x4000  }
0x2e9: {  	[sflag:s8] =	ssyncset.done $0x0  }
0x2ea: {  	s23 =	rddreg [dreg:$0x15];
	[sflag:s8] =	ssyncadd.s32 $0xFFFFC000  }
0x2eb: {  	[hbm4b:s23+s2] =	stream.linear.scatter [tilespmem:s5], [sflag:$0x7], $0x4000, $0x38;
	[tilespmem:$0x1E400] =	vst v63  }
0x2ec: {  	_ =	swait.ge [sflag:s18], $0x4000  }
0x2ed: {  	s23 =	sld [smem:$0x7E9]  }
0x2ee: {  	[sflag:s18] =	ssyncset.done $0x0  }
0x2ef: {  	[sflag:s18] =	ssyncadd.s32 $0xFFFFC000  }
0x2f0: {  	[tilespmem:s12], [sflag:$0x6] =	stream.indirect.gather [hbm4b:s4+s9], $0x20, s23, s9, $0xb8;
	[tilespmem:$0x1E400] =	vst v63  }
0x2f1: {  	_ =	swait.ge [sflag:s10], $0x4000  }
0x2f2: {  	[sflag:s10] =	ssyncset.done $0x0  }
0x2f3: {  	s23 =	rddreg [dreg:$0x16];
	[sflag:s10] =	ssyncadd.s32 $0xFFFFC000  }
0x2f4: {  	[hbm4b:s23+s2] =	stream.linear.scatter [tilespmem:s3], [sflag:$0x8], $0x4000, $0x38;
	[tilespmem:$0x1E400] =	vst v63  }
0x2f5: {  	_ =	swait.ge [sflag:s6], $0x4000  }
0x2f6: {  	s23 =	sld [smem:$0x7EA]  }
0x2f7: {  	[sflag:s6] =	ssyncset.done $0x0  }
0x2f8: {  	[sflag:s6] =	ssyncadd.s32 $0xFFFFC000  }
0x2f9: {  	[tilespmem:s5], [sflag:$0x1] =	stream.indirect.gather [hbm4b:s4+s9], $0x20, s23, s9, $0xb8;
	[tilespmem:$0x1E400] =	vst v63  }
0x2fa: {  	_ =	swait.ge [sflag:s22], $0x4000  }
0x2fb: {  	[sflag:s22] =	ssyncset.done $0x0  }
0x2fc: {  	s23 =	rddreg [dreg:$0x17];
	[sflag:s22] =	ssyncadd.s32 $0xFFFFC000  }
0x2fd: {  	[hbm4b:s23+s2] =	stream.linear.scatter [tilespmem:s15], [sflag:$0x9], $0x4000, $0x38;
	[tilespmem:$0x1E400] =	vst v63  }
0x2fe: {  	_ =	swait.ge [sflag:s7], $0x4000  }
0x2ff: {  	s23 =	sld [smem:$0x7EB]  }
0x300: {  	[sflag:s7] =	ssyncset.done $0x0  }
0x301: {  	[sflag:s7] =	ssyncadd.s32 $0xFFFFC000  }
0x302: {  	[tilespmem:s3], [sflag:$0x2] =	stream.indirect.gather [hbm4b:s4+s9], $0x20, s23, s9, $0xb8;
	[tilespmem:$0x1E400] =	vst v63  }
0x303: {  	_ =	swait.ge [sflag:s19], $0x4000  }
0x304: {  	[sflag:s19] =	ssyncset.done $0x0  }
0x305: {  	s23 =	rddreg [dreg:$0x18];
	[sflag:s19] =	ssyncadd.s32 $0xFFFFC000  }
0x306: {  	[hbm4b:s23+s2] =	stream.linear.scatter [tilespmem:s13], [sflag:$0xA], $0x4000, $0x38;
	[tilespmem:$0x1E400] =	vst v63  }
0x307: {  	_ =	swait.ge [sflag:s14], $0x4000  }
0x308: {  	s23 =	sld [smem:$0x7EC]  }
0x309: {  	[sflag:s14] =	ssyncset.done $0x0  }
0x30a: {  	[sflag:s14] =	ssyncadd.s32 $0xFFFFC000  }
0x30b: {  	[tilespmem:s15], [sflag:$0x3] =	stream.indirect.gather [hbm4b:s4+s9], $0x20, s23, s9, $0xb8;
	[tilespmem:$0x1E400] =	vst v63  }
0x30c: {  	_ =	swait.ge [sflag:s20], $0x4000  }
0x30d: {  	[sflag:s20] =	ssyncset.done $0x0  }
0x30e: {  	s23 =	rddreg [dreg:$0x19];
	[sflag:s20] =	ssyncadd.s32 $0xFFFFC000  }
0x30f: {  	[hbm4b:s23+s2] =	stream.linear.scatter [tilespmem:s11], [sflag:$0xB], $0x4000, $0x38;
	[tilespmem:$0x1E400] =	vst v63  }
0x310: {  	_ =	swait.ge [sflag:s16], $0x4000  }
0x311: {  	s23 =	sld [smem:$0x7ED]  }
0x312: {  	[sflag:s16] =	ssyncset.done $0x0  }
0x313: {  	[sflag:s16] =	ssyncadd.s32 $0xFFFFC000  }
0x314: {  	[tilespmem:s13], [sflag:$0x4] =	stream.indirect.gather [hbm4b:s4+s9], $0x20, s23, s9, $0xb8;
	[tilespmem:$0x1E400] =	vst v63  }
0x315: {  	_ =	swait.ge [sflag:s21], $0x4000  }
0x316: {  	[sflag:s21] =	ssyncset.done $0x0  }
0x317: {  	s23 =	rddreg [dreg:$0x1a];
	[sflag:s21] =	ssyncadd.s32 $0xFFFFC000  }
0x318: {  	[hbm4b:s23+s2] =	stream.linear.scatter [tilespmem:s12], [sflag:$0xC], $0x4000, $0x38;
	[tilespmem:$0x1E400] =	vst v63  }
0x319: {  	_ =	swait.ge [sflag:s17], $0x4000  }
0x31a: {  	s23 =	sld [smem:$0x7EE]  }
0x31b: {  	[sflag:s17] =	ssyncset.done $0x0  }
0x31c: {  	[sflag:s17] =	ssyncadd.s32 $0xFFFFC000  }
0x31d: {  	[tilespmem:s11], [sflag:$0x5] =	stream.indirect.gather [hbm4b:s4+s9], $0x20, s23, s9, $0xb8;
	[tilespmem:$0x1E400] =	vst v63  }
0x31e: {  	_ =	swait.ge [sflag:s8], $0x4000  }
0x31f: {  	[sflag:s8] =	ssyncset.done $0x0  }
0x320: {  	s23 =	rddreg [dreg:$0x1b];
	[sflag:s8] =	ssyncadd.s32 $0xFFFFC000  }
0x321: {  	[hbm4b:s23+s2] =	stream.linear.scatter [tilespmem:s5], [sflag:$0x7], $0x4000, $0x38;
	[tilespmem:$0x1E400] =	vst v63  }
0x322: {  	_ =	swait.ge [sflag:s18], $0x4000  }
0x323: {  	s23 =	sld [smem:$0x7EF]  }
0x324: {  	[sflag:s18] =	ssyncset.done $0x0  }
0x325: {  	[sflag:s18] =	ssyncadd.s32 $0xFFFFC000  }
0x326: {  	[tilespmem:s12], [sflag:$0x6] =	stream.indirect.gather [hbm4b:s4+s9], $0x20, s23, s9, $0xb8;
	[tilespmem:$0x1E400] =	vst v63  }
0x327: {  	_ =	swait.ge [sflag:s10], $0x4000  }
0x328: {  	[sflag:s10] =	ssyncset.done $0x0  }
0x329: {  	s23 =	rddreg [dreg:$0x1c];
	[sflag:s10] =	ssyncadd.s32 $0xFFFFC000  }
0x32a: {  	[hbm4b:s23+s2] =	stream.linear.scatter [tilespmem:s3], [sflag:$0x8], $0x4000, $0x38;
	[tilespmem:$0x1E400] =	vst v63  }
0x32b: {  	_ =	swait.ge [sflag:s6], $0x4000  }
0x32c: {  	s23 =	sld [smem:$0x7F0]  }
0x32d: {  	[sflag:s6] =	ssyncset.done $0x0  }
0x32e: {  	[sflag:s6] =	ssyncadd.s32 $0xFFFFC000  }
0x32f: {  	[tilespmem:s5], [sflag:$0x1] =	stream.indirect.gather [hbm4b:s4+s9], $0x20, s23, s9, $0xb8;
	[tilespmem:$0x1E400] =	vst v63  }
0x330: {  	_ =	swait.ge [sflag:s22], $0x4000  }
0x331: {  	[sflag:s22] =	ssyncset.done $0x0  }
0x332: {  	s23 =	rddreg [dreg:$0x1d];
	[sflag:s22] =	ssyncadd.s32 $0xFFFFC000  }
0x333: {  	[hbm4b:s23+s2] =	stream.linear.scatter [tilespmem:s15], [sflag:$0x9], $0x4000, $0x38;
	[tilespmem:$0x1E400] =	vst v63  }
0x334: {  	_ =	swait.ge [sflag:s7], $0x4000  }
0x335: {  	s23 =	sld [smem:$0x7F1]  }
0x336: {  	[sflag:s7] =	ssyncset.done $0x0  }
0x337: {  	[sflag:s7] =	ssyncadd.s32 $0xFFFFC000  }
0x338: {  	[tilespmem:s3], [sflag:$0x2] =	stream.indirect.gather [hbm4b:s4+s9], $0x20, s23, s9, $0xb8;
	[tilespmem:$0x1E400] =	vst v63  }
0x339: {  	_ =	swait.ge [sflag:s19], $0x4000  }
0x33a: {  	[sflag:s19] =	ssyncset.done $0x0  }
0x33b: {  	s23 =	rddreg [dreg:$0x1e];
	[sflag:s19] =	ssyncadd.s32 $0xFFFFC000  }
0x33c: {  	[hbm4b:s23+s2] =	stream.linear.scatter [tilespmem:s13], [sflag:$0xA], $0x4000, $0x38;
	[tilespmem:$0x1E400] =	vst v63  }
0x33d: {  	_ =	swait.ge [sflag:s14], $0x4000  }
0x33e: {  	s23 =	sld [smem:$0x7F2]  }
0x33f: {  	[sflag:s14] =	ssyncset.done $0x0  }
0x340: {  	[sflag:s14] =	ssyncadd.s32 $0xFFFFC000  }
0x341: {  	[tilespmem:s15], [sflag:$0x3] =	stream.indirect.gather [hbm4b:s4+s9], $0x20, s23, s9, $0xb8;
	[tilespmem:$0x1E400] =	vst v63  }
0x342: {  	_ =	swait.ge [sflag:s20], $0x4000  }
0x343: {  	[sflag:s20] =	ssyncset.done $0x0  }
0x344: {  	s23 =	rddreg [dreg:$0x1f];
	[sflag:s20] =	ssyncadd.s32 $0xFFFFC000  }
0x345: {  	[hbm4b:s23+s2] =	stream.linear.scatter [tilespmem:s11], [sflag:$0xB], $0x4000, $0x38;
	[tilespmem:$0x1E400] =	vst v63  }
0x346: {  	_ =	swait.ge [sflag:s16], $0x4000  }
0x347: {  	s23 =	sld [smem:$0x7F3]  }
0x348: {  	[sflag:s16] =	ssyncset.done $0x0  }
0x349: {  	[sflag:s16] =	ssyncadd.s32 $0xFFFFC000  }
0x34a: {  	[tilespmem:s13], [sflag:$0x4] =	stream.indirect.gather [hbm4b:s4+s9], $0x20, s23, s9, $0xb8;
	[tilespmem:$0x1E400] =	vst v63  }
0x34b: {  	_ =	swait.ge [sflag:s21], $0x4000  }
0x34c: {  	s23 =	sld [smem:$0x7BF]  }
0x34d: {  	[sflag:s21] =	ssyncset.done $0x0  }
0x34e: {  	[sflag:s21] =	ssyncadd.s32 $0xFFFFC000  }
0x34f: {  	[hbm4b:s23+s2] =	stream.linear.scatter [tilespmem:s12], [sflag:$0xC], $0x4000, $0x38;
	[tilespmem:$0x1E400] =	vst v63  }
0x350: {  	_ =	swait.ge [sflag:s17], $0x4000  }
0x351: {  	s23 =	sld [smem:$0x7F4]  }
0x352: {  	[sflag:s17] =	ssyncset.done $0x0  }
0x353: {  	[sflag:s17] =	ssyncadd.s32 $0xFFFFC000  }
0x354: {  	[tilespmem:s11], [sflag:$0x5] =	stream.indirect.gather [hbm4b:s4+s9], $0x20, s23, s9, $0xb8;
	[tilespmem:$0x1E400] =	vst v63  }
0x355: {  	_ =	swait.ge [sflag:s8], $0x4000  }
0x356: {  	s23 =	sld [smem:$0x7C0]  }
0x357: {  	[sflag:s8] =	ssyncset.done $0x0  }
0x358: {  	[sflag:s8] =	ssyncadd.s32 $0xFFFFC000  }
0x359: {  	[hbm4b:s23+s2] =	stream.linear.scatter [tilespmem:s5], [sflag:$0x7], $0x4000, $0x38;
	[tilespmem:$0x1E400] =	vst v63  }
0x35a: {  	_ =	swait.ge [sflag:s18], $0x4000  }
0x35b: {  	s23 =	sld [smem:$0x7F5]  }
0x35c: {  	[sflag:s18] =	ssyncset.done $0x0  }
0x35d: {  	[sflag:s18] =	ssyncadd.s32 $0xFFFFC000  }
0x35e: {  	[tilespmem:s12], [sflag:$0x6] =	stream.indirect.gather [hbm4b:s4+s9], $0x20, s23, s9, $0xb8;
	[tilespmem:$0x1E400] =	vst v63  }
0x35f: {  	_ =	swait.ge [sflag:s10], $0x4000  }
0x360: {  	s23 =	sld [smem:$0x7C1]  }
0x361: {  	[sflag:s10] =	ssyncset.done $0x0  }
0x362: {  	[sflag:s10] =	ssyncadd.s32 $0xFFFFC000  }
0x363: {  	[hbm4b:s23+s2] =	stream.linear.scatter [tilespmem:s3], [sflag:$0x8], $0x4000, $0x38;
	[tilespmem:$0x1E400] =	vst v63  }
0x364: {  	_ =	swait.ge [sflag:s6], $0x4000  }
0x365: {  	s23 =	sld [smem:$0x7F6]  }
0x366: {  	[sflag:s6] =	ssyncset.done $0x0  }
0x367: {  	[sflag:s6] =	ssyncadd.s32 $0xFFFFC000  }
0x368: {  	[tilespmem:s5], [sflag:$0x1] =	stream.indirect.gather [hbm4b:s4+s9], $0x20, s23, s9, $0xb8;
	[tilespmem:$0x1E400] =	vst v63  }
0x369: {  	_ =	swait.ge [sflag:s22], $0x4000  }
0x36a: {  	s23 =	sld [smem:$0x7C2]  }
0x36b: {  	[sflag:s22] =	ssyncset.done $0x0  }
0x36c: {  	[sflag:s22] =	ssyncadd.s32 $0xFFFFC000  }
0x36d: {  	[hbm4b:s23+s2] =	stream.linear.scatter [tilespmem:s15], [sflag:$0x9], $0x4000, $0x38;
	[tilespmem:$0x1E400] =	vst v63  }
0x36e: {  	_ =	swait.ge [sflag:s7], $0x4000  }
0x36f: {  	s23 =	sld [smem:$0x7F7]  }
0x370: {  	[sflag:s7] =	ssyncset.done $0x0  }
0x371: {  	[sflag:s7] =	ssyncadd.s32 $0xFFFFC000  }
0x372: {  	[tilespmem:s3], [sflag:$0x2] =	stream.indirect.gather [hbm4b:s4+s9], $0x20, s23, s9, $0xb8;
	[tilespmem:$0x1E400] =	vst v63  }
0x373: {  	_ =	swait.ge [sflag:s19], $0x4000  }
0x374: {  	s23 =	sld [smem:$0x7C3]  }
0x375: {  	[sflag:s19] =	ssyncset.done $0x0  }
0x376: {  	[sflag:s19] =	ssyncadd.s32 $0xFFFFC000  }
0x377: {  	[hbm4b:s23+s2] =	stream.linear.scatter [tilespmem:s13], [sflag:$0xA], $0x4000, $0x38;
	[tilespmem:$0x1E400] =	vst v63  }
0x378: {  	_ =	swait.ge [sflag:s14], $0x4000  }
0x379: {  	s23 =	sld [smem:$0x7F8]  }
0x37a: {  	[sflag:s14] =	ssyncset.done $0x0  }
0x37b: {  	[sflag:s14] =	ssyncadd.s32 $0xFFFFC000  }
0x37c: {  	[tilespmem:s15], [sflag:$0x3] =	stream.indirect.gather [hbm4b:s4+s9], $0x20, s23, s9, $0xb8;
	[tilespmem:$0x1E400] =	vst v63  }
0x37d: {  	_ =	swait.ge [sflag:s20], $0x4000  }
0x37e: {  	s23 =	sld [smem:$0x7C4]  }
0x37f: {  	[sflag:s20] =	ssyncset.done $0x0  }
0x380: {  	[sflag:s20] =	ssyncadd.s32 $0xFFFFC000  }
0x381: {  	[hbm4b:s23+s2] =	stream.linear.scatter [tilespmem:s11], [sflag:$0xB], $0x4000, $0x38;
	[tilespmem:$0x1E400] =	vst v63  }
0x382: {  	_ =	swait.ge [sflag:s16], $0x4000  }
0x383: {  	s23 =	sld [smem:$0x7F9]  }
0x384: {  	[sflag:s16] =	ssyncset.done $0x0  }
0x385: {  	[sflag:s16] =	ssyncadd.s32 $0xFFFFC000  }
0x386: {  	[tilespmem:s13], [sflag:$0x4] =	stream.indirect.gather [hbm4b:s4+s9], $0x20, s23, s9, $0xb8;
	[tilespmem:$0x1E400] =	vst v63  }
0x387: {  	_ =	swait.ge [sflag:s21], $0x4000  }
0x388: {  	s23 =	sld [smem:$0x7C5]  }
0x389: {  	[sflag:s21] =	ssyncset.done $0x0  }
0x38a: {  	[sflag:s21] =	ssyncadd.s32 $0xFFFFC000  }
0x38b: {  	[hbm4b:s23+s2] =	stream.linear.scatter [tilespmem:s12], [sflag:$0xC], $0x4000, $0x38;
	[tilespmem:$0x1E400] =	vst v63  }
0x38c: {  	_ =	swait.ge [sflag:s17], $0x4000  }
0x38d: {  	s23 =	sld [smem:$0x7FA]  }
0x38e: {  	[sflag:s17] =	ssyncset.done $0x0  }
0x38f: {  	[sflag:s17] =	ssyncadd.s32 $0xFFFFC000  }
0x390: {  	[tilespmem:s11], [sflag:$0x5] =	stream.indirect.gather [hbm4b:s4+s9], $0x20, s23, s9, $0xb8;
	[tilespmem:$0x1E400] =	vst v63  }
0x391: {  	_ =	swait.ge [sflag:s8], $0x4000  }
0x392: {  	s23 =	sld [smem:$0x7C6]  }
0x393: {  	[sflag:s8] =	ssyncset.done $0x0  }
0x394: {  	[sflag:s8] =	ssyncadd.s32 $0xFFFFC000  }
0x395: {  	[hbm4b:s23+s2] =	stream.linear.scatter [tilespmem:s5], [sflag:$0x7], $0x4000, $0x38;
	[tilespmem:$0x1E400] =	vst v63  }
0x396: {  	_ =	swait.ge [sflag:s18], $0x4000  }
0x397: {  	s23 =	sld [smem:$0x7FB]  }
0x398: {  	[sflag:s18] =	ssyncset.done $0x0  }
0x399: {  	[sflag:s18] =	ssyncadd.s32 $0xFFFFC000  }
0x39a: {  	[tilespmem:s12], [sflag:$0x6] =	stream.indirect.gather [hbm4b:s4+s9], $0x20, s23, s9, $0xb8;
	[tilespmem:$0x1E400] =	vst v63  }
0x39b: {  	_ =	swait.ge [sflag:s10], $0x4000  }
0x39c: {  	s23 =	sld [smem:$0x7C7]  }
0x39d: {  	[sflag:s10] =	ssyncset.done $0x0  }
0x39e: {  	[sflag:s10] =	ssyncadd.s32 $0xFFFFC000  }
0x39f: {  	[hbm4b:s23+s2] =	stream.linear.scatter [tilespmem:s3], [sflag:$0x8], $0x4000, $0x38;
	[tilespmem:$0x1E400] =	vst v63  }
0x3a0: {  	_ =	swait.ge [sflag:s6], $0x4000  }
0x3a1: {  	s23 =	sld [smem:$0x7FC]  }
0x3a2: {  	[sflag:s6] =	ssyncset.done $0x0  }
0x3a3: {  	[sflag:s6] =	ssyncadd.s32 $0xFFFFC000  }
0x3a4: {  	[tilespmem:s5], [sflag:$0x1] =	stream.indirect.gather [hbm4b:s4+s9], $0x20, s23, s9, $0xb8;
	[tilespmem:$0x1E400] =	vst v63  }
0x3a5: {  	_ =	swait.ge [sflag:s22], $0x4000  }
0x3a6: {  	s23 =	sld [smem:$0x7C8]  }
0x3a7: {  	[sflag:s22] =	ssyncset.done $0x0  }
0x3a8: {  	[sflag:s22] =	ssyncadd.s32 $0xFFFFC000  }
0x3a9: {  	[hbm4b:s23+s2] =	stream.linear.scatter [tilespmem:s15], [sflag:$0x9], $0x4000, $0x38;
	[tilespmem:$0x1E400] =	vst v63  }
0x3aa: {  	_ =	swait.ge [sflag:s7], $0x4000  }
0x3ab: {  	s23 =	sld [smem:$0x7FD]  }
0x3ac: {  	[sflag:s7] =	ssyncset.done $0x0  }
0x3ad: {  	[sflag:s7] =	ssyncadd.s32 $0xFFFFC000  }
0x3ae: {  	[tilespmem:s3], [sflag:$0x2] =	stream.indirect.gather [hbm4b:s4+s9], $0x20, s23, s9, $0xb8;
	[tilespmem:$0x1E400] =	vst v63  }
0x3af: {  	_ =	swait.ge [sflag:s19], $0x4000  }
0x3b0: {  	s23 =	sld [smem:$0x7C9]  }
0x3b1: {  	[sflag:s19] =	ssyncset.done $0x0  }
0x3b2: {  	[sflag:s19] =	ssyncadd.s32 $0xFFFFC000  }
0x3b3: {  	[hbm4b:s23+s2] =	stream.linear.scatter [tilespmem:s13], [sflag:$0xA], $0x4000, $0x38;
	[tilespmem:$0x1E400] =	vst v63  }
0x3b4: {  	_ =	swait.ge [sflag:s14], $0x4000  }
0x3b5: {  	[sflag:s14] =	ssyncset.done $0x0  }
0x3b6: {  	s23 =	simm.s32 $0x5800;
	[sflag:s14] =	ssyncadd.s32 $0xFFFFC000  }
0x3b7: {  	[tilespmem:s15], [sflag:$0x3] =	stream.indirect.gather [hbm4b:s4+s9], $0x20, s23, s9, $0xb8;
	[tilespmem:$0x1E400] =	vst v63  }
0x3b8: {  	_ =	swait.ge [sflag:s20], $0x4000  }
0x3b9: {  	s23 =	sld [smem:$0x7CA]  }
0x3ba: {  	[sflag:s20] =	ssyncset.done $0x0  }
0x3bb: {  	[sflag:s20] =	ssyncadd.s32 $0xFFFFC000  }
0x3bc: {  	[hbm4b:s23+s2] =	stream.linear.scatter [tilespmem:s11], [sflag:$0xB], $0x4000, $0x38;
	[tilespmem:$0x1E400] =	vst v63  }
0x3bd: {  	_ =	swait.ge [sflag:s16], $0x4000  }
0x3be: {  	[sflag:s16] =	ssyncset.done $0x0  }
0x3bf: {  	[sflag:s16] =	ssyncadd.s32 $0xFFFFC000  }
0x3c0: {  	[tilespmem:s13], [sflag:$0x4] =	stream.indirect.gather [hbm4b:s4+s9], $0x20, s29, s9, $0xb8;
	[tilespmem:$0x1E400] =	vst v63  }
0x3c1: {  	_ =	swait.ge [sflag:s21], $0x4000  }
0x3c2: {  	s23 =	sld [smem:$0x7CB]  }
0x3c3: {  	[sflag:s21] =	ssyncset.done $0x0  }
0x3c4: {  	[sflag:s21] =	ssyncadd.s32 $0xFFFFC000  }
0x3c5: {  	[hbm4b:s23+s2] =	stream.linear.scatter [tilespmem:s12], [sflag:$0xC], $0x4000, $0x38;
	[tilespmem:$0x1E400] =	vst v63  }
0x3c6: {  	_ =	swait.ge [sflag:s17], $0x4000  }
0x3c7: {  	[sflag:s17] =	ssyncset.done $0x0  }
0x3c8: {  	[sflag:s17] =	ssyncadd.s32 $0xFFFFC000  }
0x3c9: {  	[tilespmem:s11], [sflag:$0x5] =	stream.indirect.gather [hbm4b:s4+s9], $0x20, s28, s9, $0xb8;
	[tilespmem:$0x1E400] =	vst v63  }
0x3ca: {  	_ =	swait.ge [sflag:s8], $0x4000  }
0x3cb: {  	s23 =	sld [smem:$0x7CC]  }
0x3cc: {  	[sflag:s8] =	ssyncset.done $0x0  }
0x3cd: {  	[sflag:s8] =	ssyncadd.s32 $0xFFFFC000  }
0x3ce: {  	[hbm4b:s23+s2] =	stream.linear.scatter [tilespmem:s5], [sflag:$0x7], $0x4000, $0x38;
	[tilespmem:$0x1E400] =	vst v63  }
0x3cf: {  	_ =	swait.ge [sflag:s18], $0x4000  }
0x3d0: {  	[sflag:s18] =	ssyncset.done $0x0  }
0x3d1: {  	[sflag:s18] =	ssyncadd.s32 $0xFFFFC000  }
0x3d2: {  	[tilespmem:s12], [sflag:$0x6] =	stream.indirect.gather [hbm4b:s4+s9], $0x20, s26, s9, $0xb8;
	[tilespmem:$0x1E400] =	vst v63  }
0x3d3: {  	_ =	swait.ge [sflag:s10], $0x4000  }
0x3d4: {  	s23 =	sld [smem:$0x7CD]  }
0x3d5: {  	[sflag:s10] =	ssyncset.done $0x0  }
0x3d6: {  	[sflag:s10] =	ssyncadd.s32 $0xFFFFC000  }
0x3d7: {  	[hbm4b:s23+s2] =	stream.linear.scatter [tilespmem:s3], [sflag:$0x8], $0x4000, $0x38;
	[tilespmem:$0x1E400] =	vst v63  }
0x3d8: {  	_ =	swait.ge [sflag:s6], $0x4000  }
0x3d9: {  	[sflag:s6] =	ssyncset.done $0x0  }
0x3da: {  	[sflag:s6] =	ssyncadd.s32 $0xFFFFC000  }
0x3db: {  	[tilespmem:s5], [sflag:$0x1] =	stream.indirect.gather [hbm4b:s4+s9], $0x20, s25, s9, $0xb8;
	[tilespmem:$0x1E400] =	vst v63  }
0x3dc: {  	_ =	swait.ge [sflag:s22], $0x4000  }
0x3dd: {  	s23 =	sld [smem:$0x7CE]  }
0x3de: {  	[sflag:s22] =	ssyncset.done $0x0  }
0x3df: {  	[sflag:s22] =	ssyncadd.s32 $0xFFFFC000  }
0x3e0: {  	[hbm4b:s23+s2] =	stream.linear.scatter [tilespmem:s15], [sflag:$0x9], $0x4000, $0x38;
	[tilespmem:$0x1E400] =	vst v63  }
0x3e1: {  	_ =	swait.ge [sflag:s7], $0x4000  }
0x3e2: {  	[sflag:s7] =	ssyncset.done $0x0  }
0x3e3: {  	[sflag:s7] =	ssyncadd.s32 $0xFFFFC000  }
0x3e4: {  	[tilespmem:s3], [sflag:$0x2] =	stream.indirect.gather [hbm4b:s4+s9], $0x20, s24, s9, $0xb8;
	[tilespmem:$0x1E400] =	vst v63  }
0x3e5: {  	_ =	swait.ge [sflag:s19], $0x4000  }
0x3e6: {  	s23 =	sld [smem:$0x7CF]  }
0x3e7: {  	[sflag:s19] =	ssyncset.done $0x0  }
0x3e8: {  	[sflag:s19] =	ssyncadd.s32 $0xFFFFC000  }
0x3e9: {  	[hbm4b:s23+s2] =	stream.linear.scatter [tilespmem:s13], [sflag:$0xA], $0x4000, $0x38;
	[tilespmem:$0x1E400] =	vst v63  }
0x3ea: {  	_ =	swait.ge [sflag:s20], $0x4000  }
0x3eb: {  	s23 =	sld [smem:$0x7D0]  }
0x3ec: {  	[sflag:s20] =	ssyncset.done $0x0  }
0x3ed: {  	[sflag:s20] =	ssyncadd.s32 $0xFFFFC000  }
0x3ee: {  	[hbm4b:s23+s2] =	stream.linear.scatter [tilespmem:s11], [sflag:$0xB], $0x4000, $0x38;
	[tilespmem:$0x1E400] =	vst v63  }
0x3ef: {  	_ =	swait.ge [sflag:s21], $0x4000  }
0x3f0: {  	s23 =	sld [smem:$0x7D1]  }
0x3f1: {  	[sflag:s21] =	ssyncset.done $0x0  }
0x3f2: {  	[sflag:s21] =	ssyncadd.s32 $0xFFFFC000  }
0x3f3: {  	[hbm4b:s23+s2] =	stream.linear.scatter [tilespmem:s12], [sflag:$0xC], $0x4000, $0x38;
	[tilespmem:$0x1E400] =	vst v63  }
0x3f4: {  	_ =	swait.ge [sflag:s8], $0x4000  }
0x3f5: {  	s23 =	sld [smem:$0x7D2]  }
0x3f6: {  	[sflag:s8] =	ssyncset.done $0x0  }
0x3f7: {  	[sflag:s8] =	ssyncadd.s32 $0xFFFFC000  }
0x3f8: {  	[hbm4b:s23+s2] =	stream.linear.scatter [tilespmem:s5], [sflag:$0x7], $0x4000, $0x38;
	[tilespmem:$0x1E400] =	vst v63  }
0x3f9: {  	_ =	swait.ge [sflag:s10], $0x4000  }
0x3fa: {  	s23 =	sld [smem:$0x7D3]  }
0x3fb: {  	[sflag:s10] =	ssyncset.done $0x0  }
0x3fc: {  	[sflag:s10] =	ssyncadd.s32 $0xFFFFC000  }
0x3fd: {  	[hbm4b:s23+s2] =	stream.linear.scatter [tilespmem:s3], [sflag:$0x8], $0x4000, $0x38;
	[tilespmem:$0x1E400] =	vst v63  }
0x3fe: {  	_ =	swait.ge [sflag:s14], $0x4000  }
0x3ff: {  	[sflag:s14] =	ssyncset.done $0x0  }
0x400: {  	[sflag:s14] =	ssyncadd.s32 $0xFFFFC000  }
0x401: {  	_ =	swait.ge [sflag:s16], $0x4000  }
0x402: {  	[sflag:s16] =	ssyncset.done $0x0  }
0x403: {  	[sflag:s16] =	ssyncadd.s32 $0xFFFFC000  }
0x404: {  	_ =	swait.ge [sflag:s17], $0x4000  }
0x405: {  	[sflag:s17] =	ssyncset.done $0x0  }
0x406: {  	[sflag:s17] =	ssyncadd.s32 $0xFFFFC000  }
0x407: {  	_ =	swait.ge [sflag:s18], $0x4000  }
0x408: {  	[sflag:s18] =	ssyncset.done $0x0  }
0x409: {  	p1 =	sne.s32 s1, $0x1;
	[sflag:s18] =	ssyncadd.s32 $0xFFFFC000  }
.Ltmp2:
0x40a: {  	_ =	swait.ge [sflag:s6], $0x4000;
	(pc) =	sbr.rel @p1 .LBB2_4-.Ltmp2, $4  }
0x40b: {  	[sflag:s6] =	ssyncset.done $0x0  }
0x40c: {  	[sflag:s6] =	ssyncadd.s32 $0xFFFFC000  }
0x40d: {  	_ =	swait.ge [sflag:s7], $0x4000  }
0x40e: {  	s1 =	sadd.s32 $0xFFFFFFFF, s1;
	s0 =	rddreg [dreg:$0x3];
	[sflag:s7] =	ssyncset.done $0x0  }
0x40f: {  	s24 =	simm.s32 $0x5800;
	s29 =	simm.s32 $0x5A00;
	s28 =	simm.s32 $0x5C00  }
0x410: {  	s26 =	simm.s32 $0x5E00;
	s25 =	simm.s32 $0x6000;
	s23 =	stileid.u32  }
.LBB2_6:
0x411: {  	[sflag:s7] =	ssyncadd.s32 @p0 $0xFFFFC000  }
0x412: {  	[tilespmem:s2], [sflag:$0xD] =	stream.linear.gather [hbm4b:s0+s2], $0x6400, $0x38;
	[tilespmem:$0x1E400] =	vst v63  }
0x413: {  	_ =	swait.ge [sflag:s31], $0x6400  }
0x414: {  	[sflag:s31] =	ssyncset.done $0x0  }
0x415: {  	[sflag:s31] =	ssyncadd.s32 $0xFFFF9C00  }
0x416: {  	[tilespmem:s5], [sflag:$0x1] =	stream.indirect.gather [hbm4b:s4+s9], $0x20, s2, s9, $0xb8;
	[tilespmem:$0x1E400] =	vst v63  }
0x417: {  	s31 =	sld [smem:$0x7D4]  }
0x418: {  	[tilespmem:s3], [sflag:$0x2] =	stream.indirect.gather [hbm4b:s4+s9], $0x20, s9, s9, $0xb8;
	[tilespmem:$0x1E400] =	vst v63  }
0x419: {  	s1 =	sld [smem:$0x7D5]  }
0x41a: {  	[tilespmem:s15], [sflag:$0x3] =	stream.indirect.gather [hbm4b:s4+s9], $0x20, s31, s9, $0xb8;
	[tilespmem:$0x1E400] =	vst v63  }
0x41b: {  	s31 =	sld [smem:$0x7D6]  }
0x41c: {  	[tilespmem:s13], [sflag:$0x4] =	stream.indirect.gather [hbm4b:s4+s9], $0x20, s1, s9, $0xb8;
	[tilespmem:$0x1E400] =	vst v63  }
0x41d: {  	_ = 	snop  }
0x41e: {  	[tilespmem:s11], [sflag:$0x5] =	stream.indirect.gather [hbm4b:s4+s9], $0x20, s31, s9, $0xb8;
	[tilespmem:$0x1E400] =	vst v63  }
0x41f: {  	_ =	swait.ge [sflag:s8], $0x4000  }
0x420: {  	[sflag:s8] =	ssyncset.done $0x0  }
0x421: {  	s1 =	sld [smem:$0x7D7];
	[sflag:s8] =	ssyncadd.s32 $0xFFFFC000  }
0x422: {  	[hbm4b:s30+s2] =	stream.linear.scatter [tilespmem:s5], [sflag:$0x7], $0x4000, $0x38;
	[tilespmem:$0x1E400] =	vst v63  }
0x423: {  	_ = 	snop  }
0x424: {  	[tilespmem:s12], [sflag:$0x6] =	stream.indirect.gather [hbm4b:s4+s9], $0x20, s1, s9, $0xb8;
	[tilespmem:$0x1E400] =	vst v63  }
0x425: {  	_ =	swait.ge [sflag:s10], $0x4000  }
0x426: {  	[sflag:s10] =	ssyncset.done $0x0  }
0x427: {  	s31 =	rddreg [dreg:$0x4];
	[sflag:s10] =	ssyncadd.s32 $0xFFFFC000  }
0x428: {  	[hbm4b:s31+s2] =	stream.linear.scatter [tilespmem:s3], [sflag:$0x8], $0x4000, $0x38;
	[tilespmem:$0x1E400] =	vst v63  }
0x429: {  	_ =	swait.ge [sflag:s6], $0x4000  }
0x42a: {  	s1 =	sld [smem:$0x7D8]  }
0x42b: {  	[sflag:s6] =	ssyncset.done $0x0  }
0x42c: {  	[sflag:s6] =	ssyncadd.s32 $0xFFFFC000  }
0x42d: {  	[tilespmem:s5], [sflag:$0x1] =	stream.indirect.gather [hbm4b:s4+s9], $0x20, s1, s9, $0xb8;
	[tilespmem:$0x1E400] =	vst v63  }
0x42e: {  	_ =	swait.ge [sflag:s22], $0x4000  }
0x42f: {  	[sflag:s22] =	ssyncset.done $0x0  }
0x430: {  	s30 =	rddreg [dreg:$0x5];
	[sflag:s22] =	ssyncadd.s32 $0xFFFFC000  }
0x431: {  	[hbm4b:s30+s2] =	stream.linear.scatter [tilespmem:s15], [sflag:$0x9], $0x4000, $0x38;
	[tilespmem:$0x1E400] =	vst v63  }
0x432: {  	_ =	swait.ge [sflag:s7], $0x4000  }
0x433: {  	s31 =	sld [smem:$0x7D9]  }
0x434: {  	[sflag:s7] =	ssyncset.done $0x0  }
0x435: {  	[sflag:s7] =	ssyncadd.s32 $0xFFFFC000  }
0x436: {  	[tilespmem:s3], [sflag:$0x2] =	stream.indirect.gather [hbm4b:s4+s9], $0x20, s31, s9, $0xb8;
	[tilespmem:$0x1E400] =	vst v63  }
0x437: {  	_ =	swait.ge [sflag:s19], $0x4000  }
0x438: {  	[sflag:s19] =	ssyncset.done $0x0  }
0x439: {  	s1 =	rddreg [dreg:$0x6];
	[sflag:s19] =	ssyncadd.s32 $0xFFFFC000  }
0x43a: {  	[hbm4b:s1+s2] =	stream.linear.scatter [tilespmem:s13], [sflag:$0xA], $0x4000, $0x38;
	[tilespmem:$0x1E400] =	vst v63  }
0x43b: {  	_ =	swait.ge [sflag:s14], $0x4000  }
0x43c: {  	s30 =	sld [smem:$0x7DA]  }
0x43d: {  	[sflag:s14] =	ssyncset.done $0x0  }
0x43e: {  	[sflag:s14] =	ssyncadd.s32 $0xFFFFC000  }
0x43f: {  	[tilespmem:s15], [sflag:$0x3] =	stream.indirect.gather [hbm4b:s4+s9], $0x20, s30, s9, $0xb8;
	[tilespmem:$0x1E400] =	vst v63  }
0x440: {  	_ =	swait.ge [sflag:s20], $0x4000  }
0x441: {  	[sflag:s20] =	ssyncset.done $0x0  }
0x442: {  	s31 =	rddreg [dreg:$0x7];
	[sflag:s20] =	ssyncadd.s32 $0xFFFFC000  }
0x443: {  	[hbm4b:s31+s2] =	stream.linear.scatter [tilespmem:s11], [sflag:$0xB], $0x4000, $0x38;
	[tilespmem:$0x1E400] =	vst v63  }
0x444: {  	_ =	swait.ge [sflag:s16], $0x4000  }
0x445: {  	s1 =	sld [smem:$0x7DB]  }
0x446: {  	[sflag:s16] =	ssyncset.done $0x0  }
0x447: {  	[sflag:s16] =	ssyncadd.s32 $0xFFFFC000  }
0x448: {  	[tilespmem:s13], [sflag:$0x4] =	stream.indirect.gather [hbm4b:s4+s9], $0x20, s1, s9, $0xb8;
	[tilespmem:$0x1E400] =	vst v63  }
0x449: {  	_ =	swait.ge [sflag:s21], $0x4000  }
0x44a: {  	[sflag:s21] =	ssyncset.done $0x0  }
0x44b: {  	s30 =	rddreg [dreg:$0x8];
	[sflag:s21] =	ssyncadd.s32 $0xFFFFC000  }
0x44c: {  	[hbm4b:s30+s2] =	stream.linear.scatter [tilespmem:s12], [sflag:$0xC], $0x4000, $0x38;
	[tilespmem:$0x1E400] =	vst v63  }
0x44d: {  	_ =	swait.ge [sflag:s17], $0x4000  }
0x44e: {  	s31 =	sld [smem:$0x7DC]  }
0x44f: {  	[sflag:s17] =	ssyncset.done $0x0  }
0x450: {  	[sflag:s17] =	ssyncadd.s32 $0xFFFFC000  }
0x451: {  	[tilespmem:s11], [sflag:$0x5] =	stream.indirect.gather [hbm4b:s4+s9], $0x20, s31, s9, $0xb8;
	[tilespmem:$0x1E400] =	vst v63  }
0x452: {  	_ =	swait.ge [sflag:s8], $0x4000  }
0x453: {  	[sflag:s8] =	ssyncset.done $0x0  }
0x454: {  	s1 =	rddreg [dreg:$0x9];
	[sflag:s8] =	ssyncadd.s32 $0xFFFFC000  }
0x455: {  	[hbm4b:s1+s2] =	stream.linear.scatter [tilespmem:s5], [sflag:$0x7], $0x4000, $0x38;
	[tilespmem:$0x1E400] =	vst v63  }
0x456: {  	_ =	swait.ge [sflag:s18], $0x4000  }
0x457: {  	s30 =	sld [smem:$0x7DD]  }
0x458: {  	[sflag:s18] =	ssyncset.done $0x0  }
0x459: {  	[sflag:s18] =	ssyncadd.s32 $0xFFFFC000  }
0x45a: {  	[tilespmem:s12], [sflag:$0x6] =	stream.indirect.gather [hbm4b:s4+s9], $0x20, s30, s9, $0xb8;
	[tilespmem:$0x1E400] =	vst v63  }
0x45b: {  	_ =	swait.ge [sflag:s10], $0x4000  }
0x45c: {  	[sflag:s10] =	ssyncset.done $0x0  }
0x45d: {  	s31 =	rddreg [dreg:$0xa];
	[sflag:s10] =	ssyncadd.s32 $0xFFFFC000  }
0x45e: {  	[hbm4b:s31+s2] =	stream.linear.scatter [tilespmem:s3], [sflag:$0x8], $0x4000, $0x38;
	[tilespmem:$0x1E400] =	vst v63  }
0x45f: {  	_ =	swait.ge [sflag:s6], $0x4000  }
0x460: {  	s1 =	sld [smem:$0x7DE]  }
0x461: {  	[sflag:s6] =	ssyncset.done $0x0  }
0x462: {  	[sflag:s6] =	ssyncadd.s32 $0xFFFFC000  }
0x463: {  	[tilespmem:s5], [sflag:$0x1] =	stream.indirect.gather [hbm4b:s4+s9], $0x20, s1, s9, $0xb8;
	[tilespmem:$0x1E400] =	vst v63  }
0x464: {  	_ =	swait.ge [sflag:s22], $0x4000  }
0x465: {  	[sflag:s22] =	ssyncset.done $0x0  }
0x466: {  	s30 =	rddreg [dreg:$0xb];
	[sflag:s22] =	ssyncadd.s32 $0xFFFFC000  }
0x467: {  	[hbm4b:s30+s2] =	stream.linear.scatter [tilespmem:s15], [sflag:$0x9], $0x4000, $0x38;
	[tilespmem:$0x1E400] =	vst v63  }
0x468: {  	_ =	swait.ge [sflag:s7], $0x4000  }
0x469: {  	s31 =	sld [smem:$0x7DF]  }
0x46a: {  	[sflag:s7] =	ssyncset.done $0x0  }
0x46b: {  	[sflag:s7] =	ssyncadd.s32 $0xFFFFC000  }
0x46c: {  	[tilespmem:s3], [sflag:$0x2] =	stream.indirect.gather [hbm4b:s4+s9], $0x20, s31, s9, $0xb8;
	[tilespmem:$0x1E400] =	vst v63  }
0x46d: {  	_ =	swait.ge [sflag:s19], $0x4000  }
0x46e: {  	[sflag:s19] =	ssyncset.done $0x0  }
0x46f: {  	s1 =	rddreg [dreg:$0xc];
	[sflag:s19] =	ssyncadd.s32 $0xFFFFC000  }
0x470: {  	[hbm4b:s1+s2] =	stream.linear.scatter [tilespmem:s13], [sflag:$0xA], $0x4000, $0x38;
	[tilespmem:$0x1E400] =	vst v63  }
0x471: {  	_ =	swait.ge [sflag:s14], $0x4000  }
0x472: {  	s30 =	sld [smem:$0x7E0]  }
0x473: {  	[sflag:s14] =	ssyncset.done $0x0  }
0x474: {  	[sflag:s14] =	ssyncadd.s32 $0xFFFFC000  }
0x475: {  	[tilespmem:s15], [sflag:$0x3] =	stream.indirect.gather [hbm4b:s4+s9], $0x20, s30, s9, $0xb8;
	[tilespmem:$0x1E400] =	vst v63  }
0x476: {  	_ =	swait.ge [sflag:s20], $0x4000  }
0x477: {  	[sflag:s20] =	ssyncset.done $0x0  }
0x478: {  	s31 =	rddreg [dreg:$0xd];
	[sflag:s20] =	ssyncadd.s32 $0xFFFFC000  }
0x479: {  	[hbm4b:s31+s2] =	stream.linear.scatter [tilespmem:s11], [sflag:$0xB], $0x4000, $0x38;
	[tilespmem:$0x1E400] =	vst v63  }
0x47a: {  	_ =	swait.ge [sflag:s16], $0x4000  }
0x47b: {  	s1 =	sld [smem:$0x7E1]  }
0x47c: {  	[sflag:s16] =	ssyncset.done $0x0  }
0x47d: {  	[sflag:s16] =	ssyncadd.s32 $0xFFFFC000  }
0x47e: {  	[tilespmem:s13], [sflag:$0x4] =	stream.indirect.gather [hbm4b:s4+s9], $0x20, s1, s9, $0xb8;
	[tilespmem:$0x1E400] =	vst v63  }
0x47f: {  	_ =	swait.ge [sflag:s21], $0x4000  }
0x480: {  	[sflag:s21] =	ssyncset.done $0x0  }
0x481: {  	s30 =	rddreg [dreg:$0xe];
	[sflag:s21] =	ssyncadd.s32 $0xFFFFC000  }
0x482: {  	[hbm4b:s30+s2] =	stream.linear.scatter [tilespmem:s12], [sflag:$0xC], $0x4000, $0x38;
	[tilespmem:$0x1E400] =	vst v63  }
0x483: {  	_ =	swait.ge [sflag:s17], $0x4000  }
0x484: {  	s31 =	sld [smem:$0x7E2]  }
0x485: {  	[sflag:s17] =	ssyncset.done $0x0  }
0x486: {  	[sflag:s17] =	ssyncadd.s32 $0xFFFFC000  }
0x487: {  	[tilespmem:s11], [sflag:$0x5] =	stream.indirect.gather [hbm4b:s4+s9], $0x20, s31, s9, $0xb8;
	[tilespmem:$0x1E400] =	vst v63  }
0x488: {  	_ =	swait.ge [sflag:s8], $0x4000  }
0x489: {  	[sflag:s8] =	ssyncset.done $0x0  }
0x48a: {  	s1 =	rddreg [dreg:$0xf];
	[sflag:s8] =	ssyncadd.s32 $0xFFFFC000  }
0x48b: {  	[hbm4b:s1+s2] =	stream.linear.scatter [tilespmem:s5], [sflag:$0x7], $0x4000, $0x38;
	[tilespmem:$0x1E400] =	vst v63  }
0x48c: {  	_ =	swait.ge [sflag:s18], $0x4000  }
0x48d: {  	s30 =	sld [smem:$0x7E3]  }
0x48e: {  	[sflag:s18] =	ssyncset.done $0x0  }
0x48f: {  	[sflag:s18] =	ssyncadd.s32 $0xFFFFC000  }
0x490: {  	[tilespmem:s12], [sflag:$0x6] =	stream.indirect.gather [hbm4b:s4+s9], $0x20, s30, s9, $0xb8;
	[tilespmem:$0x1E400] =	vst v63  }
0x491: {  	_ =	swait.ge [sflag:s10], $0x4000  }
0x492: {  	[sflag:s10] =	ssyncset.done $0x0  }
0x493: {  	s31 =	rddreg [dreg:$0x10];
	[sflag:s10] =	ssyncadd.s32 $0xFFFFC000  }
0x494: {  	[hbm4b:s31+s2] =	stream.linear.scatter [tilespmem:s3], [sflag:$0x8], $0x4000, $0x38;
	[tilespmem:$0x1E400] =	vst v63  }
0x495: {  	_ =	swait.ge [sflag:s6], $0x4000  }
0x496: {  	s1 =	sld [smem:$0x7E4]  }
0x497: {  	[sflag:s6] =	ssyncset.done $0x0  }
0x498: {  	[sflag:s6] =	ssyncadd.s32 $0xFFFFC000  }
0x499: {  	[tilespmem:s5], [sflag:$0x1] =	stream.indirect.gather [hbm4b:s4+s9], $0x20, s1, s9, $0xb8;
	[tilespmem:$0x1E400] =	vst v63  }
0x49a: {  	_ =	swait.ge [sflag:s22], $0x4000  }
0x49b: {  	[sflag:s22] =	ssyncset.done $0x0  }
0x49c: {  	s30 =	rddreg [dreg:$0x11];
	[sflag:s22] =	ssyncadd.s32 $0xFFFFC000  }
0x49d: {  	[hbm4b:s30+s2] =	stream.linear.scatter [tilespmem:s15], [sflag:$0x9], $0x4000, $0x38;
	[tilespmem:$0x1E400] =	vst v63  }
0x49e: {  	_ =	swait.ge [sflag:s7], $0x4000  }
0x49f: {  	s31 =	sld [smem:$0x7E5]  }
0x4a0: {  	[sflag:s7] =	ssyncset.done $0x0  }
0x4a1: {  	[sflag:s7] =	ssyncadd.s32 $0xFFFFC000  }
0x4a2: {  	[tilespmem:s3], [sflag:$0x2] =	stream.indirect.gather [hbm4b:s4+s9], $0x20, s31, s9, $0xb8;
	[tilespmem:$0x1E400] =	vst v63  }
0x4a3: {  	_ =	swait.ge [sflag:s19], $0x4000  }
0x4a4: {  	[sflag:s19] =	ssyncset.done $0x0  }
0x4a5: {  	s1 =	rddreg [dreg:$0x12];
	[sflag:s19] =	ssyncadd.s32 $0xFFFFC000  }
0x4a6: {  	[hbm4b:s1+s2] =	stream.linear.scatter [tilespmem:s13], [sflag:$0xA], $0x4000, $0x38;
	[tilespmem:$0x1E400] =	vst v63  }
0x4a7: {  	_ =	swait.ge [sflag:s14], $0x4000  }
0x4a8: {  	s30 =	sld [smem:$0x7E6]  }
0x4a9: {  	[sflag:s14] =	ssyncset.done $0x0  }
0x4aa: {  	[sflag:s14] =	ssyncadd.s32 $0xFFFFC000  }
0x4ab: {  	[tilespmem:s15], [sflag:$0x3] =	stream.indirect.gather [hbm4b:s4+s9], $0x20, s30, s9, $0xb8;
	[tilespmem:$0x1E400] =	vst v63  }
0x4ac: {  	_ =	swait.ge [sflag:s20], $0x4000  }
0x4ad: {  	[sflag:s20] =	ssyncset.done $0x0  }
0x4ae: {  	s31 =	rddreg [dreg:$0x13];
	[sflag:s20] =	ssyncadd.s32 $0xFFFFC000  }
0x4af: {  	[hbm4b:s31+s2] =	stream.linear.scatter [tilespmem:s11], [sflag:$0xB], $0x4000, $0x38;
	[tilespmem:$0x1E400] =	vst v63  }
0x4b0: {  	_ =	swait.ge [sflag:s16], $0x4000  }
0x4b1: {  	s1 =	sld [smem:$0x7E7]  }
0x4b2: {  	[sflag:s16] =	ssyncset.done $0x0  }
0x4b3: {  	[sflag:s16] =	ssyncadd.s32 $0xFFFFC000  }
0x4b4: {  	[tilespmem:s13], [sflag:$0x4] =	stream.indirect.gather [hbm4b:s4+s9], $0x20, s1, s9, $0xb8;
	[tilespmem:$0x1E400] =	vst v63  }
0x4b5: {  	_ =	swait.ge [sflag:s21], $0x4000  }
0x4b6: {  	[sflag:s21] =	ssyncset.done $0x0  }
0x4b7: {  	s30 =	rddreg [dreg:$0x14];
	[sflag:s21] =	ssyncadd.s32 $0xFFFFC000  }
0x4b8: {  	[hbm4b:s30+s2] =	stream.linear.scatter [tilespmem:s12], [sflag:$0xC], $0x4000, $0x38;
	[tilespmem:$0x1E400] =	vst v63  }
0x4b9: {  	_ =	swait.ge [sflag:s17], $0x4000  }
0x4ba: {  	s31 =	sld [smem:$0x7E8]  }
0x4bb: {  	[sflag:s17] =	ssyncset.done $0x0  }
0x4bc: {  	[sflag:s17] =	ssyncadd.s32 $0xFFFFC000  }
0x4bd: {  	[tilespmem:s11], [sflag:$0x5] =	stream.indirect.gather [hbm4b:s4+s9], $0x20, s31, s9, $0xb8;
	[tilespmem:$0x1E400] =	vst v63  }
0x4be: {  	_ =	swait.ge [sflag:s8], $0x4000  }
0x4bf: {  	[sflag:s8] =	ssyncset.done $0x0  }
0x4c0: {  	s1 =	rddreg [dreg:$0x15];
	[sflag:s8] =	ssyncadd.s32 $0xFFFFC000  }
0x4c1: {  	[hbm4b:s1+s2] =	stream.linear.scatter [tilespmem:s5], [sflag:$0x7], $0x4000, $0x38;
	[tilespmem:$0x1E400] =	vst v63  }
0x4c2: {  	_ =	swait.ge [sflag:s18], $0x4000  }
0x4c3: {  	s30 =	sld [smem:$0x7E9]  }
0x4c4: {  	[sflag:s18] =	ssyncset.done $0x0  }
0x4c5: {  	[sflag:s18] =	ssyncadd.s32 $0xFFFFC000  }
0x4c6: {  	[tilespmem:s12], [sflag:$0x6] =	stream.indirect.gather [hbm4b:s4+s9], $0x20, s30, s9, $0xb8;
	[tilespmem:$0x1E400] =	vst v63  }
0x4c7: {  	_ =	swait.ge [sflag:s10], $0x4000  }
0x4c8: {  	[sflag:s10] =	ssyncset.done $0x0  }
0x4c9: {  	s31 =	rddreg [dreg:$0x16];
	[sflag:s10] =	ssyncadd.s32 $0xFFFFC000  }
0x4ca: {  	[hbm4b:s31+s2] =	stream.linear.scatter [tilespmem:s3], [sflag:$0x8], $0x4000, $0x38;
	[tilespmem:$0x1E400] =	vst v63  }
0x4cb: {  	_ =	swait.ge [sflag:s6], $0x4000  }
0x4cc: {  	s1 =	sld [smem:$0x7EA]  }
0x4cd: {  	[sflag:s6] =	ssyncset.done $0x0  }
0x4ce: {  	[sflag:s6] =	ssyncadd.s32 $0xFFFFC000  }
0x4cf: {  	[tilespmem:s5], [sflag:$0x1] =	stream.indirect.gather [hbm4b:s4+s9], $0x20, s1, s9, $0xb8;
	[tilespmem:$0x1E400] =	vst v63  }
0x4d0: {  	_ =	swait.ge [sflag:s22], $0x4000  }
0x4d1: {  	[sflag:s22] =	ssyncset.done $0x0  }
0x4d2: {  	s30 =	rddreg [dreg:$0x17];
	[sflag:s22] =	ssyncadd.s32 $0xFFFFC000  }
0x4d3: {  	[hbm4b:s30+s2] =	stream.linear.scatter [tilespmem:s15], [sflag:$0x9], $0x4000, $0x38;
	[tilespmem:$0x1E400] =	vst v63  }
0x4d4: {  	_ =	swait.ge [sflag:s7], $0x4000  }
0x4d5: {  	s31 =	sld [smem:$0x7EB]  }
0x4d6: {  	[sflag:s7] =	ssyncset.done $0x0  }
0x4d7: {  	[sflag:s7] =	ssyncadd.s32 $0xFFFFC000  }
0x4d8: {  	[tilespmem:s3], [sflag:$0x2] =	stream.indirect.gather [hbm4b:s4+s9], $0x20, s31, s9, $0xb8;
	[tilespmem:$0x1E400] =	vst v63  }
0x4d9: {  	_ =	swait.ge [sflag:s19], $0x4000  }
0x4da: {  	[sflag:s19] =	ssyncset.done $0x0  }
0x4db: {  	s1 =	rddreg [dreg:$0x18];
	[sflag:s19] =	ssyncadd.s32 $0xFFFFC000  }
0x4dc: {  	[hbm4b:s1+s2] =	stream.linear.scatter [tilespmem:s13], [sflag:$0xA], $0x4000, $0x38;
	[tilespmem:$0x1E400] =	vst v63  }
0x4dd: {  	_ =	swait.ge [sflag:s14], $0x4000  }
0x4de: {  	s30 =	sld [smem:$0x7EC]  }
0x4df: {  	[sflag:s14] =	ssyncset.done $0x0  }
0x4e0: {  	[sflag:s14] =	ssyncadd.s32 $0xFFFFC000  }
0x4e1: {  	[tilespmem:s15], [sflag:$0x3] =	stream.indirect.gather [hbm4b:s4+s9], $0x20, s30, s9, $0xb8;
	[tilespmem:$0x1E400] =	vst v63  }
0x4e2: {  	_ =	swait.ge [sflag:s20], $0x4000  }
0x4e3: {  	[sflag:s20] =	ssyncset.done $0x0  }
0x4e4: {  	s31 =	rddreg [dreg:$0x19];
	[sflag:s20] =	ssyncadd.s32 $0xFFFFC000  }
0x4e5: {  	[hbm4b:s31+s2] =	stream.linear.scatter [tilespmem:s11], [sflag:$0xB], $0x4000, $0x38;
	[tilespmem:$0x1E400] =	vst v63  }
0x4e6: {  	_ =	swait.ge [sflag:s16], $0x4000  }
0x4e7: {  	s1 =	sld [smem:$0x7ED]  }
0x4e8: {  	[sflag:s16] =	ssyncset.done $0x0  }
0x4e9: {  	[sflag:s16] =	ssyncadd.s32 $0xFFFFC000  }
0x4ea: {  	[tilespmem:s13], [sflag:$0x4] =	stream.indirect.gather [hbm4b:s4+s9], $0x20, s1, s9, $0xb8;
	[tilespmem:$0x1E400] =	vst v63  }
0x4eb: {  	_ =	swait.ge [sflag:s21], $0x4000  }
0x4ec: {  	[sflag:s21] =	ssyncset.done $0x0  }
0x4ed: {  	s30 =	rddreg [dreg:$0x1a];
	[sflag:s21] =	ssyncadd.s32 $0xFFFFC000  }
0x4ee: {  	[hbm4b:s30+s2] =	stream.linear.scatter [tilespmem:s12], [sflag:$0xC], $0x4000, $0x38;
	[tilespmem:$0x1E400] =	vst v63  }
0x4ef: {  	_ =	swait.ge [sflag:s17], $0x4000  }
0x4f0: {  	s31 =	sld [smem:$0x7EE]  }
0x4f1: {  	[sflag:s17] =	ssyncset.done $0x0  }
0x4f2: {  	[sflag:s17] =	ssyncadd.s32 $0xFFFFC000  }
0x4f3: {  	[tilespmem:s11], [sflag:$0x5] =	stream.indirect.gather [hbm4b:s4+s9], $0x20, s31, s9, $0xb8;
	[tilespmem:$0x1E400] =	vst v63  }
0x4f4: {  	_ =	swait.ge [sflag:s8], $0x4000  }
0x4f5: {  	[sflag:s8] =	ssyncset.done $0x0  }
0x4f6: {  	s1 =	rddreg [dreg:$0x1b];
	[sflag:s8] =	ssyncadd.s32 $0xFFFFC000  }
0x4f7: {  	[hbm4b:s1+s2] =	stream.linear.scatter [tilespmem:s5], [sflag:$0x7], $0x4000, $0x38;
	[tilespmem:$0x1E400] =	vst v63  }
0x4f8: {  	_ =	swait.ge [sflag:s18], $0x4000  }
0x4f9: {  	s30 =	sld [smem:$0x7EF]  }
0x4fa: {  	[sflag:s18] =	ssyncset.done $0x0  }
0x4fb: {  	[sflag:s18] =	ssyncadd.s32 $0xFFFFC000  }
0x4fc: {  	[tilespmem:s12], [sflag:$0x6] =	stream.indirect.gather [hbm4b:s4+s9], $0x20, s30, s9, $0xb8;
	[tilespmem:$0x1E400] =	vst v63  }
0x4fd: {  	_ =	swait.ge [sflag:s10], $0x4000  }
0x4fe: {  	[sflag:s10] =	ssyncset.done $0x0  }
0x4ff: {  	s31 =	rddreg [dreg:$0x1c];
	[sflag:s10] =	ssyncadd.s32 $0xFFFFC000  }
0x500: {  	[hbm4b:s31+s2] =	stream.linear.scatter [tilespmem:s3], [sflag:$0x8], $0x4000, $0x38;
	[tilespmem:$0x1E400] =	vst v63  }
0x501: {  	_ =	swait.ge [sflag:s6], $0x4000  }
0x502: {  	s1 =	sld [smem:$0x7F0]  }
0x503: {  	[sflag:s6] =	ssyncset.done $0x0  }
0x504: {  	[sflag:s6] =	ssyncadd.s32 $0xFFFFC000  }
0x505: {  	[tilespmem:s5], [sflag:$0x1] =	stream.indirect.gather [hbm4b:s4+s9], $0x20, s1, s9, $0xb8;
	[tilespmem:$0x1E400] =	vst v63  }
0x506: {  	_ =	swait.ge [sflag:s22], $0x4000  }
0x507: {  	[sflag:s22] =	ssyncset.done $0x0  }
0x508: {  	s30 =	rddreg [dreg:$0x1d];
	[sflag:s22] =	ssyncadd.s32 $0xFFFFC000  }
0x509: {  	[hbm4b:s30+s2] =	stream.linear.scatter [tilespmem:s15], [sflag:$0x9], $0x4000, $0x38;
	[tilespmem:$0x1E400] =	vst v63  }
0x50a: {  	_ =	swait.ge [sflag:s7], $0x4000  }
0x50b: {  	s31 =	sld [smem:$0x7F1]  }
0x50c: {  	[sflag:s7] =	ssyncset.done $0x0  }
0x50d: {  	[sflag:s7] =	ssyncadd.s32 $0xFFFFC000  }
0x50e: {  	[tilespmem:s3], [sflag:$0x2] =	stream.indirect.gather [hbm4b:s4+s9], $0x20, s31, s9, $0xb8;
	[tilespmem:$0x1E400] =	vst v63  }
0x50f: {  	_ =	swait.ge [sflag:s19], $0x4000  }
0x510: {  	[sflag:s19] =	ssyncset.done $0x0  }
0x511: {  	s1 =	rddreg [dreg:$0x1e];
	[sflag:s19] =	ssyncadd.s32 $0xFFFFC000  }
0x512: {  	[hbm4b:s1+s2] =	stream.linear.scatter [tilespmem:s13], [sflag:$0xA], $0x4000, $0x38;
	[tilespmem:$0x1E400] =	vst v63  }
0x513: {  	_ =	swait.ge [sflag:s14], $0x4000  }
0x514: {  	s30 =	sld [smem:$0x7F2]  }
0x515: {  	[sflag:s14] =	ssyncset.done $0x0  }
0x516: {  	[sflag:s14] =	ssyncadd.s32 $0xFFFFC000  }
0x517: {  	[tilespmem:s15], [sflag:$0x3] =	stream.indirect.gather [hbm4b:s4+s9], $0x20, s30, s9, $0xb8;
	[tilespmem:$0x1E400] =	vst v63  }
0x518: {  	_ =	swait.ge [sflag:s20], $0x4000  }
0x519: {  	[sflag:s20] =	ssyncset.done $0x0  }
0x51a: {  	s31 =	rddreg [dreg:$0x1f];
	[sflag:s20] =	ssyncadd.s32 $0xFFFFC000  }
0x51b: {  	[hbm4b:s31+s2] =	stream.linear.scatter [tilespmem:s11], [sflag:$0xB], $0x4000, $0x38;
	[tilespmem:$0x1E400] =	vst v63  }
0x51c: {  	_ =	swait.ge [sflag:s16], $0x4000  }
0x51d: {  	s1 =	sld [smem:$0x7F3]  }
0x51e: {  	[sflag:s16] =	ssyncset.done $0x0  }
0x51f: {  	[sflag:s16] =	ssyncadd.s32 $0xFFFFC000  }
0x520: {  	[tilespmem:s13], [sflag:$0x4] =	stream.indirect.gather [hbm4b:s4+s9], $0x20, s1, s9, $0xb8;
	[tilespmem:$0x1E400] =	vst v63  }
0x521: {  	_ =	swait.ge [sflag:s21], $0x4000  }
0x522: {  	s30 =	sld [smem:$0x7BF]  }
0x523: {  	[sflag:s21] =	ssyncset.done $0x0  }
0x524: {  	[sflag:s21] =	ssyncadd.s32 $0xFFFFC000  }
0x525: {  	[hbm4b:s30+s2] =	stream.linear.scatter [tilespmem:s12], [sflag:$0xC], $0x4000, $0x38;
	[tilespmem:$0x1E400] =	vst v63  }
0x526: {  	_ =	swait.ge [sflag:s17], $0x4000  }
0x527: {  	s31 =	sld [smem:$0x7F4]  }
0x528: {  	[sflag:s17] =	ssyncset.done $0x0  }
0x529: {  	[sflag:s17] =	ssyncadd.s32 $0xFFFFC000  }
0x52a: {  	[tilespmem:s11], [sflag:$0x5] =	stream.indirect.gather [hbm4b:s4+s9], $0x20, s31, s9, $0xb8;
	[tilespmem:$0x1E400] =	vst v63  }
0x52b: {  	_ =	swait.ge [sflag:s8], $0x4000  }
0x52c: {  	s1 =	sld [smem:$0x7C0]  }
0x52d: {  	[sflag:s8] =	ssyncset.done $0x0  }
0x52e: {  	[sflag:s8] =	ssyncadd.s32 $0xFFFFC000  }
0x52f: {  	[hbm4b:s1+s2] =	stream.linear.scatter [tilespmem:s5], [sflag:$0x7], $0x4000, $0x38;
	[tilespmem:$0x1E400] =	vst v63  }
0x530: {  	_ =	swait.ge [sflag:s18], $0x4000  }
0x531: {  	s30 =	sld [smem:$0x7F5]  }
0x532: {  	[sflag:s18] =	ssyncset.done $0x0  }
0x533: {  	[sflag:s18] =	ssyncadd.s32 $0xFFFFC000  }
0x534: {  	[tilespmem:s12], [sflag:$0x6] =	stream.indirect.gather [hbm4b:s4+s9], $0x20, s30, s9, $0xb8;
	[tilespmem:$0x1E400] =	vst v63  }
0x535: {  	_ =	swait.ge [sflag:s10], $0x4000  }
0x536: {  	s31 =	sld [smem:$0x7C1]  }
0x537: {  	[sflag:s10] =	ssyncset.done $0x0  }
0x538: {  	[sflag:s10] =	ssyncadd.s32 $0xFFFFC000  }
0x539: {  	[hbm4b:s31+s2] =	stream.linear.scatter [tilespmem:s3], [sflag:$0x8], $0x4000, $0x38;
	[tilespmem:$0x1E400] =	vst v63  }
0x53a: {  	_ =	swait.ge [sflag:s6], $0x4000  }
0x53b: {  	s1 =	sld [smem:$0x7F6]  }
0x53c: {  	[sflag:s6] =	ssyncset.done $0x0  }
0x53d: {  	[sflag:s6] =	ssyncadd.s32 $0xFFFFC000  }
0x53e: {  	[tilespmem:s5], [sflag:$0x1] =	stream.indirect.gather [hbm4b:s4+s9], $0x20, s1, s9, $0xb8;
	[tilespmem:$0x1E400] =	vst v63  }
0x53f: {  	_ =	swait.ge [sflag:s22], $0x4000  }
0x540: {  	s30 =	sld [smem:$0x7C2]  }
0x541: {  	[sflag:s22] =	ssyncset.done $0x0  }
0x542: {  	[sflag:s22] =	ssyncadd.s32 $0xFFFFC000  }
0x543: {  	[hbm4b:s30+s2] =	stream.linear.scatter [tilespmem:s15], [sflag:$0x9], $0x4000, $0x38;
	[tilespmem:$0x1E400] =	vst v63  }
0x544: {  	_ =	swait.ge [sflag:s7], $0x4000  }
0x545: {  	s31 =	sld [smem:$0x7F7]  }
0x546: {  	[sflag:s7] =	ssyncset.done $0x0  }
0x547: {  	[sflag:s7] =	ssyncadd.s32 $0xFFFFC000  }
0x548: {  	[tilespmem:s3], [sflag:$0x2] =	stream.indirect.gather [hbm4b:s4+s9], $0x20, s31, s9, $0xb8;
	[tilespmem:$0x1E400] =	vst v63  }
0x549: {  	_ =	swait.ge [sflag:s19], $0x4000  }
0x54a: {  	s1 =	sld [smem:$0x7C3]  }
0x54b: {  	[sflag:s19] =	ssyncset.done $0x0  }
0x54c: {  	[sflag:s19] =	ssyncadd.s32 $0xFFFFC000  }
0x54d: {  	[hbm4b:s1+s2] =	stream.linear.scatter [tilespmem:s13], [sflag:$0xA], $0x4000, $0x38;
	[tilespmem:$0x1E400] =	vst v63  }
0x54e: {  	_ =	swait.ge [sflag:s14], $0x4000  }
0x54f: {  	s30 =	sld [smem:$0x7F8]  }
0x550: {  	[sflag:s14] =	ssyncset.done $0x0  }
0x551: {  	[sflag:s14] =	ssyncadd.s32 $0xFFFFC000  }
0x552: {  	[tilespmem:s15], [sflag:$0x3] =	stream.indirect.gather [hbm4b:s4+s9], $0x20, s30, s9, $0xb8;
	[tilespmem:$0x1E400] =	vst v63  }
0x553: {  	_ =	swait.ge [sflag:s20], $0x4000  }
0x554: {  	s31 =	sld [smem:$0x7C4]  }
0x555: {  	[sflag:s20] =	ssyncset.done $0x0  }
0x556: {  	[sflag:s20] =	ssyncadd.s32 $0xFFFFC000  }
0x557: {  	[hbm4b:s31+s2] =	stream.linear.scatter [tilespmem:s11], [sflag:$0xB], $0x4000, $0x38;
	[tilespmem:$0x1E400] =	vst v63  }
0x558: {  	_ =	swait.ge [sflag:s16], $0x4000  }
0x559: {  	s1 =	sld [smem:$0x7F9]  }
0x55a: {  	[sflag:s16] =	ssyncset.done $0x0  }
0x55b: {  	[sflag:s16] =	ssyncadd.s32 $0xFFFFC000  }
0x55c: {  	[tilespmem:s13], [sflag:$0x4] =	stream.indirect.gather [hbm4b:s4+s9], $0x20, s1, s9, $0xb8;
	[tilespmem:$0x1E400] =	vst v63  }
0x55d: {  	_ =	swait.ge [sflag:s21], $0x4000  }
0x55e: {  	s30 =	sld [smem:$0x7C5]  }
0x55f: {  	[sflag:s21] =	ssyncset.done $0x0  }
0x560: {  	[sflag:s21] =	ssyncadd.s32 $0xFFFFC000  }
0x561: {  	[hbm4b:s30+s2] =	stream.linear.scatter [tilespmem:s12], [sflag:$0xC], $0x4000, $0x38;
	[tilespmem:$0x1E400] =	vst v63  }
0x562: {  	_ =	swait.ge [sflag:s17], $0x4000  }
0x563: {  	s31 =	sld [smem:$0x7FA]  }
0x564: {  	[sflag:s17] =	ssyncset.done $0x0  }
0x565: {  	[sflag:s17] =	ssyncadd.s32 $0xFFFFC000  }
0x566: {  	[tilespmem:s11], [sflag:$0x5] =	stream.indirect.gather [hbm4b:s4+s9], $0x20, s31, s9, $0xb8;
	[tilespmem:$0x1E400] =	vst v63  }
0x567: {  	_ =	swait.ge [sflag:s8], $0x4000  }
0x568: {  	s1 =	sld [smem:$0x7C6]  }
0x569: {  	[sflag:s8] =	ssyncset.done $0x0  }
0x56a: {  	[sflag:s8] =	ssyncadd.s32 $0xFFFFC000  }
0x56b: {  	[hbm4b:s1+s2] =	stream.linear.scatter [tilespmem:s5], [sflag:$0x7], $0x4000, $0x38;
	[tilespmem:$0x1E400] =	vst v63  }
0x56c: {  	_ =	swait.ge [sflag:s18], $0x4000  }
0x56d: {  	s30 =	sld [smem:$0x7FB]  }
0x56e: {  	[sflag:s18] =	ssyncset.done $0x0  }
0x56f: {  	[sflag:s18] =	ssyncadd.s32 $0xFFFFC000  }
0x570: {  	[tilespmem:s12], [sflag:$0x6] =	stream.indirect.gather [hbm4b:s4+s9], $0x20, s30, s9, $0xb8;
	[tilespmem:$0x1E400] =	vst v63  }
0x571: {  	_ =	swait.ge [sflag:s10], $0x4000  }
0x572: {  	s31 =	sld [smem:$0x7C7]  }
0x573: {  	[sflag:s10] =	ssyncset.done $0x0  }
0x574: {  	[sflag:s10] =	ssyncadd.s32 $0xFFFFC000  }
0x575: {  	[hbm4b:s31+s2] =	stream.linear.scatter [tilespmem:s3], [sflag:$0x8], $0x4000, $0x38;
	[tilespmem:$0x1E400] =	vst v63  }
0x576: {  	_ =	swait.ge [sflag:s6], $0x4000  }
0x577: {  	s1 =	sld [smem:$0x7FC]  }
0x578: {  	[sflag:s6] =	ssyncset.done $0x0  }
0x579: {  	[sflag:s6] =	ssyncadd.s32 $0xFFFFC000  }
0x57a: {  	[tilespmem:s5], [sflag:$0x1] =	stream.indirect.gather [hbm4b:s4+s9], $0x20, s1, s9, $0xb8;
	[tilespmem:$0x1E400] =	vst v63  }
0x57b: {  	_ =	swait.ge [sflag:s22], $0x4000  }
0x57c: {  	s30 =	sld [smem:$0x7C8]  }
0x57d: {  	[sflag:s22] =	ssyncset.done $0x0  }
0x57e: {  	[sflag:s22] =	ssyncadd.s32 $0xFFFFC000  }
0x57f: {  	[hbm4b:s30+s2] =	stream.linear.scatter [tilespmem:s15], [sflag:$0x9], $0x4000, $0x38;
	[tilespmem:$0x1E400] =	vst v63  }
0x580: {  	_ =	swait.ge [sflag:s7], $0x4000  }
0x581: {  	s31 =	sld [smem:$0x7FD]  }
0x582: {  	[sflag:s7] =	ssyncset.done $0x0  }
0x583: {  	[sflag:s7] =	ssyncadd.s32 $0xFFFFC000  }
0x584: {  	[tilespmem:s3], [sflag:$0x2] =	stream.indirect.gather [hbm4b:s4+s9], $0x20, s31, s9, $0xb8;
	[tilespmem:$0x1E400] =	vst v63  }
0x585: {  	_ =	swait.ge [sflag:s19], $0x4000  }
0x586: {  	s1 =	sld [smem:$0x7C9]  }
0x587: {  	[sflag:s19] =	ssyncset.done $0x0  }
0x588: {  	[sflag:s19] =	ssyncadd.s32 $0xFFFFC000  }
0x589: {  	[hbm4b:s1+s2] =	stream.linear.scatter [tilespmem:s13], [sflag:$0xA], $0x4000, $0x38;
	[tilespmem:$0x1E400] =	vst v63  }
0x58a: {  	_ =	swait.ge [sflag:s14], $0x4000  }
0x58b: {  	[sflag:s14] =	ssyncset.done $0x0  }
0x58c: {  	[sflag:s14] =	ssyncadd.s32 $0xFFFFC000  }
0x58d: {  	[tilespmem:s15], [sflag:$0x3] =	stream.indirect.gather [hbm4b:s4+s9], $0x20, s24, s9, $0xb8;
	[tilespmem:$0x1E400] =	vst v63  }
0x58e: {  	_ =	swait.ge [sflag:s20], $0x4000  }
0x58f: {  	s24 =	sld [smem:$0x7CA]  }
0x590: {  	[sflag:s20] =	ssyncset.done $0x0  }
0x591: {  	[sflag:s20] =	ssyncadd.s32 $0xFFFFC000  }
0x592: {  	[hbm4b:s24+s2] =	stream.linear.scatter [tilespmem:s11], [sflag:$0xB], $0x4000, $0x38;
	[tilespmem:$0x1E400] =	vst v63  }
0x593: {  	_ =	swait.ge [sflag:s16], $0x4000  }
0x594: {  	[sflag:s16] =	ssyncset.done $0x0  }
0x595: {  	[sflag:s16] =	ssyncadd.s32 $0xFFFFC000  }
0x596: {  	[tilespmem:s13], [sflag:$0x4] =	stream.indirect.gather [hbm4b:s4+s9], $0x20, s29, s9, $0xb8;
	[tilespmem:$0x1E400] =	vst v63  }
0x597: {  	_ =	swait.ge [sflag:s21], $0x4000  }
0x598: {  	s30 =	sld [smem:$0x7CB]  }
0x599: {  	[sflag:s21] =	ssyncset.done $0x0  }
0x59a: {  	[sflag:s21] =	ssyncadd.s32 $0xFFFFC000  }
0x59b: {  	[hbm4b:s30+s2] =	stream.linear.scatter [tilespmem:s12], [sflag:$0xC], $0x4000, $0x38;
	[tilespmem:$0x1E400] =	vst v63  }
0x59c: {  	_ =	swait.ge [sflag:s17], $0x4000  }
0x59d: {  	[sflag:s17] =	ssyncset.done $0x0  }
0x59e: {  	[sflag:s17] =	ssyncadd.s32 $0xFFFFC000  }
0x59f: {  	[tilespmem:s11], [sflag:$0x5] =	stream.indirect.gather [hbm4b:s4+s9], $0x20, s28, s9, $0xb8;
	[tilespmem:$0x1E400] =	vst v63  }
0x5a0: {  	_ =	swait.ge [sflag:s8], $0x4000  }
0x5a1: {  	s31 =	sld [smem:$0x7CC]  }
0x5a2: {  	[sflag:s8] =	ssyncset.done $0x0  }
0x5a3: {  	[sflag:s8] =	ssyncadd.s32 $0xFFFFC000  }
0x5a4: {  	[hbm4b:s31+s2] =	stream.linear.scatter [tilespmem:s5], [sflag:$0x7], $0x4000, $0x38;
	[tilespmem:$0x1E400] =	vst v63  }
0x5a5: {  	_ =	swait.ge [sflag:s18], $0x4000  }
0x5a6: {  	[sflag:s18] =	ssyncset.done $0x0  }
0x5a7: {  	[sflag:s18] =	ssyncadd.s32 $0xFFFFC000  }
0x5a8: {  	[tilespmem:s12], [sflag:$0x6] =	stream.indirect.gather [hbm4b:s4+s9], $0x20, s26, s9, $0xb8;
	[tilespmem:$0x1E400] =	vst v63  }
0x5a9: {  	_ =	swait.ge [sflag:s10], $0x4000  }
0x5aa: {  	s1 =	sld [smem:$0x7CD]  }
0x5ab: {  	[sflag:s10] =	ssyncset.done $0x0  }
0x5ac: {  	[sflag:s10] =	ssyncadd.s32 $0xFFFFC000  }
0x5ad: {  	[hbm4b:s1+s2] =	stream.linear.scatter [tilespmem:s3], [sflag:$0x8], $0x4000, $0x38;
	[tilespmem:$0x1E400] =	vst v63  }
0x5ae: {  	_ =	swait.ge [sflag:s6], $0x4000  }
0x5af: {  	[sflag:s6] =	ssyncset.done $0x0  }
0x5b0: {  	[sflag:s6] =	ssyncadd.s32 $0xFFFFC000  }
0x5b1: {  	[tilespmem:s5], [sflag:$0x1] =	stream.indirect.gather [hbm4b:s4+s9], $0x20, s25, s9, $0xb8;
	[tilespmem:$0x1E400] =	vst v63  }
0x5b2: {  	_ =	swait.ge [sflag:s22], $0x4000  }
0x5b3: {  	s24 =	sld [smem:$0x7CE]  }
0x5b4: {  	[sflag:s22] =	ssyncset.done $0x0  }
0x5b5: {  	[sflag:s22] =	ssyncadd.s32 $0xFFFFC000  }
0x5b6: {  	[hbm4b:s24+s2] =	stream.linear.scatter [tilespmem:s15], [sflag:$0x9], $0x4000, $0x38;
	[tilespmem:$0x1E400] =	vst v63  }
0x5b7: {  	_ =	swait.ge [sflag:s7], $0x4000  }
0x5b8: {  	[sflag:s7] =	ssyncset.done $0x0  }
0x5b9: {  	s25 =	simm.s32 $0x6200;
	[sflag:s7] =	ssyncadd.s32 $0xFFFFC000  }
0x5ba: {  	[tilespmem:s3], [sflag:$0x2] =	stream.indirect.gather [hbm4b:s4+s9], $0x20, s25, s9, $0xb8;
	[tilespmem:$0x1E400] =	vst v63  }
0x5bb: {  	_ =	swait.ge [sflag:s19], $0x4000  }
0x5bc: {  	s26 =	sld [smem:$0x7CF]  }
0x5bd: {  	[sflag:s19] =	ssyncset.done $0x0  }
0x5be: {  	[sflag:s19] =	ssyncadd.s32 $0xFFFFC000  }
0x5bf: {  	[hbm4b:s26+s2] =	stream.linear.scatter [tilespmem:s13], [sflag:$0xA], $0x4000, $0x38;
	[tilespmem:$0x1E400] =	vst v63  }
0x5c0: {  	_ =	swait.ge [sflag:s20], $0x4000  }
0x5c1: {  	s28 =	sld [smem:$0x7D0]  }
0x5c2: {  	[sflag:s20] =	ssyncset.done $0x0  }
0x5c3: {  	[sflag:s20] =	ssyncadd.s32 $0xFFFFC000  }
0x5c4: {  	[hbm4b:s28+s2] =	stream.linear.scatter [tilespmem:s11], [sflag:$0xB], $0x4000, $0x38;
	[tilespmem:$0x1E400] =	vst v63  }
0x5c5: {  	_ =	swait.ge [sflag:s21], $0x4000  }
0x5c6: {  	s29 =	sld [smem:$0x7D1]  }
0x5c7: {  	[sflag:s21] =	ssyncset.done $0x0  }
0x5c8: {  	[sflag:s21] =	ssyncadd.s32 $0xFFFFC000  }
0x5c9: {  	[hbm4b:s29+s2] =	stream.linear.scatter [tilespmem:s12], [sflag:$0xC], $0x4000, $0x38;
	[tilespmem:$0x1E400] =	vst v63  }
0x5ca: {  	_ =	swait.ge [sflag:s8], $0x4000  }
0x5cb: {  	s30 =	sld [smem:$0x7D2]  }
0x5cc: {  	[sflag:s8] =	ssyncset.done $0x0  }
0x5cd: {  	[sflag:s8] =	ssyncadd.s32 $0xFFFFC000  }
0x5ce: {  	[hbm4b:s30+s2] =	stream.linear.scatter [tilespmem:s5], [sflag:$0x7], $0x4000, $0x38;
	[tilespmem:$0x1E400] =	vst v63  }
0x5cf: {  	_ =	swait.ge [sflag:s10], $0x4000  }
0x5d0: {  	s31 =	sld [smem:$0x7D3]  }
0x5d1: {  	[sflag:s10] =	ssyncset.done $0x0  }
0x5d2: {  	[sflag:s10] =	ssyncadd.s32 $0xFFFFC000  }
0x5d3: {  	[hbm4b:s31+s2] =	stream.linear.scatter [tilespmem:s3], [sflag:$0x8], $0x4000, $0x38;
	[tilespmem:$0x1E400] =	vst v63  }
0x5d4: {  	_ =	swait.ge [sflag:s14], $0x4000  }
0x5d5: {  	[sflag:s14] =	ssyncset.done $0x0  }
0x5d6: {  	[sflag:s14] =	ssyncadd.s32 $0xFFFFC000  }
0x5d7: {  	_ =	swait.ge [sflag:s16], $0x4000  }
0x5d8: {  	[sflag:s16] =	ssyncset.done $0x0  }
0x5d9: {  	[sflag:s16] =	ssyncadd.s32 $0xFFFFC000  }
0x5da: {  	_ =	swait.ge [sflag:s17], $0x4000  }
0x5db: {  	[sflag:s17] =	ssyncset.done $0x0  }
0x5dc: {  	[sflag:s17] =	ssyncadd.s32 $0xFFFFC000  }
0x5dd: {  	_ =	swait.ge [sflag:s18], $0x4000  }
0x5de: {  	[sflag:s18] =	ssyncset.done $0x0  }
0x5df: {  	[sflag:s18] =	ssyncadd.s32 $0xFFFFC000  }
0x5e0: {  	_ =	swait.ge [sflag:s6], $0x4000  }
0x5e1: {  	[sflag:s6] =	ssyncset.done $0x0  }
0x5e2: {  	[sflag:s6] =	ssyncadd.s32 $0xFFFFC000  }
0x5e3: {  	_ =	swait.ge [sflag:s7], $0x4000  }
0x5e4: {  	[sflag:s7] =	ssyncset.done $0x0  }
0x5e5: {  	[sflag:s7] =	ssyncadd.s32 $0xFFFFC000  }
0x5e6: {  	_ =	sfence.sel $0x180000  }
0x5e7: {  	[bflag:$0x0] =	sbarrier.arrive $0xFFFF  }
0x5e8: {  	_ =	strace $0x90000047  }
0x5e9: {  	[bflag:$0x2] =	sbarrier.arrive $0xFFFF  }
0x5ea: {  	p0 =	sne.s32 s23, $0x0;
	s0 =	rddreg [dreg:$0x2]  }
0x5eb: {  	s0 =	sadd.s32 @!p0 $0x100000, s0  }
0x5ec: {  	[sflag:s0] =	ssyncadd.tile.s32 @!p0 $0x1;
	_ =	shalt  }
.LBB2_1:
.Ltmp3:
0x5ed: {  	(pc) =	sbr.rel .LBB2_6-.Ltmp3, $3  }
0x5ee: {  	_ =	sdelay $0x1  }
0x5ef: {  	s24 =	simm.s32 $0x5800;
	s29 =	simm.s32 $0x5A00  }
0x5f0: {  	s28 =	simm.s32 $0x5C00;
	s26 =	simm.s32 $0x5E00;
	s25 =	simm.s32 $0x6000  }
.LBB2_3:
.Ltmp4:
0x5f1: {  	(pc) =	sbr.rel .LBB2_6-.Ltmp4, $3  }
0x5f2: {  	_ =	sdelay $0x1  }
0x5f3: {  	s24 =	simm.s32 $0x5800;
	s29 =	simm.s32 $0x5A00;
	s28 =	simm.s32 $0x5C00  }
0x5f4: {  	s26 =	simm.s32 $0x5E00;
	s25 =	simm.s32 $0x6000;
	s23 =	stileid.u32  }
.Lfunc_end2:
_tile_overlayer_lowered:
.L_overlay_start_2:
0x5f5: {  	(tag) =	ssettag $0x2  }
0x5f6: {  	s0 =	rddreg [dreg:$0x0];
	s2 =	stileid.u32  }
0x5f7: {  	s1 =	rddreg [dreg:$0x1];
	p0 =	sne.s32 s2, $0x0  }
0x5f8: {  	s3 =	rddreg [dreg:$0x2];
	[bflag:$0x3] =	sbarrier.arrive $0xFFFF;
	s2 =	simm.s32 @!p0 $0x1C0D  }
0x5f9: {  	[timem:s3], [sflag:s2] =	dma.local @!p0 [hbm:s0], s1  }
0x5fa: {  	s0 =	simm.s32 @!p0 $0xD  }
0x5fb: {  	_ =	swait.ge @!p0 [sflag:s0], s1  }
0x5fc: {  	s1 =	ssub.s32 @!p0 $0x0, s1;
	[sflag:s0] =	ssyncset.done @!p0 $0x0  }
0x5fd: {  	[sflag:s0] =	ssyncadd.s32 @!p0 s1  }
0x5fe: {  	[bflag:$0x3] =	sbarrier.arrive $0xFFFF  }
0x5ff: {  	_ =	shalt  }

// kernel: sparse-core-data-format-call.1.cloned.1.call-start
scs
called_computation.1_lowered:
.L_overlay_start_0:
0x0: {  	s2 =	sld [smem:$0x3FD9]  }
0x1: {  	s3 =	sld [smem:$0x3FFE];
	_ =	sdelay $0x1  }
0x2: {  	s1 =	srdreg.scid  }
0x3: {  	s0 =	sand.u32 $0x1, s1  }
0x4: {  	s18 =	sshll.u32 s0, $0xA;
	s2 =	sadd.s32 s3, s2  }
0x5: {  	s2 =	sadd.s32 s2, s18  }
0x6: {  	[smem:$0x3FC6] =	sst s2  }
0x7: {  	_ = 	snop  }
0x8: {  	s2 =	sld [smem:$0x3FD0];
	(tm) =	ssettm $0x1  }
0x9: {  	s19 =	sld [smem:$0x3FFB];
	_ =	sdelay $0x3  }
0xa: {  	_ =	strace s19  }
0xb: {  	s3 =	sld [smem:$0x3FFC];
	_ =	sdelay $0x3  }
0xc: {  	_ =	strace s3  }
0xd: {  	s3 =	sld [smem:$0x3FFD];
	_ =	sdelay $0x3  }
0xe: {  	_ =	strace s3  }
0xf: {  	_ =	strace $0x8FFFFFFF  }
0x10: {  	s20 =	sld [smem:$0x3FDB];
	_ =	sdelay $0x1  }
0x11: {  	s4 =	simm.s32 $_scs_section_size  }
0x12: {  	s5 =	simm.s32 $_size__tile_overlayer_lowered;
	s6 =	simm.s32 $_tile_overlayer_lowered  }
0x13: {  	s23 =	simm.s32 $0x1BFF;
	s22 =	sshll.u32 s6, $0x1;
	s3 =	sadd.s32 s4, s20  }
0x14: {  	s7 =	simm.s32 $0x0;
	s21 =	sshll.u32 s5, $0x1;
	s5 =	sadd.s32 s22, s3  }
0x15: {  	[timem:s7], [sflag:s23] =	dma.local [hbm:s5], s21  }
0x16: {  	_ =	swait.ge [sflag:s23], s21  }
0x17: {  	s4 =	ssub.s32 $0x0, s21;
	[sflag:s23] =	ssyncset.done $0x0  }
0x18: {  	[sflag:s23] =	ssyncadd.s32 s4;
	_ =	sdelay $0x1  }
0x19: {  	s24 =	simm.s32 $0x1B8B  }
0x1a: {  	_ =	swait.ge [sflag:s24], $0x1  }
0x1b: {  	[sflag:s24] =	ssyncset.done $0x0  }
0x1c: {  	s26 =	simm.s32 $0x1B8E;
	s25 =	sld [smem:$0x3FFE];
	[sflag:s24] =	ssyncadd.s32 $0xFFFFFFFF  }
0x1d: {  	s27 =	simm.s32 $execute0_lowered;
	[smem:$0x3FD2] =	sst s26  }
0x1e: {  	s5 =	sshll.u32 s27, $0x1;
	_ =	strace $0x80000049;
	[dreg:$0x1] =	wrdreg $0xFFFFFFFF  }
0x1f: {  	s28 =	simm.s32 $_size_execute0_lowered;
	s3 =	sadd.s32 s3, s5;
	[dreg:$0x0] =	wrdreg $0x0  }
0x20: {  	s5 =	sshll.u32 s28, $0x1;
	[dreg:$0x2] =	wrdreg s3  }
0x21: {  	[dreg:$0x3] =	wrdreg s5  }
0x22: {  	[dreg:$0x4] =	wrdreg $0xC0  }
0x23: {  	_ =	task [dreg:s7], $0x5FFFF  }
0x24: {  	[dreg:$0x1] =	wrdreg $0xFFFFFFFF  }
0x25: {  	[dreg:$0x0] =	wrdreg $0x60  }
0x26: {  	[dreg:$0x2] =	wrdreg s25  }
0x27: {  	[dreg:$0x3] =	wrdreg s2  }
0x28: {  	[dreg:$0x4] =	wrdreg $0x9  }
0x29: {  	_ =	task.clear_ibuf [dreg:s7], $0x5FFFF;
	_ =	strace $0x90000049  }
0x2a: {  	s29 =	simm.s32 $0x9;
	_ =	strace $0x8000004B  }
0x2b: {  	_ =	swait.ge [sflag:s29], $0x1  }
0x2c: {  	[sflag:s29] =	ssyncadd.s32 $0xFFFFFFFF  }
0x2d: {  	_ =	strace $0x9000004B  }
0x2e: {  	_ =	sfence  }
0x2f: {  	s30 =	sld [smem:$0x0];
	_ =	sdelay $0x2  }
0x30: {  	s31 =	sshll.u32 s1, $0xD;
	s1 =	sshrl.u32 s1, $0x2  }
0x31: {  	s3 =	sand.u32 $0x4000, s31;
	s1 =	sadd.s32 s1, s30  }
0x32: {  	s0 =	sor.u32 s3, s0;
	s1 =	sshll.u32 s1, $0x11  }
0x33: {  	s0 =	sor.u32 s1, s0  }
0x34: {  	s0 =	sadd.s32 $0x8F2B, s0  }
0x35: {  	[sflag:s0] =	ssyncadd.remote.s32 $0x1  }
0x36: {  	_ =	sfence.sel $0xFFFF  }
0x37: {  	[dreg:$0x0] =	wrdreg $0xFFFFFFFF;
	(pc) =	sbr.abs _section_cstart, $3  }
0x38: {  	[dreg:$0x1] =	wrdreg $0xFFFFFFFF  }
0x39: {  	_ =	task.clear_ibuf [dreg:s7], $0x2FFFF;
	_ =	strace $0x9FFFFFFF  }
0x3a: {  	(tm) =	ssettm $0x7FFFFFFF  }
0x3b: {  	_ =	shalt  }
tec
execute0_lowered:
.L_overlay_start_1:
0x0: {  	(tag) =	ssettag $0x1  }
0x1: {  	s0 =	srdreg.scid  }
0x2: {  	s1 =	sshll.u32 s0, $0x4  }
0x3: {  	s4 =	rddreg [dreg:$0x0];
	s0 =	stileid.u32;
	s1 =	sand.u32 $0x10, s1  }
0x4: {  	s2 =	rddreg [dreg:$0x1];
	s7 =	simm.s32 $0x1;
	s1 =	sor.u32 s0, s1  }
0x5: {  	s8 =	simm.s32 $0x2;
	s11 =	simm.s32 $0x0;
	s3 =	sshll.u32 s1, $0x7  }
0x6: {  	s10 =	simm.s32 $0x0;
	s4 =	sadd.s32 $0xE00, s4;
	s6 =	ssub.s32 $0xC8000, s3  }
.Ltmp0:
0x7: {  	s1 =	rddreg [dreg:$0x2];
	s5 =	sand.u32 $0xF80, s6;
	(pc) =	sbr.rel .LBB1_1-.Ltmp0, $4  }
0x8: {  	_ =	strace $0x8000004A;
	s9 =	smov.u32 s3;
	p0 =	sne.s32 s5, $0x0  }
0x9: {  	s6 =	sshrl.u32 s6, $0xC;
	s5 =	simm.s32 $0x1;
	s7 =	simm.s32 @!p0 $0x0  }
0xa: {  	[sflag:s5] =	ssyncpa.u1 $0x0;
	p0 =	por $0x0, $0x0;
	s6 =	sadd.s32 s7, s6  }
0xb: {  	[sflag:s8] =	ssyncpa.u1 $0x0;
	s8 =	simm.s32 $0x640000;
	s7 =	sadd.s32 $0x1, s6  }
.LBB1_4:
0xc: {  	s14 =	sshll.u32 s11, $0x3  }
0xd: {  	s30 =	sand.u32 $0x7F, s11;
	s15 =	sand.u32 $0xFFFFFC00, s14  }
0xe: {  	s11 =	sor.u32 s30, s15  }
0xf: {  	s15 =	smulhi.u32 $0x51EB851F, s11  }
0x10: {  	s14 =	smulhi.u32 $0x51EB851F, s14  }
0x11: {  	s15 =	sshrl.u32 s15, $0x12  }
0x12: {  	s14 =	sshrl.u32 s14, $0x12;
	s15 =	smul.u32 $0xC8000, s15  }
0x13: {  	s14 =	sand.u32 $0x1F, s14  }
0x14: {  	s14 =	smul.u32 $0x19000, s14;
	s11 =	ssub.s32 s11, s15  }
0x15: {  	s15 =	sand.u32 $0x7, s11  }
0x16: {  	s14 =	sadd.s32 s2, s14;
	s11 =	sshrl.u32 s11, $0x3;
	s15 =	sshll.u32 s15, $0x12  }
0x17: {  	[tilespmem:s13+$0x0 ss:$0x81] =	vst.msk $0xffff, v0;
	s11 =	sadd.s32 s11, s14;
	s31 =	sor.u32 $0x400, s15  }
0x18: {  	[hbm4b:s11+s31] =	stream.strided.scatter [tilespmem:s12], [sflag:$0x2], $0x1000, s8, s31, $0x20;
	[tilespmem:$0x4040] =	vst v63  }
.LBB1_5:
0x19: {  	s13 =	sadd.s32 $0x1000, s9  }
0x1a: {  	p2 =	sgt.s32 s13, $0xC7FFF  }
0x1b: {  	s13 =	smov.u32 @p2 s3;
	p2 =	sne.s32 s10, s7  }
.Ltmp1:
0x1c: {  	p1 =	slt.u32 s10, $0x2;
	(pc) =	sbr.rel @!p2 .LBB1_6-.Ltmp1, $4  }
0x1d: {  	s12 =	simm.s32 @!p1 $0x2  }
0x1e: {  	s14 =	sadd.s32 $0x1, s10;
	_ =	swait.ge @!p1 [sflag:s12], $0x1000  }
0x1f: {  	s11 =	smov.u32 s9;
	p0 =	por !p0, !p0;
	[sflag:s12] =	ssyncset.done @!p1 $0x0  }
0x20: {  	s10 =	smov.u32 s14;
	s9 =	smov.u32 s13;
	[sflag:s12] =	ssyncadd.s32 @!p1 $0xFFFFF000  }
.LBB1_1:
0x21: {  	p1 =	sge.u32 s10, s6  }
0x22: {  	s12 =	sand.u32 @!p1 $0x1FFFFFF, s9  }
0x23: {  	s13 =	smulhi.u32 @!p1 $0x147AE15, s12;
	_ =	sdelay $0x1  }
0x24: {  	s13 =	sshrl.u32 @!p1 s13, $0xC  }
0x25: {  	s13 =	smul.u32 @!p1 $0xC8000, s13;
	_ =	sdelay $0x1  }
0x26: {  	s31 =	sadd.s32 $0xFFFFFFFF, s10;
	s14 =	sxor.u32 @!p1 $0xFFFFFFFF, s10;
	s12 =	ssub.s32 @!p1 s12, s13  }
0x27: {  	s15 =	simm.s32 @!p1 $0x80;
	s14 =	sshll.u32 @!p1 s14, $0xC;
	s12 =	sshll.u32 @!p1 s12, $0x4  }
0x28: {  	s13 =	sand.u32 @!p1 $0x1000, s14;
	s14 =	simm.s32 @!p1 $0x20;
	s12 =	sadd.s32 @!p1 s4, s12  }
0x29: {  	[tilespmem:s13], [sflag:$0x1] =	stream.strided.gather @!p1 [hbm4b:s12+s14], $0x1000, s15, s14, $0x38;
	[tilespmem:$0x4040] =	vst v63  }
0x2a: {  	p1 =	sge.u32 s31, s6  }
.Ltmp2:
0x2b: {  	_ = 	snop;
	(pc) =	sbr.rel @p1 .LBB1_5-.Ltmp2, $1  }
0x2c: {  	_ =	sdelay $0x3  }
0x2d: {  	s12 =	simm.s32 $0x1  }
0x2e: {  	_ =	swait.ge [sflag:s5], $0x1000;
	s12 =	simm.s32 @!p0 $0x0  }
0x2f: {  	[sflag:s5] =	ssyncset.done $0x0;
	s13 =	sshll.u32 s12, $0xC  }
0x30: {  	[sflag:s5] =	ssyncadd.s32 $0xFFFFF000;
	s16 =	sor.u32 $0x10, s13  }
0x31: {  	s12 =	smul.u32 $0x4080, s12;
	v1 =	vld [tilespmem:s16+$0x0]  }
0x32: {  	s30 =	sand.u32 $0x1, s10;
	v0 =	vld [tilespmem:s16+$0xFFFFFFF0]  }
0x33: {  	s13 =	smul.u32 $0x4080, s30;
	s12 =	sshrl.u32 s12, $0x2  }
0x34: {  	s14 =	sor.u32 $0x2000, s12  }
0x35: {  	s31 =	sshrl.u32 s13, $0x2;
	s13 =	sadd.s32 $0x0, s14  }
0x36: {  	s15 =	simm.s32 $0x4;
	s16 =	sadd.s32 $0x20, s16;
	s12 =	sor.u32 $0x2000, s31;
	[tilespmem:s13+$0x810 ss:$0x81] =	vst.msk $0xffff, v1  }
.LBB1_3:
0x37: {  	v1 =	vld [tilespmem:s16+$0x0];
	p1 =	sne.s32 s15, $0x1FC;
	[tilespmem:s13+$0x0 ss:$0x81] =	vst.msk $0xffff, v0;
	s13 =	smov.u32 s15;
	s15 =	sadd.s32 $0x4, s15  }
.Ltmp3:
0x38: {  	v0 =	vld [tilespmem:s16+$0xFFFFFFF0];
	(pc) =	sbr.rel @p1 .LBB1_3-.Ltmp3, $4  }
0x39: {  	_ = 	snop  }
0x3a: {  	s13 =	sshra.s32 s13, $0x2  }
0x3b: {  	s13 =	sadd.s32 s13, s14  }
0x3c: {  	s16 =	sadd.s32 $0x20, s16;
	[tilespmem:s13+$0x810 ss:$0x81] =	vst.msk $0xffff, v1  }
.Ltmp4:
0x3d: {  	_ = 	snop;
	(pc) =	sbr.rel .LBB1_4-.Ltmp4, $1  }
0x3e: {  	_ =	sdelay $0x3  }
.LBB1_6:
0x3f: {  	_ =	sfence.sel $0x180000  }
0x40: {  	s2 =	simm.s32 $0x1;
	[bflag:$0x0] =	sbarrier.arrive $0xFFFF  }
0x41: {  	s31 =	simm.s32 $0x2;
	[sflag:s2] =	ssyncpa.u1 $0x1  }
0x42: {  	[sflag:s31] =	ssyncpa.u1 $0x1  }
0x43: {  	p0 =	sne.s32 s0, $0x0;
	_ =	strace $0x9000004A  }
0x44: {  	s0 =	sadd.s32 @!p0 $0x100000, s1;
	[bflag:$0x2] =	sbarrier.arrive $0xFFFF  }
0x45: {  	[sflag:s0] =	ssyncadd.tile.s32 @!p0 $0x1;
	_ =	shalt  }
.Lfunc_end1:
_tile_overlayer_lowered:
.L_overlay_start_2:
0x46: {  	(tag) =	ssettag $0x2  }
0x47: {  	s0 =	rddreg [dreg:$0x0];
	s2 =	stileid.u32  }
0x48: {  	s1 =	rddreg [dreg:$0x1];
	p0 =	sne.s32 s2, $0x0  }
0x49: {  	s3 =	rddreg [dreg:$0x2];
	[bflag:$0x3] =	sbarrier.arrive $0xFFFF;
	s2 =	simm.s32 @!p0 $0x1C01  }
0x4a: {  	[timem:s3], [sflag:s2] =	dma.local @!p0 [hbm:s0], s1  }
0x4b: {  	s0 =	simm.s32 @!p0 $0x1  }
0x4c: {  	_ =	swait.ge @!p0 [sflag:s0], s1  }
0x4d: {  	s1 =	ssub.s32 @!p0 $0x0, s1;
	[sflag:s0] =	ssyncset.done @!p0 $0x0  }
0x4e: {  	[sflag:s0] =	ssyncadd.s32 @!p0 s1  }
0x4f: {  	[bflag:$0x3] =	sbarrier.arrive $0xFFFF  }
0x50: {  	_ =	shalt  }

// kernel: sparse-core-data-format-call.cloned.1.call-start
scs
called_computation_lowered:
.L_overlay_start_0:
0x0: {  	s2 =	sld [smem:$0x3FD9]  }
0x1: {  	s3 =	sld [smem:$0x3FFE];
	_ =	sdelay $0x1  }
0x2: {  	s1 =	srdreg.scid  }
0x3: {  	s0 =	sand.u32 $0x1, s1  }
0x4: {  	s18 =	sshll.u32 s0, $0xA;
	s2 =	sadd.s32 s3, s2  }
0x5: {  	s2 =	sadd.s32 s2, s18  }
0x6: {  	[smem:$0x3FC6] =	sst s2  }
0x7: {  	_ = 	snop  }
0x8: {  	s2 =	sld [smem:$0x3FD0];
	(tm) =	ssettm $0x1  }
0x9: {  	s19 =	sld [smem:$0x3FFB];
	_ =	sdelay $0x3  }
0xa: {  	_ =	strace s19  }
0xb: {  	s3 =	sld [smem:$0x3FFC];
	_ =	sdelay $0x3  }
0xc: {  	_ =	strace s3  }
0xd: {  	s3 =	sld [smem:$0x3FFD];
	_ =	sdelay $0x3  }
0xe: {  	_ =	strace s3  }
0xf: {  	_ =	strace $0x8FFFFFFF  }
0x10: {  	s20 =	sld [smem:$0x3FDB];
	_ =	sdelay $0x1  }
0x11: {  	s4 =	simm.s32 $_scs_section_size  }
0x12: {  	s5 =	simm.s32 $_size__tile_overlayer_lowered;
	s6 =	simm.s32 $_tile_overlayer_lowered  }
0x13: {  	s23 =	simm.s32 $0x1BFF;
	s22 =	sshll.u32 s6, $0x1;
	s3 =	sadd.s32 s4, s20  }
0x14: {  	s7 =	simm.s32 $0x0;
	s21 =	sshll.u32 s5, $0x1;
	s5 =	sadd.s32 s22, s3  }
0x15: {  	[timem:s7], [sflag:s23] =	dma.local [hbm:s5], s21  }
0x16: {  	_ =	swait.ge [sflag:s23], s21  }
0x17: {  	s4 =	ssub.s32 $0x0, s21;
	[sflag:s23] =	ssyncset.done $0x0  }
0x18: {  	[sflag:s23] =	ssyncadd.s32 s4;
	_ =	sdelay $0x1  }
0x19: {  	s24 =	simm.s32 $0x1B8B  }
0x1a: {  	_ =	swait.ge [sflag:s24], $0x1  }
0x1b: {  	[sflag:s24] =	ssyncset.done $0x0  }
0x1c: {  	s26 =	simm.s32 $0x1B8E;
	s25 =	sld [smem:$0x3FFE];
	[sflag:s24] =	ssyncadd.s32 $0xFFFFFFFF  }
0x1d: {  	s27 =	simm.s32 $execute0_lowered;
	[smem:$0x3FD2] =	sst s26  }
0x1e: {  	s5 =	sshll.u32 s27, $0x1;
	_ =	strace $0x8000004C;
	[dreg:$0x1] =	wrdreg $0xFFFFFFFF  }
0x1f: {  	s28 =	simm.s32 $_size_execute0_lowered;
	s3 =	sadd.s32 s3, s5;
	[dreg:$0x0] =	wrdreg $0x0  }
0x20: {  	s5 =	sshll.u32 s28, $0x1;
	[dreg:$0x2] =	wrdreg s3  }
0x21: {  	[dreg:$0x3] =	wrdreg s5  }
0x22: {  	[dreg:$0x4] =	wrdreg $0xC0  }
0x23: {  	_ =	task [dreg:s7], $0x5FFFF  }
0x24: {  	[dreg:$0x1] =	wrdreg $0xFFFFFFFF  }
0x25: {  	[dreg:$0x0] =	wrdreg $0x60  }
0x26: {  	[dreg:$0x2] =	wrdreg s25  }
0x27: {  	[dreg:$0x3] =	wrdreg s2  }
0x28: {  	[dreg:$0x4] =	wrdreg $0x9  }
0x29: {  	_ =	task.clear_ibuf [dreg:s7], $0x5FFFF;
	_ =	strace $0x9000004C  }
0x2a: {  	s29 =	simm.s32 $0x9;
	_ =	strace $0x8000004E  }
0x2b: {  	_ =	swait.ge [sflag:s29], $0x1  }
0x2c: {  	[sflag:s29] =	ssyncadd.s32 $0xFFFFFFFF  }
0x2d: {  	_ =	strace $0x9000004E  }
0x2e: {  	_ =	sfence  }
0x2f: {  	s30 =	sld [smem:$0x0];
	_ =	sdelay $0x2  }
0x30: {  	s31 =	sshll.u32 s1, $0xD;
	s1 =	sshrl.u32 s1, $0x2  }
0x31: {  	s3 =	sand.u32 $0x4000, s31;
	s1 =	sadd.s32 s1, s30  }
0x32: {  	s0 =	sor.u32 s3, s0;
	s1 =	sshll.u32 s1, $0x11  }
0x33: {  	s0 =	sor.u32 s1, s0  }
0x34: {  	s0 =	sadd.s32 $0x8F2B, s0  }
0x35: {  	[sflag:s0] =	ssyncadd.remote.s32 $0x1  }
0x36: {  	_ =	sfence.sel $0xFFFF  }
0x37: {  	[dreg:$0x0] =	wrdreg $0xFFFFFFFF;
	(pc) =	sbr.abs _section_cstart, $3  }
0x38: {  	[dreg:$0x1] =	wrdreg $0xFFFFFFFF  }
0x39: {  	_ =	task.clear_ibuf [dreg:s7], $0x2FFFF;
	_ =	strace $0x9FFFFFFF  }
0x3a: {  	(tm) =	ssettm $0x7FFFFFFF  }
0x3b: {  	_ =	shalt  }
tec
execute0_lowered:
.L_overlay_start_1:
0x0: {  	(tag) =	ssettag $0x1  }
0x1: {  	s8 =	rddreg [dreg:$0x0]  }
0x2: {  	s2 =	rddreg [dreg:$0x1];
	s1 =	stileid.u32  }
0x3: {  	s4 =	srdreg.scid;
	s0 =	rddreg [dreg:$0x2];
	_ =	strace $0x8000004D  }
0x4: {  	s9 =	simm.s32 $0x1;
	s31 =	simm.s32 $0x2;
	s16 =	simm.s32 $0x0  }
0x5: {  	s17 =	simm.s32 $0x0;
	s11 =	simm.s32 $0x0;
	s12 =	simm.s32 $0x0  }
0x6: {  	s15 =	simm.s32 $0x0;
	s3 =	sshll.u32 s1, $0x1;
	s4 =	sshll.u32 s4, $0x7  }
0x7: {  	s4 =	sand.u32 $0x80, s4;
	s5 =	ssub.s32 $0x20, s3;
	s14 =	smov.u32 s3  }
0x8: {  	s6 =	sshrl.u32 s5, $0x5;
	s5 =	sand.u32 $0x1E, s5;
	s7 =	ssub.s32 $0x4000, s4  }
0x9: {  	p0 =	sne.s32 s5, $0x0;
	s30 =	sshrl.u32 s7, $0x7;
	s7 =	sshrl.u32 s7, $0x8  }
.Ltmp0:
0xa: {  	s9 =	simm.s32 @!p0 $0x0;
	s10 =	sand.u32 $0x1, s30;
	(pc) =	sbr.rel .LBB1_1-.Ltmp0, $4  }
0xb: {  	s5 =	simm.s32 $0x1;
	s6 =	sadd.s32 s9, s6;
	s7 =	sadd.s32 s7, s10  }
0xc: {  	s13 =	smov.u32 s4;
	[sflag:s5] =	ssyncpa.u1 $0x0;
	s6 =	smul.u32 s6, s7  }
0xd: {  	p0 =	por $0x0, $0x0;
	[sflag:s31] =	ssyncpa.u1 $0x0;
	s10 =	simm.s32 $0x80000  }
0xe: {  	s7 =	sadd.s32 $0xE00, s8;
	s8 =	sadd.s32 $0x40E00, s8;
	s9 =	sadd.s32 $0x1, s6  }
.LBB1_7:
0xf: {  	p1 =	slt.u32 s15, $0x2  }
0x10: {  	s19 =	smov.u32 s17;
	p2 =	sgt.s32 @!p1 s17, $0x1E;
	s18 =	sshra.s32 @!p1 s17, $0x1F  }
0x11: {  	p3 =	sgt.s32 @!p1 s16, $0x3F80;
	s20 =	sshra.s32 @!p1 s16, $0x1F;
	p2 =	por !p2, p1  }
0x12: {  	s17 =	sand.u32 @!p1 s18, s17;
	p3 =	por !p3, p1;
	s18 =	smov.u32 s16  }
0x13: {  	s16 =	sand.u32 @!p1 s20, s16;
	s19 =	simm.s32 @p2 $0x1E;
	s18 =	simm.s32 @p3 $0x3F80  }
0x14: {  	s20 =	smov.u32 s14;
	s17 =	ssub.s32 @!p1 s19, s17;
	s16 =	ssub.s32 @!p1 s18, s16  }
0x15: {  	s18 =	sadd.s32 @!p1 $0xFFFFFFE2, s17;
	s17 =	ssub.s32 @!p1 $0x20, s17;
	s19 =	sadd.s32 @!p1 $0xFFFFC080, s16  }
0x16: {  	p2 =	sgt.s32 @!p1 s18, $0x1;
	s17 =	smul.u32 @!p1 $0x32, s17;
	p3 =	sgt.s32 @!p1 s19, $0x7F  }
0x17: {  	s16 =	ssub.s32 @!p1 $0x4000, s16;
	p2 =	por !p2, p1;
	p3 =	por !p3, p1  }
0x18: {  	s18 =	sadd.s32 $0x100, s13;
	s17 =	simm.s32 @!p2 $0x0;
	s16 =	simm.s32 @!p3 $0x0  }
0x19: {  	p2 =	sgt.s32 s18, $0x3FFF;
	s16 =	smul.u32 @!p1 s16, s17;
	s17 =	sadd.s32 $0x20, s14  }
0x1a: {  	s20 =	smov.u32 @p2 s17  }
0x1b: {  	s18 =	smov.u32 @p2 s4;
	p2 =	sgt.s32 s20, $0x1F  }
0x1c: {  	s20 =	smov.u32 @p2 s3;
	p2 =	sne.s32 s15, s9  }
.Ltmp1:
0x1d: {  	p0 =	por !p0, !p0;
	s19 =	simm.s32 @!p1 $0x2;
	(pc) =	sbr.rel @!p2 .LBB1_8-.Ltmp1, $4  }
0x1e: {  	s17 =	smov.u32 s12;
	s12 =	smov.u32 s14;
	s16 =	sand.u32 @!p1 $0x3FFFFFFE, s16  }
0x1f: {  	_ =	swait.ge @!p1 [sflag:s19], s16;
	s21 =	ssub.s32 @!p1 $0x0, s16;
	s16 =	smov.u32 s11  }
0x20: {  	s15 =	sadd.s32 $0x1, s15;
	s11 =	smov.u32 s13;
	[sflag:s19] =	ssyncset.done @!p1 $0x0  }
0x21: {  	s13 =	smov.u32 s18;
	s14 =	smov.u32 s20;
	[sflag:s19] =	ssyncadd.s32 @!p1 s21  }
.LBB1_1:
0x22: {  	p1 =	sge.u32 s15, s6  }
0x23: {  	s18 =	sxor.u32 @!p1 $0xFFFFFFFF, s15;
	s19 =	sshll.u32 @!p1 s14, $0x12  }
0x24: {  	s20 =	sshll.u32 @!p1 s13, $0x4;
	s22 =	simm.s32 @!p1 $0x40;
	s23 =	simm.s32 @!p1 $0x80  }
0x25: {  	s18 =	sshll.u32 @!p1 s18, $0xE;
	s20 =	sand.u32 @!p1 $0x3FFF0, s20;
	s21 =	sadd.s32 @!p1 s7, s19  }
0x26: {  	s19 =	sadd.s32 @!p1 s19, s8;
	s18 =	sand.u32 @!p1 $0x4000, s18;
	s21 =	sadd.s32 @!p1 s20, s21  }
0x27: {  	[tilespmem:s18], [sflag:$0x1] =	stream.strided.gather @!p1 [hbm4b:s21+s22], $0x2000, s23, s22, $0x38;
	[tilespmem:$0x10100] =	vst v63  }
0x28: {  	s31 =	sadd.s32 $0xFFFFFFFF, s15;
	s19 =	sadd.s32 @!p1 s20, s19;
	s18 =	sor.u32 @!p1 $0x2000, s18  }
0x29: {  	[tilespmem:s18], [sflag:$0x1] =	stream.strided.gather @!p1 [hbm4b:s19+s22], $0x2000, s23, s22, $0x38;
	[tilespmem:$0x10100] =	vst v63  }
0x2a: {  	p1 =	sge.u32 s31, s6  }
.Ltmp2:
0x2b: {  	_ = 	snop;
	(pc) =	sbr.rel @p1 .LBB1_7-.Ltmp2, $1  }
0x2c: {  	_ =	sdelay $0x3  }
0x2d: {  	s18 =	simm.s32 $0x1;
	s20 =	sand.u32 $0x1, s15  }
0x2e: {  	_ =	swait.ge [sflag:s5], $0x4000;
	s18 =	simm.s32 @!p0 $0x0;
	s20 =	smul.u32 $0x10200, s20  }
0x2f: {  	p2 =	por $0x1, $0x1;
	[sflag:s5] =	ssyncset.done $0x0;
	s19 =	smul.u32 $0x10200, s18  }
0x30: {  	s21 =	sshll.u32 s18, $0x10;
	[sflag:s5] =	ssyncadd.s32 $0xFFFFC000;
	s30 =	sshrl.u32 s20, $0x2  }
0x31: {  	s31 =	sshrl.u32 s21, $0x2;
	s21 =	simm.s32 $0x0;
	s19 =	sshrl.u32 s19, $0x2  }
0x32: {  	s18 =	sor.u32 $0x8000, s30;
	s20 =	sadd.s32 $0x20, s31;
	s19 =	sor.u32 $0x8000, s19  }
.LBB1_3:
0x33: {  	s22 =	sshll.u32 s21, $0xD  }
0x34: {  	s22 =	sand.u32 $0x3FFFE000, s22  }
0x35: {  	s24 =	sadd.s32 s22, s20  }
0x36: {  	s31 =	smul.u32 $0x204, s21;
	v3 =	vld [tilespmem:s24+$0x10]  }
0x37: {  	v1 =	vld [tilespmem:s24+$0xFFFFFFF0]  }
0x38: {  	s21 =	sshra.s32 s31, $0x2;
	v0 =	vld [tilespmem:s24+$0x0]  }
0x39: {  	s21 =	sadd.s32 s21, s19;
	v2 =	vld [tilespmem:s24+$0xFFFFFFE0]  }
0x3a: {  	s22 =	sadd.s32 $0x0, s21  }
0x3b: {  	p1 =	por p2, p2;
	s23 =	simm.s32 $0x4;
	s24 =	sadd.s32 $0x40, s24;
	[tilespmem:s22+$0x3060 ss:$0x102] =	vst.msk $0xffff, v3  }
.LBB1_4:
0x3c: {  	v3 =	vld [tilespmem:s24+$0x10];
	p2 =	sne.s32 s23, $0x1FC;
	[tilespmem:s22+$0x1020 ss:$0x102] =	vst.msk $0xffff, v1;
	s25 =	smov.u32 s23;
	s23 =	sadd.s32 $0x4, s23  }
.Ltmp3:
0x3d: {  	v1 =	vld [tilespmem:s24+$0xFFFFFFF0];
	[tilespmem:s22+$0x2040 ss:$0x102] =	vst.msk $0xffff, v0;
	(pc) =	sbr.rel @p2 .LBB1_4-.Ltmp3, $4  }
0x3e: {  	v0 =	vld [tilespmem:s24+$0x0];
	[tilespmem:s22+$0x0 ss:$0x102] =	vst.msk $0xffff, v2  }
0x3f: {  	s22 =	sshra.s32 s25, $0x2;
	v2 =	vld [tilespmem:s24+$0xFFFFFFE0]  }
0x40: {  	s22 =	sadd.s32 s22, s21  }
0x41: {  	s24 =	sadd.s32 $0x40, s24;
	[tilespmem:s22+$0x3060 ss:$0x102] =	vst.msk $0xffff, v3  }
.Ltmp4:
0x42: {  	(pc) =	sbr.rel @p1 .LBB1_3-.Ltmp4, $4  }
0x43: {  	_ = 	snop  }
0x44: {  	[tilespmem:s22+$0x1020 ss:$0x102] =	vst.msk $0xffff, v1  }
0x45: {  	[tilespmem:s22+$0x2040 ss:$0x102] =	vst.msk $0xffff, v0  }
0x46: {  	s21 =	simm.s32 $0x1;
	p2 =	por $0x0, $0x0;
	[tilespmem:s22+$0x0 ss:$0x102] =	vst.msk $0xffff, v2  }
0x47: {  	s19 =	sand.u32 $0x78, s11;
	p1 =	sgt.s32 s12, $0x1E;
	s20 =	smov.u32 s12  }
0x48: {  	s21 =	sshra.s32 s12, $0x1F;
	s22 =	sshll.u32 s12, $0xE;
	s23 =	sshll.u32 s11, $0x3  }
0x49: {  	s30 =	sshra.s32 s11, $0x1F;
	s25 =	sshll.u32 s12, $0x7;
	s20 =	simm.s32 @!p1 $0x1E  }
0x4a: {  	s21 =	sand.u32 s21, s12;
	s22 =	sand.u32 $0x60000, s22;
	p1 =	sgt.s32 s11, $0x3F80  }
0x4b: {  	s25 =	sand.u32 $0x380, s25;
	s20 =	ssub.s32 s20, s21;
	s21 =	smov.u32 s11  }
0x4c: {  	s22 =	sadd.s32 s22, s23;
	s24 =	sadd.s32 $0xFFFFFFE2, s20;
	s21 =	simm.s32 @!p1 $0x3F80  }
0x4d: {  	s20 =	ssub.s32 $0x20, s20;
	p1 =	sgt.s32 s24, $0x1;
	s24 =	sand.u32 s30, s11  }
0x4e: {  	s23 =	sand.u32 $0x3C00, s23;
	s20 =	smul.u32 $0x32, s20;
	s21 =	ssub.s32 s21, s24  }
0x4f: {  	s19 =	sor.u32 s25, s19;
	s22 =	sand.u32 $0x7C000, s22;
	s24 =	sadd.s32 $0xFFFFC080, s21  }
0x50: {  	s20 =	simm.s32 @p1 $0x0;
	s21 =	ssub.s32 $0x4000, s21;
	p1 =	sgt.s32 s24, $0x7F  }
.Ltmp5:
0x51: {  	s19 =	sor.u32 s23, s19;
	s21 =	simm.s32 @p1 $0x0;
	(pc) =	sbr.rel .LBB1_7-.Ltmp5, $4  }
0x52: {  	s31 =	sand.u32 $0x7, s11;
	s19 =	sor.u32 s22, s19;
	s20 =	smul.u32 s21, s20  }
0x53: {  	s19 =	sshrl.u32 s19, $0x3;
	s21 =	sshll.u32 s31, $0x12  }
0x54: {  	s19 =	sadd.s32 s2, s19;
	s21 =	sor.u32 $0x100, s21;
	s20 =	sand.u32 $0x3FFFFFFE, s20  }
0x55: {  	[hbm4b:s19+s21] =	stream.strided.scatter [tilespmem:s18], [sflag:$0x2], s20, s10, s21, $0x20;
	[tilespmem:$0x10100] =	vst v63  }
.LBB1_8:
0x56: {  	_ =	sfence.sel $0x180000  }
0x57: {  	s2 =	simm.s32 $0x1;
	[bflag:$0x0] =	sbarrier.arrive $0xFFFF  }
0x58: {  	s31 =	simm.s32 $0x2;
	[sflag:s2] =	ssyncpa.u1 $0x1  }
0x59: {  	[sflag:s31] =	ssyncpa.u1 $0x1  }
0x5a: {  	p0 =	sne.s32 s1, $0x0;
	_ =	strace $0x9000004D  }
0x5b: {  	s0 =	sadd.s32 @!p0 $0x100000, s0;
	[bflag:$0x2] =	sbarrier.arrive $0xFFFF  }
0x5c: {  	[sflag:s0] =	ssyncadd.tile.s32 @!p0 $0x1;
	_ =	shalt  }
.Lfunc_end1:
_tile_overlayer_lowered:
.L_overlay_start_2:
0x5d: {  	(tag) =	ssettag $0x2  }
0x5e: {  	s0 =	rddreg [dreg:$0x0];
	s2 =	stileid.u32  }
0x5f: {  	s1 =	rddreg [dreg:$0x1];
	p0 =	sne.s32 s2, $0x0  }
0x60: {  	s3 =	rddreg [dreg:$0x2];
	[bflag:$0x3] =	sbarrier.arrive $0xFFFF;
	s2 =	simm.s32 @!p0 $0x1C01  }
0x61: {  	[timem:s3], [sflag:s2] =	dma.local @!p0 [hbm:s0], s1  }
0x62: {  	s0 =	simm.s32 @!p0 $0x1  }
0x63: {  	_ =	swait.ge @!p0 [sflag:s0], s1  }
0x64: {  	s1 =	ssub.s32 @!p0 $0x0, s1;
	[sflag:s0] =	ssyncset.done @!p0 $0x0  }
0x65: {  	[sflag:s0] =	ssyncadd.s32 @!p0 s1  }
0x66: {  	[bflag:$0x3] =	sbarrier.arrive $0xFFFF  }
0x67: {  	_ =	shalt  }

</sc_bundles>
